<compile_context>
chip_gen: v7x
topology: tpu7x:2x2x1
jax: 0.10.2.dev20260603
libtpu: 0.0.44.dev20260713+nightly
codegen_flags: <defaults>
</compile_context>

<pallas_src>
import functools

import jax
import jax.numpy as jnp
from jax import lax
from jax.experimental import pallas as pl
from jax.experimental.pallas import tpu as pltpu
from jax.experimental.pallas import tpu_sc as plsc

NUM_FEATURES = 26
BATCH = 4096
VOCAB = 100000
EMB_DIM = 32

NC = 2
NS = 16
LANES = 16
NW = NC * NS
CHUNK = BATCH // NW


def _emb_body(idx_hbm, tab_hbm, out_hbm, idx_v, gidx_v, rows_v, sem):
    c = lax.axis_index("c")
    s = lax.axis_index("s")
    wid = s * NC + c
    base_b = wid * CHUNK

    pltpu.sync_copy(idx_hbm.at[:, pl.ds(base_b, CHUNK)], idx_v)

    for f in range(NUM_FEATURES):
        off = jnp.full((LANES,), f * VOCAB, dtype=jnp.int32)
        for k in range(CHUNK // LANES):
            sl = pl.ds(k * LANES, LANES)
            gidx_v[f, sl] = idx_v[f, sl] + off

    copies = [None, None]
    for f in range(NUM_FEATURES):
        b = f % 2
        if copies[b] is not None:
            copies[b].wait()
            pltpu.sync_copy(
                rows_v.at[b],
                out_hbm.at[pl.ds((f - 2) * BATCH + base_b, CHUNK)],
            )
        copies[b] = pltpu.async_copy(tab_hbm.at[gidx_v.at[f]], rows_v.at[b], sem)
    for f in (NUM_FEATURES - 2, NUM_FEATURES - 1):
        b = f % 2
        copies[b].wait()
        pltpu.sync_copy(
            rows_v.at[b],
            out_hbm.at[pl.ds(f * BATCH + base_b, CHUNK)],
        )


@jax.jit
def _run(idx32, flat_tables):
    mesh = plsc.VectorSubcoreMesh(
        core_axis_name="c", subcore_axis_name="s", num_cores=NC, num_subcores=NS
    )
    k = pl.kernel(
        _emb_body,
        out_type=jax.ShapeDtypeStruct((NUM_FEATURES * BATCH, EMB_DIM), jnp.float32),
        mesh=mesh,
        scratch_types=[
            pltpu.VMEM((NUM_FEATURES, CHUNK), jnp.int32),
            pltpu.VMEM((NUM_FEATURES, CHUNK), jnp.int32),
            pltpu.VMEM((2, CHUNK, EMB_DIM), jnp.float32),
            pltpu.SemaphoreType.DMA,
        ],
        compiler_params=pltpu.CompilerParams(use_tc_tiling_on_sc=False),
    )
    return k(idx32, flat_tables)


def kernel(indices, tables):
    idx32 = indices.astype(jnp.int32)
    flat_tables = tables.reshape(NUM_FEATURES * VOCAB, EMB_DIM)
    return _run(idx32, flat_tables)

# --- scband reference (transcript-rebuilt; emitter-appended) ---
"""Pipeline reference for scband-embedding-collection-wrapper-80745385165390 (READ-ONLY COPY).

The authoritative reference and input builder live on the scoring server;
editing this copy changes nothing except your own understanding.
"""

import jax, jax.numpy as jnp
import numpy as np

NUM_FEATURES = 26
BATCH = 4096
VOCAB = 100000
EMB_DIM = 32


def setup_inputs(seed: int = 0) -> dict:
    key = jax.random.key(seed)
    k1, k2 = jax.random.split(key)
    # KeyedJaggedTensor simplified to uniform length-1 per (feature, sample):
    # per-feature index tensor of shape [num_features, batch].
    indices = jax.random.randint(k1, (NUM_FEATURES, BATCH), 0, VOCAB, dtype=jnp.int64)
    # EmbeddingCollection holds one table per feature key.
    tables = jax.random.normal(k2, (NUM_FEATURES, VOCAB, EMB_DIM), dtype=jnp.float32) * 0.01
    return {"indices": indices, "tables": tables}


def reference(indices, tables):
    # EmbeddingCollection: per-key unpooled lookup -> JaggedTensor.values()
    # per feature f: values_f = tables[f][indices[f]]  -> [batch, emb_dim]
    per_feature = jax.vmap(lambda t, idx: jnp.take(t, idx, axis=0))(tables, indices)
    # torch.cat(out, dim=0): concatenate each feature's values along dim 0
    return per_feature.reshape(NUM_FEATURES * BATCH, EMB_DIM)

if __name__ == "__main__":
    import jax
    _d = setup_inputs()
    print(jax.jit(kernel)(*tuple(_d.values())))

</pallas_src>

<mosaic_0001>
#map = affine_map<(d0, d1) -> (0, 0)>
module attributes {stable_mosaic.version = 14 : i64} {
  func.func @_emb_body(%arg0: i32, %arg1: i32, %arg2: memref<26x4096xi32, #tpu.memory_space<hbm>>, %arg3: memref<2600000x32xf32, #tpu.memory_space<hbm>>, %arg4: memref<106496x32xf32, #tpu.memory_space<hbm>>, %arg5: memref<26x128xi32, #tpu.memory_space<vmem>>, %arg6: memref<26x128xi32, #tpu.memory_space<vmem>>, %arg7: memref<2x128x32xf32, #tpu.memory_space<vmem>>, %arg8: memref<!tpu.dma_semaphore, #tpu.memory_space<semaphore_mem>>) attributes {dimension_semantics = [#tpu.dimension_semantics<core_parallel>, #tpu.dimension_semantics<subcore_parallel>], iteration_bounds = array<i64: 2, 16>, scalar_prefetch = 0 : i64, scratch_operands = 4 : i64, tpu.core_type = #tpu.core_type<sc_vector_subcore>, window_params = [{transform_indices = #map}, {transform_indices = #map}, {transform_indices = #map}]} {
    %mul3A = arith.constant 2 : i32
    %mul3A_0 = arith.muli %arg1, %mul3A : i32
    %add3A = arith.addi %mul3A_0, %arg0 : i32
    %mul3A_1 = arith.constant 128 : i32
    %mul3A_2 = arith.muli %add3A, %mul3A_1 : i32
    "tpu.region"() ({
      %run_scoped3A_3247 = tpu.sem_alloc : memref<!tpu.dma_semaphore, #tpu.memory_space<semaphore_mem>>
      %dma_start3A_3248 = arith.constant 0 : i32
      %dma_start3A_3249 = tpu.memref_slice %arg2[%dma_start3A_3248, %mul3A_2] : memref<26x4096xi32, #tpu.memory_space<hbm>> -> memref<26x128xi32, #tpu.memory_space<hbm>>
      %dma_start3A_3250 = arith.constant 0 : i32
      %dma_start3A_3251 = tpu.memref_slice %arg2[%dma_start3A_3250, %mul3A_2] : memref<26x4096xi32, #tpu.memory_space<hbm>> -> memref<26x128xi32, #tpu.memory_space<hbm>>
      tpu.enqueue_dma source(%dma_start3A_3251 : memref<26x128xi32, #tpu.memory_space<hbm>>) target(%arg5 : memref<26x128xi32, #tpu.memory_space<vmem>>) target_semaphore(%run_scoped3A_3247 : memref<!tpu.dma_semaphore, #tpu.memory_space<semaphore_mem>>)
      %dma_wait3A_3252 = arith.constant 0 : i32
      %dma_wait3A_3253 = tpu.memref_slice %arg2[%dma_wait3A_3252, %mul3A_2] : memref<26x4096xi32, #tpu.memory_space<hbm>> -> memref<26x128xi32, #tpu.memory_space<hbm>>
      %dma_wait3A_3254 = arith.constant 0 : i32
      %dma_wait3A_3255 = tpu.memref_slice %arg2[%dma_wait3A_3254, %mul3A_2] : memref<26x4096xi32, #tpu.memory_space<hbm>> -> memref<26x128xi32, #tpu.memory_space<hbm>>
      tpu.wait_dma2 semaphore(%run_scoped3A_3247 : memref<!tpu.dma_semaphore, #tpu.memory_space<semaphore_mem>>) src(%dma_wait3A_3255 : memref<26x128xi32, #tpu.memory_space<hbm>>) dst(%arg5 : memref<26x128xi32, #tpu.memory_space<vmem>>)
      tpu.yield
    }) : () -> ()
    %broadcast_in_dim3A = arith.constant 0 : i32
    %broadcast_in_dim3A_3 = vector.broadcast %broadcast_in_dim3A : i32 to vector<16xi32>
    %get3A = arith.constant 0 : i32
    %get3A_4 = arith.index_cast %get3A : i32 to index
    %get3A_5 = arith.constant 0 : index
    %get3A_6 = tpu.vector_load %arg5[%get3A_4, %get3A_5] {strides = array<i32>} : memref<26x128xi32, #tpu.memory_space<vmem>>, vector<1x16xi32>,
    %get3A_7 = vector.shape_cast %get3A_6 : vector<1x16xi32> to vector<16xi32>
    %add3A_8 = arith.addi %get3A_7, %broadcast_in_dim3A_3 : vector<16xi32>
    %swap3A = arith.constant 0 : i32
    %swap3A_9 = arith.index_cast %swap3A : i32 to index
    %swap3A_10 = arith.constant 0 : index
    %swap3A_11 = tpu.vector_load %arg6[%swap3A_9, %swap3A_10] {strides = array<i32>} : memref<26x128xi32, #tpu.memory_space<vmem>>, vector<1x16xi32>,
    %swap3A_12 = vector.shape_cast %swap3A_11 : vector<1x16xi32> to vector<16xi32>
    %swap3A_13 = vector.shape_cast %add3A_8 : vector<16xi32> to vector<1x16xi32>
    tpu.vector_store %arg6[%swap3A_9, %swap3A_10], %swap3A_13 {strides = array<i32>} : memref<26x128xi32, #tpu.memory_space<vmem>>, vector<1x16xi32>,
    %get3A_14 = arith.constant 0 : i32
    %get3A_15 = arith.index_cast %get3A_14 : i32 to index
    %get3A_16 = arith.constant 16 : index
    %get3A_17 = tpu.vector_load %arg5[%get3A_15, %get3A_16] {strides = array<i32>} : memref<26x128xi32, #tpu.memory_space<vmem>>, vector<1x16xi32>,
    %get3A_18 = vector.shape_cast %get3A_17 : vector<1x16xi32> to vector<16xi32>
    %add3A_19 = arith.addi %get3A_18, %broadcast_in_dim3A_3 : vector<16xi32>
    %swap3A_20 = arith.constant 0 : i32
    %swap3A_21 = arith.index_cast %swap3A_20 : i32 to index
    %swap3A_22 = arith.constant 16 : index
    %swap3A_23 = tpu.vector_load %arg6[%swap3A_21, %swap3A_22] {strides = array<i32>} : memref<26x128xi32, #tpu.memory_space<vmem>>, vector<1x16xi32>,
    %swap3A_24 = vector.shape_cast %swap3A_23 : vector<1x16xi32> to vector<16xi32>
    %swap3A_25 = vector.shape_cast %add3A_19 : vector<16xi32> to vector<1x16xi32>
    tpu.vector_store %arg6[%swap3A_21, %swap3A_22], %swap3A_25 {strides = array<i32>} : memref<26x128xi32, #tpu.memory_space<vmem>>, vector<1x16xi32>,
    %get3A_26 = arith.constant 0 : i32
    %get3A_27 = arith.index_cast %get3A_26 : i32 to index
    %get3A_28 = arith.constant 32 : index
    %get3A_29 = tpu.vector_load %arg5[%get3A_27, %get3A_28] {strides = array<i32>} : memref<26x128xi32, #tpu.memory_space<vmem>>, vector<1x16xi32>,
    %get3A_30 = vector.shape_cast %get3A_29 : vector<1x16xi32> to vector<16xi32>
    %add3A_31 = arith.addi %get3A_30, %broadcast_in_dim3A_3 : vector<16xi32>
    %swap3A_32 = arith.constant 0 : i32
    %swap3A_33 = arith.index_cast %swap3A_32 : i32 to index
    %swap3A_34 = arith.constant 32 : index
    %swap3A_35 = tpu.vector_load %arg6[%swap3A_33, %swap3A_34] {strides = array<i32>} : memref<26x128xi32, #tpu.memory_space<vmem>>, vector<1x16xi32>,
    %swap3A_36 = vector.shape_cast %swap3A_35 : vector<1x16xi32> to vector<16xi32>
    %swap3A_37 = vector.shape_cast %add3A_31 : vector<16xi32> to vector<1x16xi32>
    tpu.vector_store %arg6[%swap3A_33, %swap3A_34], %swap3A_37 {strides = array<i32>} : memref<26x128xi32, #tpu.memory_space<vmem>>, vector<1x16xi32>,
    %get3A_38 = arith.constant 0 : i32
    %get3A_39 = arith.index_cast %get3A_38 : i32 to index
    %get3A_40 = arith.constant 48 : index
    %get3A_41 = tpu.vector_load %arg5[%get3A_39, %get3A_40] {strides = array<i32>} : memref<26x128xi32, #tpu.memory_space<vmem>>, vector<1x16xi32>,
    %get3A_42 = vector.shape_cast %get3A_41 : vector<1x16xi32> to vector<16xi32>
    %add3A_43 = arith.addi %get3A_42, %broadcast_in_dim3A_3 : vector<16xi32>
    %swap3A_44 = arith.constant 0 : i32
    %swap3A_45 = arith.index_cast %swap3A_44 : i32 to index
    %swap3A_46 = arith.constant 48 : index
    %swap3A_47 = tpu.vector_load %arg6[%swap3A_45, %swap3A_46] {strides = array<i32>} : memref<26x128xi32, #tpu.memory_space<vmem>>, vector<1x16xi32>,
    %swap3A_48 = vector.shape_cast %swap3A_47 : vector<1x16xi32> to vector<16xi32>
    %swap3A_49 = vector.shape_cast %add3A_43 : vector<16xi32> to vector<1x16xi32>
    tpu.vector_store %arg6[%swap3A_45, %swap3A_46], %swap3A_49 {strides = array<i32>} : memref<26x128xi32, #tpu.memory_space<vmem>>, vector<1x16xi32>,
    %get3A_50 = arith.constant 0 : i32
    %get3A_51 = arith.index_cast %get3A_50 : i32 to index
    %get3A_52 = arith.constant 64 : index
    %get3A_53 = tpu.vector_load %arg5[%get3A_51, %get3A_52] {strides = array<i32>} : memref<26x128xi32, #tpu.memory_space<vmem>>, vector<1x16xi32>,
    %get3A_54 = vector.shape_cast %get3A_53 : vector<1x16xi32> to vector<16xi32>
    %add3A_55 = arith.addi %get3A_54, %broadcast_in_dim3A_3 : vector<16xi32>
    %swap3A_56 = arith.constant 0 : i32
    %swap3A_57 = arith.index_cast %swap3A_56 : i32 to index
    %swap3A_58 = arith.constant 64 : index
    %swap3A_59 = tpu.vector_load %arg6[%swap3A_57, %swap3A_58] {strides = array<i32>} : memref<26x128xi32, #tpu.memory_space<vmem>>, vector<1x16xi32>,
    %swap3A_60 = vector.shape_cast %swap3A_59 : vector<1x16xi32> to vector<16xi32>
    %swap3A_61 = vector.shape_cast %add3A_55 : vector<16xi32> to vector<1x16xi32>
    tpu.vector_store %arg6[%swap3A_57, %swap3A_58], %swap3A_61 {strides = array<i32>} : memref<26x128xi32, #tpu.memory_space<vmem>>, vector<1x16xi32>,
    %get3A_62 = arith.constant 0 : i32
    %get3A_63 = arith.index_cast %get3A_62 : i32 to index
    %get3A_64 = arith.constant 80 : index
    %get3A_65 = tpu.vector_load %arg5[%get3A_63, %get3A_64] {strides = array<i32>} : memref<26x128xi32, #tpu.memory_space<vmem>>, vector<1x16xi32>,
    %get3A_66 = vector.shape_cast %get3A_65 : vector<1x16xi32> to vector<16xi32>
    %add3A_67 = arith.addi %get3A_66, %broadcast_in_dim3A_3 : vector<16xi32>
    %swap3A_68 = arith.constant 0 : i32
    %swap3A_69 = arith.index_cast %swap3A_68 : i32 to index
    %swap3A_70 = arith.constant 80 : index
    %swap3A_71 = tpu.vector_load %arg6[%swap3A_69, %swap3A_70] {strides = array<i32>} : memref<26x128xi32, #tpu.memory_space<vmem>>, vector<1x16xi32>,
    %swap3A_72 = vector.shape_cast %swap3A_71 : vector<1x16xi32> to vector<16xi32>
    %swap3A_73 = vector.shape_cast %add3A_67 : vector<16xi32> to vector<1x16xi32>
    tpu.vector_store %arg6[%swap3A_69, %swap3A_70], %swap3A_73 {strides = array<i32>} : memref<26x128xi32, #tpu.memory_space<vmem>>, vector<1x16xi32>,
    %get3A_74 = arith.constant 0 : i32
    %get3A_75 = arith.index_cast %get3A_74 : i32 to index
    %get3A_76 = arith.constant 96 : index
    %get3A_77 = tpu.vector_load %arg5[%get3A_75, %get3A_76] {strides = array<i32>} : memref<26x128xi32, #tpu.memory_space<vmem>>, vector<1x16xi32>,
    %get3A_78 = vector.shape_cast %get3A_77 : vector<1x16xi32> to vector<16xi32>
    %add3A_79 = arith.addi %get3A_78, %broadcast_in_dim3A_3 : vector<16xi32>
    %swap3A_80 = arith.constant 0 : i32
    %swap3A_81 = arith.index_cast %swap3A_80 : i32 to index
    %swap3A_82 = arith.constant 96 : index
    %swap3A_83 = tpu.vector_load %arg6[%swap3A_81, %swap3A_82] {strides = array<i32>} : memref<26x128xi32, #tpu.memory_space<vmem>>, vector<1x16xi32>,
    %swap3A_84 = vector.shape_cast %swap3A_83 : vector<1x16xi32> to vector<16xi32>
    %swap3A_85 = vector.shape_cast %add3A_79 : vector<16xi32> to vector<1x16xi32>
    tpu.vector_store %arg6[%swap3A_81, %swap3A_82], %swap3A_85 {strides = array<i32>} : memref<26x128xi32, #tpu.memory_space<vmem>>, vector<1x16xi32>,
    %get3A_86 = arith.constant 0 : i32
    %get3A_87 = arith.index_cast %get3A_86 : i32 to index
    %get3A_88 = arith.constant 112 : index
    %get3A_89 = tpu.vector_load %arg5[%get3A_87, %get3A_88] {strides = array<i32>} : memref<26x128xi32, #tpu.memory_space<vmem>>, vector<1x16xi32>,
    %get3A_90 = vector.shape_cast %get3A_89 : vector<1x16xi32> to vector<16xi32>
    %add3A_91 = arith.addi %get3A_90, %broadcast_in_dim3A_3 : vector<16xi32>
    %swap3A_92 = arith.constant 0 : i32
    %swap3A_93 = arith.index_cast %swap3A_92 : i32 to index
    %swap3A_94 = arith.constant 112 : index
    %swap3A_95 = tpu.vector_load %arg6[%swap3A_93, %swap3A_94] {strides = array<i32>} : memref<26x128xi32, #tpu.memory_space<vmem>>, vector<1x16xi32>,
    %swap3A_96 = vector.shape_cast %swap3A_95 : vector<1x16xi32> to vector<16xi32>
    %swap3A_97 = vector.shape_cast %add3A_91 : vector<16xi32> to vector<1x16xi32>
    tpu.vector_store %arg6[%swap3A_93, %swap3A_94], %swap3A_97 {strides = array<i32>} : memref<26x128xi32, #tpu.memory_space<vmem>>, vector<1x16xi32>,
    %broadcast_in_dim3A_98 = arith.constant 100000 : i32
    %broadcast_in_dim3A_99 = vector.broadcast %broadcast_in_dim3A_98 : i32 to vector<16xi32>
    %get3A_100 = arith.constant 1 : i32
    %get3A_101 = arith.index_cast %get3A_100 : i32 to index
    %get3A_102 = arith.constant 0 : index
    %get3A_103 = tpu.vector_load %arg5[%get3A_101, %get3A_102] {strides = array<i32>} : memref<26x128xi32, #tpu.memory_space<vmem>>, vector<1x16xi32>,
    %get3A_104 = vector.shape_cast %get3A_103 : vector<1x16xi32> to vector<16xi32>
    %add3A_105 = arith.addi %get3A_104, %broadcast_in_dim3A_99 : vector<16xi32>
    %swap3A_106 = arith.constant 1 : i32
    %swap3A_107 = arith.index_cast %swap3A_106 : i32 to index
    %swap3A_108 = arith.constant 0 : index
    %swap3A_109 = tpu.vector_load %arg6[%swap3A_107, %swap3A_108] {strides = array<i32>} : memref<26x128xi32, #tpu.memory_space<vmem>>, vector<1x16xi32>,
    %swap3A_110 = vector.shape_cast %swap3A_109 : vector<1x16xi32> to vector<16xi32>
    %swap3A_111 = vector.shape_cast %add3A_105 : vector<16xi32> to vector<1x16xi32>
    tpu.vector_store %arg6[%swap3A_107, %swap3A_108], %swap3A_111 {strides = array<i32>} : memref<26x128xi32, #tpu.memory_space<vmem>>, vector<1x16xi32>,
    %get3A_112 = arith.constant 1 : i32
    %get3A_113 = arith.index_cast %get3A_112 : i32 to index
    %get3A_114 = arith.constant 16 : index
    %get3A_115 = tpu.vector_load %arg5[%get3A_113, %get3A_114] {strides = array<i32>} : memref<26x128xi32, #tpu.memory_space<vmem>>, vector<1x16xi32>,
    %get3A_116 = vector.shape_cast %get3A_115 : vector<1x16xi32> to vector<16xi32>
    %add3A_117 = arith.addi %get3A_116, %broadcast_in_dim3A_99 : vector<16xi32>
    %swap3A_118 = arith.constant 1 : i32
    %swap3A_119 = arith.index_cast %swap3A_118 : i32 to index
    %swap3A_120 = arith.constant 16 : index
    %swap3A_121 = tpu.vector_load %arg6[%swap3A_119, %swap3A_120] {strides = array<i32>} : memref<26x128xi32, #tpu.memory_space<vmem>>, vector<1x16xi32>,
    %swap3A_122 = vector.shape_cast %swap3A_121 : vector<1x16xi32> to vector<16xi32>
    %swap3A_123 = vector.shape_cast %add3A_117 : vector<16xi32> to vector<1x16xi32>
    tpu.vector_store %arg6[%swap3A_119, %swap3A_120], %swap3A_123 {strides = array<i32>} : memref<26x128xi32, #tpu.memory_space<vmem>>, vector<1x16xi32>,
    %get3A_124 = arith.constant 1 : i32
    %get3A_125 = arith.index_cast %get3A_124 : i32 to index
    %get3A_126 = arith.constant 32 : index
    %get3A_127 = tpu.vector_load %arg5[%get3A_125, %get3A_126] {strides = array<i32>} : memref<26x128xi32, #tpu.memory_space<vmem>>, vector<1x16xi32>,
    %get3A_128 = vector.shape_cast %get3A_127 : vector<1x16xi32> to vector<16xi32>
    %add3A_129 = arith.addi %get3A_128, %broadcast_in_dim3A_99 : vector<16xi32>
    %swap3A_130 = arith.constant 1 : i32
    %swap3A_131 = arith.index_cast %swap3A_130 : i32 to index
    %swap3A_132 = arith.constant 32 : index
    %swap3A_133 = tpu.vector_load %arg6[%swap3A_131, %swap3A_132] {strides = array<i32>} : memref<26x128xi32, #tpu.memory_space<vmem>>, vector<1x16xi32>,
    %swap3A_134 = vector.shape_cast %swap3A_133 : vector<1x16xi32> to vector<16xi32>
    %swap3A_135 = vector.shape_cast %add3A_129 : vector<16xi32> to vector<1x16xi32>
    tpu.vector_store %arg6[%swap3A_131, %swap3A_132], %swap3A_135 {strides = array<i32>} : memref<26x128xi32, #tpu.memory_space<vmem>>, vector<1x16xi32>,
    %get3A_136 = arith.constant 1 : i32
    %get3A_137 = arith.index_cast %get3A_136 : i32 to index
    %get3A_138 = arith.constant 48 : index
    %get3A_139 = tpu.vector_load %arg5[%get3A_137, %get3A_138] {strides = array<i32>} : memref<26x128xi32, #tpu.memory_space<vmem>>, vector<1x16xi32>,
    %get3A_140 = vector.shape_cast %get3A_139 : vector<1x16xi32> to vector<16xi32>
    %add3A_141 = arith.addi %get3A_140, %broadcast_in_dim3A_99 : vector<16xi32>
    %swap3A_142 = arith.constant 1 : i32
    %swap3A_143 = arith.index_cast %swap3A_142 : i32 to index
    %swap3A_144 = arith.constant 48 : index
    %swap3A_145 = tpu.vector_load %arg6[%swap3A_143, %swap3A_144] {strides = array<i32>} : memref<26x128xi32, #tpu.memory_space<vmem>>, vector<1x16xi32>,
    %swap3A_146 = vector.shape_cast %swap3A_145 : vector<1x16xi32> to vector<16xi32>
    %swap3A_147 = vector.shape_cast %add3A_141 : vector<16xi32> to vector<1x16xi32>
    tpu.vector_store %arg6[%swap3A_143, %swap3A_144], %swap3A_147 {strides = array<i32>} : memref<26x128xi32, #tpu.memory_space<vmem>>, vector<1x16xi32>,
    %get3A_148 = arith.constant 1 : i32
    %get3A_149 = arith.index_cast %get3A_148 : i32 to index
    %get3A_150 = arith.constant 64 : index
    %get3A_151 = tpu.vector_load %arg5[%get3A_149, %get3A_150] {strides = array<i32>} : memref<26x128xi32, #tpu.memory_space<vmem>>, vector<1x16xi32>,
    %get3A_152 = vector.shape_cast %get3A_151 : vector<1x16xi32> to vector<16xi32>
    %add3A_153 = arith.addi %get3A_152, %broadcast_in_dim3A_99 : vector<16xi32>
    %swap3A_154 = arith.constant 1 : i32
    %swap3A_155 = arith.index_cast %swap3A_154 : i32 to index
    %swap3A_156 = arith.constant 64 : index
    %swap3A_157 = tpu.vector_load %arg6[%swap3A_155, %swap3A_156] {strides = array<i32>} : memref<26x128xi32, #tpu.memory_space<vmem>>, vector<1x16xi32>,
    %swap3A_158 = vector.shape_cast %swap3A_157 : vector<1x16xi32> to vector<16xi32>
    %swap3A_159 = vector.shape_cast %add3A_153 : vector<16xi32> to vector<1x16xi32>
    tpu.vector_store %arg6[%swap3A_155, %swap3A_156], %swap3A_159 {strides = array<i32>} : memref<26x128xi32, #tpu.memory_space<vmem>>, vector<1x16xi32>,
    %get3A_160 = arith.constant 1 : i32
    %get3A_161 = arith.index_cast %get3A_160 : i32 to index
    %get3A_162 = arith.constant 80 : index
    %get3A_163 = tpu.vector_load %arg5[%get3A_161, %get3A_162] {strides = array<i32>} : memref<26x128xi32, #tpu.memory_space<vmem>>, vector<1x16xi32>,
    %get3A_164 = vector.shape_cast %get3A_163 : vector<1x16xi32> to vector<16xi32>
    %add3A_165 = arith.addi %get3A_164, %broadcast_in_dim3A_99 : vector<16xi32>
    %swap3A_166 = arith.constant 1 : i32
    %swap3A_167 = arith.index_cast %swap3A_166 : i32 to index
    %swap3A_168 = arith.constant 80 : index
    %swap3A_169 = tpu.vector_load %arg6[%swap3A_167, %swap3A_168] {strides = array<i32>} : memref<26x128xi32, #tpu.memory_space<vmem>>, vector<1x16xi32>,
    %swap3A_170 = vector.shape_cast %swap3A_169 : vector<1x16xi32> to vector<16xi32>
    %swap3A_171 = vector.shape_cast %add3A_165 : vector<16xi32> to vector<1x16xi32>
    tpu.vector_store %arg6[%swap3A_167, %swap3A_168], %swap3A_171 {strides = array<i32>} : memref<26x128xi32, #tpu.memory_space<vmem>>, vector<1x16xi32>,
    %get3A_172 = arith.constant 1 : i32
    %get3A_173 = arith.index_cast %get3A_172 : i32 to index
    %get3A_174 = arith.constant 96 : index
    %get3A_175 = tpu.vector_load %arg5[%get3A_173, %get3A_174] {strides = array<i32>} : memref<26x128xi32, #tpu.memory_space<vmem>>, vector<1x16xi32>,
    %get3A_176 = vector.shape_cast %get3A_175 : vector<1x16xi32> to vector<16xi32>
    %add3A_177 = arith.addi %get3A_176, %broadcast_in_dim3A_99 : vector<16xi32>
    %swap3A_178 = arith.constant 1 : i32
    %swap3A_179 = arith.index_cast %swap3A_178 : i32 to index
    %swap3A_180 = arith.constant 96 : index
    %swap3A_181 = tpu.vector_load %arg6[%swap3A_179, %swap3A_180] {strides = array<i32>} : memref<26x128xi32, #tpu.memory_space<vmem>>, vector<1x16xi32>,
    %swap3A_182 = vector.shape_cast %swap3A_181 : vector<1x16xi32> to vector<16xi32>
    %swap3A_183 = vector.shape_cast %add3A_177 : vector<16xi32> to vector<1x16xi32>
    tpu.vector_store %arg6[%swap3A_179, %swap3A_180], %swap3A_183 {strides = array<i32>} : memref<26x128xi32, #tpu.memory_space<vmem>>, vector<1x16xi32>,
    %get3A_184 = arith.constant 1 : i32
    %get3A_185 = arith.index_cast %get3A_184 : i32 to index
    %get3A_186 = arith.constant 112 : index
    %get3A_187 = tpu.vector_load %arg5[%get3A_185, %get3A_186] {strides = array<i32>} : memref<26x128xi32, #tpu.memory_space<vmem>>, vector<1x16xi32>,
    %get3A_188 = vector.shape_cast %get3A_187 : vector<1x16xi32> to vector<16xi32>
    %add3A_189 = arith.addi %get3A_188, %broadcast_in_dim3A_99 : vector<16xi32>
    %swap3A_190 = arith.constant 1 : i32
    %swap3A_191 = arith.index_cast %swap3A_190 : i32 to index
    %swap3A_192 = arith.constant 112 : index
    %swap3A_193 = tpu.vector_load %arg6[%swap3A_191, %swap3A_192] {strides = array<i32>} : memref<26x128xi32, #tpu.memory_space<vmem>>, vector<1x16xi32>,
    %swap3A_194 = vector.shape_cast %swap3A_193 : vector<1x16xi32> to vector<16xi32>
    %swap3A_195 = vector.shape_cast %add3A_189 : vector<16xi32> to vector<1x16xi32>
    tpu.vector_store %arg6[%swap3A_191, %swap3A_192], %swap3A_195 {strides = array<i32>} : memref<26x128xi32, #tpu.memory_space<vmem>>, vector<1x16xi32>,
    %broadcast_in_dim3A_196 = arith.constant 200000 : i32
    %broadcast_in_dim3A_197 = vector.broadcast %broadcast_in_dim3A_196 : i32 to vector<16xi32>
    %get3A_198 = arith.constant 2 : i32
    %get3A_199 = arith.index_cast %get3A_198 : i32 to index
    %get3A_200 = arith.constant 0 : index
    %get3A_201 = tpu.vector_load %arg5[%get3A_199, %get3A_200] {strides = array<i32>} : memref<26x128xi32, #tpu.memory_space<vmem>>, vector<1x16xi32>,
    %get3A_202 = vector.shape_cast %get3A_201 : vector<1x16xi32> to vector<16xi32>
    %add3A_203 = arith.addi %get3A_202, %broadcast_in_dim3A_197 : vector<16xi32>
    %swap3A_204 = arith.constant 2 : i32
    %swap3A_205 = arith.index_cast %swap3A_204 : i32 to index
    %swap3A_206 = arith.constant 0 : index
    %swap3A_207 = tpu.vector_load %arg6[%swap3A_205, %swap3A_206] {strides = array<i32>} : memref<26x128xi32, #tpu.memory_space<vmem>>, vector<1x16xi32>,
    %swap3A_208 = vector.shape_cast %swap3A_207 : vector<1x16xi32> to vector<16xi32>
    %swap3A_209 = vector.shape_cast %add3A_203 : vector<16xi32> to vector<1x16xi32>
    tpu.vector_store %arg6[%swap3A_205, %swap3A_206], %swap3A_209 {strides = array<i32>} : memref<26x128xi32, #tpu.memory_space<vmem>>, vector<1x16xi32>,
    %get3A_210 = arith.constant 2 : i32
    %get3A_211 = arith.index_cast %get3A_210 : i32 to index
    %get3A_212 = arith.constant 16 : index
    %get3A_213 = tpu.vector_load %arg5[%get3A_211, %get3A_212] {strides = array<i32>} : memref<26x128xi32, #tpu.memory_space<vmem>>, vector<1x16xi32>,
    %get3A_214 = vector.shape_cast %get3A_213 : vector<1x16xi32> to vector<16xi32>
    %add3A_215 = arith.addi %get3A_214, %broadcast_in_dim3A_197 : vector<16xi32>
    %swap3A_216 = arith.constant 2 : i32
    %swap3A_217 = arith.index_cast %swap3A_216 : i32 to index
    %swap3A_218 = arith.constant 16 : index
    %swap3A_219 = tpu.vector_load %arg6[%swap3A_217, %swap3A_218] {strides = array<i32>} : memref<26x128xi32, #tpu.memory_space<vmem>>, vector<1x16xi32>,
    %swap3A_220 = vector.shape_cast %swap3A_219 : vector<1x16xi32> to vector<16xi32>
    %swap3A_221 = vector.shape_cast %add3A_215 : vector<16xi32> to vector<1x16xi32>
    tpu.vector_store %arg6[%swap3A_217, %swap3A_218], %swap3A_221 {strides = array<i32>} : memref<26x128xi32, #tpu.memory_space<vmem>>, vector<1x16xi32>,
    %get3A_222 = arith.constant 2 : i32
    %get3A_223 = arith.index_cast %get3A_222 : i32 to index
    %get3A_224 = arith.constant 32 : index
    %get3A_225 = tpu.vector_load %arg5[%get3A_223, %get3A_224] {strides = array<i32>} : memref<26x128xi32, #tpu.memory_space<vmem>>, vector<1x16xi32>,
    %get3A_226 = vector.shape_cast %get3A_225 : vector<1x16xi32> to vector<16xi32>
    %add3A_227 = arith.addi %get3A_226, %broadcast_in_dim3A_197 : vector<16xi32>
    %swap3A_228 = arith.constant 2 : i32
    %swap3A_229 = arith.index_cast %swap3A_228 : i32 to index
    %swap3A_230 = arith.constant 32 : index
    %swap3A_231 = tpu.vector_load %arg6[%swap3A_229, %swap3A_230] {strides = array<i32>} : memref<26x128xi32, #tpu.memory_space<vmem>>, vector<1x16xi32>,
    %swap3A_232 = vector.shape_cast %swap3A_231 : vector<1x16xi32> to vector<16xi32>
    %swap3A_233 = vector.shape_cast %add3A_227 : vector<16xi32> to vector<1x16xi32>
    tpu.vector_store %arg6[%swap3A_229, %swap3A_230], %swap3A_233 {strides = array<i32>} : memref<26x128xi32, #tpu.memory_space<vmem>>, vector<1x16xi32>,
    %get3A_234 = arith.constant 2 : i32
    %get3A_235 = arith.index_cast %get3A_234 : i32 to index
    %get3A_236 = arith.constant 48 : index
    %get3A_237 = tpu.vector_load %arg5[%get3A_235, %get3A_236] {strides = array<i32>} : memref<26x128xi32, #tpu.memory_space<vmem>>, vector<1x16xi32>,
    %get3A_238 = vector.shape_cast %get3A_237 : vector<1x16xi32> to vector<16xi32>
    %add3A_239 = arith.addi %get3A_238, %broadcast_in_dim3A_197 : vector<16xi32>
    %swap3A_240 = arith.constant 2 : i32
    %swap3A_241 = arith.index_cast %swap3A_240 : i32 to index
    %swap3A_242 = arith.constant 48 : index
    %swap3A_243 = tpu.vector_load %arg6[%swap3A_241, %swap3A_242] {strides = array<i32>} : memref<26x128xi32, #tpu.memory_space<vmem>>, vector<1x16xi32>,
    %swap3A_244 = vector.shape_cast %swap3A_243 : vector<1x16xi32> to vector<16xi32>
    %swap3A_245 = vector.shape_cast %add3A_239 : vector<16xi32> to vector<1x16xi32>
    tpu.vector_store %arg6[%swap3A_241, %swap3A_242], %swap3A_245 {strides = array<i32>} : memref<26x128xi32, #tpu.memory_space<vmem>>, vector<1x16xi32>,
    %get3A_246 = arith.constant 2 : i32
    %get3A_247 = arith.index_cast %get3A_246 : i32 to index
    %get3A_248 = arith.constant 64 : index
    %get3A_249 = tpu.vector_load %arg5[%get3A_247, %get3A_248] {strides = array<i32>} : memref<26x128xi32, #tpu.memory_space<vmem>>, vector<1x16xi32>,
    %get3A_250 = vector.shape_cast %get3A_249 : vector<1x16xi32> to vector<16xi32>
    %add3A_251 = arith.addi %get3A_250, %broadcast_in_dim3A_197 : vector<16xi32>
    %swap3A_252 = arith.constant 2 : i32
    %swap3A_253 = arith.index_cast %swap3A_252 : i32 to index
    %swap3A_254 = arith.constant 64 : index
    %swap3A_255 = tpu.vector_load %arg6[%swap3A_253, %swap3A_254] {strides = array<i32>} : memref<26x128xi32, #tpu.memory_space<vmem>>, vector<1x16xi32>,
    %swap3A_256 = vector.shape_cast %swap3A_255 : vector<1x16xi32> to vector<16xi32>
    %swap3A_257 = vector.shape_cast %add3A_251 : vector<16xi32> to vector<1x16xi32>
    tpu.vector_store %arg6[%swap3A_253, %swap3A_254], %swap3A_257 {strides = array<i32>} : memref<26x128xi32, #tpu.memory_space<vmem>>, vector<1x16xi32>,
    %get3A_258 = arith.constant 2 : i32
    %get3A_259 = arith.index_cast %get3A_258 : i32 to index
    %get3A_260 = arith.constant 80 : index
    %get3A_261 = tpu.vector_load %arg5[%get3A_259, %get3A_260] {strides = array<i32>} : memref<26x128xi32, #tpu.memory_space<vmem>>, vector<1x16xi32>,
    %get3A_262 = vector.shape_cast %get3A_261 : vector<1x16xi32> to vector<16xi32>
    %add3A_263 = arith.addi %get3A_262, %broadcast_in_dim3A_197 : vector<16xi32>
    %swap3A_264 = arith.constant 2 : i32
    %swap3A_265 = arith.index_cast %swap3A_264 : i32 to index
    %swap3A_266 = arith.constant 80 : index
    %swap3A_267 = tpu.vector_load %arg6[%swap3A_265, %swap3A_266] {strides = array<i32>} : memref<26x128xi32, #tpu.memory_space<vmem>>, vector<1x16xi32>,
    %swap3A_268 = vector.shape_cast %swap3A_267 : vector<1x16xi32> to vector<16xi32>
    %swap3A_269 = vector.shape_cast %add3A_263 : vector<16xi32> to vector<1x16xi32>
    tpu.vector_store %arg6[%swap3A_265, %swap3A_266], %swap3A_269 {strides = array<i32>} : memref<26x128xi32, #tpu.memory_space<vmem>>, vector<1x16xi32>,
    %get3A_270 = arith.constant 2 : i32
    %get3A_271 = arith.index_cast %get3A_270 : i32 to index
    %get3A_272 = arith.constant 96 : index
    %get3A_273 = tpu.vector_load %arg5[%get3A_271, %get3A_272] {strides = array<i32>} : memref<26x128xi32, #tpu.memory_space<vmem>>, vector<1x16xi32>,
    %get3A_274 = vector.shape_cast %get3A_273 : vector<1x16xi32> to vector<16xi32>
    %add3A_275 = arith.addi %get3A_274, %broadcast_in_dim3A_197 : vector<16xi32>
    %swap3A_276 = arith.constant 2 : i32
    %swap3A_277 = arith.index_cast %swap3A_276 : i32 to index
    %swap3A_278 = arith.constant 96 : index
    %swap3A_279 = tpu.vector_load %arg6[%swap3A_277, %swap3A_278] {strides = array<i32>} : memref<26x128xi32, #tpu.memory_space<vmem>>, vector<1x16xi32>,
    %swap3A_280 = vector.shape_cast %swap3A_279 : vector<1x16xi32> to vector<16xi32>
    %swap3A_281 = vector.shape_cast %add3A_275 : vector<16xi32> to vector<1x16xi32>
    tpu.vector_store %arg6[%swap3A_277, %swap3A_278], %swap3A_281 {strides = array<i32>} : memref<26x128xi32, #tpu.memory_space<vmem>>, vector<1x16xi32>,
    %get3A_282 = arith.constant 2 : i32
    %get3A_283 = arith.index_cast %get3A_282 : i32 to index
    %get3A_284 = arith.constant 112 : index
    %get3A_285 = tpu.vector_load %arg5[%get3A_283, %get3A_284] {strides = array<i32>} : memref<26x128xi32, #tpu.memory_space<vmem>>, vector<1x16xi32>,
    %get3A_286 = vector.shape_cast %get3A_285 : vector<1x16xi32> to vector<16xi32>
    %add3A_287 = arith.addi %get3A_286, %broadcast_in_dim3A_197 : vector<16xi32>
    %swap3A_288 = arith.constant 2 : i32
    %swap3A_289 = arith.index_cast %swap3A_288 : i32 to index
    %swap3A_290 = arith.constant 112 : index
    %swap3A_291 = tpu.vector_load %arg6[%swap3A_289, %swap3A_290] {strides = array<i32>} : memref<26x128xi32, #tpu.memory_space<vmem>>, vector<1x16xi32>,
    %swap3A_292 = vector.shape_cast %swap3A_291 : vector<1x16xi32> to vector<16xi32>
    %swap3A_293 = vector.shape_cast %add3A_287 : vector<16xi32> to vector<1x16xi32>
    tpu.vector_store %arg6[%swap3A_289, %swap3A_290], %swap3A_293 {strides = array<i32>} : memref<26x128xi32, #tpu.memory_space<vmem>>, vector<1x16xi32>,
    %broadcast_in_dim3A_294 = arith.constant 300000 : i32
    %broadcast_in_dim3A_295 = vector.broadcast %broadcast_in_dim3A_294 : i32 to vector<16xi32>
    %get3A_296 = arith.constant 3 : i32
    %get3A_297 = arith.index_cast %get3A_296 : i32 to index
    %get3A_298 = arith.constant 0 : index
    %get3A_299 = tpu.vector_load %arg5[%get3A_297, %get3A_298] {strides = array<i32>} : memref<26x128xi32, #tpu.memory_space<vmem>>, vector<1x16xi32>,
    %get3A_300 = vector.shape_cast %get3A_299 : vector<1x16xi32> to vector<16xi32>
    %add3A_301 = arith.addi %get3A_300, %broadcast_in_dim3A_295 : vector<16xi32>
    %swap3A_302 = arith.constant 3 : i32
    %swap3A_303 = arith.index_cast %swap3A_302 : i32 to index
    %swap3A_304 = arith.constant 0 : index
    %swap3A_305 = tpu.vector_load %arg6[%swap3A_303, %swap3A_304] {strides = array<i32>} : memref<26x128xi32, #tpu.memory_space<vmem>>, vector<1x16xi32>,
    %swap3A_306 = vector.shape_cast %swap3A_305 : vector<1x16xi32> to vector<16xi32>
    %swap3A_307 = vector.shape_cast %add3A_301 : vector<16xi32> to vector<1x16xi32>
    tpu.vector_store %arg6[%swap3A_303, %swap3A_304], %swap3A_307 {strides = array<i32>} : memref<26x128xi32, #tpu.memory_space<vmem>>, vector<1x16xi32>,
    %get3A_308 = arith.constant 3 : i32
    %get3A_309 = arith.index_cast %get3A_308 : i32 to index
    %get3A_310 = arith.constant 16 : index
    %get3A_311 = tpu.vector_load %arg5[%get3A_309, %get3A_310] {strides = array<i32>} : memref<26x128xi32, #tpu.memory_space<vmem>>, vector<1x16xi32>,
    %get3A_312 = vector.shape_cast %get3A_311 : vector<1x16xi32> to vector<16xi32>
    %add3A_313 = arith.addi %get3A_312, %broadcast_in_dim3A_295 : vector<16xi32>
    %swap3A_314 = arith.constant 3 : i32
    %swap3A_315 = arith.index_cast %swap3A_314 : i32 to index
    %swap3A_316 = arith.constant 16 : index
    %swap3A_317 = tpu.vector_load %arg6[%swap3A_315, %swap3A_316] {strides = array<i32>} : memref<26x128xi32, #tpu.memory_space<vmem>>, vector<1x16xi32>,
    %swap3A_318 = vector.shape_cast %swap3A_317 : vector<1x16xi32> to vector<16xi32>
    %swap3A_319 = vector.shape_cast %add3A_313 : vector<16xi32> to vector<1x16xi32>
    tpu.vector_store %arg6[%swap3A_315, %swap3A_316], %swap3A_319 {strides = array<i32>} : memref<26x128xi32, #tpu.memory_space<vmem>>, vector<1x16xi32>,
    %get3A_320 = arith.constant 3 : i32
    %get3A_321 = arith.index_cast %get3A_320 : i32 to index
    %get3A_322 = arith.constant 32 : index
    %get3A_323 = tpu.vector_load %arg5[%get3A_321, %get3A_322] {strides = array<i32>} : memref<26x128xi32, #tpu.memory_space<vmem>>, vector<1x16xi32>,
    %get3A_324 = vector.shape_cast %get3A_323 : vector<1x16xi32> to vector<16xi32>
    %add3A_325 = arith.addi %get3A_324, %broadcast_in_dim3A_295 : vector<16xi32>
    %swap3A_326 = arith.constant 3 : i32
    %swap3A_327 = arith.index_cast %swap3A_326 : i32 to index
    %swap3A_328 = arith.constant 32 : index
    %swap3A_329 = tpu.vector_load %arg6[%swap3A_327, %swap3A_328] {strides = array<i32>} : memref<26x128xi32, #tpu.memory_space<vmem>>, vector<1x16xi32>,
    %swap3A_330 = vector.shape_cast %swap3A_329 : vector<1x16xi32> to vector<16xi32>
    %swap3A_331 = vector.shape_cast %add3A_325 : vector<16xi32> to vector<1x16xi32>
    tpu.vector_store %arg6[%swap3A_327, %swap3A_328], %swap3A_331 {strides = array<i32>} : memref<26x128xi32, #tpu.memory_space<vmem>>, vector<1x16xi32>,
    %get3A_332 = arith.constant 3 : i32
    %get3A_333 = arith.index_cast %get3A_332 : i32 to index
    %get3A_334 = arith.constant 48 : index
    %get3A_335 = tpu.vector_load %arg5[%get3A_333, %get3A_334] {strides = array<i32>} : memref<26x128xi32, #tpu.memory_space<vmem>>, vector<1x16xi32>,
    %get3A_336 = vector.shape_cast %get3A_335 : vector<1x16xi32> to vector<16xi32>
    %add3A_337 = arith.addi %get3A_336, %broadcast_in_dim3A_295 : vector<16xi32>
    %swap3A_338 = arith.constant 3 : i32
    %swap3A_339 = arith.index_cast %swap3A_338 : i32 to index
    %swap3A_340 = arith.constant 48 : index
    %swap3A_341 = tpu.vector_load %arg6[%swap3A_339, %swap3A_340] {strides = array<i32>} : memref<26x128xi32, #tpu.memory_space<vmem>>, vector<1x16xi32>,
    %swap3A_342 = vector.shape_cast %swap3A_341 : vector<1x16xi32> to vector<16xi32>
    %swap3A_343 = vector.shape_cast %add3A_337 : vector<16xi32> to vector<1x16xi32>
    tpu.vector_store %arg6[%swap3A_339, %swap3A_340], %swap3A_343 {strides = array<i32>} : memref<26x128xi32, #tpu.memory_space<vmem>>, vector<1x16xi32>,
    %get3A_344 = arith.constant 3 : i32
    %get3A_345 = arith.index_cast %get3A_344 : i32 to index
    %get3A_346 = arith.constant 64 : index
    %get3A_347 = tpu.vector_load %arg5[%get3A_345, %get3A_346] {strides = array<i32>} : memref<26x128xi32, #tpu.memory_space<vmem>>, vector<1x16xi32>,
    %get3A_348 = vector.shape_cast %get3A_347 : vector<1x16xi32> to vector<16xi32>
    %add3A_349 = arith.addi %get3A_348, %broadcast_in_dim3A_295 : vector<16xi32>
    %swap3A_350 = arith.constant 3 : i32
    %swap3A_351 = arith.index_cast %swap3A_350 : i32 to index
    %swap3A_352 = arith.constant 64 : index
    %swap3A_353 = tpu.vector_load %arg6[%swap3A_351, %swap3A_352] {strides = array<i32>} : memref<26x128xi32, #tpu.memory_space<vmem>>, vector<1x16xi32>,
    %swap3A_354 = vector.shape_cast %swap3A_353 : vector<1x16xi32> to vector<16xi32>
    %swap3A_355 = vector.shape_cast %add3A_349 : vector<16xi32> to vector<1x16xi32>
    tpu.vector_store %arg6[%swap3A_351, %swap3A_352], %swap3A_355 {strides = array<i32>} : memref<26x128xi32, #tpu.memory_space<vmem>>, vector<1x16xi32>,
    %get3A_356 = arith.constant 3 : i32
    %get3A_357 = arith.index_cast %get3A_356 : i32 to index
    %get3A_358 = arith.constant 80 : index
    %get3A_359 = tpu.vector_load %arg5[%get3A_357, %get3A_358] {strides = array<i32>} : memref<26x128xi32, #tpu.memory_space<vmem>>, vector<1x16xi32>,
    %get3A_360 = vector.shape_cast %get3A_359 : vector<1x16xi32> to vector<16xi32>
    %add3A_361 = arith.addi %get3A_360, %broadcast_in_dim3A_295 : vector<16xi32>
    %swap3A_362 = arith.constant 3 : i32
    %swap3A_363 = arith.index_cast %swap3A_362 : i32 to index
    %swap3A_364 = arith.constant 80 : index
    %swap3A_365 = tpu.vector_load %arg6[%swap3A_363, %swap3A_364] {strides = array<i32>} : memref<26x128xi32, #tpu.memory_space<vmem>>, vector<1x16xi32>,
    %swap3A_366 = vector.shape_cast %swap3A_365 : vector<1x16xi32> to vector<16xi32>
    %swap3A_367 = vector.shape_cast %add3A_361 : vector<16xi32> to vector<1x16xi32>
    tpu.vector_store %arg6[%swap3A_363, %swap3A_364], %swap3A_367 {strides = array<i32>} : memref<26x128xi32, #tpu.memory_space<vmem>>, vector<1x16xi32>,
    %get3A_368 = arith.constant 3 : i32
    %get3A_369 = arith.index_cast %get3A_368 : i32 to index
    %get3A_370 = arith.constant 96 : index
    %get3A_371 = tpu.vector_load %arg5[%get3A_369, %get3A_370] {strides = array<i32>} : memref<26x128xi32, #tpu.memory_space<vmem>>, vector<1x16xi32>,
    %get3A_372 = vector.shape_cast %get3A_371 : vector<1x16xi32> to vector<16xi32>
    %add3A_373 = arith.addi %get3A_372, %broadcast_in_dim3A_295 : vector<16xi32>
    %swap3A_374 = arith.constant 3 : i32
    %swap3A_375 = arith.index_cast %swap3A_374 : i32 to index
    %swap3A_376 = arith.constant 96 : index
    %swap3A_377 = tpu.vector_load %arg6[%swap3A_375, %swap3A_376] {strides = array<i32>} : memref<26x128xi32, #tpu.memory_space<vmem>>, vector<1x16xi32>,
    %swap3A_378 = vector.shape_cast %swap3A_377 : vector<1x16xi32> to vector<16xi32>
    %swap3A_379 = vector.shape_cast %add3A_373 : vector<16xi32> to vector<1x16xi32>
    tpu.vector_store %arg6[%swap3A_375, %swap3A_376], %swap3A_379 {strides = array<i32>} : memref<26x128xi32, #tpu.memory_space<vmem>>, vector<1x16xi32>,
    %get3A_380 = arith.constant 3 : i32
    %get3A_381 = arith.index_cast %get3A_380 : i32 to index
    %get3A_382 = arith.constant 112 : index
    %get3A_383 = tpu.vector_load %arg5[%get3A_381, %get3A_382] {strides = array<i32>} : memref<26x128xi32, #tpu.memory_space<vmem>>, vector<1x16xi32>,
    %get3A_384 = vector.shape_cast %get3A_383 : vector<1x16xi32> to vector<16xi32>
    %add3A_385 = arith.addi %get3A_384, %broadcast_in_dim3A_295 : vector<16xi32>
    %swap3A_386 = arith.constant 3 : i32
    %swap3A_387 = arith.index_cast %swap3A_386 : i32 to index
    %swap3A_388 = arith.constant 112 : index
    %swap3A_389 = tpu.vector_load %arg6[%swap3A_387, %swap3A_388] {strides = array<i32>} : memref<26x128xi32, #tpu.memory_space<vmem>>, vector<1x16xi32>,
    %swap3A_390 = vector.shape_cast %swap3A_389 : vector<1x16xi32> to vector<16xi32>
    %swap3A_391 = vector.shape_cast %add3A_385 : vector<16xi32> to vector<1x16xi32>
    tpu.vector_store %arg6[%swap3A_387, %swap3A_388], %swap3A_391 {strides = array<i32>} : memref<26x128xi32, #tpu.memory_space<vmem>>, vector<1x16xi32>,
    %broadcast_in_dim3A_392 = arith.constant 400000 : i32
    %broadcast_in_dim3A_393 = vector.broadcast %broadcast_in_dim3A_392 : i32 to vector<16xi32>
    %get3A_394 = arith.constant 4 : i32
    %get3A_395 = arith.index_cast %get3A_394 : i32 to index
    %get3A_396 = arith.constant 0 : index
    %get3A_397 = tpu.vector_load %arg5[%get3A_395, %get3A_396] {strides = array<i32>} : memref<26x128xi32, #tpu.memory_space<vmem>>, vector<1x16xi32>,
    %get3A_398 = vector.shape_cast %get3A_397 : vector<1x16xi32> to vector<16xi32>
    %add3A_399 = arith.addi %get3A_398, %broadcast_in_dim3A_393 : vector<16xi32>
    %swap3A_400 = arith.constant 4 : i32
    %swap3A_401 = arith.index_cast %swap3A_400 : i32 to index
    %swap3A_402 = arith.constant 0 : index
    %swap3A_403 = tpu.vector_load %arg6[%swap3A_401, %swap3A_402] {strides = array<i32>} : memref<26x128xi32, #tpu.memory_space<vmem>>, vector<1x16xi32>,
    %swap3A_404 = vector.shape_cast %swap3A_403 : vector<1x16xi32> to vector<16xi32>
    %swap3A_405 = vector.shape_cast %add3A_399 : vector<16xi32> to vector<1x16xi32>
    tpu.vector_store %arg6[%swap3A_401, %swap3A_402], %swap3A_405 {strides = array<i32>} : memref<26x128xi32, #tpu.memory_space<vmem>>, vector<1x16xi32>,
    %get3A_406 = arith.constant 4 : i32
    %get3A_407 = arith.index_cast %get3A_406 : i32 to index
    %get3A_408 = arith.constant 16 : index
    %get3A_409 = tpu.vector_load %arg5[%get3A_407, %get3A_408] {strides = array<i32>} : memref<26x128xi32, #tpu.memory_space<vmem>>, vector<1x16xi32>,
    %get3A_410 = vector.shape_cast %get3A_409 : vector<1x16xi32> to vector<16xi32>
    %add3A_411 = arith.addi %get3A_410, %broadcast_in_dim3A_393 : vector<16xi32>
    %swap3A_412 = arith.constant 4 : i32
    %swap3A_413 = arith.index_cast %swap3A_412 : i32 to index
    %swap3A_414 = arith.constant 16 : index
    %swap3A_415 = tpu.vector_load %arg6[%swap3A_413, %swap3A_414] {strides = array<i32>} : memref<26x128xi32, #tpu.memory_space<vmem>>, vector<1x16xi32>,
    %swap3A_416 = vector.shape_cast %swap3A_415 : vector<1x16xi32> to vector<16xi32>
    %swap3A_417 = vector.shape_cast %add3A_411 : vector<16xi32> to vector<1x16xi32>
    tpu.vector_store %arg6[%swap3A_413, %swap3A_414], %swap3A_417 {strides = array<i32>} : memref<26x128xi32, #tpu.memory_space<vmem>>, vector<1x16xi32>,
    %get3A_418 = arith.constant 4 : i32
    %get3A_419 = arith.index_cast %get3A_418 : i32 to index
    %get3A_420 = arith.constant 32 : index
    %get3A_421 = tpu.vector_load %arg5[%get3A_419, %get3A_420] {strides = array<i32>} : memref<26x128xi32, #tpu.memory_space<vmem>>, vector<1x16xi32>,
    %get3A_422 = vector.shape_cast %get3A_421 : vector<1x16xi32> to vector<16xi32>
    %add3A_423 = arith.addi %get3A_422, %broadcast_in_dim3A_393 : vector<16xi32>
    %swap3A_424 = arith.constant 4 : i32
    %swap3A_425 = arith.index_cast %swap3A_424 : i32 to index
    %swap3A_426 = arith.constant 32 : index
    %swap3A_427 = tpu.vector_load %arg6[%swap3A_425, %swap3A_426] {strides = array<i32>} : memref<26x128xi32, #tpu.memory_space<vmem>>, vector<1x16xi32>,
    %swap3A_428 = vector.shape_cast %swap3A_427 : vector<1x16xi32> to vector<16xi32>
    %swap3A_429 = vector.shape_cast %add3A_423 : vector<16xi32> to vector<1x16xi32>
    tpu.vector_store %arg6[%swap3A_425, %swap3A_426], %swap3A_429 {strides = array<i32>} : memref<26x128xi32, #tpu.memory_space<vmem>>, vector<1x16xi32>,
    %get3A_430 = arith.constant 4 : i32
    %get3A_431 = arith.index_cast %get3A_430 : i32 to index
    %get3A_432 = arith.constant 48 : index
    %get3A_433 = tpu.vector_load %arg5[%get3A_431, %get3A_432] {strides = array<i32>} : memref<26x128xi32, #tpu.memory_space<vmem>>, vector<1x16xi32>,
    %get3A_434 = vector.shape_cast %get3A_433 : vector<1x16xi32> to vector<16xi32>
    %add3A_435 = arith.addi %get3A_434, %broadcast_in_dim3A_393 : vector<16xi32>
    %swap3A_436 = arith.constant 4 : i32
    %swap3A_437 = arith.index_cast %swap3A_436 : i32 to index
    %swap3A_438 = arith.constant 48 : index
    %swap3A_439 = tpu.vector_load %arg6[%swap3A_437, %swap3A_438] {strides = array<i32>} : memref<26x128xi32, #tpu.memory_space<vmem>>, vector<1x16xi32>,
    %swap3A_440 = vector.shape_cast %swap3A_439 : vector<1x16xi32> to vector<16xi32>
    %swap3A_441 = vector.shape_cast %add3A_435 : vector<16xi32> to vector<1x16xi32>
    tpu.vector_store %arg6[%swap3A_437, %swap3A_438], %swap3A_441 {strides = array<i32>} : memref<26x128xi32, #tpu.memory_space<vmem>>, vector<1x16xi32>,
    %get3A_442 = arith.constant 4 : i32
    %get3A_443 = arith.index_cast %get3A_442 : i32 to index
    %get3A_444 = arith.constant 64 : index
    %get3A_445 = tpu.vector_load %arg5[%get3A_443, %get3A_444] {strides = array<i32>} : memref<26x128xi32, #tpu.memory_space<vmem>>, vector<1x16xi32>,
    %get3A_446 = vector.shape_cast %get3A_445 : vector<1x16xi32> to vector<16xi32>
    %add3A_447 = arith.addi %get3A_446, %broadcast_in_dim3A_393 : vector<16xi32>
    %swap3A_448 = arith.constant 4 : i32
    %swap3A_449 = arith.index_cast %swap3A_448 : i32 to index
    %swap3A_450 = arith.constant 64 : index
    %swap3A_451 = tpu.vector_load %arg6[%swap3A_449, %swap3A_450] {strides = array<i32>} : memref<26x128xi32, #tpu.memory_space<vmem>>, vector<1x16xi32>,
    %swap3A_452 = vector.shape_cast %swap3A_451 : vector<1x16xi32> to vector<16xi32>
    %swap3A_453 = vector.shape_cast %add3A_447 : vector<16xi32> to vector<1x16xi32>
    tpu.vector_store %arg6[%swap3A_449, %swap3A_450], %swap3A_453 {strides = array<i32>} : memref<26x128xi32, #tpu.memory_space<vmem>>, vector<1x16xi32>,
    %get3A_454 = arith.constant 4 : i32
    %get3A_455 = arith.index_cast %get3A_454 : i32 to index
    %get3A_456 = arith.constant 80 : index
    %get3A_457 = tpu.vector_load %arg5[%get3A_455, %get3A_456] {strides = array<i32>} : memref<26x128xi32, #tpu.memory_space<vmem>>, vector<1x16xi32>,
    %get3A_458 = vector.shape_cast %get3A_457 : vector<1x16xi32> to vector<16xi32>
    %add3A_459 = arith.addi %get3A_458, %broadcast_in_dim3A_393 : vector<16xi32>
    %swap3A_460 = arith.constant 4 : i32
    %swap3A_461 = arith.index_cast %swap3A_460 : i32 to index
    %swap3A_462 = arith.constant 80 : index
    %swap3A_463 = tpu.vector_load %arg6[%swap3A_461, %swap3A_462] {strides = array<i32>} : memref<26x128xi32, #tpu.memory_space<vmem>>, vector<1x16xi32>,
    %swap3A_464 = vector.shape_cast %swap3A_463 : vector<1x16xi32> to vector<16xi32>
    %swap3A_465 = vector.shape_cast %add3A_459 : vector<16xi32> to vector<1x16xi32>
    tpu.vector_store %arg6[%swap3A_461, %swap3A_462], %swap3A_465 {strides = array<i32>} : memref<26x128xi32, #tpu.memory_space<vmem>>, vector<1x16xi32>,
    %get3A_466 = arith.constant 4 : i32
    %get3A_467 = arith.index_cast %get3A_466 : i32 to index
    %get3A_468 = arith.constant 96 : index
    %get3A_469 = tpu.vector_load %arg5[%get3A_467, %get3A_468] {strides = array<i32>} : memref<26x128xi32, #tpu.memory_space<vmem>>, vector<1x16xi32>,
    %get3A_470 = vector.shape_cast %get3A_469 : vector<1x16xi32> to vector<16xi32>
    %add3A_471 = arith.addi %get3A_470, %broadcast_in_dim3A_393 : vector<16xi32>
    %swap3A_472 = arith.constant 4 : i32
    %swap3A_473 = arith.index_cast %swap3A_472 : i32 to index
    %swap3A_474 = arith.constant 96 : index
    %swap3A_475 = tpu.vector_load %arg6[%swap3A_473, %swap3A_474] {strides = array<i32>} : memref<26x128xi32, #tpu.memory_space<vmem>>, vector<1x16xi32>,
    %swap3A_476 = vector.shape_cast %swap3A_475 : vector<1x16xi32> to vector<16xi32>
    %swap3A_477 = vector.shape_cast %add3A_471 : vector<16xi32> to vector<1x16xi32>
    tpu.vector_store %arg6[%swap3A_473, %swap3A_474], %swap3A_477 {strides = array<i32>} : memref<26x128xi32, #tpu.memory_space<vmem>>, vector<1x16xi32>,
    %get3A_478 = arith.constant 4 : i32
    %get3A_479 = arith.index_cast %get3A_478 : i32 to index
    %get3A_480 = arith.constant 112 : index
    %get3A_481 = tpu.vector_load %arg5[%get3A_479, %get3A_480] {strides = array<i32>} : memref<26x128xi32, #tpu.memory_space<vmem>>, vector<1x16xi32>,
    %get3A_482 = vector.shape_cast %get3A_481 : vector<1x16xi32> to vector<16xi32>
    %add3A_483 = arith.addi %get3A_482, %broadcast_in_dim3A_393 : vector<16xi32>
    %swap3A_484 = arith.constant 4 : i32
    %swap3A_485 = arith.index_cast %swap3A_484 : i32 to index
    %swap3A_486 = arith.constant 112 : index
    %swap3A_487 = tpu.vector_load %arg6[%swap3A_485, %swap3A_486] {strides = array<i32>} : memref<26x128xi32, #tpu.memory_space<vmem>>, vector<1x16xi32>,
    %swap3A_488 = vector.shape_cast %swap3A_487 : vector<1x16xi32> to vector<16xi32>
    %swap3A_489 = vector.shape_cast %add3A_483 : vector<16xi32> to vector<1x16xi32>
    tpu.vector_store %arg6[%swap3A_485, %swap3A_486], %swap3A_489 {strides = array<i32>} : memref<26x128xi32, #tpu.memory_space<vmem>>, vector<1x16xi32>,
    %broadcast_in_dim3A_490 = arith.constant 500000 : i32
    %broadcast_in_dim3A_491 = vector.broadcast %broadcast_in_dim3A_490 : i32 to vector<16xi32>
    %get3A_492 = arith.constant 5 : i32
    %get3A_493 = arith.index_cast %get3A_492 : i32 to index
    %get3A_494 = arith.constant 0 : index
    %get3A_495 = tpu.vector_load %arg5[%get3A_493, %get3A_494] {strides = array<i32>} : memref<26x128xi32, #tpu.memory_space<vmem>>, vector<1x16xi32>,
    %get3A_496 = vector.shape_cast %get3A_495 : vector<1x16xi32> to vector<16xi32>
    %add3A_497 = arith.addi %get3A_496, %broadcast_in_dim3A_491 : vector<16xi32>
    %swap3A_498 = arith.constant 5 : i32
    %swap3A_499 = arith.index_cast %swap3A_498 : i32 to index
    %swap3A_500 = arith.constant 0 : index
    %swap3A_501 = tpu.vector_load %arg6[%swap3A_499, %swap3A_500] {strides = array<i32>} : memref<26x128xi32, #tpu.memory_space<vmem>>, vector<1x16xi32>,
    %swap3A_502 = vector.shape_cast %swap3A_501 : vector<1x16xi32> to vector<16xi32>
    %swap3A_503 = vector.shape_cast %add3A_497 : vector<16xi32> to vector<1x16xi32>
    tpu.vector_store %arg6[%swap3A_499, %swap3A_500], %swap3A_503 {strides = array<i32>} : memref<26x128xi32, #tpu.memory_space<vmem>>, vector<1x16xi32>,
    %get3A_504 = arith.constant 5 : i32
    %get3A_505 = arith.index_cast %get3A_504 : i32 to index
    %get3A_506 = arith.constant 16 : index
    %get3A_507 = tpu.vector_load %arg5[%get3A_505, %get3A_506] {strides = array<i32>} : memref<26x128xi32, #tpu.memory_space<vmem>>, vector<1x16xi32>,
    %get3A_508 = vector.shape_cast %get3A_507 : vector<1x16xi32> to vector<16xi32>
    %add3A_509 = arith.addi %get3A_508, %broadcast_in_dim3A_491 : vector<16xi32>
    %swap3A_510 = arith.constant 5 : i32
    %swap3A_511 = arith.index_cast %swap3A_510 : i32 to index
    %swap3A_512 = arith.constant 16 : index
    %swap3A_513 = tpu.vector_load %arg6[%swap3A_511, %swap3A_512] {strides = array<i32>} : memref<26x128xi32, #tpu.memory_space<vmem>>, vector<1x16xi32>,
    %swap3A_514 = vector.shape_cast %swap3A_513 : vector<1x16xi32> to vector<16xi32>
    %swap3A_515 = vector.shape_cast %add3A_509 : vector<16xi32> to vector<1x16xi32>
    tpu.vector_store %arg6[%swap3A_511, %swap3A_512], %swap3A_515 {strides = array<i32>} : memref<26x128xi32, #tpu.memory_space<vmem>>, vector<1x16xi32>,
    %get3A_516 = arith.constant 5 : i32
    %get3A_517 = arith.index_cast %get3A_516 : i32 to index
    %get3A_518 = arith.constant 32 : index
    %get3A_519 = tpu.vector_load %arg5[%get3A_517, %get3A_518] {strides = array<i32>} : memref<26x128xi32, #tpu.memory_space<vmem>>, vector<1x16xi32>,
    %get3A_520 = vector.shape_cast %get3A_519 : vector<1x16xi32> to vector<16xi32>
    %add3A_521 = arith.addi %get3A_520, %broadcast_in_dim3A_491 : vector<16xi32>
    %swap3A_522 = arith.constant 5 : i32
    %swap3A_523 = arith.index_cast %swap3A_522 : i32 to index
    %swap3A_524 = arith.constant 32 : index
    %swap3A_525 = tpu.vector_load %arg6[%swap3A_523, %swap3A_524] {strides = array<i32>} : memref<26x128xi32, #tpu.memory_space<vmem>>, vector<1x16xi32>,
    %swap3A_526 = vector.shape_cast %swap3A_525 : vector<1x16xi32> to vector<16xi32>
    %swap3A_527 = vector.shape_cast %add3A_521 : vector<16xi32> to vector<1x16xi32>
    tpu.vector_store %arg6[%swap3A_523, %swap3A_524], %swap3A_527 {strides = array<i32>} : memref<26x128xi32, #tpu.memory_space<vmem>>, vector<1x16xi32>,
    %get3A_528 = arith.constant 5 : i32
    %get3A_529 = arith.index_cast %get3A_528 : i32 to index
    %get3A_530 = arith.constant 48 : index
    %get3A_531 = tpu.vector_load %arg5[%get3A_529, %get3A_530] {strides = array<i32>} : memref<26x128xi32, #tpu.memory_space<vmem>>, vector<1x16xi32>,
    %get3A_532 = vector.shape_cast %get3A_531 : vector<1x16xi32> to vector<16xi32>
    %add3A_533 = arith.addi %get3A_532, %broadcast_in_dim3A_491 : vector<16xi32>
    %swap3A_534 = arith.constant 5 : i32
    %swap3A_535 = arith.index_cast %swap3A_534 : i32 to index
    %swap3A_536 = arith.constant 48 : index
    %swap3A_537 = tpu.vector_load %arg6[%swap3A_535, %swap3A_536] {strides = array<i32>} : memref<26x128xi32, #tpu.memory_space<vmem>>, vector<1x16xi32>,
    %swap3A_538 = vector.shape_cast %swap3A_537 : vector<1x16xi32> to vector<16xi32>
    %swap3A_539 = vector.shape_cast %add3A_533 : vector<16xi32> to vector<1x16xi32>
    tpu.vector_store %arg6[%swap3A_535, %swap3A_536], %swap3A_539 {strides = array<i32>} : memref<26x128xi32, #tpu.memory_space<vmem>>, vector<1x16xi32>,
    %get3A_540 = arith.constant 5 : i32
    %get3A_541 = arith.index_cast %get3A_540 : i32 to index
    %get3A_542 = arith.constant 64 : index
    %get3A_543 = tpu.vector_load %arg5[%get3A_541, %get3A_542] {strides = array<i32>} : memref<26x128xi32, #tpu.memory_space<vmem>>, vector<1x16xi32>,
    %get3A_544 = vector.shape_cast %get3A_543 : vector<1x16xi32> to vector<16xi32>
    %add3A_545 = arith.addi %get3A_544, %broadcast_in_dim3A_491 : vector<16xi32>
    %swap3A_546 = arith.constant 5 : i32
    %swap3A_547 = arith.index_cast %swap3A_546 : i32 to index
    %swap3A_548 = arith.constant 64 : index
    %swap3A_549 = tpu.vector_load %arg6[%swap3A_547, %swap3A_548] {strides = array<i32>} : memref<26x128xi32, #tpu.memory_space<vmem>>, vector<1x16xi32>,
    %swap3A_550 = vector.shape_cast %swap3A_549 : vector<1x16xi32> to vector<16xi32>
    %swap3A_551 = vector.shape_cast %add3A_545 : vector<16xi32> to vector<1x16xi32>
    tpu.vector_store %arg6[%swap3A_547, %swap3A_548], %swap3A_551 {strides = array<i32>} : memref<26x128xi32, #tpu.memory_space<vmem>>, vector<1x16xi32>,
    %get3A_552 = arith.constant 5 : i32
    %get3A_553 = arith.index_cast %get3A_552 : i32 to index
    %get3A_554 = arith.constant 80 : index
    %get3A_555 = tpu.vector_load %arg5[%get3A_553, %get3A_554] {strides = array<i32>} : memref<26x128xi32, #tpu.memory_space<vmem>>, vector<1x16xi32>,
    %get3A_556 = vector.shape_cast %get3A_555 : vector<1x16xi32> to vector<16xi32>
    %add3A_557 = arith.addi %get3A_556, %broadcast_in_dim3A_491 : vector<16xi32>
    %swap3A_558 = arith.constant 5 : i32
    %swap3A_559 = arith.index_cast %swap3A_558 : i32 to index
    %swap3A_560 = arith.constant 80 : index
    %swap3A_561 = tpu.vector_load %arg6[%swap3A_559, %swap3A_560] {strides = array<i32>} : memref<26x128xi32, #tpu.memory_space<vmem>>, vector<1x16xi32>,
    %swap3A_562 = vector.shape_cast %swap3A_561 : vector<1x16xi32> to vector<16xi32>
    %swap3A_563 = vector.shape_cast %add3A_557 : vector<16xi32> to vector<1x16xi32>
    tpu.vector_store %arg6[%swap3A_559, %swap3A_560], %swap3A_563 {strides = array<i32>} : memref<26x128xi32, #tpu.memory_space<vmem>>, vector<1x16xi32>,
    %get3A_564 = arith.constant 5 : i32
    %get3A_565 = arith.index_cast %get3A_564 : i32 to index
    %get3A_566 = arith.constant 96 : index
    %get3A_567 = tpu.vector_load %arg5[%get3A_565, %get3A_566] {strides = array<i32>} : memref<26x128xi32, #tpu.memory_space<vmem>>, vector<1x16xi32>,
    %get3A_568 = vector.shape_cast %get3A_567 : vector<1x16xi32> to vector<16xi32>
    %add3A_569 = arith.addi %get3A_568, %broadcast_in_dim3A_491 : vector<16xi32>
    %swap3A_570 = arith.constant 5 : i32
    %swap3A_571 = arith.index_cast %swap3A_570 : i32 to index
    %swap3A_572 = arith.constant 96 : index
    %swap3A_573 = tpu.vector_load %arg6[%swap3A_571, %swap3A_572] {strides = array<i32>} : memref<26x128xi32, #tpu.memory_space<vmem>>, vector<1x16xi32>,
    %swap3A_574 = vector.shape_cast %swap3A_573 : vector<1x16xi32> to vector<16xi32>
    %swap3A_575 = vector.shape_cast %add3A_569 : vector<16xi32> to vector<1x16xi32>
    tpu.vector_store %arg6[%swap3A_571, %swap3A_572], %swap3A_575 {strides = array<i32>} : memref<26x128xi32, #tpu.memory_space<vmem>>, vector<1x16xi32>,
    %get3A_576 = arith.constant 5 : i32
    %get3A_577 = arith.index_cast %get3A_576 : i32 to index
    %get3A_578 = arith.constant 112 : index
    %get3A_579 = tpu.vector_load %arg5[%get3A_577, %get3A_578] {strides = array<i32>} : memref<26x128xi32, #tpu.memory_space<vmem>>, vector<1x16xi32>,
    %get3A_580 = vector.shape_cast %get3A_579 : vector<1x16xi32> to vector<16xi32>
    %add3A_581 = arith.addi %get3A_580, %broadcast_in_dim3A_491 : vector<16xi32>
    %swap3A_582 = arith.constant 5 : i32
    %swap3A_583 = arith.index_cast %swap3A_582 : i32 to index
    %swap3A_584 = arith.constant 112 : index
    %swap3A_585 = tpu.vector_load %arg6[%swap3A_583, %swap3A_584] {strides = array<i32>} : memref<26x128xi32, #tpu.memory_space<vmem>>, vector<1x16xi32>,
    %swap3A_586 = vector.shape_cast %swap3A_585 : vector<1x16xi32> to vector<16xi32>
    %swap3A_587 = vector.shape_cast %add3A_581 : vector<16xi32> to vector<1x16xi32>
    tpu.vector_store %arg6[%swap3A_583, %swap3A_584], %swap3A_587 {strides = array<i32>} : memref<26x128xi32, #tpu.memory_space<vmem>>, vector<1x16xi32>,
    %broadcast_in_dim3A_588 = arith.constant 600000 : i32
    %broadcast_in_dim3A_589 = vector.broadcast %broadcast_in_dim3A_588 : i32 to vector<16xi32>
    %get3A_590 = arith.constant 6 : i32
    %get3A_591 = arith.index_cast %get3A_590 : i32 to index
    %get3A_592 = arith.constant 0 : index
    %get3A_593 = tpu.vector_load %arg5[%get3A_591, %get3A_592] {strides = array<i32>} : memref<26x128xi32, #tpu.memory_space<vmem>>, vector<1x16xi32>,
    %get3A_594 = vector.shape_cast %get3A_593 : vector<1x16xi32> to vector<16xi32>
    %add3A_595 = arith.addi %get3A_594, %broadcast_in_dim3A_589 : vector<16xi32>
    %swap3A_596 = arith.constant 6 : i32
    %swap3A_597 = arith.index_cast %swap3A_596 : i32 to index
    %swap3A_598 = arith.constant 0 : index
    %swap3A_599 = tpu.vector_load %arg6[%swap3A_597, %swap3A_598] {strides = array<i32>} : memref<26x128xi32, #tpu.memory_space<vmem>>, vector<1x16xi32>,
    %swap3A_600 = vector.shape_cast %swap3A_599 : vector<1x16xi32> to vector<16xi32>
    %swap3A_601 = vector.shape_cast %add3A_595 : vector<16xi32> to vector<1x16xi32>
    tpu.vector_store %arg6[%swap3A_597, %swap3A_598], %swap3A_601 {strides = array<i32>} : memref<26x128xi32, #tpu.memory_space<vmem>>, vector<1x16xi32>,
    %get3A_602 = arith.constant 6 : i32
    %get3A_603 = arith.index_cast %get3A_602 : i32 to index
    %get3A_604 = arith.constant 16 : index
    %get3A_605 = tpu.vector_load %arg5[%get3A_603, %get3A_604] {strides = array<i32>} : memref<26x128xi32, #tpu.memory_space<vmem>>, vector<1x16xi32>,
    %get3A_606 = vector.shape_cast %get3A_605 : vector<1x16xi32> to vector<16xi32>
    %add3A_607 = arith.addi %get3A_606, %broadcast_in_dim3A_589 : vector<16xi32>
    %swap3A_608 = arith.constant 6 : i32
    %swap3A_609 = arith.index_cast %swap3A_608 : i32 to index
    %swap3A_610 = arith.constant 16 : index
    %swap3A_611 = tpu.vector_load %arg6[%swap3A_609, %swap3A_610] {strides = array<i32>} : memref<26x128xi32, #tpu.memory_space<vmem>>, vector<1x16xi32>,
    %swap3A_612 = vector.shape_cast %swap3A_611 : vector<1x16xi32> to vector<16xi32>
    %swap3A_613 = vector.shape_cast %add3A_607 : vector<16xi32> to vector<1x16xi32>
    tpu.vector_store %arg6[%swap3A_609, %swap3A_610], %swap3A_613 {strides = array<i32>} : memref<26x128xi32, #tpu.memory_space<vmem>>, vector<1x16xi32>,
    %get3A_614 = arith.constant 6 : i32
    %get3A_615 = arith.index_cast %get3A_614 : i32 to index
    %get3A_616 = arith.constant 32 : index
    %get3A_617 = tpu.vector_load %arg5[%get3A_615, %get3A_616] {strides = array<i32>} : memref<26x128xi32, #tpu.memory_space<vmem>>, vector<1x16xi32>,
    %get3A_618 = vector.shape_cast %get3A_617 : vector<1x16xi32> to vector<16xi32>
    %add3A_619 = arith.addi %get3A_618, %broadcast_in_dim3A_589 : vector<16xi32>
    %swap3A_620 = arith.constant 6 : i32
    %swap3A_621 = arith.index_cast %swap3A_620 : i32 to index
    %swap3A_622 = arith.constant 32 : index
    %swap3A_623 = tpu.vector_load %arg6[%swap3A_621, %swap3A_622] {strides = array<i32>} : memref<26x128xi32, #tpu.memory_space<vmem>>, vector<1x16xi32>,
    %swap3A_624 = vector.shape_cast %swap3A_623 : vector<1x16xi32> to vector<16xi32>
    %swap3A_625 = vector.shape_cast %add3A_619 : vector<16xi32> to vector<1x16xi32>
    tpu.vector_store %arg6[%swap3A_621, %swap3A_622], %swap3A_625 {strides = array<i32>} : memref<26x128xi32, #tpu.memory_space<vmem>>, vector<1x16xi32>,
    %get3A_626 = arith.constant 6 : i32
    %get3A_627 = arith.index_cast %get3A_626 : i32 to index
    %get3A_628 = arith.constant 48 : index
    %get3A_629 = tpu.vector_load %arg5[%get3A_627, %get3A_628] {strides = array<i32>} : memref<26x128xi32, #tpu.memory_space<vmem>>, vector<1x16xi32>,
    %get3A_630 = vector.shape_cast %get3A_629 : vector<1x16xi32> to vector<16xi32>
    %add3A_631 = arith.addi %get3A_630, %broadcast_in_dim3A_589 : vector<16xi32>
    %swap3A_632 = arith.constant 6 : i32
    %swap3A_633 = arith.index_cast %swap3A_632 : i32 to index
    %swap3A_634 = arith.constant 48 : index
    %swap3A_635 = tpu.vector_load %arg6[%swap3A_633, %swap3A_634] {strides = array<i32>} : memref<26x128xi32, #tpu.memory_space<vmem>>, vector<1x16xi32>,
    %swap3A_636 = vector.shape_cast %swap3A_635 : vector<1x16xi32> to vector<16xi32>
    %swap3A_637 = vector.shape_cast %add3A_631 : vector<16xi32> to vector<1x16xi32>
    tpu.vector_store %arg6[%swap3A_633, %swap3A_634], %swap3A_637 {strides = array<i32>} : memref<26x128xi32, #tpu.memory_space<vmem>>, vector<1x16xi32>,
    %get3A_638 = arith.constant 6 : i32
    %get3A_639 = arith.index_cast %get3A_638 : i32 to index
    %get3A_640 = arith.constant 64 : index
    %get3A_641 = tpu.vector_load %arg5[%get3A_639, %get3A_640] {strides = array<i32>} : memref<26x128xi32, #tpu.memory_space<vmem>>, vector<1x16xi32>,
    %get3A_642 = vector.shape_cast %get3A_641 : vector<1x16xi32> to vector<16xi32>
    %add3A_643 = arith.addi %get3A_642, %broadcast_in_dim3A_589 : vector<16xi32>
    %swap3A_644 = arith.constant 6 : i32
    %swap3A_645 = arith.index_cast %swap3A_644 : i32 to index
    %swap3A_646 = arith.constant 64 : index
    %swap3A_647 = tpu.vector_load %arg6[%swap3A_645, %swap3A_646] {strides = array<i32>} : memref<26x128xi32, #tpu.memory_space<vmem>>, vector<1x16xi32>,
    %swap3A_648 = vector.shape_cast %swap3A_647 : vector<1x16xi32> to vector<16xi32>
    %swap3A_649 = vector.shape_cast %add3A_643 : vector<16xi32> to vector<1x16xi32>
    tpu.vector_store %arg6[%swap3A_645, %swap3A_646], %swap3A_649 {strides = array<i32>} : memref<26x128xi32, #tpu.memory_space<vmem>>, vector<1x16xi32>,
    %get3A_650 = arith.constant 6 : i32
    %get3A_651 = arith.index_cast %get3A_650 : i32 to index
    %get3A_652 = arith.constant 80 : index
    %get3A_653 = tpu.vector_load %arg5[%get3A_651, %get3A_652] {strides = array<i32>} : memref<26x128xi32, #tpu.memory_space<vmem>>, vector<1x16xi32>,
    %get3A_654 = vector.shape_cast %get3A_653 : vector<1x16xi32> to vector<16xi32>
    %add3A_655 = arith.addi %get3A_654, %broadcast_in_dim3A_589 : vector<16xi32>
    %swap3A_656 = arith.constant 6 : i32
    %swap3A_657 = arith.index_cast %swap3A_656 : i32 to index
    %swap3A_658 = arith.constant 80 : index
    %swap3A_659 = tpu.vector_load %arg6[%swap3A_657, %swap3A_658] {strides = array<i32>} : memref<26x128xi32, #tpu.memory_space<vmem>>, vector<1x16xi32>,
    %swap3A_660 = vector.shape_cast %swap3A_659 : vector<1x16xi32> to vector<16xi32>
    %swap3A_661 = vector.shape_cast %add3A_655 : vector<16xi32> to vector<1x16xi32>
    tpu.vector_store %arg6[%swap3A_657, %swap3A_658], %swap3A_661 {strides = array<i32>} : memref<26x128xi32, #tpu.memory_space<vmem>>, vector<1x16xi32>,
    %get3A_662 = arith.constant 6 : i32
    %get3A_663 = arith.index_cast %get3A_662 : i32 to index
    %get3A_664 = arith.constant 96 : index
    %get3A_665 = tpu.vector_load %arg5[%get3A_663, %get3A_664] {strides = array<i32>} : memref<26x128xi32, #tpu.memory_space<vmem>>, vector<1x16xi32>,
    %get3A_666 = vector.shape_cast %get3A_665 : vector<1x16xi32> to vector<16xi32>
    %add3A_667 = arith.addi %get3A_666, %broadcast_in_dim3A_589 : vector<16xi32>
    %swap3A_668 = arith.constant 6 : i32
    %swap3A_669 = arith.index_cast %swap3A_668 : i32 to index
    %swap3A_670 = arith.constant 96 : index
    %swap3A_671 = tpu.vector_load %arg6[%swap3A_669, %swap3A_670] {strides = array<i32>} : memref<26x128xi32, #tpu.memory_space<vmem>>, vector<1x16xi32>,
    %swap3A_672 = vector.shape_cast %swap3A_671 : vector<1x16xi32> to vector<16xi32>
    %swap3A_673 = vector.shape_cast %add3A_667 : vector<16xi32> to vector<1x16xi32>
    tpu.vector_store %arg6[%swap3A_669, %swap3A_670], %swap3A_673 {strides = array<i32>} : memref<26x128xi32, #tpu.memory_space<vmem>>, vector<1x16xi32>,
    %get3A_674 = arith.constant 6 : i32
    %get3A_675 = arith.index_cast %get3A_674 : i32 to index
    %get3A_676 = arith.constant 112 : index
    %get3A_677 = tpu.vector_load %arg5[%get3A_675, %get3A_676] {strides = array<i32>} : memref<26x128xi32, #tpu.memory_space<vmem>>, vector<1x16xi32>,
    %get3A_678 = vector.shape_cast %get3A_677 : vector<1x16xi32> to vector<16xi32>
    %add3A_679 = arith.addi %get3A_678, %broadcast_in_dim3A_589 : vector<16xi32>
    %swap3A_680 = arith.constant 6 : i32
    %swap3A_681 = arith.index_cast %swap3A_680 : i32 to index
    %swap3A_682 = arith.constant 112 : index
    %swap3A_683 = tpu.vector_load %arg6[%swap3A_681, %swap3A_682] {strides = array<i32>} : memref<26x128xi32, #tpu.memory_space<vmem>>, vector<1x16xi32>,
    %swap3A_684 = vector.shape_cast %swap3A_683 : vector<1x16xi32> to vector<16xi32>
    %swap3A_685 = vector.shape_cast %add3A_679 : vector<16xi32> to vector<1x16xi32>
    tpu.vector_store %arg6[%swap3A_681, %swap3A_682], %swap3A_685 {strides = array<i32>} : memref<26x128xi32, #tpu.memory_space<vmem>>, vector<1x16xi32>,
    %broadcast_in_dim3A_686 = arith.constant 700000 : i32
    %broadcast_in_dim3A_687 = vector.broadcast %broadcast_in_dim3A_686 : i32 to vector<16xi32>
    %get3A_688 = arith.constant 7 : i32
    %get3A_689 = arith.index_cast %get3A_688 : i32 to index
    %get3A_690 = arith.constant 0 : index
    %get3A_691 = tpu.vector_load %arg5[%get3A_689, %get3A_690] {strides = array<i32>} : memref<26x128xi32, #tpu.memory_space<vmem>>, vector<1x16xi32>,
    %get3A_692 = vector.shape_cast %get3A_691 : vector<1x16xi32> to vector<16xi32>
    %add3A_693 = arith.addi %get3A_692, %broadcast_in_dim3A_687 : vector<16xi32>
    %swap3A_694 = arith.constant 7 : i32
    %swap3A_695 = arith.index_cast %swap3A_694 : i32 to index
    %swap3A_696 = arith.constant 0 : index
    %swap3A_697 = tpu.vector_load %arg6[%swap3A_695, %swap3A_696] {strides = array<i32>} : memref<26x128xi32, #tpu.memory_space<vmem>>, vector<1x16xi32>,
    %swap3A_698 = vector.shape_cast %swap3A_697 : vector<1x16xi32> to vector<16xi32>
    %swap3A_699 = vector.shape_cast %add3A_693 : vector<16xi32> to vector<1x16xi32>
    tpu.vector_store %arg6[%swap3A_695, %swap3A_696], %swap3A_699 {strides = array<i32>} : memref<26x128xi32, #tpu.memory_space<vmem>>, vector<1x16xi32>,
    %get3A_700 = arith.constant 7 : i32
    %get3A_701 = arith.index_cast %get3A_700 : i32 to index
    %get3A_702 = arith.constant 16 : index
    %get3A_703 = tpu.vector_load %arg5[%get3A_701, %get3A_702] {strides = array<i32>} : memref<26x128xi32, #tpu.memory_space<vmem>>, vector<1x16xi32>,
    %get3A_704 = vector.shape_cast %get3A_703 : vector<1x16xi32> to vector<16xi32>
    %add3A_705 = arith.addi %get3A_704, %broadcast_in_dim3A_687 : vector<16xi32>
    %swap3A_706 = arith.constant 7 : i32
    %swap3A_707 = arith.index_cast %swap3A_706 : i32 to index
    %swap3A_708 = arith.constant 16 : index
    %swap3A_709 = tpu.vector_load %arg6[%swap3A_707, %swap3A_708] {strides = array<i32>} : memref<26x128xi32, #tpu.memory_space<vmem>>, vector<1x16xi32>,
    %swap3A_710 = vector.shape_cast %swap3A_709 : vector<1x16xi32> to vector<16xi32>
    %swap3A_711 = vector.shape_cast %add3A_705 : vector<16xi32> to vector<1x16xi32>
    tpu.vector_store %arg6[%swap3A_707, %swap3A_708], %swap3A_711 {strides = array<i32>} : memref<26x128xi32, #tpu.memory_space<vmem>>, vector<1x16xi32>,
    %get3A_712 = arith.constant 7 : i32
    %get3A_713 = arith.index_cast %get3A_712 : i32 to index
    %get3A_714 = arith.constant 32 : index
    %get3A_715 = tpu.vector_load %arg5[%get3A_713, %get3A_714] {strides = array<i32>} : memref<26x128xi32, #tpu.memory_space<vmem>>, vector<1x16xi32>,
    %get3A_716 = vector.shape_cast %get3A_715 : vector<1x16xi32> to vector<16xi32>
    %add3A_717 = arith.addi %get3A_716, %broadcast_in_dim3A_687 : vector<16xi32>
    %swap3A_718 = arith.constant 7 : i32
    %swap3A_719 = arith.index_cast %swap3A_718 : i32 to index
    %swap3A_720 = arith.constant 32 : index
    %swap3A_721 = tpu.vector_load %arg6[%swap3A_719, %swap3A_720] {strides = array<i32>} : memref<26x128xi32, #tpu.memory_space<vmem>>, vector<1x16xi32>,
    %swap3A_722 = vector.shape_cast %swap3A_721 : vector<1x16xi32> to vector<16xi32>
    %swap3A_723 = vector.shape_cast %add3A_717 : vector<16xi32> to vector<1x16xi32>
    tpu.vector_store %arg6[%swap3A_719, %swap3A_720], %swap3A_723 {strides = array<i32>} : memref<26x128xi32, #tpu.memory_space<vmem>>, vector<1x16xi32>,
    %get3A_724 = arith.constant 7 : i32
    %get3A_725 = arith.index_cast %get3A_724 : i32 to index
    %get3A_726 = arith.constant 48 : index
    %get3A_727 = tpu.vector_load %arg5[%get3A_725, %get3A_726] {strides = array<i32>} : memref<26x128xi32, #tpu.memory_space<vmem>>, vector<1x16xi32>,
    %get3A_728 = vector.shape_cast %get3A_727 : vector<1x16xi32> to vector<16xi32>
    %add3A_729 = arith.addi %get3A_728, %broadcast_in_dim3A_687 : vector<16xi32>
    %swap3A_730 = arith.constant 7 : i32
    %swap3A_731 = arith.index_cast %swap3A_730 : i32 to index
    %swap3A_732 = arith.constant 48 : index
    %swap3A_733 = tpu.vector_load %arg6[%swap3A_731, %swap3A_732] {strides = array<i32>} : memref<26x128xi32, #tpu.memory_space<vmem>>, vector<1x16xi32>,
    %swap3A_734 = vector.shape_cast %swap3A_733 : vector<1x16xi32> to vector<16xi32>
    %swap3A_735 = vector.shape_cast %add3A_729 : vector<16xi32> to vector<1x16xi32>
    tpu.vector_store %arg6[%swap3A_731, %swap3A_732], %swap3A_735 {strides = array<i32>} : memref<26x128xi32, #tpu.memory_space<vmem>>, vector<1x16xi32>,
    %get3A_736 = arith.constant 7 : i32
    %get3A_737 = arith.index_cast %get3A_736 : i32 to index
    %get3A_738 = arith.constant 64 : index
    %get3A_739 = tpu.vector_load %arg5[%get3A_737, %get3A_738] {strides = array<i32>} : memref<26x128xi32, #tpu.memory_space<vmem>>, vector<1x16xi32>,
    %get3A_740 = vector.shape_cast %get3A_739 : vector<1x16xi32> to vector<16xi32>
    %add3A_741 = arith.addi %get3A_740, %broadcast_in_dim3A_687 : vector<16xi32>
    %swap3A_742 = arith.constant 7 : i32
    %swap3A_743 = arith.index_cast %swap3A_742 : i32 to index
    %swap3A_744 = arith.constant 64 : index
    %swap3A_745 = tpu.vector_load %arg6[%swap3A_743, %swap3A_744] {strides = array<i32>} : memref<26x128xi32, #tpu.memory_space<vmem>>, vector<1x16xi32>,
    %swap3A_746 = vector.shape_cast %swap3A_745 : vector<1x16xi32> to vector<16xi32>
    %swap3A_747 = vector.shape_cast %add3A_741 : vector<16xi32> to vector<1x16xi32>
    tpu.vector_store %arg6[%swap3A_743, %swap3A_744], %swap3A_747 {strides = array<i32>} : memref<26x128xi32, #tpu.memory_space<vmem>>, vector<1x16xi32>,
    %get3A_748 = arith.constant 7 : i32
    %get3A_749 = arith.index_cast %get3A_748 : i32 to index
    %get3A_750 = arith.constant 80 : index
    %get3A_751 = tpu.vector_load %arg5[%get3A_749, %get3A_750] {strides = array<i32>} : memref<26x128xi32, #tpu.memory_space<vmem>>, vector<1x16xi32>,
    %get3A_752 = vector.shape_cast %get3A_751 : vector<1x16xi32> to vector<16xi32>
    %add3A_753 = arith.addi %get3A_752, %broadcast_in_dim3A_687 : vector<16xi32>
    %swap3A_754 = arith.constant 7 : i32
    %swap3A_755 = arith.index_cast %swap3A_754 : i32 to index
    %swap3A_756 = arith.constant 80 : index
    %swap3A_757 = tpu.vector_load %arg6[%swap3A_755, %swap3A_756] {strides = array<i32>} : memref<26x128xi32, #tpu.memory_space<vmem>>, vector<1x16xi32>,
    %swap3A_758 = vector.shape_cast %swap3A_757 : vector<1x16xi32> to vector<16xi32>
    %swap3A_759 = vector.shape_cast %add3A_753 : vector<16xi32> to vector<1x16xi32>
    tpu.vector_store %arg6[%swap3A_755, %swap3A_756], %swap3A_759 {strides = array<i32>} : memref<26x128xi32, #tpu.memory_space<vmem>>, vector<1x16xi32>,
    %get3A_760 = arith.constant 7 : i32
    %get3A_761 = arith.index_cast %get3A_760 : i32 to index
    %get3A_762 = arith.constant 96 : index
    %get3A_763 = tpu.vector_load %arg5[%get3A_761, %get3A_762] {strides = array<i32>} : memref<26x128xi32, #tpu.memory_space<vmem>>, vector<1x16xi32>,
    %get3A_764 = vector.shape_cast %get3A_763 : vector<1x16xi32> to vector<16xi32>
    %add3A_765 = arith.addi %get3A_764, %broadcast_in_dim3A_687 : vector<16xi32>
    %swap3A_766 = arith.constant 7 : i32
    %swap3A_767 = arith.index_cast %swap3A_766 : i32 to index
    %swap3A_768 = arith.constant 96 : index
    %swap3A_769 = tpu.vector_load %arg6[%swap3A_767, %swap3A_768] {strides = array<i32>} : memref<26x128xi32, #tpu.memory_space<vmem>>, vector<1x16xi32>,
    %swap3A_770 = vector.shape_cast %swap3A_769 : vector<1x16xi32> to vector<16xi32>
    %swap3A_771 = vector.shape_cast %add3A_765 : vector<16xi32> to vector<1x16xi32>
    tpu.vector_store %arg6[%swap3A_767, %swap3A_768], %swap3A_771 {strides = array<i32>} : memref<26x128xi32, #tpu.memory_space<vmem>>, vector<1x16xi32>,
    %get3A_772 = arith.constant 7 : i32
    %get3A_773 = arith.index_cast %get3A_772 : i32 to index
    %get3A_774 = arith.constant 112 : index
    %get3A_775 = tpu.vector_load %arg5[%get3A_773, %get3A_774] {strides = array<i32>} : memref<26x128xi32, #tpu.memory_space<vmem>>, vector<1x16xi32>,
    %get3A_776 = vector.shape_cast %get3A_775 : vector<1x16xi32> to vector<16xi32>
    %add3A_777 = arith.addi %get3A_776, %broadcast_in_dim3A_687 : vector<16xi32>
    %swap3A_778 = arith.constant 7 : i32
    %swap3A_779 = arith.index_cast %swap3A_778 : i32 to index
    %swap3A_780 = arith.constant 112 : index
    %swap3A_781 = tpu.vector_load %arg6[%swap3A_779, %swap3A_780] {strides = array<i32>} : memref<26x128xi32, #tpu.memory_space<vmem>>, vector<1x16xi32>,
    %swap3A_782 = vector.shape_cast %swap3A_781 : vector<1x16xi32> to vector<16xi32>
    %swap3A_783 = vector.shape_cast %add3A_777 : vector<16xi32> to vector<1x16xi32>
    tpu.vector_store %arg6[%swap3A_779, %swap3A_780], %swap3A_783 {strides = array<i32>} : memref<26x128xi32, #tpu.memory_space<vmem>>, vector<1x16xi32>,
    %broadcast_in_dim3A_784 = arith.constant 800000 : i32
    %broadcast_in_dim3A_785 = vector.broadcast %broadcast_in_dim3A_784 : i32 to vector<16xi32>
    %get3A_786 = arith.constant 8 : i32
    %get3A_787 = arith.index_cast %get3A_786 : i32 to index
    %get3A_788 = arith.constant 0 : index
    %get3A_789 = tpu.vector_load %arg5[%get3A_787, %get3A_788] {strides = array<i32>} : memref<26x128xi32, #tpu.memory_space<vmem>>, vector<1x16xi32>,
    %get3A_790 = vector.shape_cast %get3A_789 : vector<1x16xi32> to vector<16xi32>
    %add3A_791 = arith.addi %get3A_790, %broadcast_in_dim3A_785 : vector<16xi32>
    %swap3A_792 = arith.constant 8 : i32
    %swap3A_793 = arith.index_cast %swap3A_792 : i32 to index
    %swap3A_794 = arith.constant 0 : index
    %swap3A_795 = tpu.vector_load %arg6[%swap3A_793, %swap3A_794] {strides = array<i32>} : memref<26x128xi32, #tpu.memory_space<vmem>>, vector<1x16xi32>,
    %swap3A_796 = vector.shape_cast %swap3A_795 : vector<1x16xi32> to vector<16xi32>
    %swap3A_797 = vector.shape_cast %add3A_791 : vector<16xi32> to vector<1x16xi32>
    tpu.vector_store %arg6[%swap3A_793, %swap3A_794], %swap3A_797 {strides = array<i32>} : memref<26x128xi32, #tpu.memory_space<vmem>>, vector<1x16xi32>,
    %get3A_798 = arith.constant 8 : i32
    %get3A_799 = arith.index_cast %get3A_798 : i32 to index
    %get3A_800 = arith.constant 16 : index
    %get3A_801 = tpu.vector_load %arg5[%get3A_799, %get3A_800] {strides = array<i32>} : memref<26x128xi32, #tpu.memory_space<vmem>>, vector<1x16xi32>,
    %get3A_802 = vector.shape_cast %get3A_801 : vector<1x16xi32> to vector<16xi32>
    %add3A_803 = arith.addi %get3A_802, %broadcast_in_dim3A_785 : vector<16xi32>
    %swap3A_804 = arith.constant 8 : i32
    %swap3A_805 = arith.index_cast %swap3A_804 : i32 to index
    %swap3A_806 = arith.constant 16 : index
    %swap3A_807 = tpu.vector_load %arg6[%swap3A_805, %swap3A_806] {strides = array<i32>} : memref<26x128xi32, #tpu.memory_space<vmem>>, vector<1x16xi32>,
    %swap3A_808 = vector.shape_cast %swap3A_807 : vector<1x16xi32> to vector<16xi32>
    %swap3A_809 = vector.shape_cast %add3A_803 : vector<16xi32> to vector<1x16xi32>
    tpu.vector_store %arg6[%swap3A_805, %swap3A_806], %swap3A_809 {strides = array<i32>} : memref<26x128xi32, #tpu.memory_space<vmem>>, vector<1x16xi32>,
    %get3A_810 = arith.constant 8 : i32
    %get3A_811 = arith.index_cast %get3A_810 : i32 to index
    %get3A_812 = arith.constant 32 : index
    %get3A_813 = tpu.vector_load %arg5[%get3A_811, %get3A_812] {strides = array<i32>} : memref<26x128xi32, #tpu.memory_space<vmem>>, vector<1x16xi32>,
    %get3A_814 = vector.shape_cast %get3A_813 : vector<1x16xi32> to vector<16xi32>
    %add3A_815 = arith.addi %get3A_814, %broadcast_in_dim3A_785 : vector<16xi32>
    %swap3A_816 = arith.constant 8 : i32
    %swap3A_817 = arith.index_cast %swap3A_816 : i32 to index
    %swap3A_818 = arith.constant 32 : index
    %swap3A_819 = tpu.vector_load %arg6[%swap3A_817, %swap3A_818] {strides = array<i32>} : memref<26x128xi32, #tpu.memory_space<vmem>>, vector<1x16xi32>,
    %swap3A_820 = vector.shape_cast %swap3A_819 : vector<1x16xi32> to vector<16xi32>
    %swap3A_821 = vector.shape_cast %add3A_815 : vector<16xi32> to vector<1x16xi32>
    tpu.vector_store %arg6[%swap3A_817, %swap3A_818], %swap3A_821 {strides = array<i32>} : memref<26x128xi32, #tpu.memory_space<vmem>>, vector<1x16xi32>,
    %get3A_822 = arith.constant 8 : i32
    %get3A_823 = arith.index_cast %get3A_822 : i32 to index
    %get3A_824 = arith.constant 48 : index
    %get3A_825 = tpu.vector_load %arg5[%get3A_823, %get3A_824] {strides = array<i32>} : memref<26x128xi32, #tpu.memory_space<vmem>>, vector<1x16xi32>,
    %get3A_826 = vector.shape_cast %get3A_825 : vector<1x16xi32> to vector<16xi32>
    %add3A_827 = arith.addi %get3A_826, %broadcast_in_dim3A_785 : vector<16xi32>
    %swap3A_828 = arith.constant 8 : i32
    %swap3A_829 = arith.index_cast %swap3A_828 : i32 to index
    %swap3A_830 = arith.constant 48 : index
    %swap3A_831 = tpu.vector_load %arg6[%swap3A_829, %swap3A_830] {strides = array<i32>} : memref<26x128xi32, #tpu.memory_space<vmem>>, vector<1x16xi32>,
    %swap3A_832 = vector.shape_cast %swap3A_831 : vector<1x16xi32> to vector<16xi32>
    %swap3A_833 = vector.shape_cast %add3A_827 : vector<16xi32> to vector<1x16xi32>
    tpu.vector_store %arg6[%swap3A_829, %swap3A_830], %swap3A_833 {strides = array<i32>} : memref<26x128xi32, #tpu.memory_space<vmem>>, vector<1x16xi32>,
    %get3A_834 = arith.constant 8 : i32
    %get3A_835 = arith.index_cast %get3A_834 : i32 to index
    %get3A_836 = arith.constant 64 : index
    %get3A_837 = tpu.vector_load %arg5[%get3A_835, %get3A_836] {strides = array<i32>} : memref<26x128xi32, #tpu.memory_space<vmem>>, vector<1x16xi32>,
    %get3A_838 = vector.shape_cast %get3A_837 : vector<1x16xi32> to vector<16xi32>
    %add3A_839 = arith.addi %get3A_838, %broadcast_in_dim3A_785 : vector<16xi32>
    %swap3A_840 = arith.constant 8 : i32
    %swap3A_841 = arith.index_cast %swap3A_840 : i32 to index
    %swap3A_842 = arith.constant 64 : index
    %swap3A_843 = tpu.vector_load %arg6[%swap3A_841, %swap3A_842] {strides = array<i32>} : memref<26x128xi32, #tpu.memory_space<vmem>>, vector<1x16xi32>,
    %swap3A_844 = vector.shape_cast %swap3A_843 : vector<1x16xi32> to vector<16xi32>
    %swap3A_845 = vector.shape_cast %add3A_839 : vector<16xi32> to vector<1x16xi32>
    tpu.vector_store %arg6[%swap3A_841, %swap3A_842], %swap3A_845 {strides = array<i32>} : memref<26x128xi32, #tpu.memory_space<vmem>>, vector<1x16xi32>,
    %get3A_846 = arith.constant 8 : i32
    %get3A_847 = arith.index_cast %get3A_846 : i32 to index
    %get3A_848 = arith.constant 80 : index
    %get3A_849 = tpu.vector_load %arg5[%get3A_847, %get3A_848] {strides = array<i32>} : memref<26x128xi32, #tpu.memory_space<vmem>>, vector<1x16xi32>,
    %get3A_850 = vector.shape_cast %get3A_849 : vector<1x16xi32> to vector<16xi32>
    %add3A_851 = arith.addi %get3A_850, %broadcast_in_dim3A_785 : vector<16xi32>
    %swap3A_852 = arith.constant 8 : i32
    %swap3A_853 = arith.index_cast %swap3A_852 : i32 to index
    %swap3A_854 = arith.constant 80 : index
    %swap3A_855 = tpu.vector_load %arg6[%swap3A_853, %swap3A_854] {strides = array<i32>} : memref<26x128xi32, #tpu.memory_space<vmem>>, vector<1x16xi32>,
    %swap3A_856 = vector.shape_cast %swap3A_855 : vector<1x16xi32> to vector<16xi32>
    %swap3A_857 = vector.shape_cast %add3A_851 : vector<16xi32> to vector<1x16xi32>
    tpu.vector_store %arg6[%swap3A_853, %swap3A_854], %swap3A_857 {strides = array<i32>} : memref<26x128xi32, #tpu.memory_space<vmem>>, vector<1x16xi32>,
    %get3A_858 = arith.constant 8 : i32
    %get3A_859 = arith.index_cast %get3A_858 : i32 to index
    %get3A_860 = arith.constant 96 : index
    %get3A_861 = tpu.vector_load %arg5[%get3A_859, %get3A_860] {strides = array<i32>} : memref<26x128xi32, #tpu.memory_space<vmem>>, vector<1x16xi32>,
    %get3A_862 = vector.shape_cast %get3A_861 : vector<1x16xi32> to vector<16xi32>
    %add3A_863 = arith.addi %get3A_862, %broadcast_in_dim3A_785 : vector<16xi32>
    %swap3A_864 = arith.constant 8 : i32
    %swap3A_865 = arith.index_cast %swap3A_864 : i32 to index
    %swap3A_866 = arith.constant 96 : index
    %swap3A_867 = tpu.vector_load %arg6[%swap3A_865, %swap3A_866] {strides = array<i32>} : memref<26x128xi32, #tpu.memory_space<vmem>>, vector<1x16xi32>,
    %swap3A_868 = vector.shape_cast %swap3A_867 : vector<1x16xi32> to vector<16xi32>
    %swap3A_869 = vector.shape_cast %add3A_863 : vector<16xi32> to vector<1x16xi32>
    tpu.vector_store %arg6[%swap3A_865, %swap3A_866], %swap3A_869 {strides = array<i32>} : memref<26x128xi32, #tpu.memory_space<vmem>>, vector<1x16xi32>,
    %get3A_870 = arith.constant 8 : i32
    %get3A_871 = arith.index_cast %get3A_870 : i32 to index
    %get3A_872 = arith.constant 112 : index
    %get3A_873 = tpu.vector_load %arg5[%get3A_871, %get3A_872] {strides = array<i32>} : memref<26x128xi32, #tpu.memory_space<vmem>>, vector<1x16xi32>,
    %get3A_874 = vector.shape_cast %get3A_873 : vector<1x16xi32> to vector<16xi32>
    %add3A_875 = arith.addi %get3A_874, %broadcast_in_dim3A_785 : vector<16xi32>
    %swap3A_876 = arith.constant 8 : i32
    %swap3A_877 = arith.index_cast %swap3A_876 : i32 to index
    %swap3A_878 = arith.constant 112 : index
    %swap3A_879 = tpu.vector_load %arg6[%swap3A_877, %swap3A_878] {strides = array<i32>} : memref<26x128xi32, #tpu.memory_space<vmem>>, vector<1x16xi32>,
    %swap3A_880 = vector.shape_cast %swap3A_879 : vector<1x16xi32> to vector<16xi32>
    %swap3A_881 = vector.shape_cast %add3A_875 : vector<16xi32> to vector<1x16xi32>
    tpu.vector_store %arg6[%swap3A_877, %swap3A_878], %swap3A_881 {strides = array<i32>} : memref<26x128xi32, #tpu.memory_space<vmem>>, vector<1x16xi32>,
    %broadcast_in_dim3A_882 = arith.constant 900000 : i32
    %broadcast_in_dim3A_883 = vector.broadcast %broadcast_in_dim3A_882 : i32 to vector<16xi32>
    %get3A_884 = arith.constant 9 : i32
    %get3A_885 = arith.index_cast %get3A_884 : i32 to index
    %get3A_886 = arith.constant 0 : index
    %get3A_887 = tpu.vector_load %arg5[%get3A_885, %get3A_886] {strides = array<i32>} : memref<26x128xi32, #tpu.memory_space<vmem>>, vector<1x16xi32>,
    %get3A_888 = vector.shape_cast %get3A_887 : vector<1x16xi32> to vector<16xi32>
    %add3A_889 = arith.addi %get3A_888, %broadcast_in_dim3A_883 : vector<16xi32>
    %swap3A_890 = arith.constant 9 : i32
    %swap3A_891 = arith.index_cast %swap3A_890 : i32 to index
    %swap3A_892 = arith.constant 0 : index
    %swap3A_893 = tpu.vector_load %arg6[%swap3A_891, %swap3A_892] {strides = array<i32>} : memref<26x128xi32, #tpu.memory_space<vmem>>, vector<1x16xi32>,
    %swap3A_894 = vector.shape_cast %swap3A_893 : vector<1x16xi32> to vector<16xi32>
    %swap3A_895 = vector.shape_cast %add3A_889 : vector<16xi32> to vector<1x16xi32>
    tpu.vector_store %arg6[%swap3A_891, %swap3A_892], %swap3A_895 {strides = array<i32>} : memref<26x128xi32, #tpu.memory_space<vmem>>, vector<1x16xi32>,
    %get3A_896 = arith.constant 9 : i32
    %get3A_897 = arith.index_cast %get3A_896 : i32 to index
    %get3A_898 = arith.constant 16 : index
    %get3A_899 = tpu.vector_load %arg5[%get3A_897, %get3A_898] {strides = array<i32>} : memref<26x128xi32, #tpu.memory_space<vmem>>, vector<1x16xi32>,
    %get3A_900 = vector.shape_cast %get3A_899 : vector<1x16xi32> to vector<16xi32>
    %add3A_901 = arith.addi %get3A_900, %broadcast_in_dim3A_883 : vector<16xi32>
    %swap3A_902 = arith.constant 9 : i32
    %swap3A_903 = arith.index_cast %swap3A_902 : i32 to index
    %swap3A_904 = arith.constant 16 : index
    %swap3A_905 = tpu.vector_load %arg6[%swap3A_903, %swap3A_904] {strides = array<i32>} : memref<26x128xi32, #tpu.memory_space<vmem>>, vector<1x16xi32>,
    %swap3A_906 = vector.shape_cast %swap3A_905 : vector<1x16xi32> to vector<16xi32>
    %swap3A_907 = vector.shape_cast %add3A_901 : vector<16xi32> to vector<1x16xi32>
    tpu.vector_store %arg6[%swap3A_903, %swap3A_904], %swap3A_907 {strides = array<i32>} : memref<26x128xi32, #tpu.memory_space<vmem>>, vector<1x16xi32>,
    %get3A_908 = arith.constant 9 : i32
    %get3A_909 = arith.index_cast %get3A_908 : i32 to index
    %get3A_910 = arith.constant 32 : index
    %get3A_911 = tpu.vector_load %arg5[%get3A_909, %get3A_910] {strides = array<i32>} : memref<26x128xi32, #tpu.memory_space<vmem>>, vector<1x16xi32>,
    %get3A_912 = vector.shape_cast %get3A_911 : vector<1x16xi32> to vector<16xi32>
    %add3A_913 = arith.addi %get3A_912, %broadcast_in_dim3A_883 : vector<16xi32>
    %swap3A_914 = arith.constant 9 : i32
    %swap3A_915 = arith.index_cast %swap3A_914 : i32 to index
    %swap3A_916 = arith.constant 32 : index
    %swap3A_917 = tpu.vector_load %arg6[%swap3A_915, %swap3A_916] {strides = array<i32>} : memref<26x128xi32, #tpu.memory_space<vmem>>, vector<1x16xi32>,
    %swap3A_918 = vector.shape_cast %swap3A_917 : vector<1x16xi32> to vector<16xi32>
    %swap3A_919 = vector.shape_cast %add3A_913 : vector<16xi32> to vector<1x16xi32>
    tpu.vector_store %arg6[%swap3A_915, %swap3A_916], %swap3A_919 {strides = array<i32>} : memref<26x128xi32, #tpu.memory_space<vmem>>, vector<1x16xi32>,
    %get3A_920 = arith.constant 9 : i32
    %get3A_921 = arith.index_cast %get3A_920 : i32 to index
    %get3A_922 = arith.constant 48 : index
    %get3A_923 = tpu.vector_load %arg5[%get3A_921, %get3A_922] {strides = array<i32>} : memref<26x128xi32, #tpu.memory_space<vmem>>, vector<1x16xi32>,
    %get3A_924 = vector.shape_cast %get3A_923 : vector<1x16xi32> to vector<16xi32>
    %add3A_925 = arith.addi %get3A_924, %broadcast_in_dim3A_883 : vector<16xi32>
    %swap3A_926 = arith.constant 9 : i32
    %swap3A_927 = arith.index_cast %swap3A_926 : i32 to index
    %swap3A_928 = arith.constant 48 : index
    %swap3A_929 = tpu.vector_load %arg6[%swap3A_927, %swap3A_928] {strides = array<i32>} : memref<26x128xi32, #tpu.memory_space<vmem>>, vector<1x16xi32>,
    %swap3A_930 = vector.shape_cast %swap3A_929 : vector<1x16xi32> to vector<16xi32>
    %swap3A_931 = vector.shape_cast %add3A_925 : vector<16xi32> to vector<1x16xi32>
    tpu.vector_store %arg6[%swap3A_927, %swap3A_928], %swap3A_931 {strides = array<i32>} : memref<26x128xi32, #tpu.memory_space<vmem>>, vector<1x16xi32>,
    %get3A_932 = arith.constant 9 : i32
    %get3A_933 = arith.index_cast %get3A_932 : i32 to index
    %get3A_934 = arith.constant 64 : index
    %get3A_935 = tpu.vector_load %arg5[%get3A_933, %get3A_934] {strides = array<i32>} : memref<26x128xi32, #tpu.memory_space<vmem>>, vector<1x16xi32>,
    %get3A_936 = vector.shape_cast %get3A_935 : vector<1x16xi32> to vector<16xi32>
    %add3A_937 = arith.addi %get3A_936, %broadcast_in_dim3A_883 : vector<16xi32>
    %swap3A_938 = arith.constant 9 : i32
    %swap3A_939 = arith.index_cast %swap3A_938 : i32 to index
    %swap3A_940 = arith.constant 64 : index
    %swap3A_941 = tpu.vector_load %arg6[%swap3A_939, %swap3A_940] {strides = array<i32>} : memref<26x128xi32, #tpu.memory_space<vmem>>, vector<1x16xi32>,
    %swap3A_942 = vector.shape_cast %swap3A_941 : vector<1x16xi32> to vector<16xi32>
    %swap3A_943 = vector.shape_cast %add3A_937 : vector<16xi32> to vector<1x16xi32>
    tpu.vector_store %arg6[%swap3A_939, %swap3A_940], %swap3A_943 {strides = array<i32>} : memref<26x128xi32, #tpu.memory_space<vmem>>, vector<1x16xi32>,
    %get3A_944 = arith.constant 9 : i32
    %get3A_945 = arith.index_cast %get3A_944 : i32 to index
    %get3A_946 = arith.constant 80 : index
    %get3A_947 = tpu.vector_load %arg5[%get3A_945, %get3A_946] {strides = array<i32>} : memref<26x128xi32, #tpu.memory_space<vmem>>, vector<1x16xi32>,
    %get3A_948 = vector.shape_cast %get3A_947 : vector<1x16xi32> to vector<16xi32>
    %add3A_949 = arith.addi %get3A_948, %broadcast_in_dim3A_883 : vector<16xi32>
    %swap3A_950 = arith.constant 9 : i32
    %swap3A_951 = arith.index_cast %swap3A_950 : i32 to index
    %swap3A_952 = arith.constant 80 : index
    %swap3A_953 = tpu.vector_load %arg6[%swap3A_951, %swap3A_952] {strides = array<i32>} : memref<26x128xi32, #tpu.memory_space<vmem>>, vector<1x16xi32>,
    %swap3A_954 = vector.shape_cast %swap3A_953 : vector<1x16xi32> to vector<16xi32>
    %swap3A_955 = vector.shape_cast %add3A_949 : vector<16xi32> to vector<1x16xi32>
    tpu.vector_store %arg6[%swap3A_951, %swap3A_952], %swap3A_955 {strides = array<i32>} : memref<26x128xi32, #tpu.memory_space<vmem>>, vector<1x16xi32>,
    %get3A_956 = arith.constant 9 : i32
    %get3A_957 = arith.index_cast %get3A_956 : i32 to index
    %get3A_958 = arith.constant 96 : index
    %get3A_959 = tpu.vector_load %arg5[%get3A_957, %get3A_958] {strides = array<i32>} : memref<26x128xi32, #tpu.memory_space<vmem>>, vector<1x16xi32>,
    %get3A_960 = vector.shape_cast %get3A_959 : vector<1x16xi32> to vector<16xi32>
    %add3A_961 = arith.addi %get3A_960, %broadcast_in_dim3A_883 : vector<16xi32>
    %swap3A_962 = arith.constant 9 : i32
    %swap3A_963 = arith.index_cast %swap3A_962 : i32 to index
    %swap3A_964 = arith.constant 96 : index
    %swap3A_965 = tpu.vector_load %arg6[%swap3A_963, %swap3A_964] {strides = array<i32>} : memref<26x128xi32, #tpu.memory_space<vmem>>, vector<1x16xi32>,
    %swap3A_966 = vector.shape_cast %swap3A_965 : vector<1x16xi32> to vector<16xi32>
    %swap3A_967 = vector.shape_cast %add3A_961 : vector<16xi32> to vector<1x16xi32>
    tpu.vector_store %arg6[%swap3A_963, %swap3A_964], %swap3A_967 {strides = array<i32>} : memref<26x128xi32, #tpu.memory_space<vmem>>, vector<1x16xi32>,
    %get3A_968 = arith.constant 9 : i32
    %get3A_969 = arith.index_cast %get3A_968 : i32 to index
    %get3A_970 = arith.constant 112 : index
    %get3A_971 = tpu.vector_load %arg5[%get3A_969, %get3A_970] {strides = array<i32>} : memref<26x128xi32, #tpu.memory_space<vmem>>, vector<1x16xi32>,
    %get3A_972 = vector.shape_cast %get3A_971 : vector<1x16xi32> to vector<16xi32>
    %add3A_973 = arith.addi %get3A_972, %broadcast_in_dim3A_883 : vector<16xi32>
    %swap3A_974 = arith.constant 9 : i32
    %swap3A_975 = arith.index_cast %swap3A_974 : i32 to index
    %swap3A_976 = arith.constant 112 : index
    %swap3A_977 = tpu.vector_load %arg6[%swap3A_975, %swap3A_976] {strides = array<i32>} : memref<26x128xi32, #tpu.memory_space<vmem>>, vector<1x16xi32>,
    %swap3A_978 = vector.shape_cast %swap3A_977 : vector<1x16xi32> to vector<16xi32>
    %swap3A_979 = vector.shape_cast %add3A_973 : vector<16xi32> to vector<1x16xi32>
    tpu.vector_store %arg6[%swap3A_975, %swap3A_976], %swap3A_979 {strides = array<i32>} : memref<26x128xi32, #tpu.memory_space<vmem>>, vector<1x16xi32>,
    %broadcast_in_dim3A_980 = arith.constant 1000000 : i32
    %broadcast_in_dim3A_981 = vector.broadcast %broadcast_in_dim3A_980 : i32 to vector<16xi32>
    %get3A_982 = arith.constant 10 : i32
    %get3A_983 = arith.index_cast %get3A_982 : i32 to index
    %get3A_984 = arith.constant 0 : index
    %get3A_985 = tpu.vector_load %arg5[%get3A_983, %get3A_984] {strides = array<i32>} : memref<26x128xi32, #tpu.memory_space<vmem>>, vector<1x16xi32>,
    %get3A_986 = vector.shape_cast %get3A_985 : vector<1x16xi32> to vector<16xi32>
    %add3A_987 = arith.addi %get3A_986, %broadcast_in_dim3A_981 : vector<16xi32>
    %swap3A_988 = arith.constant 10 : i32
    %swap3A_989 = arith.index_cast %swap3A_988 : i32 to index
    %swap3A_990 = arith.constant 0 : index
    %swap3A_991 = tpu.vector_load %arg6[%swap3A_989, %swap3A_990] {strides = array<i32>} : memref<26x128xi32, #tpu.memory_space<vmem>>, vector<1x16xi32>,
    %swap3A_992 = vector.shape_cast %swap3A_991 : vector<1x16xi32> to vector<16xi32>
    %swap3A_993 = vector.shape_cast %add3A_987 : vector<16xi32> to vector<1x16xi32>
    tpu.vector_store %arg6[%swap3A_989, %swap3A_990], %swap3A_993 {strides = array<i32>} : memref<26x128xi32, #tpu.memory_space<vmem>>, vector<1x16xi32>,
    %get3A_994 = arith.constant 10 : i32
    %get3A_995 = arith.index_cast %get3A_994 : i32 to index
    %get3A_996 = arith.constant 16 : index
    %get3A_997 = tpu.vector_load %arg5[%get3A_995, %get3A_996] {strides = array<i32>} : memref<26x128xi32, #tpu.memory_space<vmem>>, vector<1x16xi32>,
    %get3A_998 = vector.shape_cast %get3A_997 : vector<1x16xi32> to vector<16xi32>
    %add3A_999 = arith.addi %get3A_998, %broadcast_in_dim3A_981 : vector<16xi32>
    %swap3A_1000 = arith.constant 10 : i32
    %swap3A_1001 = arith.index_cast %swap3A_1000 : i32 to index
    %swap3A_1002 = arith.constant 16 : index
    %swap3A_1003 = tpu.vector_load %arg6[%swap3A_1001, %swap3A_1002] {strides = array<i32>} : memref<26x128xi32, #tpu.memory_space<vmem>>, vector<1x16xi32>,
    %swap3A_1004 = vector.shape_cast %swap3A_1003 : vector<1x16xi32> to vector<16xi32>
    %swap3A_1005 = vector.shape_cast %add3A_999 : vector<16xi32> to vector<1x16xi32>
    tpu.vector_store %arg6[%swap3A_1001, %swap3A_1002], %swap3A_1005 {strides = array<i32>} : memref<26x128xi32, #tpu.memory_space<vmem>>, vector<1x16xi32>,
    %get3A_1006 = arith.constant 10 : i32
    %get3A_1007 = arith.index_cast %get3A_1006 : i32 to index
    %get3A_1008 = arith.constant 32 : index
    %get3A_1009 = tpu.vector_load %arg5[%get3A_1007, %get3A_1008] {strides = array<i32>} : memref<26x128xi32, #tpu.memory_space<vmem>>, vector<1x16xi32>,
    %get3A_1010 = vector.shape_cast %get3A_1009 : vector<1x16xi32> to vector<16xi32>
    %add3A_1011 = arith.addi %get3A_1010, %broadcast_in_dim3A_981 : vector<16xi32>
    %swap3A_1012 = arith.constant 10 : i32
    %swap3A_1013 = arith.index_cast %swap3A_1012 : i32 to index
    %swap3A_1014 = arith.constant 32 : index
    %swap3A_1015 = tpu.vector_load %arg6[%swap3A_1013, %swap3A_1014] {strides = array<i32>} : memref<26x128xi32, #tpu.memory_space<vmem>>, vector<1x16xi32>,
    %swap3A_1016 = vector.shape_cast %swap3A_1015 : vector<1x16xi32> to vector<16xi32>
    %swap3A_1017 = vector.shape_cast %add3A_1011 : vector<16xi32> to vector<1x16xi32>
    tpu.vector_store %arg6[%swap3A_1013, %swap3A_1014], %swap3A_1017 {strides = array<i32>} : memref<26x128xi32, #tpu.memory_space<vmem>>, vector<1x16xi32>,
    %get3A_1018 = arith.constant 10 : i32
    %get3A_1019 = arith.index_cast %get3A_1018 : i32 to index
    %get3A_1020 = arith.constant 48 : index
    %get3A_1021 = tpu.vector_load %arg5[%get3A_1019, %get3A_1020] {strides = array<i32>} : memref<26x128xi32, #tpu.memory_space<vmem>>, vector<1x16xi32>,
    %get3A_1022 = vector.shape_cast %get3A_1021 : vector<1x16xi32> to vector<16xi32>
    %add3A_1023 = arith.addi %get3A_1022, %broadcast_in_dim3A_981 : vector<16xi32>
    %swap3A_1024 = arith.constant 10 : i32
    %swap3A_1025 = arith.index_cast %swap3A_1024 : i32 to index
    %swap3A_1026 = arith.constant 48 : index
    %swap3A_1027 = tpu.vector_load %arg6[%swap3A_1025, %swap3A_1026] {strides = array<i32>} : memref<26x128xi32, #tpu.memory_space<vmem>>, vector<1x16xi32>,
    %swap3A_1028 = vector.shape_cast %swap3A_1027 : vector<1x16xi32> to vector<16xi32>
    %swap3A_1029 = vector.shape_cast %add3A_1023 : vector<16xi32> to vector<1x16xi32>
    tpu.vector_store %arg6[%swap3A_1025, %swap3A_1026], %swap3A_1029 {strides = array<i32>} : memref<26x128xi32, #tpu.memory_space<vmem>>, vector<1x16xi32>,
    %get3A_1030 = arith.constant 10 : i32
    %get3A_1031 = arith.index_cast %get3A_1030 : i32 to index
    %get3A_1032 = arith.constant 64 : index
    %get3A_1033 = tpu.vector_load %arg5[%get3A_1031, %get3A_1032] {strides = array<i32>} : memref<26x128xi32, #tpu.memory_space<vmem>>, vector<1x16xi32>,
    %get3A_1034 = vector.shape_cast %get3A_1033 : vector<1x16xi32> to vector<16xi32>
    %add3A_1035 = arith.addi %get3A_1034, %broadcast_in_dim3A_981 : vector<16xi32>
    %swap3A_1036 = arith.constant 10 : i32
    %swap3A_1037 = arith.index_cast %swap3A_1036 : i32 to index
    %swap3A_1038 = arith.constant 64 : index
    %swap3A_1039 = tpu.vector_load %arg6[%swap3A_1037, %swap3A_1038] {strides = array<i32>} : memref<26x128xi32, #tpu.memory_space<vmem>>, vector<1x16xi32>,
    %swap3A_1040 = vector.shape_cast %swap3A_1039 : vector<1x16xi32> to vector<16xi32>
    %swap3A_1041 = vector.shape_cast %add3A_1035 : vector<16xi32> to vector<1x16xi32>
    tpu.vector_store %arg6[%swap3A_1037, %swap3A_1038], %swap3A_1041 {strides = array<i32>} : memref<26x128xi32, #tpu.memory_space<vmem>>, vector<1x16xi32>,
    %get3A_1042 = arith.constant 10 : i32
    %get3A_1043 = arith.index_cast %get3A_1042 : i32 to index
    %get3A_1044 = arith.constant 80 : index
    %get3A_1045 = tpu.vector_load %arg5[%get3A_1043, %get3A_1044] {strides = array<i32>} : memref<26x128xi32, #tpu.memory_space<vmem>>, vector<1x16xi32>,
    %get3A_1046 = vector.shape_cast %get3A_1045 : vector<1x16xi32> to vector<16xi32>
    %add3A_1047 = arith.addi %get3A_1046, %broadcast_in_dim3A_981 : vector<16xi32>
    %swap3A_1048 = arith.constant 10 : i32
    %swap3A_1049 = arith.index_cast %swap3A_1048 : i32 to index
    %swap3A_1050 = arith.constant 80 : index
    %swap3A_1051 = tpu.vector_load %arg6[%swap3A_1049, %swap3A_1050] {strides = array<i32>} : memref<26x128xi32, #tpu.memory_space<vmem>>, vector<1x16xi32>,
    %swap3A_1052 = vector.shape_cast %swap3A_1051 : vector<1x16xi32> to vector<16xi32>
    %swap3A_1053 = vector.shape_cast %add3A_1047 : vector<16xi32> to vector<1x16xi32>
    tpu.vector_store %arg6[%swap3A_1049, %swap3A_1050], %swap3A_1053 {strides = array<i32>} : memref<26x128xi32, #tpu.memory_space<vmem>>, vector<1x16xi32>,
    %get3A_1054 = arith.constant 10 : i32
    %get3A_1055 = arith.index_cast %get3A_1054 : i32 to index
    %get3A_1056 = arith.constant 96 : index
    %get3A_1057 = tpu.vector_load %arg5[%get3A_1055, %get3A_1056] {strides = array<i32>} : memref<26x128xi32, #tpu.memory_space<vmem>>, vector<1x16xi32>,
    %get3A_1058 = vector.shape_cast %get3A_1057 : vector<1x16xi32> to vector<16xi32>
    %add3A_1059 = arith.addi %get3A_1058, %broadcast_in_dim3A_981 : vector<16xi32>
    %swap3A_1060 = arith.constant 10 : i32
    %swap3A_1061 = arith.index_cast %swap3A_1060 : i32 to index
    %swap3A_1062 = arith.constant 96 : index
    %swap3A_1063 = tpu.vector_load %arg6[%swap3A_1061, %swap3A_1062] {strides = array<i32>} : memref<26x128xi32, #tpu.memory_space<vmem>>, vector<1x16xi32>,
    %swap3A_1064 = vector.shape_cast %swap3A_1063 : vector<1x16xi32> to vector<16xi32>
    %swap3A_1065 = vector.shape_cast %add3A_1059 : vector<16xi32> to vector<1x16xi32>
    tpu.vector_store %arg6[%swap3A_1061, %swap3A_1062], %swap3A_1065 {strides = array<i32>} : memref<26x128xi32, #tpu.memory_space<vmem>>, vector<1x16xi32>,
    %get3A_1066 = arith.constant 10 : i32
    %get3A_1067 = arith.index_cast %get3A_1066 : i32 to index
    %get3A_1068 = arith.constant 112 : index
    %get3A_1069 = tpu.vector_load %arg5[%get3A_1067, %get3A_1068] {strides = array<i32>} : memref<26x128xi32, #tpu.memory_space<vmem>>, vector<1x16xi32>,
    %get3A_1070 = vector.shape_cast %get3A_1069 : vector<1x16xi32> to vector<16xi32>
    %add3A_1071 = arith.addi %get3A_1070, %broadcast_in_dim3A_981 : vector<16xi32>
    %swap3A_1072 = arith.constant 10 : i32
    %swap3A_1073 = arith.index_cast %swap3A_1072 : i32 to index
    %swap3A_1074 = arith.constant 112 : index
    %swap3A_1075 = tpu.vector_load %arg6[%swap3A_1073, %swap3A_1074] {strides = array<i32>} : memref<26x128xi32, #tpu.memory_space<vmem>>, vector<1x16xi32>,
    %swap3A_1076 = vector.shape_cast %swap3A_1075 : vector<1x16xi32> to vector<16xi32>
    %swap3A_1077 = vector.shape_cast %add3A_1071 : vector<16xi32> to vector<1x16xi32>
    tpu.vector_store %arg6[%swap3A_1073, %swap3A_1074], %swap3A_1077 {strides = array<i32>} : memref<26x128xi32, #tpu.memory_space<vmem>>, vector<1x16xi32>,
    %broadcast_in_dim3A_1078 = arith.constant 1100000 : i32
    %broadcast_in_dim3A_1079 = vector.broadcast %broadcast_in_dim3A_1078 : i32 to vector<16xi32>
    %get3A_1080 = arith.constant 11 : i32
    %get3A_1081 = arith.index_cast %get3A_1080 : i32 to index
    %get3A_1082 = arith.constant 0 : index
    %get3A_1083 = tpu.vector_load %arg5[%get3A_1081, %get3A_1082] {strides = array<i32>} : memref<26x128xi32, #tpu.memory_space<vmem>>, vector<1x16xi32>,
    %get3A_1084 = vector.shape_cast %get3A_1083 : vector<1x16xi32> to vector<16xi32>
    %add3A_1085 = arith.addi %get3A_1084, %broadcast_in_dim3A_1079 : vector<16xi32>
    %swap3A_1086 = arith.constant 11 : i32
    %swap3A_1087 = arith.index_cast %swap3A_1086 : i32 to index
    %swap3A_1088 = arith.constant 0 : index
    %swap3A_1089 = tpu.vector_load %arg6[%swap3A_1087, %swap3A_1088] {strides = array<i32>} : memref<26x128xi32, #tpu.memory_space<vmem>>, vector<1x16xi32>,
    %swap3A_1090 = vector.shape_cast %swap3A_1089 : vector<1x16xi32> to vector<16xi32>
    %swap3A_1091 = vector.shape_cast %add3A_1085 : vector<16xi32> to vector<1x16xi32>
    tpu.vector_store %arg6[%swap3A_1087, %swap3A_1088], %swap3A_1091 {strides = array<i32>} : memref<26x128xi32, #tpu.memory_space<vmem>>, vector<1x16xi32>,
    %get3A_1092 = arith.constant 11 : i32
    %get3A_1093 = arith.index_cast %get3A_1092 : i32 to index
    %get3A_1094 = arith.constant 16 : index
    %get3A_1095 = tpu.vector_load %arg5[%get3A_1093, %get3A_1094] {strides = array<i32>} : memref<26x128xi32, #tpu.memory_space<vmem>>, vector<1x16xi32>,
    %get3A_1096 = vector.shape_cast %get3A_1095 : vector<1x16xi32> to vector<16xi32>
    %add3A_1097 = arith.addi %get3A_1096, %broadcast_in_dim3A_1079 : vector<16xi32>
    %swap3A_1098 = arith.constant 11 : i32
    %swap3A_1099 = arith.index_cast %swap3A_1098 : i32 to index
    %swap3A_1100 = arith.constant 16 : index
    %swap3A_1101 = tpu.vector_load %arg6[%swap3A_1099, %swap3A_1100] {strides = array<i32>} : memref<26x128xi32, #tpu.memory_space<vmem>>, vector<1x16xi32>,
    %swap3A_1102 = vector.shape_cast %swap3A_1101 : vector<1x16xi32> to vector<16xi32>
    %swap3A_1103 = vector.shape_cast %add3A_1097 : vector<16xi32> to vector<1x16xi32>
    tpu.vector_store %arg6[%swap3A_1099, %swap3A_1100], %swap3A_1103 {strides = array<i32>} : memref<26x128xi32, #tpu.memory_space<vmem>>, vector<1x16xi32>,
    %get3A_1104 = arith.constant 11 : i32
    %get3A_1105 = arith.index_cast %get3A_1104 : i32 to index
    %get3A_1106 = arith.constant 32 : index
    %get3A_1107 = tpu.vector_load %arg5[%get3A_1105, %get3A_1106] {strides = array<i32>} : memref<26x128xi32, #tpu.memory_space<vmem>>, vector<1x16xi32>,
    %get3A_1108 = vector.shape_cast %get3A_1107 : vector<1x16xi32> to vector<16xi32>
    %add3A_1109 = arith.addi %get3A_1108, %broadcast_in_dim3A_1079 : vector<16xi32>
    %swap3A_1110 = arith.constant 11 : i32
    %swap3A_1111 = arith.index_cast %swap3A_1110 : i32 to index
    %swap3A_1112 = arith.constant 32 : index
    %swap3A_1113 = tpu.vector_load %arg6[%swap3A_1111, %swap3A_1112] {strides = array<i32>} : memref<26x128xi32, #tpu.memory_space<vmem>>, vector<1x16xi32>,
    %swap3A_1114 = vector.shape_cast %swap3A_1113 : vector<1x16xi32> to vector<16xi32>
    %swap3A_1115 = vector.shape_cast %add3A_1109 : vector<16xi32> to vector<1x16xi32>
    tpu.vector_store %arg6[%swap3A_1111, %swap3A_1112], %swap3A_1115 {strides = array<i32>} : memref<26x128xi32, #tpu.memory_space<vmem>>, vector<1x16xi32>,
    %get3A_1116 = arith.constant 11 : i32
    %get3A_1117 = arith.index_cast %get3A_1116 : i32 to index
    %get3A_1118 = arith.constant 48 : index
    %get3A_1119 = tpu.vector_load %arg5[%get3A_1117, %get3A_1118] {strides = array<i32>} : memref<26x128xi32, #tpu.memory_space<vmem>>, vector<1x16xi32>,
    %get3A_1120 = vector.shape_cast %get3A_1119 : vector<1x16xi32> to vector<16xi32>
    %add3A_1121 = arith.addi %get3A_1120, %broadcast_in_dim3A_1079 : vector<16xi32>
    %swap3A_1122 = arith.constant 11 : i32
    %swap3A_1123 = arith.index_cast %swap3A_1122 : i32 to index
    %swap3A_1124 = arith.constant 48 : index
    %swap3A_1125 = tpu.vector_load %arg6[%swap3A_1123, %swap3A_1124] {strides = array<i32>} : memref<26x128xi32, #tpu.memory_space<vmem>>, vector<1x16xi32>,
    %swap3A_1126 = vector.shape_cast %swap3A_1125 : vector<1x16xi32> to vector<16xi32>
    %swap3A_1127 = vector.shape_cast %add3A_1121 : vector<16xi32> to vector<1x16xi32>
    tpu.vector_store %arg6[%swap3A_1123, %swap3A_1124], %swap3A_1127 {strides = array<i32>} : memref<26x128xi32, #tpu.memory_space<vmem>>, vector<1x16xi32>,
    %get3A_1128 = arith.constant 11 : i32
    %get3A_1129 = arith.index_cast %get3A_1128 : i32 to index
    %get3A_1130 = arith.constant 64 : index
    %get3A_1131 = tpu.vector_load %arg5[%get3A_1129, %get3A_1130] {strides = array<i32>} : memref<26x128xi32, #tpu.memory_space<vmem>>, vector<1x16xi32>,
    %get3A_1132 = vector.shape_cast %get3A_1131 : vector<1x16xi32> to vector<16xi32>
    %add3A_1133 = arith.addi %get3A_1132, %broadcast_in_dim3A_1079 : vector<16xi32>
    %swap3A_1134 = arith.constant 11 : i32
    %swap3A_1135 = arith.index_cast %swap3A_1134 : i32 to index
    %swap3A_1136 = arith.constant 64 : index
    %swap3A_1137 = tpu.vector_load %arg6[%swap3A_1135, %swap3A_1136] {strides = array<i32>} : memref<26x128xi32, #tpu.memory_space<vmem>>, vector<1x16xi32>,
    %swap3A_1138 = vector.shape_cast %swap3A_1137 : vector<1x16xi32> to vector<16xi32>
    %swap3A_1139 = vector.shape_cast %add3A_1133 : vector<16xi32> to vector<1x16xi32>
    tpu.vector_store %arg6[%swap3A_1135, %swap3A_1136], %swap3A_1139 {strides = array<i32>} : memref<26x128xi32, #tpu.memory_space<vmem>>, vector<1x16xi32>,
    %get3A_1140 = arith.constant 11 : i32
    %get3A_1141 = arith.index_cast %get3A_1140 : i32 to index
    %get3A_1142 = arith.constant 80 : index
    %get3A_1143 = tpu.vector_load %arg5[%get3A_1141, %get3A_1142] {strides = array<i32>} : memref<26x128xi32, #tpu.memory_space<vmem>>, vector<1x16xi32>,
    %get3A_1144 = vector.shape_cast %get3A_1143 : vector<1x16xi32> to vector<16xi32>
    %add3A_1145 = arith.addi %get3A_1144, %broadcast_in_dim3A_1079 : vector<16xi32>
    %swap3A_1146 = arith.constant 11 : i32
    %swap3A_1147 = arith.index_cast %swap3A_1146 : i32 to index
    %swap3A_1148 = arith.constant 80 : index
    %swap3A_1149 = tpu.vector_load %arg6[%swap3A_1147, %swap3A_1148] {strides = array<i32>} : memref<26x128xi32, #tpu.memory_space<vmem>>, vector<1x16xi32>,
    %swap3A_1150 = vector.shape_cast %swap3A_1149 : vector<1x16xi32> to vector<16xi32>
    %swap3A_1151 = vector.shape_cast %add3A_1145 : vector<16xi32> to vector<1x16xi32>
    tpu.vector_store %arg6[%swap3A_1147, %swap3A_1148], %swap3A_1151 {strides = array<i32>} : memref<26x128xi32, #tpu.memory_space<vmem>>, vector<1x16xi32>,
    %get3A_1152 = arith.constant 11 : i32
    %get3A_1153 = arith.index_cast %get3A_1152 : i32 to index
    %get3A_1154 = arith.constant 96 : index
    %get3A_1155 = tpu.vector_load %arg5[%get3A_1153, %get3A_1154] {strides = array<i32>} : memref<26x128xi32, #tpu.memory_space<vmem>>, vector<1x16xi32>,
    %get3A_1156 = vector.shape_cast %get3A_1155 : vector<1x16xi32> to vector<16xi32>
    %add3A_1157 = arith.addi %get3A_1156, %broadcast_in_dim3A_1079 : vector<16xi32>
    %swap3A_1158 = arith.constant 11 : i32
    %swap3A_1159 = arith.index_cast %swap3A_1158 : i32 to index
    %swap3A_1160 = arith.constant 96 : index
    %swap3A_1161 = tpu.vector_load %arg6[%swap3A_1159, %swap3A_1160] {strides = array<i32>} : memref<26x128xi32, #tpu.memory_space<vmem>>, vector<1x16xi32>,
    %swap3A_1162 = vector.shape_cast %swap3A_1161 : vector<1x16xi32> to vector<16xi32>
    %swap3A_1163 = vector.shape_cast %add3A_1157 : vector<16xi32> to vector<1x16xi32>
    tpu.vector_store %arg6[%swap3A_1159, %swap3A_1160], %swap3A_1163 {strides = array<i32>} : memref<26x128xi32, #tpu.memory_space<vmem>>, vector<1x16xi32>,
    %get3A_1164 = arith.constant 11 : i32
    %get3A_1165 = arith.index_cast %get3A_1164 : i32 to index
    %get3A_1166 = arith.constant 112 : index
    %get3A_1167 = tpu.vector_load %arg5[%get3A_1165, %get3A_1166] {strides = array<i32>} : memref<26x128xi32, #tpu.memory_space<vmem>>, vector<1x16xi32>,
    %get3A_1168 = vector.shape_cast %get3A_1167 : vector<1x16xi32> to vector<16xi32>
    %add3A_1169 = arith.addi %get3A_1168, %broadcast_in_dim3A_1079 : vector<16xi32>
    %swap3A_1170 = arith.constant 11 : i32
    %swap3A_1171 = arith.index_cast %swap3A_1170 : i32 to index
    %swap3A_1172 = arith.constant 112 : index
    %swap3A_1173 = tpu.vector_load %arg6[%swap3A_1171, %swap3A_1172] {strides = array<i32>} : memref<26x128xi32, #tpu.memory_space<vmem>>, vector<1x16xi32>,
    %swap3A_1174 = vector.shape_cast %swap3A_1173 : vector<1x16xi32> to vector<16xi32>
    %swap3A_1175 = vector.shape_cast %add3A_1169 : vector<16xi32> to vector<1x16xi32>
    tpu.vector_store %arg6[%swap3A_1171, %swap3A_1172], %swap3A_1175 {strides = array<i32>} : memref<26x128xi32, #tpu.memory_space<vmem>>, vector<1x16xi32>,
    %broadcast_in_dim3A_1176 = arith.constant 1200000 : i32
    %broadcast_in_dim3A_1177 = vector.broadcast %broadcast_in_dim3A_1176 : i32 to vector<16xi32>
    %get3A_1178 = arith.constant 12 : i32
    %get3A_1179 = arith.index_cast %get3A_1178 : i32 to index
    %get3A_1180 = arith.constant 0 : index
    %get3A_1181 = tpu.vector_load %arg5[%get3A_1179, %get3A_1180] {strides = array<i32>} : memref<26x128xi32, #tpu.memory_space<vmem>>, vector<1x16xi32>,
    %get3A_1182 = vector.shape_cast %get3A_1181 : vector<1x16xi32> to vector<16xi32>
    %add3A_1183 = arith.addi %get3A_1182, %broadcast_in_dim3A_1177 : vector<16xi32>
    %swap3A_1184 = arith.constant 12 : i32
    %swap3A_1185 = arith.index_cast %swap3A_1184 : i32 to index
    %swap3A_1186 = arith.constant 0 : index
    %swap3A_1187 = tpu.vector_load %arg6[%swap3A_1185, %swap3A_1186] {strides = array<i32>} : memref<26x128xi32, #tpu.memory_space<vmem>>, vector<1x16xi32>,
    %swap3A_1188 = vector.shape_cast %swap3A_1187 : vector<1x16xi32> to vector<16xi32>
    %swap3A_1189 = vector.shape_cast %add3A_1183 : vector<16xi32> to vector<1x16xi32>
    tpu.vector_store %arg6[%swap3A_1185, %swap3A_1186], %swap3A_1189 {strides = array<i32>} : memref<26x128xi32, #tpu.memory_space<vmem>>, vector<1x16xi32>,
    %get3A_1190 = arith.constant 12 : i32
    %get3A_1191 = arith.index_cast %get3A_1190 : i32 to index
    %get3A_1192 = arith.constant 16 : index
    %get3A_1193 = tpu.vector_load %arg5[%get3A_1191, %get3A_1192] {strides = array<i32>} : memref<26x128xi32, #tpu.memory_space<vmem>>, vector<1x16xi32>,
    %get3A_1194 = vector.shape_cast %get3A_1193 : vector<1x16xi32> to vector<16xi32>
    %add3A_1195 = arith.addi %get3A_1194, %broadcast_in_dim3A_1177 : vector<16xi32>
    %swap3A_1196 = arith.constant 12 : i32
    %swap3A_1197 = arith.index_cast %swap3A_1196 : i32 to index
    %swap3A_1198 = arith.constant 16 : index
    %swap3A_1199 = tpu.vector_load %arg6[%swap3A_1197, %swap3A_1198] {strides = array<i32>} : memref<26x128xi32, #tpu.memory_space<vmem>>, vector<1x16xi32>,
    %swap3A_1200 = vector.shape_cast %swap3A_1199 : vector<1x16xi32> to vector<16xi32>
    %swap3A_1201 = vector.shape_cast %add3A_1195 : vector<16xi32> to vector<1x16xi32>
    tpu.vector_store %arg6[%swap3A_1197, %swap3A_1198], %swap3A_1201 {strides = array<i32>} : memref<26x128xi32, #tpu.memory_space<vmem>>, vector<1x16xi32>,
    %get3A_1202 = arith.constant 12 : i32
    %get3A_1203 = arith.index_cast %get3A_1202 : i32 to index
    %get3A_1204 = arith.constant 32 : index
    %get3A_1205 = tpu.vector_load %arg5[%get3A_1203, %get3A_1204] {strides = array<i32>} : memref<26x128xi32, #tpu.memory_space<vmem>>, vector<1x16xi32>,
    %get3A_1206 = vector.shape_cast %get3A_1205 : vector<1x16xi32> to vector<16xi32>
    %add3A_1207 = arith.addi %get3A_1206, %broadcast_in_dim3A_1177 : vector<16xi32>
    %swap3A_1208 = arith.constant 12 : i32
    %swap3A_1209 = arith.index_cast %swap3A_1208 : i32 to index
    %swap3A_1210 = arith.constant 32 : index
    %swap3A_1211 = tpu.vector_load %arg6[%swap3A_1209, %swap3A_1210] {strides = array<i32>} : memref<26x128xi32, #tpu.memory_space<vmem>>, vector<1x16xi32>,
    %swap3A_1212 = vector.shape_cast %swap3A_1211 : vector<1x16xi32> to vector<16xi32>
    %swap3A_1213 = vector.shape_cast %add3A_1207 : vector<16xi32> to vector<1x16xi32>
    tpu.vector_store %arg6[%swap3A_1209, %swap3A_1210], %swap3A_1213 {strides = array<i32>} : memref<26x128xi32, #tpu.memory_space<vmem>>, vector<1x16xi32>,
    %get3A_1214 = arith.constant 12 : i32
    %get3A_1215 = arith.index_cast %get3A_1214 : i32 to index
    %get3A_1216 = arith.constant 48 : index
    %get3A_1217 = tpu.vector_load %arg5[%get3A_1215, %get3A_1216] {strides = array<i32>} : memref<26x128xi32, #tpu.memory_space<vmem>>, vector<1x16xi32>,
    %get3A_1218 = vector.shape_cast %get3A_1217 : vector<1x16xi32> to vector<16xi32>
    %add3A_1219 = arith.addi %get3A_1218, %broadcast_in_dim3A_1177 : vector<16xi32>
    %swap3A_1220 = arith.constant 12 : i32
    %swap3A_1221 = arith.index_cast %swap3A_1220 : i32 to index
    %swap3A_1222 = arith.constant 48 : index
    %swap3A_1223 = tpu.vector_load %arg6[%swap3A_1221, %swap3A_1222] {strides = array<i32>} : memref<26x128xi32, #tpu.memory_space<vmem>>, vector<1x16xi32>,
    %swap3A_1224 = vector.shape_cast %swap3A_1223 : vector<1x16xi32> to vector<16xi32>
    %swap3A_1225 = vector.shape_cast %add3A_1219 : vector<16xi32> to vector<1x16xi32>
    tpu.vector_store %arg6[%swap3A_1221, %swap3A_1222], %swap3A_1225 {strides = array<i32>} : memref<26x128xi32, #tpu.memory_space<vmem>>, vector<1x16xi32>,
    %get3A_1226 = arith.constant 12 : i32
    %get3A_1227 = arith.index_cast %get3A_1226 : i32 to index
    %get3A_1228 = arith.constant 64 : index
    %get3A_1229 = tpu.vector_load %arg5[%get3A_1227, %get3A_1228] {strides = array<i32>} : memref<26x128xi32, #tpu.memory_space<vmem>>, vector<1x16xi32>,
    %get3A_1230 = vector.shape_cast %get3A_1229 : vector<1x16xi32> to vector<16xi32>
    %add3A_1231 = arith.addi %get3A_1230, %broadcast_in_dim3A_1177 : vector<16xi32>
    %swap3A_1232 = arith.constant 12 : i32
    %swap3A_1233 = arith.index_cast %swap3A_1232 : i32 to index
    %swap3A_1234 = arith.constant 64 : index
    %swap3A_1235 = tpu.vector_load %arg6[%swap3A_1233, %swap3A_1234] {strides = array<i32>} : memref<26x128xi32, #tpu.memory_space<vmem>>, vector<1x16xi32>,
    %swap3A_1236 = vector.shape_cast %swap3A_1235 : vector<1x16xi32> to vector<16xi32>
    %swap3A_1237 = vector.shape_cast %add3A_1231 : vector<16xi32> to vector<1x16xi32>
    tpu.vector_store %arg6[%swap3A_1233, %swap3A_1234], %swap3A_1237 {strides = array<i32>} : memref<26x128xi32, #tpu.memory_space<vmem>>, vector<1x16xi32>,
    %get3A_1238 = arith.constant 12 : i32
    %get3A_1239 = arith.index_cast %get3A_1238 : i32 to index
    %get3A_1240 = arith.constant 80 : index
    %get3A_1241 = tpu.vector_load %arg5[%get3A_1239, %get3A_1240] {strides = array<i32>} : memref<26x128xi32, #tpu.memory_space<vmem>>, vector<1x16xi32>,
    %get3A_1242 = vector.shape_cast %get3A_1241 : vector<1x16xi32> to vector<16xi32>
    %add3A_1243 = arith.addi %get3A_1242, %broadcast_in_dim3A_1177 : vector<16xi32>
    %swap3A_1244 = arith.constant 12 : i32
    %swap3A_1245 = arith.index_cast %swap3A_1244 : i32 to index
    %swap3A_1246 = arith.constant 80 : index
    %swap3A_1247 = tpu.vector_load %arg6[%swap3A_1245, %swap3A_1246] {strides = array<i32>} : memref<26x128xi32, #tpu.memory_space<vmem>>, vector<1x16xi32>,
    %swap3A_1248 = vector.shape_cast %swap3A_1247 : vector<1x16xi32> to vector<16xi32>
    %swap3A_1249 = vector.shape_cast %add3A_1243 : vector<16xi32> to vector<1x16xi32>
    tpu.vector_store %arg6[%swap3A_1245, %swap3A_1246], %swap3A_1249 {strides = array<i32>} : memref<26x128xi32, #tpu.memory_space<vmem>>, vector<1x16xi32>,
    %get3A_1250 = arith.constant 12 : i32
    %get3A_1251 = arith.index_cast %get3A_1250 : i32 to index
    %get3A_1252 = arith.constant 96 : index
    %get3A_1253 = tpu.vector_load %arg5[%get3A_1251, %get3A_1252] {strides = array<i32>} : memref<26x128xi32, #tpu.memory_space<vmem>>, vector<1x16xi32>,
    %get3A_1254 = vector.shape_cast %get3A_1253 : vector<1x16xi32> to vector<16xi32>
    %add3A_1255 = arith.addi %get3A_1254, %broadcast_in_dim3A_1177 : vector<16xi32>
    %swap3A_1256 = arith.constant 12 : i32
    %swap3A_1257 = arith.index_cast %swap3A_1256 : i32 to index
    %swap3A_1258 = arith.constant 96 : index
    %swap3A_1259 = tpu.vector_load %arg6[%swap3A_1257, %swap3A_1258] {strides = array<i32>} : memref<26x128xi32, #tpu.memory_space<vmem>>, vector<1x16xi32>,
    %swap3A_1260 = vector.shape_cast %swap3A_1259 : vector<1x16xi32> to vector<16xi32>
    %swap3A_1261 = vector.shape_cast %add3A_1255 : vector<16xi32> to vector<1x16xi32>
    tpu.vector_store %arg6[%swap3A_1257, %swap3A_1258], %swap3A_1261 {strides = array<i32>} : memref<26x128xi32, #tpu.memory_space<vmem>>, vector<1x16xi32>,
    %get3A_1262 = arith.constant 12 : i32
    %get3A_1263 = arith.index_cast %get3A_1262 : i32 to index
    %get3A_1264 = arith.constant 112 : index
    %get3A_1265 = tpu.vector_load %arg5[%get3A_1263, %get3A_1264] {strides = array<i32>} : memref<26x128xi32, #tpu.memory_space<vmem>>, vector<1x16xi32>,
    %get3A_1266 = vector.shape_cast %get3A_1265 : vector<1x16xi32> to vector<16xi32>
    %add3A_1267 = arith.addi %get3A_1266, %broadcast_in_dim3A_1177 : vector<16xi32>
    %swap3A_1268 = arith.constant 12 : i32
    %swap3A_1269 = arith.index_cast %swap3A_1268 : i32 to index
    %swap3A_1270 = arith.constant 112 : index
    %swap3A_1271 = tpu.vector_load %arg6[%swap3A_1269, %swap3A_1270] {strides = array<i32>} : memref<26x128xi32, #tpu.memory_space<vmem>>, vector<1x16xi32>,
    %swap3A_1272 = vector.shape_cast %swap3A_1271 : vector<1x16xi32> to vector<16xi32>
    %swap3A_1273 = vector.shape_cast %add3A_1267 : vector<16xi32> to vector<1x16xi32>
    tpu.vector_store %arg6[%swap3A_1269, %swap3A_1270], %swap3A_1273 {strides = array<i32>} : memref<26x128xi32, #tpu.memory_space<vmem>>, vector<1x16xi32>,
    %broadcast_in_dim3A_1274 = arith.constant 1300000 : i32
    %broadcast_in_dim3A_1275 = vector.broadcast %broadcast_in_dim3A_1274 : i32 to vector<16xi32>
    %get3A_1276 = arith.constant 13 : i32
    %get3A_1277 = arith.index_cast %get3A_1276 : i32 to index
    %get3A_1278 = arith.constant 0 : index
    %get3A_1279 = tpu.vector_load %arg5[%get3A_1277, %get3A_1278] {strides = array<i32>} : memref<26x128xi32, #tpu.memory_space<vmem>>, vector<1x16xi32>,
    %get3A_1280 = vector.shape_cast %get3A_1279 : vector<1x16xi32> to vector<16xi32>
    %add3A_1281 = arith.addi %get3A_1280, %broadcast_in_dim3A_1275 : vector<16xi32>
    %swap3A_1282 = arith.constant 13 : i32
    %swap3A_1283 = arith.index_cast %swap3A_1282 : i32 to index
    %swap3A_1284 = arith.constant 0 : index
    %swap3A_1285 = tpu.vector_load %arg6[%swap3A_1283, %swap3A_1284] {strides = array<i32>} : memref<26x128xi32, #tpu.memory_space<vmem>>, vector<1x16xi32>,
    %swap3A_1286 = vector.shape_cast %swap3A_1285 : vector<1x16xi32> to vector<16xi32>
    %swap3A_1287 = vector.shape_cast %add3A_1281 : vector<16xi32> to vector<1x16xi32>
    tpu.vector_store %arg6[%swap3A_1283, %swap3A_1284], %swap3A_1287 {strides = array<i32>} : memref<26x128xi32, #tpu.memory_space<vmem>>, vector<1x16xi32>,
    %get3A_1288 = arith.constant 13 : i32
    %get3A_1289 = arith.index_cast %get3A_1288 : i32 to index
    %get3A_1290 = arith.constant 16 : index
    %get3A_1291 = tpu.vector_load %arg5[%get3A_1289, %get3A_1290] {strides = array<i32>} : memref<26x128xi32, #tpu.memory_space<vmem>>, vector<1x16xi32>,
    %get3A_1292 = vector.shape_cast %get3A_1291 : vector<1x16xi32> to vector<16xi32>
    %add3A_1293 = arith.addi %get3A_1292, %broadcast_in_dim3A_1275 : vector<16xi32>
    %swap3A_1294 = arith.constant 13 : i32
    %swap3A_1295 = arith.index_cast %swap3A_1294 : i32 to index
    %swap3A_1296 = arith.constant 16 : index
    %swap3A_1297 = tpu.vector_load %arg6[%swap3A_1295, %swap3A_1296] {strides = array<i32>} : memref<26x128xi32, #tpu.memory_space<vmem>>, vector<1x16xi32>,
    %swap3A_1298 = vector.shape_cast %swap3A_1297 : vector<1x16xi32> to vector<16xi32>
    %swap3A_1299 = vector.shape_cast %add3A_1293 : vector<16xi32> to vector<1x16xi32>
    tpu.vector_store %arg6[%swap3A_1295, %swap3A_1296], %swap3A_1299 {strides = array<i32>} : memref<26x128xi32, #tpu.memory_space<vmem>>, vector<1x16xi32>,
    %get3A_1300 = arith.constant 13 : i32
    %get3A_1301 = arith.index_cast %get3A_1300 : i32 to index
    %get3A_1302 = arith.constant 32 : index
    %get3A_1303 = tpu.vector_load %arg5[%get3A_1301, %get3A_1302] {strides = array<i32>} : memref<26x128xi32, #tpu.memory_space<vmem>>, vector<1x16xi32>,
    %get3A_1304 = vector.shape_cast %get3A_1303 : vector<1x16xi32> to vector<16xi32>
    %add3A_1305 = arith.addi %get3A_1304, %broadcast_in_dim3A_1275 : vector<16xi32>
    %swap3A_1306 = arith.constant 13 : i32
    %swap3A_1307 = arith.index_cast %swap3A_1306 : i32 to index
    %swap3A_1308 = arith.constant 32 : index
    %swap3A_1309 = tpu.vector_load %arg6[%swap3A_1307, %swap3A_1308] {strides = array<i32>} : memref<26x128xi32, #tpu.memory_space<vmem>>, vector<1x16xi32>,
    %swap3A_1310 = vector.shape_cast %swap3A_1309 : vector<1x16xi32> to vector<16xi32>
    %swap3A_1311 = vector.shape_cast %add3A_1305 : vector<16xi32> to vector<1x16xi32>
    tpu.vector_store %arg6[%swap3A_1307, %swap3A_1308], %swap3A_1311 {strides = array<i32>} : memref<26x128xi32, #tpu.memory_space<vmem>>, vector<1x16xi32>,
    %get3A_1312 = arith.constant 13 : i32
    %get3A_1313 = arith.index_cast %get3A_1312 : i32 to index
    %get3A_1314 = arith.constant 48 : index
    %get3A_1315 = tpu.vector_load %arg5[%get3A_1313, %get3A_1314] {strides = array<i32>} : memref<26x128xi32, #tpu.memory_space<vmem>>, vector<1x16xi32>,
    %get3A_1316 = vector.shape_cast %get3A_1315 : vector<1x16xi32> to vector<16xi32>
    %add3A_1317 = arith.addi %get3A_1316, %broadcast_in_dim3A_1275 : vector<16xi32>
    %swap3A_1318 = arith.constant 13 : i32
    %swap3A_1319 = arith.index_cast %swap3A_1318 : i32 to index
    %swap3A_1320 = arith.constant 48 : index
    %swap3A_1321 = tpu.vector_load %arg6[%swap3A_1319, %swap3A_1320] {strides = array<i32>} : memref<26x128xi32, #tpu.memory_space<vmem>>, vector<1x16xi32>,
    %swap3A_1322 = vector.shape_cast %swap3A_1321 : vector<1x16xi32> to vector<16xi32>
    %swap3A_1323 = vector.shape_cast %add3A_1317 : vector<16xi32> to vector<1x16xi32>
    tpu.vector_store %arg6[%swap3A_1319, %swap3A_1320], %swap3A_1323 {strides = array<i32>} : memref<26x128xi32, #tpu.memory_space<vmem>>, vector<1x16xi32>,
    %get3A_1324 = arith.constant 13 : i32
    %get3A_1325 = arith.index_cast %get3A_1324 : i32 to index
    %get3A_1326 = arith.constant 64 : index
    %get3A_1327 = tpu.vector_load %arg5[%get3A_1325, %get3A_1326] {strides = array<i32>} : memref<26x128xi32, #tpu.memory_space<vmem>>, vector<1x16xi32>,
    %get3A_1328 = vector.shape_cast %get3A_1327 : vector<1x16xi32> to vector<16xi32>
    %add3A_1329 = arith.addi %get3A_1328, %broadcast_in_dim3A_1275 : vector<16xi32>
    %swap3A_1330 = arith.constant 13 : i32
    %swap3A_1331 = arith.index_cast %swap3A_1330 : i32 to index
    %swap3A_1332 = arith.constant 64 : index
    %swap3A_1333 = tpu.vector_load %arg6[%swap3A_1331, %swap3A_1332] {strides = array<i32>} : memref<26x128xi32, #tpu.memory_space<vmem>>, vector<1x16xi32>,
    %swap3A_1334 = vector.shape_cast %swap3A_1333 : vector<1x16xi32> to vector<16xi32>
    %swap3A_1335 = vector.shape_cast %add3A_1329 : vector<16xi32> to vector<1x16xi32>
    tpu.vector_store %arg6[%swap3A_1331, %swap3A_1332], %swap3A_1335 {strides = array<i32>} : memref<26x128xi32, #tpu.memory_space<vmem>>, vector<1x16xi32>,
    %get3A_1336 = arith.constant 13 : i32
    %get3A_1337 = arith.index_cast %get3A_1336 : i32 to index
    %get3A_1338 = arith.constant 80 : index
    %get3A_1339 = tpu.vector_load %arg5[%get3A_1337, %get3A_1338] {strides = array<i32>} : memref<26x128xi32, #tpu.memory_space<vmem>>, vector<1x16xi32>,
    %get3A_1340 = vector.shape_cast %get3A_1339 : vector<1x16xi32> to vector<16xi32>
    %add3A_1341 = arith.addi %get3A_1340, %broadcast_in_dim3A_1275 : vector<16xi32>
    %swap3A_1342 = arith.constant 13 : i32
    %swap3A_1343 = arith.index_cast %swap3A_1342 : i32 to index
    %swap3A_1344 = arith.constant 80 : index
    %swap3A_1345 = tpu.vector_load %arg6[%swap3A_1343, %swap3A_1344] {strides = array<i32>} : memref<26x128xi32, #tpu.memory_space<vmem>>, vector<1x16xi32>,
    %swap3A_1346 = vector.shape_cast %swap3A_1345 : vector<1x16xi32> to vector<16xi32>
    %swap3A_1347 = vector.shape_cast %add3A_1341 : vector<16xi32> to vector<1x16xi32>
    tpu.vector_store %arg6[%swap3A_1343, %swap3A_1344], %swap3A_1347 {strides = array<i32>} : memref<26x128xi32, #tpu.memory_space<vmem>>, vector<1x16xi32>,
    %get3A_1348 = arith.constant 13 : i32
    %get3A_1349 = arith.index_cast %get3A_1348 : i32 to index
    %get3A_1350 = arith.constant 96 : index
    %get3A_1351 = tpu.vector_load %arg5[%get3A_1349, %get3A_1350] {strides = array<i32>} : memref<26x128xi32, #tpu.memory_space<vmem>>, vector<1x16xi32>,
    %get3A_1352 = vector.shape_cast %get3A_1351 : vector<1x16xi32> to vector<16xi32>
    %add3A_1353 = arith.addi %get3A_1352, %broadcast_in_dim3A_1275 : vector<16xi32>
    %swap3A_1354 = arith.constant 13 : i32
    %swap3A_1355 = arith.index_cast %swap3A_1354 : i32 to index
    %swap3A_1356 = arith.constant 96 : index
    %swap3A_1357 = tpu.vector_load %arg6[%swap3A_1355, %swap3A_1356] {strides = array<i32>} : memref<26x128xi32, #tpu.memory_space<vmem>>, vector<1x16xi32>,
    %swap3A_1358 = vector.shape_cast %swap3A_1357 : vector<1x16xi32> to vector<16xi32>
    %swap3A_1359 = vector.shape_cast %add3A_1353 : vector<16xi32> to vector<1x16xi32>
    tpu.vector_store %arg6[%swap3A_1355, %swap3A_1356], %swap3A_1359 {strides = array<i32>} : memref<26x128xi32, #tpu.memory_space<vmem>>, vector<1x16xi32>,
    %get3A_1360 = arith.constant 13 : i32
    %get3A_1361 = arith.index_cast %get3A_1360 : i32 to index
    %get3A_1362 = arith.constant 112 : index
    %get3A_1363 = tpu.vector_load %arg5[%get3A_1361, %get3A_1362] {strides = array<i32>} : memref<26x128xi32, #tpu.memory_space<vmem>>, vector<1x16xi32>,
    %get3A_1364 = vector.shape_cast %get3A_1363 : vector<1x16xi32> to vector<16xi32>
    %add3A_1365 = arith.addi %get3A_1364, %broadcast_in_dim3A_1275 : vector<16xi32>
    %swap3A_1366 = arith.constant 13 : i32
    %swap3A_1367 = arith.index_cast %swap3A_1366 : i32 to index
    %swap3A_1368 = arith.constant 112 : index
    %swap3A_1369 = tpu.vector_load %arg6[%swap3A_1367, %swap3A_1368] {strides = array<i32>} : memref<26x128xi32, #tpu.memory_space<vmem>>, vector<1x16xi32>,
    %swap3A_1370 = vector.shape_cast %swap3A_1369 : vector<1x16xi32> to vector<16xi32>
    %swap3A_1371 = vector.shape_cast %add3A_1365 : vector<16xi32> to vector<1x16xi32>
    tpu.vector_store %arg6[%swap3A_1367, %swap3A_1368], %swap3A_1371 {strides = array<i32>} : memref<26x128xi32, #tpu.memory_space<vmem>>, vector<1x16xi32>,
    %broadcast_in_dim3A_1372 = arith.constant 1400000 : i32
    %broadcast_in_dim3A_1373 = vector.broadcast %broadcast_in_dim3A_1372 : i32 to vector<16xi32>
    %get3A_1374 = arith.constant 14 : i32
    %get3A_1375 = arith.index_cast %get3A_1374 : i32 to index
    %get3A_1376 = arith.constant 0 : index
    %get3A_1377 = tpu.vector_load %arg5[%get3A_1375, %get3A_1376] {strides = array<i32>} : memref<26x128xi32, #tpu.memory_space<vmem>>, vector<1x16xi32>,
    %get3A_1378 = vector.shape_cast %get3A_1377 : vector<1x16xi32> to vector<16xi32>
    %add3A_1379 = arith.addi %get3A_1378, %broadcast_in_dim3A_1373 : vector<16xi32>
    %swap3A_1380 = arith.constant 14 : i32
    %swap3A_1381 = arith.index_cast %swap3A_1380 : i32 to index
    %swap3A_1382 = arith.constant 0 : index
    %swap3A_1383 = tpu.vector_load %arg6[%swap3A_1381, %swap3A_1382] {strides = array<i32>} : memref<26x128xi32, #tpu.memory_space<vmem>>, vector<1x16xi32>,
    %swap3A_1384 = vector.shape_cast %swap3A_1383 : vector<1x16xi32> to vector<16xi32>
    %swap3A_1385 = vector.shape_cast %add3A_1379 : vector<16xi32> to vector<1x16xi32>
    tpu.vector_store %arg6[%swap3A_1381, %swap3A_1382], %swap3A_1385 {strides = array<i32>} : memref<26x128xi32, #tpu.memory_space<vmem>>, vector<1x16xi32>,
    %get3A_1386 = arith.constant 14 : i32
    %get3A_1387 = arith.index_cast %get3A_1386 : i32 to index
    %get3A_1388 = arith.constant 16 : index
    %get3A_1389 = tpu.vector_load %arg5[%get3A_1387, %get3A_1388] {strides = array<i32>} : memref<26x128xi32, #tpu.memory_space<vmem>>, vector<1x16xi32>,
    %get3A_1390 = vector.shape_cast %get3A_1389 : vector<1x16xi32> to vector<16xi32>
    %add3A_1391 = arith.addi %get3A_1390, %broadcast_in_dim3A_1373 : vector<16xi32>
    %swap3A_1392 = arith.constant 14 : i32
    %swap3A_1393 = arith.index_cast %swap3A_1392 : i32 to index
    %swap3A_1394 = arith.constant 16 : index
    %swap3A_1395 = tpu.vector_load %arg6[%swap3A_1393, %swap3A_1394] {strides = array<i32>} : memref<26x128xi32, #tpu.memory_space<vmem>>, vector<1x16xi32>,
    %swap3A_1396 = vector.shape_cast %swap3A_1395 : vector<1x16xi32> to vector<16xi32>
    %swap3A_1397 = vector.shape_cast %add3A_1391 : vector<16xi32> to vector<1x16xi32>
    tpu.vector_store %arg6[%swap3A_1393, %swap3A_1394], %swap3A_1397 {strides = array<i32>} : memref<26x128xi32, #tpu.memory_space<vmem>>, vector<1x16xi32>,
    %get3A_1398 = arith.constant 14 : i32
    %get3A_1399 = arith.index_cast %get3A_1398 : i32 to index
    %get3A_1400 = arith.constant 32 : index
    %get3A_1401 = tpu.vector_load %arg5[%get3A_1399, %get3A_1400] {strides = array<i32>} : memref<26x128xi32, #tpu.memory_space<vmem>>, vector<1x16xi32>,
    %get3A_1402 = vector.shape_cast %get3A_1401 : vector<1x16xi32> to vector<16xi32>
    %add3A_1403 = arith.addi %get3A_1402, %broadcast_in_dim3A_1373 : vector<16xi32>
    %swap3A_1404 = arith.constant 14 : i32
    %swap3A_1405 = arith.index_cast %swap3A_1404 : i32 to index
    %swap3A_1406 = arith.constant 32 : index
    %swap3A_1407 = tpu.vector_load %arg6[%swap3A_1405, %swap3A_1406] {strides = array<i32>} : memref<26x128xi32, #tpu.memory_space<vmem>>, vector<1x16xi32>,
    %swap3A_1408 = vector.shape_cast %swap3A_1407 : vector<1x16xi32> to vector<16xi32>
    %swap3A_1409 = vector.shape_cast %add3A_1403 : vector<16xi32> to vector<1x16xi32>
    tpu.vector_store %arg6[%swap3A_1405, %swap3A_1406], %swap3A_1409 {strides = array<i32>} : memref<26x128xi32, #tpu.memory_space<vmem>>, vector<1x16xi32>,
    %get3A_1410 = arith.constant 14 : i32
    %get3A_1411 = arith.index_cast %get3A_1410 : i32 to index
    %get3A_1412 = arith.constant 48 : index
    %get3A_1413 = tpu.vector_load %arg5[%get3A_1411, %get3A_1412] {strides = array<i32>} : memref<26x128xi32, #tpu.memory_space<vmem>>, vector<1x16xi32>,
    %get3A_1414 = vector.shape_cast %get3A_1413 : vector<1x16xi32> to vector<16xi32>
    %add3A_1415 = arith.addi %get3A_1414, %broadcast_in_dim3A_1373 : vector<16xi32>
    %swap3A_1416 = arith.constant 14 : i32
    %swap3A_1417 = arith.index_cast %swap3A_1416 : i32 to index
    %swap3A_1418 = arith.constant 48 : index
    %swap3A_1419 = tpu.vector_load %arg6[%swap3A_1417, %swap3A_1418] {strides = array<i32>} : memref<26x128xi32, #tpu.memory_space<vmem>>, vector<1x16xi32>,
    %swap3A_1420 = vector.shape_cast %swap3A_1419 : vector<1x16xi32> to vector<16xi32>
    %swap3A_1421 = vector.shape_cast %add3A_1415 : vector<16xi32> to vector<1x16xi32>
    tpu.vector_store %arg6[%swap3A_1417, %swap3A_1418], %swap3A_1421 {strides = array<i32>} : memref<26x128xi32, #tpu.memory_space<vmem>>, vector<1x16xi32>,
    %get3A_1422 = arith.constant 14 : i32
    %get3A_1423 = arith.index_cast %get3A_1422 : i32 to index
    %get3A_1424 = arith.constant 64 : index
    %get3A_1425 = tpu.vector_load %arg5[%get3A_1423, %get3A_1424] {strides = array<i32>} : memref<26x128xi32, #tpu.memory_space<vmem>>, vector<1x16xi32>,
    %get3A_1426 = vector.shape_cast %get3A_1425 : vector<1x16xi32> to vector<16xi32>
    %add3A_1427 = arith.addi %get3A_1426, %broadcast_in_dim3A_1373 : vector<16xi32>
    %swap3A_1428 = arith.constant 14 : i32
    %swap3A_1429 = arith.index_cast %swap3A_1428 : i32 to index
    %swap3A_1430 = arith.constant 64 : index
    %swap3A_1431 = tpu.vector_load %arg6[%swap3A_1429, %swap3A_1430] {strides = array<i32>} : memref<26x128xi32, #tpu.memory_space<vmem>>, vector<1x16xi32>,
    %swap3A_1432 = vector.shape_cast %swap3A_1431 : vector<1x16xi32> to vector<16xi32>
    %swap3A_1433 = vector.shape_cast %add3A_1427 : vector<16xi32> to vector<1x16xi32>
    tpu.vector_store %arg6[%swap3A_1429, %swap3A_1430], %swap3A_1433 {strides = array<i32>} : memref<26x128xi32, #tpu.memory_space<vmem>>, vector<1x16xi32>,
    %get3A_1434 = arith.constant 14 : i32
    %get3A_1435 = arith.index_cast %get3A_1434 : i32 to index
    %get3A_1436 = arith.constant 80 : index
    %get3A_1437 = tpu.vector_load %arg5[%get3A_1435, %get3A_1436] {strides = array<i32>} : memref<26x128xi32, #tpu.memory_space<vmem>>, vector<1x16xi32>,
    %get3A_1438 = vector.shape_cast %get3A_1437 : vector<1x16xi32> to vector<16xi32>
    %add3A_1439 = arith.addi %get3A_1438, %broadcast_in_dim3A_1373 : vector<16xi32>
    %swap3A_1440 = arith.constant 14 : i32
    %swap3A_1441 = arith.index_cast %swap3A_1440 : i32 to index
    %swap3A_1442 = arith.constant 80 : index
    %swap3A_1443 = tpu.vector_load %arg6[%swap3A_1441, %swap3A_1442] {strides = array<i32>} : memref<26x128xi32, #tpu.memory_space<vmem>>, vector<1x16xi32>,
    %swap3A_1444 = vector.shape_cast %swap3A_1443 : vector<1x16xi32> to vector<16xi32>
    %swap3A_1445 = vector.shape_cast %add3A_1439 : vector<16xi32> to vector<1x16xi32>
    tpu.vector_store %arg6[%swap3A_1441, %swap3A_1442], %swap3A_1445 {strides = array<i32>} : memref<26x128xi32, #tpu.memory_space<vmem>>, vector<1x16xi32>,
    %get3A_1446 = arith.constant 14 : i32
    %get3A_1447 = arith.index_cast %get3A_1446 : i32 to index
    %get3A_1448 = arith.constant 96 : index
    %get3A_1449 = tpu.vector_load %arg5[%get3A_1447, %get3A_1448] {strides = array<i32>} : memref<26x128xi32, #tpu.memory_space<vmem>>, vector<1x16xi32>,
    %get3A_1450 = vector.shape_cast %get3A_1449 : vector<1x16xi32> to vector<16xi32>
    %add3A_1451 = arith.addi %get3A_1450, %broadcast_in_dim3A_1373 : vector<16xi32>
    %swap3A_1452 = arith.constant 14 : i32
    %swap3A_1453 = arith.index_cast %swap3A_1452 : i32 to index
    %swap3A_1454 = arith.constant 96 : index
    %swap3A_1455 = tpu.vector_load %arg6[%swap3A_1453, %swap3A_1454] {strides = array<i32>} : memref<26x128xi32, #tpu.memory_space<vmem>>, vector<1x16xi32>,
    %swap3A_1456 = vector.shape_cast %swap3A_1455 : vector<1x16xi32> to vector<16xi32>
    %swap3A_1457 = vector.shape_cast %add3A_1451 : vector<16xi32> to vector<1x16xi32>
    tpu.vector_store %arg6[%swap3A_1453, %swap3A_1454], %swap3A_1457 {strides = array<i32>} : memref<26x128xi32, #tpu.memory_space<vmem>>, vector<1x16xi32>,
    %get3A_1458 = arith.constant 14 : i32
    %get3A_1459 = arith.index_cast %get3A_1458 : i32 to index
    %get3A_1460 = arith.constant 112 : index
    %get3A_1461 = tpu.vector_load %arg5[%get3A_1459, %get3A_1460] {strides = array<i32>} : memref<26x128xi32, #tpu.memory_space<vmem>>, vector<1x16xi32>,
    %get3A_1462 = vector.shape_cast %get3A_1461 : vector<1x16xi32> to vector<16xi32>
    %add3A_1463 = arith.addi %get3A_1462, %broadcast_in_dim3A_1373 : vector<16xi32>
    %swap3A_1464 = arith.constant 14 : i32
    %swap3A_1465 = arith.index_cast %swap3A_1464 : i32 to index
    %swap3A_1466 = arith.constant 112 : index
    %swap3A_1467 = tpu.vector_load %arg6[%swap3A_1465, %swap3A_1466] {strides = array<i32>} : memref<26x128xi32, #tpu.memory_space<vmem>>, vector<1x16xi32>,
    %swap3A_1468 = vector.shape_cast %swap3A_1467 : vector<1x16xi32> to vector<16xi32>
    %swap3A_1469 = vector.shape_cast %add3A_1463 : vector<16xi32> to vector<1x16xi32>
    tpu.vector_store %arg6[%swap3A_1465, %swap3A_1466], %swap3A_1469 {strides = array<i32>} : memref<26x128xi32, #tpu.memory_space<vmem>>, vector<1x16xi32>,
    %broadcast_in_dim3A_1470 = arith.constant 1500000 : i32
    %broadcast_in_dim3A_1471 = vector.broadcast %broadcast_in_dim3A_1470 : i32 to vector<16xi32>
    %get3A_1472 = arith.constant 15 : i32
    %get3A_1473 = arith.index_cast %get3A_1472 : i32 to index
    %get3A_1474 = arith.constant 0 : index
    %get3A_1475 = tpu.vector_load %arg5[%get3A_1473, %get3A_1474] {strides = array<i32>} : memref<26x128xi32, #tpu.memory_space<vmem>>, vector<1x16xi32>,
    %get3A_1476 = vector.shape_cast %get3A_1475 : vector<1x16xi32> to vector<16xi32>
    %add3A_1477 = arith.addi %get3A_1476, %broadcast_in_dim3A_1471 : vector<16xi32>
    %swap3A_1478 = arith.constant 15 : i32
    %swap3A_1479 = arith.index_cast %swap3A_1478 : i32 to index
    %swap3A_1480 = arith.constant 0 : index
    %swap3A_1481 = tpu.vector_load %arg6[%swap3A_1479, %swap3A_1480] {strides = array<i32>} : memref<26x128xi32, #tpu.memory_space<vmem>>, vector<1x16xi32>,
    %swap3A_1482 = vector.shape_cast %swap3A_1481 : vector<1x16xi32> to vector<16xi32>
    %swap3A_1483 = vector.shape_cast %add3A_1477 : vector<16xi32> to vector<1x16xi32>
    tpu.vector_store %arg6[%swap3A_1479, %swap3A_1480], %swap3A_1483 {strides = array<i32>} : memref<26x128xi32, #tpu.memory_space<vmem>>, vector<1x16xi32>,
    %get3A_1484 = arith.constant 15 : i32
    %get3A_1485 = arith.index_cast %get3A_1484 : i32 to index
    %get3A_1486 = arith.constant 16 : index
    %get3A_1487 = tpu.vector_load %arg5[%get3A_1485, %get3A_1486] {strides = array<i32>} : memref<26x128xi32, #tpu.memory_space<vmem>>, vector<1x16xi32>,
    %get3A_1488 = vector.shape_cast %get3A_1487 : vector<1x16xi32> to vector<16xi32>
    %add3A_1489 = arith.addi %get3A_1488, %broadcast_in_dim3A_1471 : vector<16xi32>
    %swap3A_1490 = arith.constant 15 : i32
    %swap3A_1491 = arith.index_cast %swap3A_1490 : i32 to index
    %swap3A_1492 = arith.constant 16 : index
    %swap3A_1493 = tpu.vector_load %arg6[%swap3A_1491, %swap3A_1492] {strides = array<i32>} : memref<26x128xi32, #tpu.memory_space<vmem>>, vector<1x16xi32>,
    %swap3A_1494 = vector.shape_cast %swap3A_1493 : vector<1x16xi32> to vector<16xi32>
    %swap3A_1495 = vector.shape_cast %add3A_1489 : vector<16xi32> to vector<1x16xi32>
    tpu.vector_store %arg6[%swap3A_1491, %swap3A_1492], %swap3A_1495 {strides = array<i32>} : memref<26x128xi32, #tpu.memory_space<vmem>>, vector<1x16xi32>,
    %get3A_1496 = arith.constant 15 : i32
    %get3A_1497 = arith.index_cast %get3A_1496 : i32 to index
    %get3A_1498 = arith.constant 32 : index
    %get3A_1499 = tpu.vector_load %arg5[%get3A_1497, %get3A_1498] {strides = array<i32>} : memref<26x128xi32, #tpu.memory_space<vmem>>, vector<1x16xi32>,
    %get3A_1500 = vector.shape_cast %get3A_1499 : vector<1x16xi32> to vector<16xi32>
    %add3A_1501 = arith.addi %get3A_1500, %broadcast_in_dim3A_1471 : vector<16xi32>
    %swap3A_1502 = arith.constant 15 : i32
    %swap3A_1503 = arith.index_cast %swap3A_1502 : i32 to index
    %swap3A_1504 = arith.constant 32 : index
    %swap3A_1505 = tpu.vector_load %arg6[%swap3A_1503, %swap3A_1504] {strides = array<i32>} : memref<26x128xi32, #tpu.memory_space<vmem>>, vector<1x16xi32>,
    %swap3A_1506 = vector.shape_cast %swap3A_1505 : vector<1x16xi32> to vector<16xi32>
    %swap3A_1507 = vector.shape_cast %add3A_1501 : vector<16xi32> to vector<1x16xi32>
    tpu.vector_store %arg6[%swap3A_1503, %swap3A_1504], %swap3A_1507 {strides = array<i32>} : memref<26x128xi32, #tpu.memory_space<vmem>>, vector<1x16xi32>,
    %get3A_1508 = arith.constant 15 : i32
    %get3A_1509 = arith.index_cast %get3A_1508 : i32 to index
    %get3A_1510 = arith.constant 48 : index
    %get3A_1511 = tpu.vector_load %arg5[%get3A_1509, %get3A_1510] {strides = array<i32>} : memref<26x128xi32, #tpu.memory_space<vmem>>, vector<1x16xi32>,
    %get3A_1512 = vector.shape_cast %get3A_1511 : vector<1x16xi32> to vector<16xi32>
    %add3A_1513 = arith.addi %get3A_1512, %broadcast_in_dim3A_1471 : vector<16xi32>
    %swap3A_1514 = arith.constant 15 : i32
    %swap3A_1515 = arith.index_cast %swap3A_1514 : i32 to index
    %swap3A_1516 = arith.constant 48 : index
    %swap3A_1517 = tpu.vector_load %arg6[%swap3A_1515, %swap3A_1516] {strides = array<i32>} : memref<26x128xi32, #tpu.memory_space<vmem>>, vector<1x16xi32>,
    %swap3A_1518 = vector.shape_cast %swap3A_1517 : vector<1x16xi32> to vector<16xi32>
    %swap3A_1519 = vector.shape_cast %add3A_1513 : vector<16xi32> to vector<1x16xi32>
    tpu.vector_store %arg6[%swap3A_1515, %swap3A_1516], %swap3A_1519 {strides = array<i32>} : memref<26x128xi32, #tpu.memory_space<vmem>>, vector<1x16xi32>,
    %get3A_1520 = arith.constant 15 : i32
    %get3A_1521 = arith.index_cast %get3A_1520 : i32 to index
    %get3A_1522 = arith.constant 64 : index
    %get3A_1523 = tpu.vector_load %arg5[%get3A_1521, %get3A_1522] {strides = array<i32>} : memref<26x128xi32, #tpu.memory_space<vmem>>, vector<1x16xi32>,
    %get3A_1524 = vector.shape_cast %get3A_1523 : vector<1x16xi32> to vector<16xi32>
    %add3A_1525 = arith.addi %get3A_1524, %broadcast_in_dim3A_1471 : vector<16xi32>
    %swap3A_1526 = arith.constant 15 : i32
    %swap3A_1527 = arith.index_cast %swap3A_1526 : i32 to index
    %swap3A_1528 = arith.constant 64 : index
    %swap3A_1529 = tpu.vector_load %arg6[%swap3A_1527, %swap3A_1528] {strides = array<i32>} : memref<26x128xi32, #tpu.memory_space<vmem>>, vector<1x16xi32>,
    %swap3A_1530 = vector.shape_cast %swap3A_1529 : vector<1x16xi32> to vector<16xi32>
    %swap3A_1531 = vector.shape_cast %add3A_1525 : vector<16xi32> to vector<1x16xi32>
    tpu.vector_store %arg6[%swap3A_1527, %swap3A_1528], %swap3A_1531 {strides = array<i32>} : memref<26x128xi32, #tpu.memory_space<vmem>>, vector<1x16xi32>,
    %get3A_1532 = arith.constant 15 : i32
    %get3A_1533 = arith.index_cast %get3A_1532 : i32 to index
    %get3A_1534 = arith.constant 80 : index
    %get3A_1535 = tpu.vector_load %arg5[%get3A_1533, %get3A_1534] {strides = array<i32>} : memref<26x128xi32, #tpu.memory_space<vmem>>, vector<1x16xi32>,
    %get3A_1536 = vector.shape_cast %get3A_1535 : vector<1x16xi32> to vector<16xi32>
    %add3A_1537 = arith.addi %get3A_1536, %broadcast_in_dim3A_1471 : vector<16xi32>
    %swap3A_1538 = arith.constant 15 : i32
    %swap3A_1539 = arith.index_cast %swap3A_1538 : i32 to index
    %swap3A_1540 = arith.constant 80 : index
    %swap3A_1541 = tpu.vector_load %arg6[%swap3A_1539, %swap3A_1540] {strides = array<i32>} : memref<26x128xi32, #tpu.memory_space<vmem>>, vector<1x16xi32>,
    %swap3A_1542 = vector.shape_cast %swap3A_1541 : vector<1x16xi32> to vector<16xi32>
    %swap3A_1543 = vector.shape_cast %add3A_1537 : vector<16xi32> to vector<1x16xi32>
    tpu.vector_store %arg6[%swap3A_1539, %swap3A_1540], %swap3A_1543 {strides = array<i32>} : memref<26x128xi32, #tpu.memory_space<vmem>>, vector<1x16xi32>,
    %get3A_1544 = arith.constant 15 : i32
    %get3A_1545 = arith.index_cast %get3A_1544 : i32 to index
    %get3A_1546 = arith.constant 96 : index
    %get3A_1547 = tpu.vector_load %arg5[%get3A_1545, %get3A_1546] {strides = array<i32>} : memref<26x128xi32, #tpu.memory_space<vmem>>, vector<1x16xi32>,
    %get3A_1548 = vector.shape_cast %get3A_1547 : vector<1x16xi32> to vector<16xi32>
    %add3A_1549 = arith.addi %get3A_1548, %broadcast_in_dim3A_1471 : vector<16xi32>
    %swap3A_1550 = arith.constant 15 : i32
    %swap3A_1551 = arith.index_cast %swap3A_1550 : i32 to index
    %swap3A_1552 = arith.constant 96 : index
    %swap3A_1553 = tpu.vector_load %arg6[%swap3A_1551, %swap3A_1552] {strides = array<i32>} : memref<26x128xi32, #tpu.memory_space<vmem>>, vector<1x16xi32>,
    %swap3A_1554 = vector.shape_cast %swap3A_1553 : vector<1x16xi32> to vector<16xi32>
    %swap3A_1555 = vector.shape_cast %add3A_1549 : vector<16xi32> to vector<1x16xi32>
    tpu.vector_store %arg6[%swap3A_1551, %swap3A_1552], %swap3A_1555 {strides = array<i32>} : memref<26x128xi32, #tpu.memory_space<vmem>>, vector<1x16xi32>,
    %get3A_1556 = arith.constant 15 : i32
    %get3A_1557 = arith.index_cast %get3A_1556 : i32 to index
    %get3A_1558 = arith.constant 112 : index
    %get3A_1559 = tpu.vector_load %arg5[%get3A_1557, %get3A_1558] {strides = array<i32>} : memref<26x128xi32, #tpu.memory_space<vmem>>, vector<1x16xi32>,
    %get3A_1560 = vector.shape_cast %get3A_1559 : vector<1x16xi32> to vector<16xi32>
    %add3A_1561 = arith.addi %get3A_1560, %broadcast_in_dim3A_1471 : vector<16xi32>
    %swap3A_1562 = arith.constant 15 : i32
    %swap3A_1563 = arith.index_cast %swap3A_1562 : i32 to index
    %swap3A_1564 = arith.constant 112 : index
    %swap3A_1565 = tpu.vector_load %arg6[%swap3A_1563, %swap3A_1564] {strides = array<i32>} : memref<26x128xi32, #tpu.memory_space<vmem>>, vector<1x16xi32>,
    %swap3A_1566 = vector.shape_cast %swap3A_1565 : vector<1x16xi32> to vector<16xi32>
    %swap3A_1567 = vector.shape_cast %add3A_1561 : vector<16xi32> to vector<1x16xi32>
    tpu.vector_store %arg6[%swap3A_1563, %swap3A_1564], %swap3A_1567 {strides = array<i32>} : memref<26x128xi32, #tpu.memory_space<vmem>>, vector<1x16xi32>,
    %broadcast_in_dim3A_1568 = arith.constant 1600000 : i32
    %broadcast_in_dim3A_1569 = vector.broadcast %broadcast_in_dim3A_1568 : i32 to vector<16xi32>
    %get3A_1570 = arith.constant 16 : i32
    %get3A_1571 = arith.index_cast %get3A_1570 : i32 to index
    %get3A_1572 = arith.constant 0 : index
    %get3A_1573 = tpu.vector_load %arg5[%get3A_1571, %get3A_1572] {strides = array<i32>} : memref<26x128xi32, #tpu.memory_space<vmem>>, vector<1x16xi32>,
    %get3A_1574 = vector.shape_cast %get3A_1573 : vector<1x16xi32> to vector<16xi32>
    %add3A_1575 = arith.addi %get3A_1574, %broadcast_in_dim3A_1569 : vector<16xi32>
    %swap3A_1576 = arith.constant 16 : i32
    %swap3A_1577 = arith.index_cast %swap3A_1576 : i32 to index
    %swap3A_1578 = arith.constant 0 : index
    %swap3A_1579 = tpu.vector_load %arg6[%swap3A_1577, %swap3A_1578] {strides = array<i32>} : memref<26x128xi32, #tpu.memory_space<vmem>>, vector<1x16xi32>,
    %swap3A_1580 = vector.shape_cast %swap3A_1579 : vector<1x16xi32> to vector<16xi32>
    %swap3A_1581 = vector.shape_cast %add3A_1575 : vector<16xi32> to vector<1x16xi32>
    tpu.vector_store %arg6[%swap3A_1577, %swap3A_1578], %swap3A_1581 {strides = array<i32>} : memref<26x128xi32, #tpu.memory_space<vmem>>, vector<1x16xi32>,
    %get3A_1582 = arith.constant 16 : i32
    %get3A_1583 = arith.index_cast %get3A_1582 : i32 to index
    %get3A_1584 = arith.constant 16 : index
    %get3A_1585 = tpu.vector_load %arg5[%get3A_1583, %get3A_1584] {strides = array<i32>} : memref<26x128xi32, #tpu.memory_space<vmem>>, vector<1x16xi32>,
    %get3A_1586 = vector.shape_cast %get3A_1585 : vector<1x16xi32> to vector<16xi32>
    %add3A_1587 = arith.addi %get3A_1586, %broadcast_in_dim3A_1569 : vector<16xi32>
    %swap3A_1588 = arith.constant 16 : i32
    %swap3A_1589 = arith.index_cast %swap3A_1588 : i32 to index
    %swap3A_1590 = arith.constant 16 : index
    %swap3A_1591 = tpu.vector_load %arg6[%swap3A_1589, %swap3A_1590] {strides = array<i32>} : memref<26x128xi32, #tpu.memory_space<vmem>>, vector<1x16xi32>,
    %swap3A_1592 = vector.shape_cast %swap3A_1591 : vector<1x16xi32> to vector<16xi32>
    %swap3A_1593 = vector.shape_cast %add3A_1587 : vector<16xi32> to vector<1x16xi32>
    tpu.vector_store %arg6[%swap3A_1589, %swap3A_1590], %swap3A_1593 {strides = array<i32>} : memref<26x128xi32, #tpu.memory_space<vmem>>, vector<1x16xi32>,
    %get3A_1594 = arith.constant 16 : i32
    %get3A_1595 = arith.index_cast %get3A_1594 : i32 to index
    %get3A_1596 = arith.constant 32 : index
    %get3A_1597 = tpu.vector_load %arg5[%get3A_1595, %get3A_1596] {strides = array<i32>} : memref<26x128xi32, #tpu.memory_space<vmem>>, vector<1x16xi32>,
    %get3A_1598 = vector.shape_cast %get3A_1597 : vector<1x16xi32> to vector<16xi32>
    %add3A_1599 = arith.addi %get3A_1598, %broadcast_in_dim3A_1569 : vector<16xi32>
    %swap3A_1600 = arith.constant 16 : i32
    %swap3A_1601 = arith.index_cast %swap3A_1600 : i32 to index
    %swap3A_1602 = arith.constant 32 : index
    %swap3A_1603 = tpu.vector_load %arg6[%swap3A_1601, %swap3A_1602] {strides = array<i32>} : memref<26x128xi32, #tpu.memory_space<vmem>>, vector<1x16xi32>,
    %swap3A_1604 = vector.shape_cast %swap3A_1603 : vector<1x16xi32> to vector<16xi32>
    %swap3A_1605 = vector.shape_cast %add3A_1599 : vector<16xi32> to vector<1x16xi32>
    tpu.vector_store %arg6[%swap3A_1601, %swap3A_1602], %swap3A_1605 {strides = array<i32>} : memref<26x128xi32, #tpu.memory_space<vmem>>, vector<1x16xi32>,
    %get3A_1606 = arith.constant 16 : i32
    %get3A_1607 = arith.index_cast %get3A_1606 : i32 to index
    %get3A_1608 = arith.constant 48 : index
    %get3A_1609 = tpu.vector_load %arg5[%get3A_1607, %get3A_1608] {strides = array<i32>} : memref<26x128xi32, #tpu.memory_space<vmem>>, vector<1x16xi32>,
    %get3A_1610 = vector.shape_cast %get3A_1609 : vector<1x16xi32> to vector<16xi32>
    %add3A_1611 = arith.addi %get3A_1610, %broadcast_in_dim3A_1569 : vector<16xi32>
    %swap3A_1612 = arith.constant 16 : i32
    %swap3A_1613 = arith.index_cast %swap3A_1612 : i32 to index
    %swap3A_1614 = arith.constant 48 : index
    %swap3A_1615 = tpu.vector_load %arg6[%swap3A_1613, %swap3A_1614] {strides = array<i32>} : memref<26x128xi32, #tpu.memory_space<vmem>>, vector<1x16xi32>,
    %swap3A_1616 = vector.shape_cast %swap3A_1615 : vector<1x16xi32> to vector<16xi32>
    %swap3A_1617 = vector.shape_cast %add3A_1611 : vector<16xi32> to vector<1x16xi32>
    tpu.vector_store %arg6[%swap3A_1613, %swap3A_1614], %swap3A_1617 {strides = array<i32>} : memref<26x128xi32, #tpu.memory_space<vmem>>, vector<1x16xi32>,
    %get3A_1618 = arith.constant 16 : i32
    %get3A_1619 = arith.index_cast %get3A_1618 : i32 to index
    %get3A_1620 = arith.constant 64 : index
    %get3A_1621 = tpu.vector_load %arg5[%get3A_1619, %get3A_1620] {strides = array<i32>} : memref<26x128xi32, #tpu.memory_space<vmem>>, vector<1x16xi32>,
    %get3A_1622 = vector.shape_cast %get3A_1621 : vector<1x16xi32> to vector<16xi32>
    %add3A_1623 = arith.addi %get3A_1622, %broadcast_in_dim3A_1569 : vector<16xi32>
    %swap3A_1624 = arith.constant 16 : i32
    %swap3A_1625 = arith.index_cast %swap3A_1624 : i32 to index
    %swap3A_1626 = arith.constant 64 : index
    %swap3A_1627 = tpu.vector_load %arg6[%swap3A_1625, %swap3A_1626] {strides = array<i32>} : memref<26x128xi32, #tpu.memory_space<vmem>>, vector<1x16xi32>,
    %swap3A_1628 = vector.shape_cast %swap3A_1627 : vector<1x16xi32> to vector<16xi32>
    %swap3A_1629 = vector.shape_cast %add3A_1623 : vector<16xi32> to vector<1x16xi32>
    tpu.vector_store %arg6[%swap3A_1625, %swap3A_1626], %swap3A_1629 {strides = array<i32>} : memref<26x128xi32, #tpu.memory_space<vmem>>, vector<1x16xi32>,
    %get3A_1630 = arith.constant 16 : i32
    %get3A_1631 = arith.index_cast %get3A_1630 : i32 to index
    %get3A_1632 = arith.constant 80 : index
    %get3A_1633 = tpu.vector_load %arg5[%get3A_1631, %get3A_1632] {strides = array<i32>} : memref<26x128xi32, #tpu.memory_space<vmem>>, vector<1x16xi32>,
    %get3A_1634 = vector.shape_cast %get3A_1633 : vector<1x16xi32> to vector<16xi32>
    %add3A_1635 = arith.addi %get3A_1634, %broadcast_in_dim3A_1569 : vector<16xi32>
    %swap3A_1636 = arith.constant 16 : i32
    %swap3A_1637 = arith.index_cast %swap3A_1636 : i32 to index
    %swap3A_1638 = arith.constant 80 : index
    %swap3A_1639 = tpu.vector_load %arg6[%swap3A_1637, %swap3A_1638] {strides = array<i32>} : memref<26x128xi32, #tpu.memory_space<vmem>>, vector<1x16xi32>,
    %swap3A_1640 = vector.shape_cast %swap3A_1639 : vector<1x16xi32> to vector<16xi32>
    %swap3A_1641 = vector.shape_cast %add3A_1635 : vector<16xi32> to vector<1x16xi32>
    tpu.vector_store %arg6[%swap3A_1637, %swap3A_1638], %swap3A_1641 {strides = array<i32>} : memref<26x128xi32, #tpu.memory_space<vmem>>, vector<1x16xi32>,
    %get3A_1642 = arith.constant 16 : i32
    %get3A_1643 = arith.index_cast %get3A_1642 : i32 to index
    %get3A_1644 = arith.constant 96 : index
    %get3A_1645 = tpu.vector_load %arg5[%get3A_1643, %get3A_1644] {strides = array<i32>} : memref<26x128xi32, #tpu.memory_space<vmem>>, vector<1x16xi32>,
    %get3A_1646 = vector.shape_cast %get3A_1645 : vector<1x16xi32> to vector<16xi32>
    %add3A_1647 = arith.addi %get3A_1646, %broadcast_in_dim3A_1569 : vector<16xi32>
    %swap3A_1648 = arith.constant 16 : i32
    %swap3A_1649 = arith.index_cast %swap3A_1648 : i32 to index
    %swap3A_1650 = arith.constant 96 : index
    %swap3A_1651 = tpu.vector_load %arg6[%swap3A_1649, %swap3A_1650] {strides = array<i32>} : memref<26x128xi32, #tpu.memory_space<vmem>>, vector<1x16xi32>,
    %swap3A_1652 = vector.shape_cast %swap3A_1651 : vector<1x16xi32> to vector<16xi32>
    %swap3A_1653 = vector.shape_cast %add3A_1647 : vector<16xi32> to vector<1x16xi32>
    tpu.vector_store %arg6[%swap3A_1649, %swap3A_1650], %swap3A_1653 {strides = array<i32>} : memref<26x128xi32, #tpu.memory_space<vmem>>, vector<1x16xi32>,
    %get3A_1654 = arith.constant 16 : i32
    %get3A_1655 = arith.index_cast %get3A_1654 : i32 to index
    %get3A_1656 = arith.constant 112 : index
    %get3A_1657 = tpu.vector_load %arg5[%get3A_1655, %get3A_1656] {strides = array<i32>} : memref<26x128xi32, #tpu.memory_space<vmem>>, vector<1x16xi32>,
    %get3A_1658 = vector.shape_cast %get3A_1657 : vector<1x16xi32> to vector<16xi32>
    %add3A_1659 = arith.addi %get3A_1658, %broadcast_in_dim3A_1569 : vector<16xi32>
    %swap3A_1660 = arith.constant 16 : i32
    %swap3A_1661 = arith.index_cast %swap3A_1660 : i32 to index
    %swap3A_1662 = arith.constant 112 : index
    %swap3A_1663 = tpu.vector_load %arg6[%swap3A_1661, %swap3A_1662] {strides = array<i32>} : memref<26x128xi32, #tpu.memory_space<vmem>>, vector<1x16xi32>,
    %swap3A_1664 = vector.shape_cast %swap3A_1663 : vector<1x16xi32> to vector<16xi32>
    %swap3A_1665 = vector.shape_cast %add3A_1659 : vector<16xi32> to vector<1x16xi32>
    tpu.vector_store %arg6[%swap3A_1661, %swap3A_1662], %swap3A_1665 {strides = array<i32>} : memref<26x128xi32, #tpu.memory_space<vmem>>, vector<1x16xi32>,
    %broadcast_in_dim3A_1666 = arith.constant 1700000 : i32
    %broadcast_in_dim3A_1667 = vector.broadcast %broadcast_in_dim3A_1666 : i32 to vector<16xi32>
    %get3A_1668 = arith.constant 17 : i32
    %get3A_1669 = arith.index_cast %get3A_1668 : i32 to index
    %get3A_1670 = arith.constant 0 : index
    %get3A_1671 = tpu.vector_load %arg5[%get3A_1669, %get3A_1670] {strides = array<i32>} : memref<26x128xi32, #tpu.memory_space<vmem>>, vector<1x16xi32>,
    %get3A_1672 = vector.shape_cast %get3A_1671 : vector<1x16xi32> to vector<16xi32>
    %add3A_1673 = arith.addi %get3A_1672, %broadcast_in_dim3A_1667 : vector<16xi32>
    %swap3A_1674 = arith.constant 17 : i32
    %swap3A_1675 = arith.index_cast %swap3A_1674 : i32 to index
    %swap3A_1676 = arith.constant 0 : index
    %swap3A_1677 = tpu.vector_load %arg6[%swap3A_1675, %swap3A_1676] {strides = array<i32>} : memref<26x128xi32, #tpu.memory_space<vmem>>, vector<1x16xi32>,
    %swap3A_1678 = vector.shape_cast %swap3A_1677 : vector<1x16xi32> to vector<16xi32>
    %swap3A_1679 = vector.shape_cast %add3A_1673 : vector<16xi32> to vector<1x16xi32>
    tpu.vector_store %arg6[%swap3A_1675, %swap3A_1676], %swap3A_1679 {strides = array<i32>} : memref<26x128xi32, #tpu.memory_space<vmem>>, vector<1x16xi32>,
    %get3A_1680 = arith.constant 17 : i32
    %get3A_1681 = arith.index_cast %get3A_1680 : i32 to index
    %get3A_1682 = arith.constant 16 : index
    %get3A_1683 = tpu.vector_load %arg5[%get3A_1681, %get3A_1682] {strides = array<i32>} : memref<26x128xi32, #tpu.memory_space<vmem>>, vector<1x16xi32>,
    %get3A_1684 = vector.shape_cast %get3A_1683 : vector<1x16xi32> to vector<16xi32>
    %add3A_1685 = arith.addi %get3A_1684, %broadcast_in_dim3A_1667 : vector<16xi32>
    %swap3A_1686 = arith.constant 17 : i32
    %swap3A_1687 = arith.index_cast %swap3A_1686 : i32 to index
    %swap3A_1688 = arith.constant 16 : index
    %swap3A_1689 = tpu.vector_load %arg6[%swap3A_1687, %swap3A_1688] {strides = array<i32>} : memref<26x128xi32, #tpu.memory_space<vmem>>, vector<1x16xi32>,
    %swap3A_1690 = vector.shape_cast %swap3A_1689 : vector<1x16xi32> to vector<16xi32>
    %swap3A_1691 = vector.shape_cast %add3A_1685 : vector<16xi32> to vector<1x16xi32>
    tpu.vector_store %arg6[%swap3A_1687, %swap3A_1688], %swap3A_1691 {strides = array<i32>} : memref<26x128xi32, #tpu.memory_space<vmem>>, vector<1x16xi32>,
    %get3A_1692 = arith.constant 17 : i32
    %get3A_1693 = arith.index_cast %get3A_1692 : i32 to index
    %get3A_1694 = arith.constant 32 : index
    %get3A_1695 = tpu.vector_load %arg5[%get3A_1693, %get3A_1694] {strides = array<i32>} : memref<26x128xi32, #tpu.memory_space<vmem>>, vector<1x16xi32>,
    %get3A_1696 = vector.shape_cast %get3A_1695 : vector<1x16xi32> to vector<16xi32>
    %add3A_1697 = arith.addi %get3A_1696, %broadcast_in_dim3A_1667 : vector<16xi32>
    %swap3A_1698 = arith.constant 17 : i32
    %swap3A_1699 = arith.index_cast %swap3A_1698 : i32 to index
    %swap3A_1700 = arith.constant 32 : index
    %swap3A_1701 = tpu.vector_load %arg6[%swap3A_1699, %swap3A_1700] {strides = array<i32>} : memref<26x128xi32, #tpu.memory_space<vmem>>, vector<1x16xi32>,
    %swap3A_1702 = vector.shape_cast %swap3A_1701 : vector<1x16xi32> to vector<16xi32>
    %swap3A_1703 = vector.shape_cast %add3A_1697 : vector<16xi32> to vector<1x16xi32>
    tpu.vector_store %arg6[%swap3A_1699, %swap3A_1700], %swap3A_1703 {strides = array<i32>} : memref<26x128xi32, #tpu.memory_space<vmem>>, vector<1x16xi32>,
    %get3A_1704 = arith.constant 17 : i32
    %get3A_1705 = arith.index_cast %get3A_1704 : i32 to index
    %get3A_1706 = arith.constant 48 : index
    %get3A_1707 = tpu.vector_load %arg5[%get3A_1705, %get3A_1706] {strides = array<i32>} : memref<26x128xi32, #tpu.memory_space<vmem>>, vector<1x16xi32>,
    %get3A_1708 = vector.shape_cast %get3A_1707 : vector<1x16xi32> to vector<16xi32>
    %add3A_1709 = arith.addi %get3A_1708, %broadcast_in_dim3A_1667 : vector<16xi32>
    %swap3A_1710 = arith.constant 17 : i32
    %swap3A_1711 = arith.index_cast %swap3A_1710 : i32 to index
    %swap3A_1712 = arith.constant 48 : index
    %swap3A_1713 = tpu.vector_load %arg6[%swap3A_1711, %swap3A_1712] {strides = array<i32>} : memref<26x128xi32, #tpu.memory_space<vmem>>, vector<1x16xi32>,
    %swap3A_1714 = vector.shape_cast %swap3A_1713 : vector<1x16xi32> to vector<16xi32>
    %swap3A_1715 = vector.shape_cast %add3A_1709 : vector<16xi32> to vector<1x16xi32>
    tpu.vector_store %arg6[%swap3A_1711, %swap3A_1712], %swap3A_1715 {strides = array<i32>} : memref<26x128xi32, #tpu.memory_space<vmem>>, vector<1x16xi32>,
    %get3A_1716 = arith.constant 17 : i32
    %get3A_1717 = arith.index_cast %get3A_1716 : i32 to index
    %get3A_1718 = arith.constant 64 : index
    %get3A_1719 = tpu.vector_load %arg5[%get3A_1717, %get3A_1718] {strides = array<i32>} : memref<26x128xi32, #tpu.memory_space<vmem>>, vector<1x16xi32>,
    %get3A_1720 = vector.shape_cast %get3A_1719 : vector<1x16xi32> to vector<16xi32>
    %add3A_1721 = arith.addi %get3A_1720, %broadcast_in_dim3A_1667 : vector<16xi32>
    %swap3A_1722 = arith.constant 17 : i32
    %swap3A_1723 = arith.index_cast %swap3A_1722 : i32 to index
    %swap3A_1724 = arith.constant 64 : index
    %swap3A_1725 = tpu.vector_load %arg6[%swap3A_1723, %swap3A_1724] {strides = array<i32>} : memref<26x128xi32, #tpu.memory_space<vmem>>, vector<1x16xi32>,
    %swap3A_1726 = vector.shape_cast %swap3A_1725 : vector<1x16xi32> to vector<16xi32>
    %swap3A_1727 = vector.shape_cast %add3A_1721 : vector<16xi32> to vector<1x16xi32>
    tpu.vector_store %arg6[%swap3A_1723, %swap3A_1724], %swap3A_1727 {strides = array<i32>} : memref<26x128xi32, #tpu.memory_space<vmem>>, vector<1x16xi32>,
    %get3A_1728 = arith.constant 17 : i32
    %get3A_1729 = arith.index_cast %get3A_1728 : i32 to index
    %get3A_1730 = arith.constant 80 : index
    %get3A_1731 = tpu.vector_load %arg5[%get3A_1729, %get3A_1730] {strides = array<i32>} : memref<26x128xi32, #tpu.memory_space<vmem>>, vector<1x16xi32>,
    %get3A_1732 = vector.shape_cast %get3A_1731 : vector<1x16xi32> to vector<16xi32>
    %add3A_1733 = arith.addi %get3A_1732, %broadcast_in_dim3A_1667 : vector<16xi32>
    %swap3A_1734 = arith.constant 17 : i32
    %swap3A_1735 = arith.index_cast %swap3A_1734 : i32 to index
    %swap3A_1736 = arith.constant 80 : index
    %swap3A_1737 = tpu.vector_load %arg6[%swap3A_1735, %swap3A_1736] {strides = array<i32>} : memref<26x128xi32, #tpu.memory_space<vmem>>, vector<1x16xi32>,
    %swap3A_1738 = vector.shape_cast %swap3A_1737 : vector<1x16xi32> to vector<16xi32>
    %swap3A_1739 = vector.shape_cast %add3A_1733 : vector<16xi32> to vector<1x16xi32>
    tpu.vector_store %arg6[%swap3A_1735, %swap3A_1736], %swap3A_1739 {strides = array<i32>} : memref<26x128xi32, #tpu.memory_space<vmem>>, vector<1x16xi32>,
    %get3A_1740 = arith.constant 17 : i32
    %get3A_1741 = arith.index_cast %get3A_1740 : i32 to index
    %get3A_1742 = arith.constant 96 : index
    %get3A_1743 = tpu.vector_load %arg5[%get3A_1741, %get3A_1742] {strides = array<i32>} : memref<26x128xi32, #tpu.memory_space<vmem>>, vector<1x16xi32>,
    %get3A_1744 = vector.shape_cast %get3A_1743 : vector<1x16xi32> to vector<16xi32>
    %add3A_1745 = arith.addi %get3A_1744, %broadcast_in_dim3A_1667 : vector<16xi32>
    %swap3A_1746 = arith.constant 17 : i32
    %swap3A_1747 = arith.index_cast %swap3A_1746 : i32 to index
    %swap3A_1748 = arith.constant 96 : index
    %swap3A_1749 = tpu.vector_load %arg6[%swap3A_1747, %swap3A_1748] {strides = array<i32>} : memref<26x128xi32, #tpu.memory_space<vmem>>, vector<1x16xi32>,
    %swap3A_1750 = vector.shape_cast %swap3A_1749 : vector<1x16xi32> to vector<16xi32>
    %swap3A_1751 = vector.shape_cast %add3A_1745 : vector<16xi32> to vector<1x16xi32>
    tpu.vector_store %arg6[%swap3A_1747, %swap3A_1748], %swap3A_1751 {strides = array<i32>} : memref<26x128xi32, #tpu.memory_space<vmem>>, vector<1x16xi32>,
    %get3A_1752 = arith.constant 17 : i32
    %get3A_1753 = arith.index_cast %get3A_1752 : i32 to index
    %get3A_1754 = arith.constant 112 : index
    %get3A_1755 = tpu.vector_load %arg5[%get3A_1753, %get3A_1754] {strides = array<i32>} : memref<26x128xi32, #tpu.memory_space<vmem>>, vector<1x16xi32>,
    %get3A_1756 = vector.shape_cast %get3A_1755 : vector<1x16xi32> to vector<16xi32>
    %add3A_1757 = arith.addi %get3A_1756, %broadcast_in_dim3A_1667 : vector<16xi32>
    %swap3A_1758 = arith.constant 17 : i32
    %swap3A_1759 = arith.index_cast %swap3A_1758 : i32 to index
    %swap3A_1760 = arith.constant 112 : index
    %swap3A_1761 = tpu.vector_load %arg6[%swap3A_1759, %swap3A_1760] {strides = array<i32>} : memref<26x128xi32, #tpu.memory_space<vmem>>, vector<1x16xi32>,
    %swap3A_1762 = vector.shape_cast %swap3A_1761 : vector<1x16xi32> to vector<16xi32>
    %swap3A_1763 = vector.shape_cast %add3A_1757 : vector<16xi32> to vector<1x16xi32>
    tpu.vector_store %arg6[%swap3A_1759, %swap3A_1760], %swap3A_1763 {strides = array<i32>} : memref<26x128xi32, #tpu.memory_space<vmem>>, vector<1x16xi32>,
    %broadcast_in_dim3A_1764 = arith.constant 1800000 : i32
    %broadcast_in_dim3A_1765 = vector.broadcast %broadcast_in_dim3A_1764 : i32 to vector<16xi32>
    %get3A_1766 = arith.constant 18 : i32
    %get3A_1767 = arith.index_cast %get3A_1766 : i32 to index
    %get3A_1768 = arith.constant 0 : index
    %get3A_1769 = tpu.vector_load %arg5[%get3A_1767, %get3A_1768] {strides = array<i32>} : memref<26x128xi32, #tpu.memory_space<vmem>>, vector<1x16xi32>,
    %get3A_1770 = vector.shape_cast %get3A_1769 : vector<1x16xi32> to vector<16xi32>
    %add3A_1771 = arith.addi %get3A_1770, %broadcast_in_dim3A_1765 : vector<16xi32>
    %swap3A_1772 = arith.constant 18 : i32
    %swap3A_1773 = arith.index_cast %swap3A_1772 : i32 to index
    %swap3A_1774 = arith.constant 0 : index
    %swap3A_1775 = tpu.vector_load %arg6[%swap3A_1773, %swap3A_1774] {strides = array<i32>} : memref<26x128xi32, #tpu.memory_space<vmem>>, vector<1x16xi32>,
    %swap3A_1776 = vector.shape_cast %swap3A_1775 : vector<1x16xi32> to vector<16xi32>
    %swap3A_1777 = vector.shape_cast %add3A_1771 : vector<16xi32> to vector<1x16xi32>
    tpu.vector_store %arg6[%swap3A_1773, %swap3A_1774], %swap3A_1777 {strides = array<i32>} : memref<26x128xi32, #tpu.memory_space<vmem>>, vector<1x16xi32>,
    %get3A_1778 = arith.constant 18 : i32
    %get3A_1779 = arith.index_cast %get3A_1778 : i32 to index
    %get3A_1780 = arith.constant 16 : index
    %get3A_1781 = tpu.vector_load %arg5[%get3A_1779, %get3A_1780] {strides = array<i32>} : memref<26x128xi32, #tpu.memory_space<vmem>>, vector<1x16xi32>,
    %get3A_1782 = vector.shape_cast %get3A_1781 : vector<1x16xi32> to vector<16xi32>
    %add3A_1783 = arith.addi %get3A_1782, %broadcast_in_dim3A_1765 : vector<16xi32>
    %swap3A_1784 = arith.constant 18 : i32
    %swap3A_1785 = arith.index_cast %swap3A_1784 : i32 to index
    %swap3A_1786 = arith.constant 16 : index
    %swap3A_1787 = tpu.vector_load %arg6[%swap3A_1785, %swap3A_1786] {strides = array<i32>} : memref<26x128xi32, #tpu.memory_space<vmem>>, vector<1x16xi32>,
    %swap3A_1788 = vector.shape_cast %swap3A_1787 : vector<1x16xi32> to vector<16xi32>
    %swap3A_1789 = vector.shape_cast %add3A_1783 : vector<16xi32> to vector<1x16xi32>
    tpu.vector_store %arg6[%swap3A_1785, %swap3A_1786], %swap3A_1789 {strides = array<i32>} : memref<26x128xi32, #tpu.memory_space<vmem>>, vector<1x16xi32>,
    %get3A_1790 = arith.constant 18 : i32
    %get3A_1791 = arith.index_cast %get3A_1790 : i32 to index
    %get3A_1792 = arith.constant 32 : index
    %get3A_1793 = tpu.vector_load %arg5[%get3A_1791, %get3A_1792] {strides = array<i32>} : memref<26x128xi32, #tpu.memory_space<vmem>>, vector<1x16xi32>,
    %get3A_1794 = vector.shape_cast %get3A_1793 : vector<1x16xi32> to vector<16xi32>
    %add3A_1795 = arith.addi %get3A_1794, %broadcast_in_dim3A_1765 : vector<16xi32>
    %swap3A_1796 = arith.constant 18 : i32
    %swap3A_1797 = arith.index_cast %swap3A_1796 : i32 to index
    %swap3A_1798 = arith.constant 32 : index
    %swap3A_1799 = tpu.vector_load %arg6[%swap3A_1797, %swap3A_1798] {strides = array<i32>} : memref<26x128xi32, #tpu.memory_space<vmem>>, vector<1x16xi32>,
    %swap3A_1800 = vector.shape_cast %swap3A_1799 : vector<1x16xi32> to vector<16xi32>
    %swap3A_1801 = vector.shape_cast %add3A_1795 : vector<16xi32> to vector<1x16xi32>
    tpu.vector_store %arg6[%swap3A_1797, %swap3A_1798], %swap3A_1801 {strides = array<i32>} : memref<26x128xi32, #tpu.memory_space<vmem>>, vector<1x16xi32>,
    %get3A_1802 = arith.constant 18 : i32
    %get3A_1803 = arith.index_cast %get3A_1802 : i32 to index
    %get3A_1804 = arith.constant 48 : index
    %get3A_1805 = tpu.vector_load %arg5[%get3A_1803, %get3A_1804] {strides = array<i32>} : memref<26x128xi32, #tpu.memory_space<vmem>>, vector<1x16xi32>,
    %get3A_1806 = vector.shape_cast %get3A_1805 : vector<1x16xi32> to vector<16xi32>
    %add3A_1807 = arith.addi %get3A_1806, %broadcast_in_dim3A_1765 : vector<16xi32>
    %swap3A_1808 = arith.constant 18 : i32
    %swap3A_1809 = arith.index_cast %swap3A_1808 : i32 to index
    %swap3A_1810 = arith.constant 48 : index
    %swap3A_1811 = tpu.vector_load %arg6[%swap3A_1809, %swap3A_1810] {strides = array<i32>} : memref<26x128xi32, #tpu.memory_space<vmem>>, vector<1x16xi32>,
    %swap3A_1812 = vector.shape_cast %swap3A_1811 : vector<1x16xi32> to vector<16xi32>
    %swap3A_1813 = vector.shape_cast %add3A_1807 : vector<16xi32> to vector<1x16xi32>
    tpu.vector_store %arg6[%swap3A_1809, %swap3A_1810], %swap3A_1813 {strides = array<i32>} : memref<26x128xi32, #tpu.memory_space<vmem>>, vector<1x16xi32>,
    %get3A_1814 = arith.constant 18 : i32
    %get3A_1815 = arith.index_cast %get3A_1814 : i32 to index
    %get3A_1816 = arith.constant 64 : index
    %get3A_1817 = tpu.vector_load %arg5[%get3A_1815, %get3A_1816] {strides = array<i32>} : memref<26x128xi32, #tpu.memory_space<vmem>>, vector<1x16xi32>,
    %get3A_1818 = vector.shape_cast %get3A_1817 : vector<1x16xi32> to vector<16xi32>
    %add3A_1819 = arith.addi %get3A_1818, %broadcast_in_dim3A_1765 : vector<16xi32>
    %swap3A_1820 = arith.constant 18 : i32
    %swap3A_1821 = arith.index_cast %swap3A_1820 : i32 to index
    %swap3A_1822 = arith.constant 64 : index
    %swap3A_1823 = tpu.vector_load %arg6[%swap3A_1821, %swap3A_1822] {strides = array<i32>} : memref<26x128xi32, #tpu.memory_space<vmem>>, vector<1x16xi32>,
    %swap3A_1824 = vector.shape_cast %swap3A_1823 : vector<1x16xi32> to vector<16xi32>
    %swap3A_1825 = vector.shape_cast %add3A_1819 : vector<16xi32> to vector<1x16xi32>
    tpu.vector_store %arg6[%swap3A_1821, %swap3A_1822], %swap3A_1825 {strides = array<i32>} : memref<26x128xi32, #tpu.memory_space<vmem>>, vector<1x16xi32>,
    %get3A_1826 = arith.constant 18 : i32
    %get3A_1827 = arith.index_cast %get3A_1826 : i32 to index
    %get3A_1828 = arith.constant 80 : index
    %get3A_1829 = tpu.vector_load %arg5[%get3A_1827, %get3A_1828] {strides = array<i32>} : memref<26x128xi32, #tpu.memory_space<vmem>>, vector<1x16xi32>,
    %get3A_1830 = vector.shape_cast %get3A_1829 : vector<1x16xi32> to vector<16xi32>
    %add3A_1831 = arith.addi %get3A_1830, %broadcast_in_dim3A_1765 : vector<16xi32>
    %swap3A_1832 = arith.constant 18 : i32
    %swap3A_1833 = arith.index_cast %swap3A_1832 : i32 to index
    %swap3A_1834 = arith.constant 80 : index
    %swap3A_1835 = tpu.vector_load %arg6[%swap3A_1833, %swap3A_1834] {strides = array<i32>} : memref<26x128xi32, #tpu.memory_space<vmem>>, vector<1x16xi32>,
    %swap3A_1836 = vector.shape_cast %swap3A_1835 : vector<1x16xi32> to vector<16xi32>
    %swap3A_1837 = vector.shape_cast %add3A_1831 : vector<16xi32> to vector<1x16xi32>
    tpu.vector_store %arg6[%swap3A_1833, %swap3A_1834], %swap3A_1837 {strides = array<i32>} : memref<26x128xi32, #tpu.memory_space<vmem>>, vector<1x16xi32>,
    %get3A_1838 = arith.constant 18 : i32
    %get3A_1839 = arith.index_cast %get3A_1838 : i32 to index
    %get3A_1840 = arith.constant 96 : index
    %get3A_1841 = tpu.vector_load %arg5[%get3A_1839, %get3A_1840] {strides = array<i32>} : memref<26x128xi32, #tpu.memory_space<vmem>>, vector<1x16xi32>,
    %get3A_1842 = vector.shape_cast %get3A_1841 : vector<1x16xi32> to vector<16xi32>
    %add3A_1843 = arith.addi %get3A_1842, %broadcast_in_dim3A_1765 : vector<16xi32>
    %swap3A_1844 = arith.constant 18 : i32
    %swap3A_1845 = arith.index_cast %swap3A_1844 : i32 to index
    %swap3A_1846 = arith.constant 96 : index
    %swap3A_1847 = tpu.vector_load %arg6[%swap3A_1845, %swap3A_1846] {strides = array<i32>} : memref<26x128xi32, #tpu.memory_space<vmem>>, vector<1x16xi32>,
    %swap3A_1848 = vector.shape_cast %swap3A_1847 : vector<1x16xi32> to vector<16xi32>
    %swap3A_1849 = vector.shape_cast %add3A_1843 : vector<16xi32> to vector<1x16xi32>
    tpu.vector_store %arg6[%swap3A_1845, %swap3A_1846], %swap3A_1849 {strides = array<i32>} : memref<26x128xi32, #tpu.memory_space<vmem>>, vector<1x16xi32>,
    %get3A_1850 = arith.constant 18 : i32
    %get3A_1851 = arith.index_cast %get3A_1850 : i32 to index
    %get3A_1852 = arith.constant 112 : index
    %get3A_1853 = tpu.vector_load %arg5[%get3A_1851, %get3A_1852] {strides = array<i32>} : memref<26x128xi32, #tpu.memory_space<vmem>>, vector<1x16xi32>,
    %get3A_1854 = vector.shape_cast %get3A_1853 : vector<1x16xi32> to vector<16xi32>
    %add3A_1855 = arith.addi %get3A_1854, %broadcast_in_dim3A_1765 : vector<16xi32>
    %swap3A_1856 = arith.constant 18 : i32
    %swap3A_1857 = arith.index_cast %swap3A_1856 : i32 to index
    %swap3A_1858 = arith.constant 112 : index
    %swap3A_1859 = tpu.vector_load %arg6[%swap3A_1857, %swap3A_1858] {strides = array<i32>} : memref<26x128xi32, #tpu.memory_space<vmem>>, vector<1x16xi32>,
    %swap3A_1860 = vector.shape_cast %swap3A_1859 : vector<1x16xi32> to vector<16xi32>
    %swap3A_1861 = vector.shape_cast %add3A_1855 : vector<16xi32> to vector<1x16xi32>
    tpu.vector_store %arg6[%swap3A_1857, %swap3A_1858], %swap3A_1861 {strides = array<i32>} : memref<26x128xi32, #tpu.memory_space<vmem>>, vector<1x16xi32>,
    %broadcast_in_dim3A_1862 = arith.constant 1900000 : i32
    %broadcast_in_dim3A_1863 = vector.broadcast %broadcast_in_dim3A_1862 : i32 to vector<16xi32>
    %get3A_1864 = arith.constant 19 : i32
    %get3A_1865 = arith.index_cast %get3A_1864 : i32 to index
    %get3A_1866 = arith.constant 0 : index
    %get3A_1867 = tpu.vector_load %arg5[%get3A_1865, %get3A_1866] {strides = array<i32>} : memref<26x128xi32, #tpu.memory_space<vmem>>, vector<1x16xi32>,
    %get3A_1868 = vector.shape_cast %get3A_1867 : vector<1x16xi32> to vector<16xi32>
    %add3A_1869 = arith.addi %get3A_1868, %broadcast_in_dim3A_1863 : vector<16xi32>
    %swap3A_1870 = arith.constant 19 : i32
    %swap3A_1871 = arith.index_cast %swap3A_1870 : i32 to index
    %swap3A_1872 = arith.constant 0 : index
    %swap3A_1873 = tpu.vector_load %arg6[%swap3A_1871, %swap3A_1872] {strides = array<i32>} : memref<26x128xi32, #tpu.memory_space<vmem>>, vector<1x16xi32>,
    %swap3A_1874 = vector.shape_cast %swap3A_1873 : vector<1x16xi32> to vector<16xi32>
    %swap3A_1875 = vector.shape_cast %add3A_1869 : vector<16xi32> to vector<1x16xi32>
    tpu.vector_store %arg6[%swap3A_1871, %swap3A_1872], %swap3A_1875 {strides = array<i32>} : memref<26x128xi32, #tpu.memory_space<vmem>>, vector<1x16xi32>,
    %get3A_1876 = arith.constant 19 : i32
    %get3A_1877 = arith.index_cast %get3A_1876 : i32 to index
    %get3A_1878 = arith.constant 16 : index
    %get3A_1879 = tpu.vector_load %arg5[%get3A_1877, %get3A_1878] {strides = array<i32>} : memref<26x128xi32, #tpu.memory_space<vmem>>, vector<1x16xi32>,
    %get3A_1880 = vector.shape_cast %get3A_1879 : vector<1x16xi32> to vector<16xi32>
    %add3A_1881 = arith.addi %get3A_1880, %broadcast_in_dim3A_1863 : vector<16xi32>
    %swap3A_1882 = arith.constant 19 : i32
    %swap3A_1883 = arith.index_cast %swap3A_1882 : i32 to index
    %swap3A_1884 = arith.constant 16 : index
    %swap3A_1885 = tpu.vector_load %arg6[%swap3A_1883, %swap3A_1884] {strides = array<i32>} : memref<26x128xi32, #tpu.memory_space<vmem>>, vector<1x16xi32>,
    %swap3A_1886 = vector.shape_cast %swap3A_1885 : vector<1x16xi32> to vector<16xi32>
    %swap3A_1887 = vector.shape_cast %add3A_1881 : vector<16xi32> to vector<1x16xi32>
    tpu.vector_store %arg6[%swap3A_1883, %swap3A_1884], %swap3A_1887 {strides = array<i32>} : memref<26x128xi32, #tpu.memory_space<vmem>>, vector<1x16xi32>,
    %get3A_1888 = arith.constant 19 : i32
    %get3A_1889 = arith.index_cast %get3A_1888 : i32 to index
    %get3A_1890 = arith.constant 32 : index
    %get3A_1891 = tpu.vector_load %arg5[%get3A_1889, %get3A_1890] {strides = array<i32>} : memref<26x128xi32, #tpu.memory_space<vmem>>, vector<1x16xi32>,
    %get3A_1892 = vector.shape_cast %get3A_1891 : vector<1x16xi32> to vector<16xi32>
    %add3A_1893 = arith.addi %get3A_1892, %broadcast_in_dim3A_1863 : vector<16xi32>
    %swap3A_1894 = arith.constant 19 : i32
    %swap3A_1895 = arith.index_cast %swap3A_1894 : i32 to index
    %swap3A_1896 = arith.constant 32 : index
    %swap3A_1897 = tpu.vector_load %arg6[%swap3A_1895, %swap3A_1896] {strides = array<i32>} : memref<26x128xi32, #tpu.memory_space<vmem>>, vector<1x16xi32>,
    %swap3A_1898 = vector.shape_cast %swap3A_1897 : vector<1x16xi32> to vector<16xi32>
    %swap3A_1899 = vector.shape_cast %add3A_1893 : vector<16xi32> to vector<1x16xi32>
    tpu.vector_store %arg6[%swap3A_1895, %swap3A_1896], %swap3A_1899 {strides = array<i32>} : memref<26x128xi32, #tpu.memory_space<vmem>>, vector<1x16xi32>,
    %get3A_1900 = arith.constant 19 : i32
    %get3A_1901 = arith.index_cast %get3A_1900 : i32 to index
    %get3A_1902 = arith.constant 48 : index
    %get3A_1903 = tpu.vector_load %arg5[%get3A_1901, %get3A_1902] {strides = array<i32>} : memref<26x128xi32, #tpu.memory_space<vmem>>, vector<1x16xi32>,
    %get3A_1904 = vector.shape_cast %get3A_1903 : vector<1x16xi32> to vector<16xi32>
    %add3A_1905 = arith.addi %get3A_1904, %broadcast_in_dim3A_1863 : vector<16xi32>
    %swap3A_1906 = arith.constant 19 : i32
    %swap3A_1907 = arith.index_cast %swap3A_1906 : i32 to index
    %swap3A_1908 = arith.constant 48 : index
    %swap3A_1909 = tpu.vector_load %arg6[%swap3A_1907, %swap3A_1908] {strides = array<i32>} : memref<26x128xi32, #tpu.memory_space<vmem>>, vector<1x16xi32>,
    %swap3A_1910 = vector.shape_cast %swap3A_1909 : vector<1x16xi32> to vector<16xi32>
    %swap3A_1911 = vector.shape_cast %add3A_1905 : vector<16xi32> to vector<1x16xi32>
    tpu.vector_store %arg6[%swap3A_1907, %swap3A_1908], %swap3A_1911 {strides = array<i32>} : memref<26x128xi32, #tpu.memory_space<vmem>>, vector<1x16xi32>,
    %get3A_1912 = arith.constant 19 : i32
    %get3A_1913 = arith.index_cast %get3A_1912 : i32 to index
    %get3A_1914 = arith.constant 64 : index
    %get3A_1915 = tpu.vector_load %arg5[%get3A_1913, %get3A_1914] {strides = array<i32>} : memref<26x128xi32, #tpu.memory_space<vmem>>, vector<1x16xi32>,
    %get3A_1916 = vector.shape_cast %get3A_1915 : vector<1x16xi32> to vector<16xi32>
    %add3A_1917 = arith.addi %get3A_1916, %broadcast_in_dim3A_1863 : vector<16xi32>
    %swap3A_1918 = arith.constant 19 : i32
    %swap3A_1919 = arith.index_cast %swap3A_1918 : i32 to index
    %swap3A_1920 = arith.constant 64 : index
    %swap3A_1921 = tpu.vector_load %arg6[%swap3A_1919, %swap3A_1920] {strides = array<i32>} : memref<26x128xi32, #tpu.memory_space<vmem>>, vector<1x16xi32>,
    %swap3A_1922 = vector.shape_cast %swap3A_1921 : vector<1x16xi32> to vector<16xi32>
    %swap3A_1923 = vector.shape_cast %add3A_1917 : vector<16xi32> to vector<1x16xi32>
    tpu.vector_store %arg6[%swap3A_1919, %swap3A_1920], %swap3A_1923 {strides = array<i32>} : memref<26x128xi32, #tpu.memory_space<vmem>>, vector<1x16xi32>,
    %get3A_1924 = arith.constant 19 : i32
    %get3A_1925 = arith.index_cast %get3A_1924 : i32 to index
    %get3A_1926 = arith.constant 80 : index
    %get3A_1927 = tpu.vector_load %arg5[%get3A_1925, %get3A_1926] {strides = array<i32>} : memref<26x128xi32, #tpu.memory_space<vmem>>, vector<1x16xi32>,
    %get3A_1928 = vector.shape_cast %get3A_1927 : vector<1x16xi32> to vector<16xi32>
    %add3A_1929 = arith.addi %get3A_1928, %broadcast_in_dim3A_1863 : vector<16xi32>
    %swap3A_1930 = arith.constant 19 : i32
    %swap3A_1931 = arith.index_cast %swap3A_1930 : i32 to index
    %swap3A_1932 = arith.constant 80 : index
    %swap3A_1933 = tpu.vector_load %arg6[%swap3A_1931, %swap3A_1932] {strides = array<i32>} : memref<26x128xi32, #tpu.memory_space<vmem>>, vector<1x16xi32>,
    %swap3A_1934 = vector.shape_cast %swap3A_1933 : vector<1x16xi32> to vector<16xi32>
    %swap3A_1935 = vector.shape_cast %add3A_1929 : vector<16xi32> to vector<1x16xi32>
    tpu.vector_store %arg6[%swap3A_1931, %swap3A_1932], %swap3A_1935 {strides = array<i32>} : memref<26x128xi32, #tpu.memory_space<vmem>>, vector<1x16xi32>,
    %get3A_1936 = arith.constant 19 : i32
    %get3A_1937 = arith.index_cast %get3A_1936 : i32 to index
    %get3A_1938 = arith.constant 96 : index
    %get3A_1939 = tpu.vector_load %arg5[%get3A_1937, %get3A_1938] {strides = array<i32>} : memref<26x128xi32, #tpu.memory_space<vmem>>, vector<1x16xi32>,
    %get3A_1940 = vector.shape_cast %get3A_1939 : vector<1x16xi32> to vector<16xi32>
    %add3A_1941 = arith.addi %get3A_1940, %broadcast_in_dim3A_1863 : vector<16xi32>
    %swap3A_1942 = arith.constant 19 : i32
    %swap3A_1943 = arith.index_cast %swap3A_1942 : i32 to index
    %swap3A_1944 = arith.constant 96 : index
    %swap3A_1945 = tpu.vector_load %arg6[%swap3A_1943, %swap3A_1944] {strides = array<i32>} : memref<26x128xi32, #tpu.memory_space<vmem>>, vector<1x16xi32>,
    %swap3A_1946 = vector.shape_cast %swap3A_1945 : vector<1x16xi32> to vector<16xi32>
    %swap3A_1947 = vector.shape_cast %add3A_1941 : vector<16xi32> to vector<1x16xi32>
    tpu.vector_store %arg6[%swap3A_1943, %swap3A_1944], %swap3A_1947 {strides = array<i32>} : memref<26x128xi32, #tpu.memory_space<vmem>>, vector<1x16xi32>,
    %get3A_1948 = arith.constant 19 : i32
    %get3A_1949 = arith.index_cast %get3A_1948 : i32 to index
    %get3A_1950 = arith.constant 112 : index
    %get3A_1951 = tpu.vector_load %arg5[%get3A_1949, %get3A_1950] {strides = array<i32>} : memref<26x128xi32, #tpu.memory_space<vmem>>, vector<1x16xi32>,
    %get3A_1952 = vector.shape_cast %get3A_1951 : vector<1x16xi32> to vector<16xi32>
    %add3A_1953 = arith.addi %get3A_1952, %broadcast_in_dim3A_1863 : vector<16xi32>
    %swap3A_1954 = arith.constant 19 : i32
    %swap3A_1955 = arith.index_cast %swap3A_1954 : i32 to index
    %swap3A_1956 = arith.constant 112 : index
    %swap3A_1957 = tpu.vector_load %arg6[%swap3A_1955, %swap3A_1956] {strides = array<i32>} : memref<26x128xi32, #tpu.memory_space<vmem>>, vector<1x16xi32>,
    %swap3A_1958 = vector.shape_cast %swap3A_1957 : vector<1x16xi32> to vector<16xi32>
    %swap3A_1959 = vector.shape_cast %add3A_1953 : vector<16xi32> to vector<1x16xi32>
    tpu.vector_store %arg6[%swap3A_1955, %swap3A_1956], %swap3A_1959 {strides = array<i32>} : memref<26x128xi32, #tpu.memory_space<vmem>>, vector<1x16xi32>,
    %broadcast_in_dim3A_1960 = arith.constant 2000000 : i32
    %broadcast_in_dim3A_1961 = vector.broadcast %broadcast_in_dim3A_1960 : i32 to vector<16xi32>
    %get3A_1962 = arith.constant 20 : i32
    %get3A_1963 = arith.index_cast %get3A_1962 : i32 to index
    %get3A_1964 = arith.constant 0 : index
    %get3A_1965 = tpu.vector_load %arg5[%get3A_1963, %get3A_1964] {strides = array<i32>} : memref<26x128xi32, #tpu.memory_space<vmem>>, vector<1x16xi32>,
    %get3A_1966 = vector.shape_cast %get3A_1965 : vector<1x16xi32> to vector<16xi32>
    %add3A_1967 = arith.addi %get3A_1966, %broadcast_in_dim3A_1961 : vector<16xi32>
    %swap3A_1968 = arith.constant 20 : i32
    %swap3A_1969 = arith.index_cast %swap3A_1968 : i32 to index
    %swap3A_1970 = arith.constant 0 : index
    %swap3A_1971 = tpu.vector_load %arg6[%swap3A_1969, %swap3A_1970] {strides = array<i32>} : memref<26x128xi32, #tpu.memory_space<vmem>>, vector<1x16xi32>,
    %swap3A_1972 = vector.shape_cast %swap3A_1971 : vector<1x16xi32> to vector<16xi32>
    %swap3A_1973 = vector.shape_cast %add3A_1967 : vector<16xi32> to vector<1x16xi32>
    tpu.vector_store %arg6[%swap3A_1969, %swap3A_1970], %swap3A_1973 {strides = array<i32>} : memref<26x128xi32, #tpu.memory_space<vmem>>, vector<1x16xi32>,
    %get3A_1974 = arith.constant 20 : i32
    %get3A_1975 = arith.index_cast %get3A_1974 : i32 to index
    %get3A_1976 = arith.constant 16 : index
    %get3A_1977 = tpu.vector_load %arg5[%get3A_1975, %get3A_1976] {strides = array<i32>} : memref<26x128xi32, #tpu.memory_space<vmem>>, vector<1x16xi32>,
    %get3A_1978 = vector.shape_cast %get3A_1977 : vector<1x16xi32> to vector<16xi32>
    %add3A_1979 = arith.addi %get3A_1978, %broadcast_in_dim3A_1961 : vector<16xi32>
    %swap3A_1980 = arith.constant 20 : i32
    %swap3A_1981 = arith.index_cast %swap3A_1980 : i32 to index
    %swap3A_1982 = arith.constant 16 : index
    %swap3A_1983 = tpu.vector_load %arg6[%swap3A_1981, %swap3A_1982] {strides = array<i32>} : memref<26x128xi32, #tpu.memory_space<vmem>>, vector<1x16xi32>,
    %swap3A_1984 = vector.shape_cast %swap3A_1983 : vector<1x16xi32> to vector<16xi32>
    %swap3A_1985 = vector.shape_cast %add3A_1979 : vector<16xi32> to vector<1x16xi32>
    tpu.vector_store %arg6[%swap3A_1981, %swap3A_1982], %swap3A_1985 {strides = array<i32>} : memref<26x128xi32, #tpu.memory_space<vmem>>, vector<1x16xi32>,
    %get3A_1986 = arith.constant 20 : i32
    %get3A_1987 = arith.index_cast %get3A_1986 : i32 to index
    %get3A_1988 = arith.constant 32 : index
    %get3A_1989 = tpu.vector_load %arg5[%get3A_1987, %get3A_1988] {strides = array<i32>} : memref<26x128xi32, #tpu.memory_space<vmem>>, vector<1x16xi32>,
    %get3A_1990 = vector.shape_cast %get3A_1989 : vector<1x16xi32> to vector<16xi32>
    %add3A_1991 = arith.addi %get3A_1990, %broadcast_in_dim3A_1961 : vector<16xi32>
    %swap3A_1992 = arith.constant 20 : i32
    %swap3A_1993 = arith.index_cast %swap3A_1992 : i32 to index
    %swap3A_1994 = arith.constant 32 : index
    %swap3A_1995 = tpu.vector_load %arg6[%swap3A_1993, %swap3A_1994] {strides = array<i32>} : memref<26x128xi32, #tpu.memory_space<vmem>>, vector<1x16xi32>,
    %swap3A_1996 = vector.shape_cast %swap3A_1995 : vector<1x16xi32> to vector<16xi32>
    %swap3A_1997 = vector.shape_cast %add3A_1991 : vector<16xi32> to vector<1x16xi32>
    tpu.vector_store %arg6[%swap3A_1993, %swap3A_1994], %swap3A_1997 {strides = array<i32>} : memref<26x128xi32, #tpu.memory_space<vmem>>, vector<1x16xi32>,
    %get3A_1998 = arith.constant 20 : i32
    %get3A_1999 = arith.index_cast %get3A_1998 : i32 to index
    %get3A_2000 = arith.constant 48 : index
    %get3A_2001 = tpu.vector_load %arg5[%get3A_1999, %get3A_2000] {strides = array<i32>} : memref<26x128xi32, #tpu.memory_space<vmem>>, vector<1x16xi32>,
    %get3A_2002 = vector.shape_cast %get3A_2001 : vector<1x16xi32> to vector<16xi32>
    %add3A_2003 = arith.addi %get3A_2002, %broadcast_in_dim3A_1961 : vector<16xi32>
    %swap3A_2004 = arith.constant 20 : i32
    %swap3A_2005 = arith.index_cast %swap3A_2004 : i32 to index
    %swap3A_2006 = arith.constant 48 : index
    %swap3A_2007 = tpu.vector_load %arg6[%swap3A_2005, %swap3A_2006] {strides = array<i32>} : memref<26x128xi32, #tpu.memory_space<vmem>>, vector<1x16xi32>,
    %swap3A_2008 = vector.shape_cast %swap3A_2007 : vector<1x16xi32> to vector<16xi32>
    %swap3A_2009 = vector.shape_cast %add3A_2003 : vector<16xi32> to vector<1x16xi32>
    tpu.vector_store %arg6[%swap3A_2005, %swap3A_2006], %swap3A_2009 {strides = array<i32>} : memref<26x128xi32, #tpu.memory_space<vmem>>, vector<1x16xi32>,
    %get3A_2010 = arith.constant 20 : i32
    %get3A_2011 = arith.index_cast %get3A_2010 : i32 to index
    %get3A_2012 = arith.constant 64 : index
    %get3A_2013 = tpu.vector_load %arg5[%get3A_2011, %get3A_2012] {strides = array<i32>} : memref<26x128xi32, #tpu.memory_space<vmem>>, vector<1x16xi32>,
    %get3A_2014 = vector.shape_cast %get3A_2013 : vector<1x16xi32> to vector<16xi32>
    %add3A_2015 = arith.addi %get3A_2014, %broadcast_in_dim3A_1961 : vector<16xi32>
    %swap3A_2016 = arith.constant 20 : i32
    %swap3A_2017 = arith.index_cast %swap3A_2016 : i32 to index
    %swap3A_2018 = arith.constant 64 : index
    %swap3A_2019 = tpu.vector_load %arg6[%swap3A_2017, %swap3A_2018] {strides = array<i32>} : memref<26x128xi32, #tpu.memory_space<vmem>>, vector<1x16xi32>,
    %swap3A_2020 = vector.shape_cast %swap3A_2019 : vector<1x16xi32> to vector<16xi32>
    %swap3A_2021 = vector.shape_cast %add3A_2015 : vector<16xi32> to vector<1x16xi32>
    tpu.vector_store %arg6[%swap3A_2017, %swap3A_2018], %swap3A_2021 {strides = array<i32>} : memref<26x128xi32, #tpu.memory_space<vmem>>, vector<1x16xi32>,
    %get3A_2022 = arith.constant 20 : i32
    %get3A_2023 = arith.index_cast %get3A_2022 : i32 to index
    %get3A_2024 = arith.constant 80 : index
    %get3A_2025 = tpu.vector_load %arg5[%get3A_2023, %get3A_2024] {strides = array<i32>} : memref<26x128xi32, #tpu.memory_space<vmem>>, vector<1x16xi32>,
    %get3A_2026 = vector.shape_cast %get3A_2025 : vector<1x16xi32> to vector<16xi32>
    %add3A_2027 = arith.addi %get3A_2026, %broadcast_in_dim3A_1961 : vector<16xi32>
    %swap3A_2028 = arith.constant 20 : i32
    %swap3A_2029 = arith.index_cast %swap3A_2028 : i32 to index
    %swap3A_2030 = arith.constant 80 : index
    %swap3A_2031 = tpu.vector_load %arg6[%swap3A_2029, %swap3A_2030] {strides = array<i32>} : memref<26x128xi32, #tpu.memory_space<vmem>>, vector<1x16xi32>,
    %swap3A_2032 = vector.shape_cast %swap3A_2031 : vector<1x16xi32> to vector<16xi32>
    %swap3A_2033 = vector.shape_cast %add3A_2027 : vector<16xi32> to vector<1x16xi32>
    tpu.vector_store %arg6[%swap3A_2029, %swap3A_2030], %swap3A_2033 {strides = array<i32>} : memref<26x128xi32, #tpu.memory_space<vmem>>, vector<1x16xi32>,
    %get3A_2034 = arith.constant 20 : i32
    %get3A_2035 = arith.index_cast %get3A_2034 : i32 to index
    %get3A_2036 = arith.constant 96 : index
    %get3A_2037 = tpu.vector_load %arg5[%get3A_2035, %get3A_2036] {strides = array<i32>} : memref<26x128xi32, #tpu.memory_space<vmem>>, vector<1x16xi32>,
    %get3A_2038 = vector.shape_cast %get3A_2037 : vector<1x16xi32> to vector<16xi32>
    %add3A_2039 = arith.addi %get3A_2038, %broadcast_in_dim3A_1961 : vector<16xi32>
    %swap3A_2040 = arith.constant 20 : i32
    %swap3A_2041 = arith.index_cast %swap3A_2040 : i32 to index
    %swap3A_2042 = arith.constant 96 : index
    %swap3A_2043 = tpu.vector_load %arg6[%swap3A_2041, %swap3A_2042] {strides = array<i32>} : memref<26x128xi32, #tpu.memory_space<vmem>>, vector<1x16xi32>,
    %swap3A_2044 = vector.shape_cast %swap3A_2043 : vector<1x16xi32> to vector<16xi32>
    %swap3A_2045 = vector.shape_cast %add3A_2039 : vector<16xi32> to vector<1x16xi32>
    tpu.vector_store %arg6[%swap3A_2041, %swap3A_2042], %swap3A_2045 {strides = array<i32>} : memref<26x128xi32, #tpu.memory_space<vmem>>, vector<1x16xi32>,
    %get3A_2046 = arith.constant 20 : i32
    %get3A_2047 = arith.index_cast %get3A_2046 : i32 to index
    %get3A_2048 = arith.constant 112 : index
    %get3A_2049 = tpu.vector_load %arg5[%get3A_2047, %get3A_2048] {strides = array<i32>} : memref<26x128xi32, #tpu.memory_space<vmem>>, vector<1x16xi32>,
    %get3A_2050 = vector.shape_cast %get3A_2049 : vector<1x16xi32> to vector<16xi32>
    %add3A_2051 = arith.addi %get3A_2050, %broadcast_in_dim3A_1961 : vector<16xi32>
    %swap3A_2052 = arith.constant 20 : i32
    %swap3A_2053 = arith.index_cast %swap3A_2052 : i32 to index
    %swap3A_2054 = arith.constant 112 : index
    %swap3A_2055 = tpu.vector_load %arg6[%swap3A_2053, %swap3A_2054] {strides = array<i32>} : memref<26x128xi32, #tpu.memory_space<vmem>>, vector<1x16xi32>,
    %swap3A_2056 = vector.shape_cast %swap3A_2055 : vector<1x16xi32> to vector<16xi32>
    %swap3A_2057 = vector.shape_cast %add3A_2051 : vector<16xi32> to vector<1x16xi32>
    tpu.vector_store %arg6[%swap3A_2053, %swap3A_2054], %swap3A_2057 {strides = array<i32>} : memref<26x128xi32, #tpu.memory_space<vmem>>, vector<1x16xi32>,
    %broadcast_in_dim3A_2058 = arith.constant 2100000 : i32
    %broadcast_in_dim3A_2059 = vector.broadcast %broadcast_in_dim3A_2058 : i32 to vector<16xi32>
    %get3A_2060 = arith.constant 21 : i32
    %get3A_2061 = arith.index_cast %get3A_2060 : i32 to index
    %get3A_2062 = arith.constant 0 : index
    %get3A_2063 = tpu.vector_load %arg5[%get3A_2061, %get3A_2062] {strides = array<i32>} : memref<26x128xi32, #tpu.memory_space<vmem>>, vector<1x16xi32>,
    %get3A_2064 = vector.shape_cast %get3A_2063 : vector<1x16xi32> to vector<16xi32>
    %add3A_2065 = arith.addi %get3A_2064, %broadcast_in_dim3A_2059 : vector<16xi32>
    %swap3A_2066 = arith.constant 21 : i32
    %swap3A_2067 = arith.index_cast %swap3A_2066 : i32 to index
    %swap3A_2068 = arith.constant 0 : index
    %swap3A_2069 = tpu.vector_load %arg6[%swap3A_2067, %swap3A_2068] {strides = array<i32>} : memref<26x128xi32, #tpu.memory_space<vmem>>, vector<1x16xi32>,
    %swap3A_2070 = vector.shape_cast %swap3A_2069 : vector<1x16xi32> to vector<16xi32>
    %swap3A_2071 = vector.shape_cast %add3A_2065 : vector<16xi32> to vector<1x16xi32>
    tpu.vector_store %arg6[%swap3A_2067, %swap3A_2068], %swap3A_2071 {strides = array<i32>} : memref<26x128xi32, #tpu.memory_space<vmem>>, vector<1x16xi32>,
    %get3A_2072 = arith.constant 21 : i32
    %get3A_2073 = arith.index_cast %get3A_2072 : i32 to index
    %get3A_2074 = arith.constant 16 : index
    %get3A_2075 = tpu.vector_load %arg5[%get3A_2073, %get3A_2074] {strides = array<i32>} : memref<26x128xi32, #tpu.memory_space<vmem>>, vector<1x16xi32>,
    %get3A_2076 = vector.shape_cast %get3A_2075 : vector<1x16xi32> to vector<16xi32>
    %add3A_2077 = arith.addi %get3A_2076, %broadcast_in_dim3A_2059 : vector<16xi32>
    %swap3A_2078 = arith.constant 21 : i32
    %swap3A_2079 = arith.index_cast %swap3A_2078 : i32 to index
    %swap3A_2080 = arith.constant 16 : index
    %swap3A_2081 = tpu.vector_load %arg6[%swap3A_2079, %swap3A_2080] {strides = array<i32>} : memref<26x128xi32, #tpu.memory_space<vmem>>, vector<1x16xi32>,
    %swap3A_2082 = vector.shape_cast %swap3A_2081 : vector<1x16xi32> to vector<16xi32>
    %swap3A_2083 = vector.shape_cast %add3A_2077 : vector<16xi32> to vector<1x16xi32>
    tpu.vector_store %arg6[%swap3A_2079, %swap3A_2080], %swap3A_2083 {strides = array<i32>} : memref<26x128xi32, #tpu.memory_space<vmem>>, vector<1x16xi32>,
    %get3A_2084 = arith.constant 21 : i32
    %get3A_2085 = arith.index_cast %get3A_2084 : i32 to index
    %get3A_2086 = arith.constant 32 : index
    %get3A_2087 = tpu.vector_load %arg5[%get3A_2085, %get3A_2086] {strides = array<i32>} : memref<26x128xi32, #tpu.memory_space<vmem>>, vector<1x16xi32>,
    %get3A_2088 = vector.shape_cast %get3A_2087 : vector<1x16xi32> to vector<16xi32>
    %add3A_2089 = arith.addi %get3A_2088, %broadcast_in_dim3A_2059 : vector<16xi32>
    %swap3A_2090 = arith.constant 21 : i32
    %swap3A_2091 = arith.index_cast %swap3A_2090 : i32 to index
    %swap3A_2092 = arith.constant 32 : index
    %swap3A_2093 = tpu.vector_load %arg6[%swap3A_2091, %swap3A_2092] {strides = array<i32>} : memref<26x128xi32, #tpu.memory_space<vmem>>, vector<1x16xi32>,
    %swap3A_2094 = vector.shape_cast %swap3A_2093 : vector<1x16xi32> to vector<16xi32>
    %swap3A_2095 = vector.shape_cast %add3A_2089 : vector<16xi32> to vector<1x16xi32>
    tpu.vector_store %arg6[%swap3A_2091, %swap3A_2092], %swap3A_2095 {strides = array<i32>} : memref<26x128xi32, #tpu.memory_space<vmem>>, vector<1x16xi32>,
    %get3A_2096 = arith.constant 21 : i32
    %get3A_2097 = arith.index_cast %get3A_2096 : i32 to index
    %get3A_2098 = arith.constant 48 : index
    %get3A_2099 = tpu.vector_load %arg5[%get3A_2097, %get3A_2098] {strides = array<i32>} : memref<26x128xi32, #tpu.memory_space<vmem>>, vector<1x16xi32>,
    %get3A_2100 = vector.shape_cast %get3A_2099 : vector<1x16xi32> to vector<16xi32>
    %add3A_2101 = arith.addi %get3A_2100, %broadcast_in_dim3A_2059 : vector<16xi32>
    %swap3A_2102 = arith.constant 21 : i32
    %swap3A_2103 = arith.index_cast %swap3A_2102 : i32 to index
    %swap3A_2104 = arith.constant 48 : index
    %swap3A_2105 = tpu.vector_load %arg6[%swap3A_2103, %swap3A_2104] {strides = array<i32>} : memref<26x128xi32, #tpu.memory_space<vmem>>, vector<1x16xi32>,
    %swap3A_2106 = vector.shape_cast %swap3A_2105 : vector<1x16xi32> to vector<16xi32>
    %swap3A_2107 = vector.shape_cast %add3A_2101 : vector<16xi32> to vector<1x16xi32>
    tpu.vector_store %arg6[%swap3A_2103, %swap3A_2104], %swap3A_2107 {strides = array<i32>} : memref<26x128xi32, #tpu.memory_space<vmem>>, vector<1x16xi32>,
    %get3A_2108 = arith.constant 21 : i32
    %get3A_2109 = arith.index_cast %get3A_2108 : i32 to index
    %get3A_2110 = arith.constant 64 : index
    %get3A_2111 = tpu.vector_load %arg5[%get3A_2109, %get3A_2110] {strides = array<i32>} : memref<26x128xi32, #tpu.memory_space<vmem>>, vector<1x16xi32>,
    %get3A_2112 = vector.shape_cast %get3A_2111 : vector<1x16xi32> to vector<16xi32>
    %add3A_2113 = arith.addi %get3A_2112, %broadcast_in_dim3A_2059 : vector<16xi32>
    %swap3A_2114 = arith.constant 21 : i32
    %swap3A_2115 = arith.index_cast %swap3A_2114 : i32 to index
    %swap3A_2116 = arith.constant 64 : index
    %swap3A_2117 = tpu.vector_load %arg6[%swap3A_2115, %swap3A_2116] {strides = array<i32>} : memref<26x128xi32, #tpu.memory_space<vmem>>, vector<1x16xi32>,
    %swap3A_2118 = vector.shape_cast %swap3A_2117 : vector<1x16xi32> to vector<16xi32>
    %swap3A_2119 = vector.shape_cast %add3A_2113 : vector<16xi32> to vector<1x16xi32>
    tpu.vector_store %arg6[%swap3A_2115, %swap3A_2116], %swap3A_2119 {strides = array<i32>} : memref<26x128xi32, #tpu.memory_space<vmem>>, vector<1x16xi32>,
    %get3A_2120 = arith.constant 21 : i32
    %get3A_2121 = arith.index_cast %get3A_2120 : i32 to index
    %get3A_2122 = arith.constant 80 : index
    %get3A_2123 = tpu.vector_load %arg5[%get3A_2121, %get3A_2122] {strides = array<i32>} : memref<26x128xi32, #tpu.memory_space<vmem>>, vector<1x16xi32>,
    %get3A_2124 = vector.shape_cast %get3A_2123 : vector<1x16xi32> to vector<16xi32>
    %add3A_2125 = arith.addi %get3A_2124, %broadcast_in_dim3A_2059 : vector<16xi32>
    %swap3A_2126 = arith.constant 21 : i32
    %swap3A_2127 = arith.index_cast %swap3A_2126 : i32 to index
    %swap3A_2128 = arith.constant 80 : index
    %swap3A_2129 = tpu.vector_load %arg6[%swap3A_2127, %swap3A_2128] {strides = array<i32>} : memref<26x128xi32, #tpu.memory_space<vmem>>, vector<1x16xi32>,
    %swap3A_2130 = vector.shape_cast %swap3A_2129 : vector<1x16xi32> to vector<16xi32>
    %swap3A_2131 = vector.shape_cast %add3A_2125 : vector<16xi32> to vector<1x16xi32>
    tpu.vector_store %arg6[%swap3A_2127, %swap3A_2128], %swap3A_2131 {strides = array<i32>} : memref<26x128xi32, #tpu.memory_space<vmem>>, vector<1x16xi32>,
    %get3A_2132 = arith.constant 21 : i32
    %get3A_2133 = arith.index_cast %get3A_2132 : i32 to index
    %get3A_2134 = arith.constant 96 : index
    %get3A_2135 = tpu.vector_load %arg5[%get3A_2133, %get3A_2134] {strides = array<i32>} : memref<26x128xi32, #tpu.memory_space<vmem>>, vector<1x16xi32>,
    %get3A_2136 = vector.shape_cast %get3A_2135 : vector<1x16xi32> to vector<16xi32>
    %add3A_2137 = arith.addi %get3A_2136, %broadcast_in_dim3A_2059 : vector<16xi32>
    %swap3A_2138 = arith.constant 21 : i32
    %swap3A_2139 = arith.index_cast %swap3A_2138 : i32 to index
    %swap3A_2140 = arith.constant 96 : index
    %swap3A_2141 = tpu.vector_load %arg6[%swap3A_2139, %swap3A_2140] {strides = array<i32>} : memref<26x128xi32, #tpu.memory_space<vmem>>, vector<1x16xi32>,
    %swap3A_2142 = vector.shape_cast %swap3A_2141 : vector<1x16xi32> to vector<16xi32>
    %swap3A_2143 = vector.shape_cast %add3A_2137 : vector<16xi32> to vector<1x16xi32>
    tpu.vector_store %arg6[%swap3A_2139, %swap3A_2140], %swap3A_2143 {strides = array<i32>} : memref<26x128xi32, #tpu.memory_space<vmem>>, vector<1x16xi32>,
    %get3A_2144 = arith.constant 21 : i32
    %get3A_2145 = arith.index_cast %get3A_2144 : i32 to index
    %get3A_2146 = arith.constant 112 : index
    %get3A_2147 = tpu.vector_load %arg5[%get3A_2145, %get3A_2146] {strides = array<i32>} : memref<26x128xi32, #tpu.memory_space<vmem>>, vector<1x16xi32>,
    %get3A_2148 = vector.shape_cast %get3A_2147 : vector<1x16xi32> to vector<16xi32>
    %add3A_2149 = arith.addi %get3A_2148, %broadcast_in_dim3A_2059 : vector<16xi32>
    %swap3A_2150 = arith.constant 21 : i32
    %swap3A_2151 = arith.index_cast %swap3A_2150 : i32 to index
    %swap3A_2152 = arith.constant 112 : index
    %swap3A_2153 = tpu.vector_load %arg6[%swap3A_2151, %swap3A_2152] {strides = array<i32>} : memref<26x128xi32, #tpu.memory_space<vmem>>, vector<1x16xi32>,
    %swap3A_2154 = vector.shape_cast %swap3A_2153 : vector<1x16xi32> to vector<16xi32>
    %swap3A_2155 = vector.shape_cast %add3A_2149 : vector<16xi32> to vector<1x16xi32>
    tpu.vector_store %arg6[%swap3A_2151, %swap3A_2152], %swap3A_2155 {strides = array<i32>} : memref<26x128xi32, #tpu.memory_space<vmem>>, vector<1x16xi32>,
    %broadcast_in_dim3A_2156 = arith.constant 2200000 : i32
    %broadcast_in_dim3A_2157 = vector.broadcast %broadcast_in_dim3A_2156 : i32 to vector<16xi32>
    %get3A_2158 = arith.constant 22 : i32
    %get3A_2159 = arith.index_cast %get3A_2158 : i32 to index
    %get3A_2160 = arith.constant 0 : index
    %get3A_2161 = tpu.vector_load %arg5[%get3A_2159, %get3A_2160] {strides = array<i32>} : memref<26x128xi32, #tpu.memory_space<vmem>>, vector<1x16xi32>,
    %get3A_2162 = vector.shape_cast %get3A_2161 : vector<1x16xi32> to vector<16xi32>
    %add3A_2163 = arith.addi %get3A_2162, %broadcast_in_dim3A_2157 : vector<16xi32>
    %swap3A_2164 = arith.constant 22 : i32
    %swap3A_2165 = arith.index_cast %swap3A_2164 : i32 to index
    %swap3A_2166 = arith.constant 0 : index
    %swap3A_2167 = tpu.vector_load %arg6[%swap3A_2165, %swap3A_2166] {strides = array<i32>} : memref<26x128xi32, #tpu.memory_space<vmem>>, vector<1x16xi32>,
    %swap3A_2168 = vector.shape_cast %swap3A_2167 : vector<1x16xi32> to vector<16xi32>
    %swap3A_2169 = vector.shape_cast %add3A_2163 : vector<16xi32> to vector<1x16xi32>
    tpu.vector_store %arg6[%swap3A_2165, %swap3A_2166], %swap3A_2169 {strides = array<i32>} : memref<26x128xi32, #tpu.memory_space<vmem>>, vector<1x16xi32>,
    %get3A_2170 = arith.constant 22 : i32
    %get3A_2171 = arith.index_cast %get3A_2170 : i32 to index
    %get3A_2172 = arith.constant 16 : index
    %get3A_2173 = tpu.vector_load %arg5[%get3A_2171, %get3A_2172] {strides = array<i32>} : memref<26x128xi32, #tpu.memory_space<vmem>>, vector<1x16xi32>,
    %get3A_2174 = vector.shape_cast %get3A_2173 : vector<1x16xi32> to vector<16xi32>
    %add3A_2175 = arith.addi %get3A_2174, %broadcast_in_dim3A_2157 : vector<16xi32>
    %swap3A_2176 = arith.constant 22 : i32
    %swap3A_2177 = arith.index_cast %swap3A_2176 : i32 to index
    %swap3A_2178 = arith.constant 16 : index
    %swap3A_2179 = tpu.vector_load %arg6[%swap3A_2177, %swap3A_2178] {strides = array<i32>} : memref<26x128xi32, #tpu.memory_space<vmem>>, vector<1x16xi32>,
    %swap3A_2180 = vector.shape_cast %swap3A_2179 : vector<1x16xi32> to vector<16xi32>
    %swap3A_2181 = vector.shape_cast %add3A_2175 : vector<16xi32> to vector<1x16xi32>
    tpu.vector_store %arg6[%swap3A_2177, %swap3A_2178], %swap3A_2181 {strides = array<i32>} : memref<26x128xi32, #tpu.memory_space<vmem>>, vector<1x16xi32>,
    %get3A_2182 = arith.constant 22 : i32
    %get3A_2183 = arith.index_cast %get3A_2182 : i32 to index
    %get3A_2184 = arith.constant 32 : index
    %get3A_2185 = tpu.vector_load %arg5[%get3A_2183, %get3A_2184] {strides = array<i32>} : memref<26x128xi32, #tpu.memory_space<vmem>>, vector<1x16xi32>,
    %get3A_2186 = vector.shape_cast %get3A_2185 : vector<1x16xi32> to vector<16xi32>
    %add3A_2187 = arith.addi %get3A_2186, %broadcast_in_dim3A_2157 : vector<16xi32>
    %swap3A_2188 = arith.constant 22 : i32
    %swap3A_2189 = arith.index_cast %swap3A_2188 : i32 to index
    %swap3A_2190 = arith.constant 32 : index
    %swap3A_2191 = tpu.vector_load %arg6[%swap3A_2189, %swap3A_2190] {strides = array<i32>} : memref<26x128xi32, #tpu.memory_space<vmem>>, vector<1x16xi32>,
    %swap3A_2192 = vector.shape_cast %swap3A_2191 : vector<1x16xi32> to vector<16xi32>
    %swap3A_2193 = vector.shape_cast %add3A_2187 : vector<16xi32> to vector<1x16xi32>
    tpu.vector_store %arg6[%swap3A_2189, %swap3A_2190], %swap3A_2193 {strides = array<i32>} : memref<26x128xi32, #tpu.memory_space<vmem>>, vector<1x16xi32>,
    %get3A_2194 = arith.constant 22 : i32
    %get3A_2195 = arith.index_cast %get3A_2194 : i32 to index
    %get3A_2196 = arith.constant 48 : index
    %get3A_2197 = tpu.vector_load %arg5[%get3A_2195, %get3A_2196] {strides = array<i32>} : memref<26x128xi32, #tpu.memory_space<vmem>>, vector<1x16xi32>,
    %get3A_2198 = vector.shape_cast %get3A_2197 : vector<1x16xi32> to vector<16xi32>
    %add3A_2199 = arith.addi %get3A_2198, %broadcast_in_dim3A_2157 : vector<16xi32>
    %swap3A_2200 = arith.constant 22 : i32
    %swap3A_2201 = arith.index_cast %swap3A_2200 : i32 to index
    %swap3A_2202 = arith.constant 48 : index
    %swap3A_2203 = tpu.vector_load %arg6[%swap3A_2201, %swap3A_2202] {strides = array<i32>} : memref<26x128xi32, #tpu.memory_space<vmem>>, vector<1x16xi32>,
    %swap3A_2204 = vector.shape_cast %swap3A_2203 : vector<1x16xi32> to vector<16xi32>
    %swap3A_2205 = vector.shape_cast %add3A_2199 : vector<16xi32> to vector<1x16xi32>
    tpu.vector_store %arg6[%swap3A_2201, %swap3A_2202], %swap3A_2205 {strides = array<i32>} : memref<26x128xi32, #tpu.memory_space<vmem>>, vector<1x16xi32>,
    %get3A_2206 = arith.constant 22 : i32
    %get3A_2207 = arith.index_cast %get3A_2206 : i32 to index
    %get3A_2208 = arith.constant 64 : index
    %get3A_2209 = tpu.vector_load %arg5[%get3A_2207, %get3A_2208] {strides = array<i32>} : memref<26x128xi32, #tpu.memory_space<vmem>>, vector<1x16xi32>,
    %get3A_2210 = vector.shape_cast %get3A_2209 : vector<1x16xi32> to vector<16xi32>
    %add3A_2211 = arith.addi %get3A_2210, %broadcast_in_dim3A_2157 : vector<16xi32>
    %swap3A_2212 = arith.constant 22 : i32
    %swap3A_2213 = arith.index_cast %swap3A_2212 : i32 to index
    %swap3A_2214 = arith.constant 64 : index
    %swap3A_2215 = tpu.vector_load %arg6[%swap3A_2213, %swap3A_2214] {strides = array<i32>} : memref<26x128xi32, #tpu.memory_space<vmem>>, vector<1x16xi32>,
    %swap3A_2216 = vector.shape_cast %swap3A_2215 : vector<1x16xi32> to vector<16xi32>
    %swap3A_2217 = vector.shape_cast %add3A_2211 : vector<16xi32> to vector<1x16xi32>
    tpu.vector_store %arg6[%swap3A_2213, %swap3A_2214], %swap3A_2217 {strides = array<i32>} : memref<26x128xi32, #tpu.memory_space<vmem>>, vector<1x16xi32>,
    %get3A_2218 = arith.constant 22 : i32
    %get3A_2219 = arith.index_cast %get3A_2218 : i32 to index
    %get3A_2220 = arith.constant 80 : index
    %get3A_2221 = tpu.vector_load %arg5[%get3A_2219, %get3A_2220] {strides = array<i32>} : memref<26x128xi32, #tpu.memory_space<vmem>>, vector<1x16xi32>,
    %get3A_2222 = vector.shape_cast %get3A_2221 : vector<1x16xi32> to vector<16xi32>
    %add3A_2223 = arith.addi %get3A_2222, %broadcast_in_dim3A_2157 : vector<16xi32>
    %swap3A_2224 = arith.constant 22 : i32
    %swap3A_2225 = arith.index_cast %swap3A_2224 : i32 to index
    %swap3A_2226 = arith.constant 80 : index
    %swap3A_2227 = tpu.vector_load %arg6[%swap3A_2225, %swap3A_2226] {strides = array<i32>} : memref<26x128xi32, #tpu.memory_space<vmem>>, vector<1x16xi32>,
    %swap3A_2228 = vector.shape_cast %swap3A_2227 : vector<1x16xi32> to vector<16xi32>
    %swap3A_2229 = vector.shape_cast %add3A_2223 : vector<16xi32> to vector<1x16xi32>
    tpu.vector_store %arg6[%swap3A_2225, %swap3A_2226], %swap3A_2229 {strides = array<i32>} : memref<26x128xi32, #tpu.memory_space<vmem>>, vector<1x16xi32>,
    %get3A_2230 = arith.constant 22 : i32
    %get3A_2231 = arith.index_cast %get3A_2230 : i32 to index
    %get3A_2232 = arith.constant 96 : index
    %get3A_2233 = tpu.vector_load %arg5[%get3A_2231, %get3A_2232] {strides = array<i32>} : memref<26x128xi32, #tpu.memory_space<vmem>>, vector<1x16xi32>,
    %get3A_2234 = vector.shape_cast %get3A_2233 : vector<1x16xi32> to vector<16xi32>
    %add3A_2235 = arith.addi %get3A_2234, %broadcast_in_dim3A_2157 : vector<16xi32>
    %swap3A_2236 = arith.constant 22 : i32
    %swap3A_2237 = arith.index_cast %swap3A_2236 : i32 to index
    %swap3A_2238 = arith.constant 96 : index
    %swap3A_2239 = tpu.vector_load %arg6[%swap3A_2237, %swap3A_2238] {strides = array<i32>} : memref<26x128xi32, #tpu.memory_space<vmem>>, vector<1x16xi32>,
    %swap3A_2240 = vector.shape_cast %swap3A_2239 : vector<1x16xi32> to vector<16xi32>
    %swap3A_2241 = vector.shape_cast %add3A_2235 : vector<16xi32> to vector<1x16xi32>
    tpu.vector_store %arg6[%swap3A_2237, %swap3A_2238], %swap3A_2241 {strides = array<i32>} : memref<26x128xi32, #tpu.memory_space<vmem>>, vector<1x16xi32>,
    %get3A_2242 = arith.constant 22 : i32
    %get3A_2243 = arith.index_cast %get3A_2242 : i32 to index
    %get3A_2244 = arith.constant 112 : index
    %get3A_2245 = tpu.vector_load %arg5[%get3A_2243, %get3A_2244] {strides = array<i32>} : memref<26x128xi32, #tpu.memory_space<vmem>>, vector<1x16xi32>,
    %get3A_2246 = vector.shape_cast %get3A_2245 : vector<1x16xi32> to vector<16xi32>
    %add3A_2247 = arith.addi %get3A_2246, %broadcast_in_dim3A_2157 : vector<16xi32>
    %swap3A_2248 = arith.constant 22 : i32
    %swap3A_2249 = arith.index_cast %swap3A_2248 : i32 to index
    %swap3A_2250 = arith.constant 112 : index
    %swap3A_2251 = tpu.vector_load %arg6[%swap3A_2249, %swap3A_2250] {strides = array<i32>} : memref<26x128xi32, #tpu.memory_space<vmem>>, vector<1x16xi32>,
    %swap3A_2252 = vector.shape_cast %swap3A_2251 : vector<1x16xi32> to vector<16xi32>
    %swap3A_2253 = vector.shape_cast %add3A_2247 : vector<16xi32> to vector<1x16xi32>
    tpu.vector_store %arg6[%swap3A_2249, %swap3A_2250], %swap3A_2253 {strides = array<i32>} : memref<26x128xi32, #tpu.memory_space<vmem>>, vector<1x16xi32>,
    %broadcast_in_dim3A_2254 = arith.constant 2300000 : i32
    %broadcast_in_dim3A_2255 = vector.broadcast %broadcast_in_dim3A_2254 : i32 to vector<16xi32>
    %get3A_2256 = arith.constant 23 : i32
    %get3A_2257 = arith.index_cast %get3A_2256 : i32 to index
    %get3A_2258 = arith.constant 0 : index
    %get3A_2259 = tpu.vector_load %arg5[%get3A_2257, %get3A_2258] {strides = array<i32>} : memref<26x128xi32, #tpu.memory_space<vmem>>, vector<1x16xi32>,
    %get3A_2260 = vector.shape_cast %get3A_2259 : vector<1x16xi32> to vector<16xi32>
    %add3A_2261 = arith.addi %get3A_2260, %broadcast_in_dim3A_2255 : vector<16xi32>
    %swap3A_2262 = arith.constant 23 : i32
    %swap3A_2263 = arith.index_cast %swap3A_2262 : i32 to index
    %swap3A_2264 = arith.constant 0 : index
    %swap3A_2265 = tpu.vector_load %arg6[%swap3A_2263, %swap3A_2264] {strides = array<i32>} : memref<26x128xi32, #tpu.memory_space<vmem>>, vector<1x16xi32>,
    %swap3A_2266 = vector.shape_cast %swap3A_2265 : vector<1x16xi32> to vector<16xi32>
    %swap3A_2267 = vector.shape_cast %add3A_2261 : vector<16xi32> to vector<1x16xi32>
    tpu.vector_store %arg6[%swap3A_2263, %swap3A_2264], %swap3A_2267 {strides = array<i32>} : memref<26x128xi32, #tpu.memory_space<vmem>>, vector<1x16xi32>,
    %get3A_2268 = arith.constant 23 : i32
    %get3A_2269 = arith.index_cast %get3A_2268 : i32 to index
    %get3A_2270 = arith.constant 16 : index
    %get3A_2271 = tpu.vector_load %arg5[%get3A_2269, %get3A_2270] {strides = array<i32>} : memref<26x128xi32, #tpu.memory_space<vmem>>, vector<1x16xi32>,
    %get3A_2272 = vector.shape_cast %get3A_2271 : vector<1x16xi32> to vector<16xi32>
    %add3A_2273 = arith.addi %get3A_2272, %broadcast_in_dim3A_2255 : vector<16xi32>
    %swap3A_2274 = arith.constant 23 : i32
    %swap3A_2275 = arith.index_cast %swap3A_2274 : i32 to index
    %swap3A_2276 = arith.constant 16 : index
    %swap3A_2277 = tpu.vector_load %arg6[%swap3A_2275, %swap3A_2276] {strides = array<i32>} : memref<26x128xi32, #tpu.memory_space<vmem>>, vector<1x16xi32>,
    %swap3A_2278 = vector.shape_cast %swap3A_2277 : vector<1x16xi32> to vector<16xi32>
    %swap3A_2279 = vector.shape_cast %add3A_2273 : vector<16xi32> to vector<1x16xi32>
    tpu.vector_store %arg6[%swap3A_2275, %swap3A_2276], %swap3A_2279 {strides = array<i32>} : memref<26x128xi32, #tpu.memory_space<vmem>>, vector<1x16xi32>,
    %get3A_2280 = arith.constant 23 : i32
    %get3A_2281 = arith.index_cast %get3A_2280 : i32 to index
    %get3A_2282 = arith.constant 32 : index
    %get3A_2283 = tpu.vector_load %arg5[%get3A_2281, %get3A_2282] {strides = array<i32>} : memref<26x128xi32, #tpu.memory_space<vmem>>, vector<1x16xi32>,
    %get3A_2284 = vector.shape_cast %get3A_2283 : vector<1x16xi32> to vector<16xi32>
    %add3A_2285 = arith.addi %get3A_2284, %broadcast_in_dim3A_2255 : vector<16xi32>
    %swap3A_2286 = arith.constant 23 : i32
    %swap3A_2287 = arith.index_cast %swap3A_2286 : i32 to index
    %swap3A_2288 = arith.constant 32 : index
    %swap3A_2289 = tpu.vector_load %arg6[%swap3A_2287, %swap3A_2288] {strides = array<i32>} : memref<26x128xi32, #tpu.memory_space<vmem>>, vector<1x16xi32>,
    %swap3A_2290 = vector.shape_cast %swap3A_2289 : vector<1x16xi32> to vector<16xi32>
    %swap3A_2291 = vector.shape_cast %add3A_2285 : vector<16xi32> to vector<1x16xi32>
    tpu.vector_store %arg6[%swap3A_2287, %swap3A_2288], %swap3A_2291 {strides = array<i32>} : memref<26x128xi32, #tpu.memory_space<vmem>>, vector<1x16xi32>,
    %get3A_2292 = arith.constant 23 : i32
    %get3A_2293 = arith.index_cast %get3A_2292 : i32 to index
    %get3A_2294 = arith.constant 48 : index
    %get3A_2295 = tpu.vector_load %arg5[%get3A_2293, %get3A_2294] {strides = array<i32>} : memref<26x128xi32, #tpu.memory_space<vmem>>, vector<1x16xi32>,
    %get3A_2296 = vector.shape_cast %get3A_2295 : vector<1x16xi32> to vector<16xi32>
    %add3A_2297 = arith.addi %get3A_2296, %broadcast_in_dim3A_2255 : vector<16xi32>
    %swap3A_2298 = arith.constant 23 : i32
    %swap3A_2299 = arith.index_cast %swap3A_2298 : i32 to index
    %swap3A_2300 = arith.constant 48 : index
    %swap3A_2301 = tpu.vector_load %arg6[%swap3A_2299, %swap3A_2300] {strides = array<i32>} : memref<26x128xi32, #tpu.memory_space<vmem>>, vector<1x16xi32>,
    %swap3A_2302 = vector.shape_cast %swap3A_2301 : vector<1x16xi32> to vector<16xi32>
    %swap3A_2303 = vector.shape_cast %add3A_2297 : vector<16xi32> to vector<1x16xi32>
    tpu.vector_store %arg6[%swap3A_2299, %swap3A_2300], %swap3A_2303 {strides = array<i32>} : memref<26x128xi32, #tpu.memory_space<vmem>>, vector<1x16xi32>,
    %get3A_2304 = arith.constant 23 : i32
    %get3A_2305 = arith.index_cast %get3A_2304 : i32 to index
    %get3A_2306 = arith.constant 64 : index
    %get3A_2307 = tpu.vector_load %arg5[%get3A_2305, %get3A_2306] {strides = array<i32>} : memref<26x128xi32, #tpu.memory_space<vmem>>, vector<1x16xi32>,
    %get3A_2308 = vector.shape_cast %get3A_2307 : vector<1x16xi32> to vector<16xi32>
    %add3A_2309 = arith.addi %get3A_2308, %broadcast_in_dim3A_2255 : vector<16xi32>
    %swap3A_2310 = arith.constant 23 : i32
    %swap3A_2311 = arith.index_cast %swap3A_2310 : i32 to index
    %swap3A_2312 = arith.constant 64 : index
    %swap3A_2313 = tpu.vector_load %arg6[%swap3A_2311, %swap3A_2312] {strides = array<i32>} : memref<26x128xi32, #tpu.memory_space<vmem>>, vector<1x16xi32>,
    %swap3A_2314 = vector.shape_cast %swap3A_2313 : vector<1x16xi32> to vector<16xi32>
    %swap3A_2315 = vector.shape_cast %add3A_2309 : vector<16xi32> to vector<1x16xi32>
    tpu.vector_store %arg6[%swap3A_2311, %swap3A_2312], %swap3A_2315 {strides = array<i32>} : memref<26x128xi32, #tpu.memory_space<vmem>>, vector<1x16xi32>,
    %get3A_2316 = arith.constant 23 : i32
    %get3A_2317 = arith.index_cast %get3A_2316 : i32 to index
    %get3A_2318 = arith.constant 80 : index
    %get3A_2319 = tpu.vector_load %arg5[%get3A_2317, %get3A_2318] {strides = array<i32>} : memref<26x128xi32, #tpu.memory_space<vmem>>, vector<1x16xi32>,
    %get3A_2320 = vector.shape_cast %get3A_2319 : vector<1x16xi32> to vector<16xi32>
    %add3A_2321 = arith.addi %get3A_2320, %broadcast_in_dim3A_2255 : vector<16xi32>
    %swap3A_2322 = arith.constant 23 : i32
    %swap3A_2323 = arith.index_cast %swap3A_2322 : i32 to index
    %swap3A_2324 = arith.constant 80 : index
    %swap3A_2325 = tpu.vector_load %arg6[%swap3A_2323, %swap3A_2324] {strides = array<i32>} : memref<26x128xi32, #tpu.memory_space<vmem>>, vector<1x16xi32>,
    %swap3A_2326 = vector.shape_cast %swap3A_2325 : vector<1x16xi32> to vector<16xi32>
    %swap3A_2327 = vector.shape_cast %add3A_2321 : vector<16xi32> to vector<1x16xi32>
    tpu.vector_store %arg6[%swap3A_2323, %swap3A_2324], %swap3A_2327 {strides = array<i32>} : memref<26x128xi32, #tpu.memory_space<vmem>>, vector<1x16xi32>,
    %get3A_2328 = arith.constant 23 : i32
    %get3A_2329 = arith.index_cast %get3A_2328 : i32 to index
    %get3A_2330 = arith.constant 96 : index
    %get3A_2331 = tpu.vector_load %arg5[%get3A_2329, %get3A_2330] {strides = array<i32>} : memref<26x128xi32, #tpu.memory_space<vmem>>, vector<1x16xi32>,
    %get3A_2332 = vector.shape_cast %get3A_2331 : vector<1x16xi32> to vector<16xi32>
    %add3A_2333 = arith.addi %get3A_2332, %broadcast_in_dim3A_2255 : vector<16xi32>
    %swap3A_2334 = arith.constant 23 : i32
    %swap3A_2335 = arith.index_cast %swap3A_2334 : i32 to index
    %swap3A_2336 = arith.constant 96 : index
    %swap3A_2337 = tpu.vector_load %arg6[%swap3A_2335, %swap3A_2336] {strides = array<i32>} : memref<26x128xi32, #tpu.memory_space<vmem>>, vector<1x16xi32>,
    %swap3A_2338 = vector.shape_cast %swap3A_2337 : vector<1x16xi32> to vector<16xi32>
    %swap3A_2339 = vector.shape_cast %add3A_2333 : vector<16xi32> to vector<1x16xi32>
    tpu.vector_store %arg6[%swap3A_2335, %swap3A_2336], %swap3A_2339 {strides = array<i32>} : memref<26x128xi32, #tpu.memory_space<vmem>>, vector<1x16xi32>,
    %get3A_2340 = arith.constant 23 : i32
    %get3A_2341 = arith.index_cast %get3A_2340 : i32 to index
    %get3A_2342 = arith.constant 112 : index
    %get3A_2343 = tpu.vector_load %arg5[%get3A_2341, %get3A_2342] {strides = array<i32>} : memref<26x128xi32, #tpu.memory_space<vmem>>, vector<1x16xi32>,
    %get3A_2344 = vector.shape_cast %get3A_2343 : vector<1x16xi32> to vector<16xi32>
    %add3A_2345 = arith.addi %get3A_2344, %broadcast_in_dim3A_2255 : vector<16xi32>
    %swap3A_2346 = arith.constant 23 : i32
    %swap3A_2347 = arith.index_cast %swap3A_2346 : i32 to index
    %swap3A_2348 = arith.constant 112 : index
    %swap3A_2349 = tpu.vector_load %arg6[%swap3A_2347, %swap3A_2348] {strides = array<i32>} : memref<26x128xi32, #tpu.memory_space<vmem>>, vector<1x16xi32>,
    %swap3A_2350 = vector.shape_cast %swap3A_2349 : vector<1x16xi32> to vector<16xi32>
    %swap3A_2351 = vector.shape_cast %add3A_2345 : vector<16xi32> to vector<1x16xi32>
    tpu.vector_store %arg6[%swap3A_2347, %swap3A_2348], %swap3A_2351 {strides = array<i32>} : memref<26x128xi32, #tpu.memory_space<vmem>>, vector<1x16xi32>,
    %broadcast_in_dim3A_2352 = arith.constant 2400000 : i32
    %broadcast_in_dim3A_2353 = vector.broadcast %broadcast_in_dim3A_2352 : i32 to vector<16xi32>
    %get3A_2354 = arith.constant 24 : i32
    %get3A_2355 = arith.index_cast %get3A_2354 : i32 to index
    %get3A_2356 = arith.constant 0 : index
    %get3A_2357 = tpu.vector_load %arg5[%get3A_2355, %get3A_2356] {strides = array<i32>} : memref<26x128xi32, #tpu.memory_space<vmem>>, vector<1x16xi32>,
    %get3A_2358 = vector.shape_cast %get3A_2357 : vector<1x16xi32> to vector<16xi32>
    %add3A_2359 = arith.addi %get3A_2358, %broadcast_in_dim3A_2353 : vector<16xi32>
    %swap3A_2360 = arith.constant 24 : i32
    %swap3A_2361 = arith.index_cast %swap3A_2360 : i32 to index
    %swap3A_2362 = arith.constant 0 : index
    %swap3A_2363 = tpu.vector_load %arg6[%swap3A_2361, %swap3A_2362] {strides = array<i32>} : memref<26x128xi32, #tpu.memory_space<vmem>>, vector<1x16xi32>,
    %swap3A_2364 = vector.shape_cast %swap3A_2363 : vector<1x16xi32> to vector<16xi32>
    %swap3A_2365 = vector.shape_cast %add3A_2359 : vector<16xi32> to vector<1x16xi32>
    tpu.vector_store %arg6[%swap3A_2361, %swap3A_2362], %swap3A_2365 {strides = array<i32>} : memref<26x128xi32, #tpu.memory_space<vmem>>, vector<1x16xi32>,
    %get3A_2366 = arith.constant 24 : i32
    %get3A_2367 = arith.index_cast %get3A_2366 : i32 to index
    %get3A_2368 = arith.constant 16 : index
    %get3A_2369 = tpu.vector_load %arg5[%get3A_2367, %get3A_2368] {strides = array<i32>} : memref<26x128xi32, #tpu.memory_space<vmem>>, vector<1x16xi32>,
    %get3A_2370 = vector.shape_cast %get3A_2369 : vector<1x16xi32> to vector<16xi32>
    %add3A_2371 = arith.addi %get3A_2370, %broadcast_in_dim3A_2353 : vector<16xi32>
    %swap3A_2372 = arith.constant 24 : i32
    %swap3A_2373 = arith.index_cast %swap3A_2372 : i32 to index
    %swap3A_2374 = arith.constant 16 : index
    %swap3A_2375 = tpu.vector_load %arg6[%swap3A_2373, %swap3A_2374] {strides = array<i32>} : memref<26x128xi32, #tpu.memory_space<vmem>>, vector<1x16xi32>,
    %swap3A_2376 = vector.shape_cast %swap3A_2375 : vector<1x16xi32> to vector<16xi32>
    %swap3A_2377 = vector.shape_cast %add3A_2371 : vector<16xi32> to vector<1x16xi32>
    tpu.vector_store %arg6[%swap3A_2373, %swap3A_2374], %swap3A_2377 {strides = array<i32>} : memref<26x128xi32, #tpu.memory_space<vmem>>, vector<1x16xi32>,
    %get3A_2378 = arith.constant 24 : i32
    %get3A_2379 = arith.index_cast %get3A_2378 : i32 to index
    %get3A_2380 = arith.constant 32 : index
    %get3A_2381 = tpu.vector_load %arg5[%get3A_2379, %get3A_2380] {strides = array<i32>} : memref<26x128xi32, #tpu.memory_space<vmem>>, vector<1x16xi32>,
    %get3A_2382 = vector.shape_cast %get3A_2381 : vector<1x16xi32> to vector<16xi32>
    %add3A_2383 = arith.addi %get3A_2382, %broadcast_in_dim3A_2353 : vector<16xi32>
    %swap3A_2384 = arith.constant 24 : i32
    %swap3A_2385 = arith.index_cast %swap3A_2384 : i32 to index
    %swap3A_2386 = arith.constant 32 : index
    %swap3A_2387 = tpu.vector_load %arg6[%swap3A_2385, %swap3A_2386] {strides = array<i32>} : memref<26x128xi32, #tpu.memory_space<vmem>>, vector<1x16xi32>,
    %swap3A_2388 = vector.shape_cast %swap3A_2387 : vector<1x16xi32> to vector<16xi32>
    %swap3A_2389 = vector.shape_cast %add3A_2383 : vector<16xi32> to vector<1x16xi32>
    tpu.vector_store %arg6[%swap3A_2385, %swap3A_2386], %swap3A_2389 {strides = array<i32>} : memref<26x128xi32, #tpu.memory_space<vmem>>, vector<1x16xi32>,
    %get3A_2390 = arith.constant 24 : i32
    %get3A_2391 = arith.index_cast %get3A_2390 : i32 to index
    %get3A_2392 = arith.constant 48 : index
    %get3A_2393 = tpu.vector_load %arg5[%get3A_2391, %get3A_2392] {strides = array<i32>} : memref<26x128xi32, #tpu.memory_space<vmem>>, vector<1x16xi32>,
    %get3A_2394 = vector.shape_cast %get3A_2393 : vector<1x16xi32> to vector<16xi32>
    %add3A_2395 = arith.addi %get3A_2394, %broadcast_in_dim3A_2353 : vector<16xi32>
    %swap3A_2396 = arith.constant 24 : i32
    %swap3A_2397 = arith.index_cast %swap3A_2396 : i32 to index
    %swap3A_2398 = arith.constant 48 : index
    %swap3A_2399 = tpu.vector_load %arg6[%swap3A_2397, %swap3A_2398] {strides = array<i32>} : memref<26x128xi32, #tpu.memory_space<vmem>>, vector<1x16xi32>,
    %swap3A_2400 = vector.shape_cast %swap3A_2399 : vector<1x16xi32> to vector<16xi32>
    %swap3A_2401 = vector.shape_cast %add3A_2395 : vector<16xi32> to vector<1x16xi32>
    tpu.vector_store %arg6[%swap3A_2397, %swap3A_2398], %swap3A_2401 {strides = array<i32>} : memref<26x128xi32, #tpu.memory_space<vmem>>, vector<1x16xi32>,
    %get3A_2402 = arith.constant 24 : i32
    %get3A_2403 = arith.index_cast %get3A_2402 : i32 to index
    %get3A_2404 = arith.constant 64 : index
    %get3A_2405 = tpu.vector_load %arg5[%get3A_2403, %get3A_2404] {strides = array<i32>} : memref<26x128xi32, #tpu.memory_space<vmem>>, vector<1x16xi32>,
    %get3A_2406 = vector.shape_cast %get3A_2405 : vector<1x16xi32> to vector<16xi32>
    %add3A_2407 = arith.addi %get3A_2406, %broadcast_in_dim3A_2353 : vector<16xi32>
    %swap3A_2408 = arith.constant 24 : i32
    %swap3A_2409 = arith.index_cast %swap3A_2408 : i32 to index
    %swap3A_2410 = arith.constant 64 : index
    %swap3A_2411 = tpu.vector_load %arg6[%swap3A_2409, %swap3A_2410] {strides = array<i32>} : memref<26x128xi32, #tpu.memory_space<vmem>>, vector<1x16xi32>,
    %swap3A_2412 = vector.shape_cast %swap3A_2411 : vector<1x16xi32> to vector<16xi32>
    %swap3A_2413 = vector.shape_cast %add3A_2407 : vector<16xi32> to vector<1x16xi32>
    tpu.vector_store %arg6[%swap3A_2409, %swap3A_2410], %swap3A_2413 {strides = array<i32>} : memref<26x128xi32, #tpu.memory_space<vmem>>, vector<1x16xi32>,
    %get3A_2414 = arith.constant 24 : i32
    %get3A_2415 = arith.index_cast %get3A_2414 : i32 to index
    %get3A_2416 = arith.constant 80 : index
    %get3A_2417 = tpu.vector_load %arg5[%get3A_2415, %get3A_2416] {strides = array<i32>} : memref<26x128xi32, #tpu.memory_space<vmem>>, vector<1x16xi32>,
    %get3A_2418 = vector.shape_cast %get3A_2417 : vector<1x16xi32> to vector<16xi32>
    %add3A_2419 = arith.addi %get3A_2418, %broadcast_in_dim3A_2353 : vector<16xi32>
    %swap3A_2420 = arith.constant 24 : i32
    %swap3A_2421 = arith.index_cast %swap3A_2420 : i32 to index
    %swap3A_2422 = arith.constant 80 : index
    %swap3A_2423 = tpu.vector_load %arg6[%swap3A_2421, %swap3A_2422] {strides = array<i32>} : memref<26x128xi32, #tpu.memory_space<vmem>>, vector<1x16xi32>,
    %swap3A_2424 = vector.shape_cast %swap3A_2423 : vector<1x16xi32> to vector<16xi32>
    %swap3A_2425 = vector.shape_cast %add3A_2419 : vector<16xi32> to vector<1x16xi32>
    tpu.vector_store %arg6[%swap3A_2421, %swap3A_2422], %swap3A_2425 {strides = array<i32>} : memref<26x128xi32, #tpu.memory_space<vmem>>, vector<1x16xi32>,
    %get3A_2426 = arith.constant 24 : i32
    %get3A_2427 = arith.index_cast %get3A_2426 : i32 to index
    %get3A_2428 = arith.constant 96 : index
    %get3A_2429 = tpu.vector_load %arg5[%get3A_2427, %get3A_2428] {strides = array<i32>} : memref<26x128xi32, #tpu.memory_space<vmem>>, vector<1x16xi32>,
    %get3A_2430 = vector.shape_cast %get3A_2429 : vector<1x16xi32> to vector<16xi32>
    %add3A_2431 = arith.addi %get3A_2430, %broadcast_in_dim3A_2353 : vector<16xi32>
    %swap3A_2432 = arith.constant 24 : i32
    %swap3A_2433 = arith.index_cast %swap3A_2432 : i32 to index
    %swap3A_2434 = arith.constant 96 : index
    %swap3A_2435 = tpu.vector_load %arg6[%swap3A_2433, %swap3A_2434] {strides = array<i32>} : memref<26x128xi32, #tpu.memory_space<vmem>>, vector<1x16xi32>,
    %swap3A_2436 = vector.shape_cast %swap3A_2435 : vector<1x16xi32> to vector<16xi32>
    %swap3A_2437 = vector.shape_cast %add3A_2431 : vector<16xi32> to vector<1x16xi32>
    tpu.vector_store %arg6[%swap3A_2433, %swap3A_2434], %swap3A_2437 {strides = array<i32>} : memref<26x128xi32, #tpu.memory_space<vmem>>, vector<1x16xi32>,
    %get3A_2438 = arith.constant 24 : i32
    %get3A_2439 = arith.index_cast %get3A_2438 : i32 to index
    %get3A_2440 = arith.constant 112 : index
    %get3A_2441 = tpu.vector_load %arg5[%get3A_2439, %get3A_2440] {strides = array<i32>} : memref<26x128xi32, #tpu.memory_space<vmem>>, vector<1x16xi32>,
    %get3A_2442 = vector.shape_cast %get3A_2441 : vector<1x16xi32> to vector<16xi32>
    %add3A_2443 = arith.addi %get3A_2442, %broadcast_in_dim3A_2353 : vector<16xi32>
    %swap3A_2444 = arith.constant 24 : i32
    %swap3A_2445 = arith.index_cast %swap3A_2444 : i32 to index
    %swap3A_2446 = arith.constant 112 : index
    %swap3A_2447 = tpu.vector_load %arg6[%swap3A_2445, %swap3A_2446] {strides = array<i32>} : memref<26x128xi32, #tpu.memory_space<vmem>>, vector<1x16xi32>,
    %swap3A_2448 = vector.shape_cast %swap3A_2447 : vector<1x16xi32> to vector<16xi32>
    %swap3A_2449 = vector.shape_cast %add3A_2443 : vector<16xi32> to vector<1x16xi32>
    tpu.vector_store %arg6[%swap3A_2445, %swap3A_2446], %swap3A_2449 {strides = array<i32>} : memref<26x128xi32, #tpu.memory_space<vmem>>, vector<1x16xi32>,
    %broadcast_in_dim3A_2450 = arith.constant 2500000 : i32
    %broadcast_in_dim3A_2451 = vector.broadcast %broadcast_in_dim3A_2450 : i32 to vector<16xi32>
    %get3A_2452 = arith.constant 25 : i32
    %get3A_2453 = arith.index_cast %get3A_2452 : i32 to index
    %get3A_2454 = arith.constant 0 : index
    %get3A_2455 = tpu.vector_load %arg5[%get3A_2453, %get3A_2454] {strides = array<i32>} : memref<26x128xi32, #tpu.memory_space<vmem>>, vector<1x16xi32>,
    %get3A_2456 = vector.shape_cast %get3A_2455 : vector<1x16xi32> to vector<16xi32>
    %add3A_2457 = arith.addi %get3A_2456, %broadcast_in_dim3A_2451 : vector<16xi32>
    %swap3A_2458 = arith.constant 25 : i32
    %swap3A_2459 = arith.index_cast %swap3A_2458 : i32 to index
    %swap3A_2460 = arith.constant 0 : index
    %swap3A_2461 = tpu.vector_load %arg6[%swap3A_2459, %swap3A_2460] {strides = array<i32>} : memref<26x128xi32, #tpu.memory_space<vmem>>, vector<1x16xi32>,
    %swap3A_2462 = vector.shape_cast %swap3A_2461 : vector<1x16xi32> to vector<16xi32>
    %swap3A_2463 = vector.shape_cast %add3A_2457 : vector<16xi32> to vector<1x16xi32>
    tpu.vector_store %arg6[%swap3A_2459, %swap3A_2460], %swap3A_2463 {strides = array<i32>} : memref<26x128xi32, #tpu.memory_space<vmem>>, vector<1x16xi32>,
    %get3A_2464 = arith.constant 25 : i32
    %get3A_2465 = arith.index_cast %get3A_2464 : i32 to index
    %get3A_2466 = arith.constant 16 : index
    %get3A_2467 = tpu.vector_load %arg5[%get3A_2465, %get3A_2466] {strides = array<i32>} : memref<26x128xi32, #tpu.memory_space<vmem>>, vector<1x16xi32>,
    %get3A_2468 = vector.shape_cast %get3A_2467 : vector<1x16xi32> to vector<16xi32>
    %add3A_2469 = arith.addi %get3A_2468, %broadcast_in_dim3A_2451 : vector<16xi32>
    %swap3A_2470 = arith.constant 25 : i32
    %swap3A_2471 = arith.index_cast %swap3A_2470 : i32 to index
    %swap3A_2472 = arith.constant 16 : index
    %swap3A_2473 = tpu.vector_load %arg6[%swap3A_2471, %swap3A_2472] {strides = array<i32>} : memref<26x128xi32, #tpu.memory_space<vmem>>, vector<1x16xi32>,
    %swap3A_2474 = vector.shape_cast %swap3A_2473 : vector<1x16xi32> to vector<16xi32>
    %swap3A_2475 = vector.shape_cast %add3A_2469 : vector<16xi32> to vector<1x16xi32>
    tpu.vector_store %arg6[%swap3A_2471, %swap3A_2472], %swap3A_2475 {strides = array<i32>} : memref<26x128xi32, #tpu.memory_space<vmem>>, vector<1x16xi32>,
    %get3A_2476 = arith.constant 25 : i32
    %get3A_2477 = arith.index_cast %get3A_2476 : i32 to index
    %get3A_2478 = arith.constant 32 : index
    %get3A_2479 = tpu.vector_load %arg5[%get3A_2477, %get3A_2478] {strides = array<i32>} : memref<26x128xi32, #tpu.memory_space<vmem>>, vector<1x16xi32>,
    %get3A_2480 = vector.shape_cast %get3A_2479 : vector<1x16xi32> to vector<16xi32>
    %add3A_2481 = arith.addi %get3A_2480, %broadcast_in_dim3A_2451 : vector<16xi32>
    %swap3A_2482 = arith.constant 25 : i32
    %swap3A_2483 = arith.index_cast %swap3A_2482 : i32 to index
    %swap3A_2484 = arith.constant 32 : index
    %swap3A_2485 = tpu.vector_load %arg6[%swap3A_2483, %swap3A_2484] {strides = array<i32>} : memref<26x128xi32, #tpu.memory_space<vmem>>, vector<1x16xi32>,
    %swap3A_2486 = vector.shape_cast %swap3A_2485 : vector<1x16xi32> to vector<16xi32>
    %swap3A_2487 = vector.shape_cast %add3A_2481 : vector<16xi32> to vector<1x16xi32>
    tpu.vector_store %arg6[%swap3A_2483, %swap3A_2484], %swap3A_2487 {strides = array<i32>} : memref<26x128xi32, #tpu.memory_space<vmem>>, vector<1x16xi32>,
    %get3A_2488 = arith.constant 25 : i32
    %get3A_2489 = arith.index_cast %get3A_2488 : i32 to index
    %get3A_2490 = arith.constant 48 : index
    %get3A_2491 = tpu.vector_load %arg5[%get3A_2489, %get3A_2490] {strides = array<i32>} : memref<26x128xi32, #tpu.memory_space<vmem>>, vector<1x16xi32>,
    %get3A_2492 = vector.shape_cast %get3A_2491 : vector<1x16xi32> to vector<16xi32>
    %add3A_2493 = arith.addi %get3A_2492, %broadcast_in_dim3A_2451 : vector<16xi32>
    %swap3A_2494 = arith.constant 25 : i32
    %swap3A_2495 = arith.index_cast %swap3A_2494 : i32 to index
    %swap3A_2496 = arith.constant 48 : index
    %swap3A_2497 = tpu.vector_load %arg6[%swap3A_2495, %swap3A_2496] {strides = array<i32>} : memref<26x128xi32, #tpu.memory_space<vmem>>, vector<1x16xi32>,
    %swap3A_2498 = vector.shape_cast %swap3A_2497 : vector<1x16xi32> to vector<16xi32>
    %swap3A_2499 = vector.shape_cast %add3A_2493 : vector<16xi32> to vector<1x16xi32>
    tpu.vector_store %arg6[%swap3A_2495, %swap3A_2496], %swap3A_2499 {strides = array<i32>} : memref<26x128xi32, #tpu.memory_space<vmem>>, vector<1x16xi32>,
    %get3A_2500 = arith.constant 25 : i32
    %get3A_2501 = arith.index_cast %get3A_2500 : i32 to index
    %get3A_2502 = arith.constant 64 : index
    %get3A_2503 = tpu.vector_load %arg5[%get3A_2501, %get3A_2502] {strides = array<i32>} : memref<26x128xi32, #tpu.memory_space<vmem>>, vector<1x16xi32>,
    %get3A_2504 = vector.shape_cast %get3A_2503 : vector<1x16xi32> to vector<16xi32>
    %add3A_2505 = arith.addi %get3A_2504, %broadcast_in_dim3A_2451 : vector<16xi32>
    %swap3A_2506 = arith.constant 25 : i32
    %swap3A_2507 = arith.index_cast %swap3A_2506 : i32 to index
    %swap3A_2508 = arith.constant 64 : index
    %swap3A_2509 = tpu.vector_load %arg6[%swap3A_2507, %swap3A_2508] {strides = array<i32>} : memref<26x128xi32, #tpu.memory_space<vmem>>, vector<1x16xi32>,
    %swap3A_2510 = vector.shape_cast %swap3A_2509 : vector<1x16xi32> to vector<16xi32>
    %swap3A_2511 = vector.shape_cast %add3A_2505 : vector<16xi32> to vector<1x16xi32>
    tpu.vector_store %arg6[%swap3A_2507, %swap3A_2508], %swap3A_2511 {strides = array<i32>} : memref<26x128xi32, #tpu.memory_space<vmem>>, vector<1x16xi32>,
    %get3A_2512 = arith.constant 25 : i32
    %get3A_2513 = arith.index_cast %get3A_2512 : i32 to index
    %get3A_2514 = arith.constant 80 : index
    %get3A_2515 = tpu.vector_load %arg5[%get3A_2513, %get3A_2514] {strides = array<i32>} : memref<26x128xi32, #tpu.memory_space<vmem>>, vector<1x16xi32>,
    %get3A_2516 = vector.shape_cast %get3A_2515 : vector<1x16xi32> to vector<16xi32>
    %add3A_2517 = arith.addi %get3A_2516, %broadcast_in_dim3A_2451 : vector<16xi32>
    %swap3A_2518 = arith.constant 25 : i32
    %swap3A_2519 = arith.index_cast %swap3A_2518 : i32 to index
    %swap3A_2520 = arith.constant 80 : index
    %swap3A_2521 = tpu.vector_load %arg6[%swap3A_2519, %swap3A_2520] {strides = array<i32>} : memref<26x128xi32, #tpu.memory_space<vmem>>, vector<1x16xi32>,
    %swap3A_2522 = vector.shape_cast %swap3A_2521 : vector<1x16xi32> to vector<16xi32>
    %swap3A_2523 = vector.shape_cast %add3A_2517 : vector<16xi32> to vector<1x16xi32>
    tpu.vector_store %arg6[%swap3A_2519, %swap3A_2520], %swap3A_2523 {strides = array<i32>} : memref<26x128xi32, #tpu.memory_space<vmem>>, vector<1x16xi32>,
    %get3A_2524 = arith.constant 25 : i32
    %get3A_2525 = arith.index_cast %get3A_2524 : i32 to index
    %get3A_2526 = arith.constant 96 : index
    %get3A_2527 = tpu.vector_load %arg5[%get3A_2525, %get3A_2526] {strides = array<i32>} : memref<26x128xi32, #tpu.memory_space<vmem>>, vector<1x16xi32>,
    %get3A_2528 = vector.shape_cast %get3A_2527 : vector<1x16xi32> to vector<16xi32>
    %add3A_2529 = arith.addi %get3A_2528, %broadcast_in_dim3A_2451 : vector<16xi32>
    %swap3A_2530 = arith.constant 25 : i32
    %swap3A_2531 = arith.index_cast %swap3A_2530 : i32 to index
    %swap3A_2532 = arith.constant 96 : index
    %swap3A_2533 = tpu.vector_load %arg6[%swap3A_2531, %swap3A_2532] {strides = array<i32>} : memref<26x128xi32, #tpu.memory_space<vmem>>, vector<1x16xi32>,
    %swap3A_2534 = vector.shape_cast %swap3A_2533 : vector<1x16xi32> to vector<16xi32>
    %swap3A_2535 = vector.shape_cast %add3A_2529 : vector<16xi32> to vector<1x16xi32>
    tpu.vector_store %arg6[%swap3A_2531, %swap3A_2532], %swap3A_2535 {strides = array<i32>} : memref<26x128xi32, #tpu.memory_space<vmem>>, vector<1x16xi32>,
    %get3A_2536 = arith.constant 25 : i32
    %get3A_2537 = arith.index_cast %get3A_2536 : i32 to index
    %get3A_2538 = arith.constant 112 : index
    %get3A_2539 = tpu.vector_load %arg5[%get3A_2537, %get3A_2538] {strides = array<i32>} : memref<26x128xi32, #tpu.memory_space<vmem>>, vector<1x16xi32>,
    %get3A_2540 = vector.shape_cast %get3A_2539 : vector<1x16xi32> to vector<16xi32>
    %add3A_2541 = arith.addi %get3A_2540, %broadcast_in_dim3A_2451 : vector<16xi32>
    %swap3A_2542 = arith.constant 25 : i32
    %swap3A_2543 = arith.index_cast %swap3A_2542 : i32 to index
    %swap3A_2544 = arith.constant 112 : index
    %swap3A_2545 = tpu.vector_load %arg6[%swap3A_2543, %swap3A_2544] {strides = array<i32>} : memref<26x128xi32, #tpu.memory_space<vmem>>, vector<1x16xi32>,
    %swap3A_2546 = vector.shape_cast %swap3A_2545 : vector<1x16xi32> to vector<16xi32>
    %swap3A_2547 = vector.shape_cast %add3A_2541 : vector<16xi32> to vector<1x16xi32>
    tpu.vector_store %arg6[%swap3A_2543, %swap3A_2544], %swap3A_2547 {strides = array<i32>} : memref<26x128xi32, #tpu.memory_space<vmem>>, vector<1x16xi32>,
    %dma_start3A = arith.constant 0 : i32
    %dma_start3A_2548 = arith.constant 0 : i32
    %dma_start3A_2549 = arith.constant 0 : i32
    %dma_start3A_2550 = arith.constant 0 : i32
    %dma_start3A_2551 = tpu.memref_slice %arg7[%dma_start3A_2548, %dma_start3A_2549, %dma_start3A_2550] : memref<2x128x32xf32, #tpu.memory_space<vmem>> -> memref<1x128x32xf32, #tpu.memory_space<vmem>>
    %dma_start3A_2552 = tpu.memref_squeeze %dma_start3A_2551 : memref<1x128x32xf32, #tpu.memory_space<vmem>> -> memref<128x32xf32, #tpu.memory_space<vmem>>
    %dma_start3A_2553 = arith.constant 0 : i32
    %dma_start3A_2554 = tpu.memref_slice %arg6[%dma_start3A, %dma_start3A_2553] : memref<26x128xi32, #tpu.memory_space<vmem>> -> memref<1x128xi32, #tpu.memory_space<vmem>>
    %dma_start3A_2555 = tpu.memref_squeeze %dma_start3A_2554 : memref<1x128xi32, #tpu.memory_space<vmem>> -> memref<128xi32, #tpu.memory_space<vmem>>
    %dma_start3A_2556 = arith.constant 0 : i32
    %dma_start3A_2557 = arith.constant 0 : i32
    %dma_start3A_2558 = tpu.memref_slice %arg3[%dma_start3A_2556, %dma_start3A_2557] : memref<2600000x32xf32, #tpu.memory_space<hbm>> -> memref<2600000x32xf32, #tpu.memory_space<hbm>>
    tpu.enqueue_indirect_dma source(%dma_start3A_2558 : memref<2600000x32xf32, #tpu.memory_space<hbm>>) target(%dma_start3A_2552 : memref<128x32xf32, #tpu.memory_space<vmem>>) offsets(%dma_start3A_2555 : memref<128xi32, #tpu.memory_space<vmem>>) semaphore(%arg8 : memref<!tpu.dma_semaphore, #tpu.memory_space<semaphore_mem>>)
    %dma_start3A_2559 = arith.constant 1 : i32
    %dma_start3A_2560 = arith.constant 1 : i32
    %dma_start3A_2561 = arith.constant 0 : i32
    %dma_start3A_2562 = arith.constant 0 : i32
    %dma_start3A_2563 = tpu.memref_slice %arg7[%dma_start3A_2560, %dma_start3A_2561, %dma_start3A_2562] : memref<2x128x32xf32, #tpu.memory_space<vmem>> -> memref<1x128x32xf32, #tpu.memory_space<vmem>>
    %dma_start3A_2564 = tpu.memref_squeeze %dma_start3A_2563 : memref<1x128x32xf32, #tpu.memory_space<vmem>> -> memref<128x32xf32, #tpu.memory_space<vmem>>
    %dma_start3A_2565 = arith.constant 0 : i32
    %dma_start3A_2566 = tpu.memref_slice %arg6[%dma_start3A_2559, %dma_start3A_2565] : memref<26x128xi32, #tpu.memory_space<vmem>> -> memref<1x128xi32, #tpu.memory_space<vmem>>
    %dma_start3A_2567 = tpu.memref_squeeze %dma_start3A_2566 : memref<1x128xi32, #tpu.memory_space<vmem>> -> memref<128xi32, #tpu.memory_space<vmem>>
    %dma_start3A_2568 = arith.constant 0 : i32
    %dma_start3A_2569 = arith.constant 0 : i32
    %dma_start3A_2570 = tpu.memref_slice %arg3[%dma_start3A_2568, %dma_start3A_2569] : memref<2600000x32xf32, #tpu.memory_space<hbm>> -> memref<2600000x32xf32, #tpu.memory_space<hbm>>
    tpu.enqueue_indirect_dma source(%dma_start3A_2570 : memref<2600000x32xf32, #tpu.memory_space<hbm>>) target(%dma_start3A_2564 : memref<128x32xf32, #tpu.memory_space<vmem>>) offsets(%dma_start3A_2567 : memref<128xi32, #tpu.memory_space<vmem>>) semaphore(%arg8 : memref<!tpu.dma_semaphore, #tpu.memory_space<semaphore_mem>>)
    %dma_wait3A = arith.constant 0 : i32
    %dma_wait3A_2571 = arith.constant 0 : i32
    %dma_wait3A_2572 = arith.constant 0 : i32
    %dma_wait3A_2573 = arith.constant 0 : i32
    %dma_wait3A_2574 = tpu.memref_slice %arg7[%dma_wait3A_2571, %dma_wait3A_2572, %dma_wait3A_2573] : memref<2x128x32xf32, #tpu.memory_space<vmem>> -> memref<1x128x32xf32, #tpu.memory_space<vmem>>
    %dma_wait3A_2575 = tpu.memref_squeeze %dma_wait3A_2574 : memref<1x128x32xf32, #tpu.memory_space<vmem>> -> memref<128x32xf32, #tpu.memory_space<vmem>>
    %dma_wait3A_2576 = arith.constant 0 : i32
    %dma_wait3A_2577 = tpu.memref_slice %arg6[%dma_wait3A, %dma_wait3A_2576] : memref<26x128xi32, #tpu.memory_space<vmem>> -> memref<1x128xi32, #tpu.memory_space<vmem>>
    %dma_wait3A_2578 = tpu.memref_squeeze %dma_wait3A_2577 : memref<1x128xi32, #tpu.memory_space<vmem>> -> memref<128xi32, #tpu.memory_space<vmem>>
    %dma_wait3A_2579 = arith.constant 0 : i32
    %dma_wait3A_2580 = arith.constant 0 : i32
    %dma_wait3A_2581 = tpu.memref_slice %arg3[%dma_wait3A_2579, %dma_wait3A_2580] : memref<2600000x32xf32, #tpu.memory_space<hbm>> -> memref<2600000x32xf32, #tpu.memory_space<hbm>>
    tpu.wait_indirect_dma semaphore(%arg8 : memref<!tpu.dma_semaphore, #tpu.memory_space<semaphore_mem>>) src(%dma_wait3A_2581 : memref<2600000x32xf32, #tpu.memory_space<hbm>>) dst(%dma_wait3A_2575 : memref<128x32xf32, #tpu.memory_space<vmem>>)
    %add3A_2582 = arith.constant 0 : i32
    %add3A_2583 = arith.addi %add3A_2582, %mul3A_2 : i32
    %run_scoped3A = arith.constant 0 : i32
    "tpu.region"() ({
      %run_scoped3A_3247 = tpu.sem_alloc : memref<!tpu.dma_semaphore, #tpu.memory_space<semaphore_mem>>
      %dma_start3A_3248 = arith.constant 0 : i32
      %dma_start3A_3249 = arith.constant 0 : i32
      %dma_start3A_3250 = tpu.memref_slice %arg7[%run_scoped3A, %dma_start3A_3248, %dma_start3A_3249] : memref<2x128x32xf32, #tpu.memory_space<vmem>> -> memref<1x128x32xf32, #tpu.memory_space<vmem>>
      %dma_start3A_3251 = tpu.memref_squeeze %dma_start3A_3250 : memref<1x128x32xf32, #tpu.memory_space<vmem>> -> memref<128x32xf32, #tpu.memory_space<vmem>>
      %dma_start3A_3252 = arith.constant 0 : i32
      %dma_start3A_3253 = tpu.memref_slice %arg4[%add3A_2583, %dma_start3A_3252] : memref<106496x32xf32, #tpu.memory_space<hbm>> -> memref<128x32xf32, #tpu.memory_space<hbm>>
      %dma_start3A_3254 = arith.constant 0 : i32
      %dma_start3A_3255 = tpu.memref_slice %arg4[%add3A_2583, %dma_start3A_3254] : memref<106496x32xf32, #tpu.memory_space<hbm>> -> memref<128x32xf32, #tpu.memory_space<hbm>>
      %dma_start3A_3256 = arith.constant 0 : i32
      %dma_start3A_3257 = arith.constant 0 : i32
      %dma_start3A_3258 = tpu.memref_slice %arg7[%run_scoped3A, %dma_start3A_3256, %dma_start3A_3257] : memref<2x128x32xf32, #tpu.memory_space<vmem>> -> memref<1x128x32xf32, #tpu.memory_space<vmem>>
      %dma_start3A_3259 = tpu.memref_squeeze %dma_start3A_3258 : memref<1x128x32xf32, #tpu.memory_space<vmem>> -> memref<128x32xf32, #tpu.memory_space<vmem>>
      tpu.enqueue_dma source(%dma_start3A_3259 : memref<128x32xf32, #tpu.memory_space<vmem>>) target(%dma_start3A_3255 : memref<128x32xf32, #tpu.memory_space<hbm>>) target_semaphore(%run_scoped3A_3247 : memref<!tpu.dma_semaphore, #tpu.memory_space<semaphore_mem>>)
      %dma_wait3A_3260 = arith.constant 0 : i32
      %dma_wait3A_3261 = arith.constant 0 : i32
      %dma_wait3A_3262 = tpu.memref_slice %arg7[%run_scoped3A, %dma_wait3A_3260, %dma_wait3A_3261] : memref<2x128x32xf32, #tpu.memory_space<vmem>> -> memref<1x128x32xf32, #tpu.memory_space<vmem>>
      %dma_wait3A_3263 = tpu.memref_squeeze %dma_wait3A_3262 : memref<1x128x32xf32, #tpu.memory_space<vmem>> -> memref<128x32xf32, #tpu.memory_space<vmem>>
      %dma_wait3A_3264 = arith.constant 0 : i32
      %dma_wait3A_3265 = tpu.memref_slice %arg4[%add3A_2583, %dma_wait3A_3264] : memref<106496x32xf32, #tpu.memory_space<hbm>> -> memref<128x32xf32, #tpu.memory_space<hbm>>
      %dma_wait3A_3266 = arith.constant 0 : i32
      %dma_wait3A_3267 = tpu.memref_slice %arg4[%add3A_2583, %dma_wait3A_3266] : memref<106496x32xf32, #tpu.memory_space<hbm>> -> memref<128x32xf32, #tpu.memory_space<hbm>>
      %dma_wait3A_3268 = arith.constant 0 : i32
      %dma_wait3A_3269 = arith.constant 0 : i32
      %dma_wait3A_3270 = tpu.memref_slice %arg7[%run_scoped3A, %dma_wait3A_3268, %dma_wait3A_3269] : memref<2x128x32xf32, #tpu.memory_space<vmem>> -> memref<1x128x32xf32, #tpu.memory_space<vmem>>
      %dma_wait3A_3271 = tpu.memref_squeeze %dma_wait3A_3270 : memref<1x128x32xf32, #tpu.memory_space<vmem>> -> memref<128x32xf32, #tpu.memory_space<vmem>>
      tpu.wait_dma2 semaphore(%run_scoped3A_3247 : memref<!tpu.dma_semaphore, #tpu.memory_space<semaphore_mem>>) src(%dma_wait3A_3271 : memref<128x32xf32, #tpu.memory_space<vmem>>) dst(%dma_wait3A_3267 : memref<128x32xf32, #tpu.memory_space<hbm>>)
      tpu.yield
    }) : () -> ()
    %dma_start3A_2584 = arith.constant 2 : i32
    %dma_start3A_2585 = arith.constant 0 : i32
    %dma_start3A_2586 = arith.constant 0 : i32
    %dma_start3A_2587 = arith.constant 0 : i32
    %dma_start3A_2588 = tpu.memref_slice %arg7[%dma_start3A_2585, %dma_start3A_2586, %dma_start3A_2587] : memref<2x128x32xf32, #tpu.memory_space<vmem>> -> memref<1x128x32xf32, #tpu.memory_space<vmem>>
    %dma_start3A_2589 = tpu.memref_squeeze %dma_start3A_2588 : memref<1x128x32xf32, #tpu.memory_space<vmem>> -> memref<128x32xf32, #tpu.memory_space<vmem>>
    %dma_start3A_2590 = arith.constant 0 : i32
    %dma_start3A_2591 = tpu.memref_slice %arg6[%dma_start3A_2584, %dma_start3A_2590] : memref<26x128xi32, #tpu.memory_space<vmem>> -> memref<1x128xi32, #tpu.memory_space<vmem>>
    %dma_start3A_2592 = tpu.memref_squeeze %dma_start3A_2591 : memref<1x128xi32, #tpu.memory_space<vmem>> -> memref<128xi32, #tpu.memory_space<vmem>>
    %dma_start3A_2593 = arith.constant 0 : i32
    %dma_start3A_2594 = arith.constant 0 : i32
    %dma_start3A_2595 = tpu.memref_slice %arg3[%dma_start3A_2593, %dma_start3A_2594] : memref<2600000x32xf32, #tpu.memory_space<hbm>> -> memref<2600000x32xf32, #tpu.memory_space<hbm>>
    tpu.enqueue_indirect_dma source(%dma_start3A_2595 : memref<2600000x32xf32, #tpu.memory_space<hbm>>) target(%dma_start3A_2589 : memref<128x32xf32, #tpu.memory_space<vmem>>) offsets(%dma_start3A_2592 : memref<128xi32, #tpu.memory_space<vmem>>) semaphore(%arg8 : memref<!tpu.dma_semaphore, #tpu.memory_space<semaphore_mem>>)
    %dma_wait3A_2596 = arith.constant 1 : i32
    %dma_wait3A_2597 = arith.constant 1 : i32
    %dma_wait3A_2598 = arith.constant 0 : i32
    %dma_wait3A_2599 = arith.constant 0 : i32
    %dma_wait3A_2600 = tpu.memref_slice %arg7[%dma_wait3A_2597, %dma_wait3A_2598, %dma_wait3A_2599] : memref<2x128x32xf32, #tpu.memory_space<vmem>> -> memref<1x128x32xf32, #tpu.memory_space<vmem>>
    %dma_wait3A_2601 = tpu.memref_squeeze %dma_wait3A_2600 : memref<1x128x32xf32, #tpu.memory_space<vmem>> -> memref<128x32xf32, #tpu.memory_space<vmem>>
    %dma_wait3A_2602 = arith.constant 0 : i32
    %dma_wait3A_2603 = tpu.memref_slice %arg6[%dma_wait3A_2596, %dma_wait3A_2602] : memref<26x128xi32, #tpu.memory_space<vmem>> -> memref<1x128xi32, #tpu.memory_space<vmem>>
    %dma_wait3A_2604 = tpu.memref_squeeze %dma_wait3A_2603 : memref<1x128xi32, #tpu.memory_space<vmem>> -> memref<128xi32, #tpu.memory_space<vmem>>
    %dma_wait3A_2605 = arith.constant 0 : i32
    %dma_wait3A_2606 = arith.constant 0 : i32
    %dma_wait3A_2607 = tpu.memref_slice %arg3[%dma_wait3A_2605, %dma_wait3A_2606] : memref<2600000x32xf32, #tpu.memory_space<hbm>> -> memref<2600000x32xf32, #tpu.memory_space<hbm>>
    tpu.wait_indirect_dma semaphore(%arg8 : memref<!tpu.dma_semaphore, #tpu.memory_space<semaphore_mem>>) src(%dma_wait3A_2607 : memref<2600000x32xf32, #tpu.memory_space<hbm>>) dst(%dma_wait3A_2601 : memref<128x32xf32, #tpu.memory_space<vmem>>)
    %add3A_2608 = arith.constant 4096 : i32
    %add3A_2609 = arith.addi %add3A_2608, %mul3A_2 : i32
    %run_scoped3A_2610 = arith.constant 1 : i32
    "tpu.region"() ({
      %run_scoped3A_3247 = tpu.sem_alloc : memref<!tpu.dma_semaphore, #tpu.memory_space<semaphore_mem>>
      %dma_start3A_3248 = arith.constant 0 : i32
      %dma_start3A_3249 = arith.constant 0 : i32
      %dma_start3A_3250 = tpu.memref_slice %arg7[%run_scoped3A_2610, %dma_start3A_3248, %dma_start3A_3249] : memref<2x128x32xf32, #tpu.memory_space<vmem>> -> memref<1x128x32xf32, #tpu.memory_space<vmem>>
      %dma_start3A_3251 = tpu.memref_squeeze %dma_start3A_3250 : memref<1x128x32xf32, #tpu.memory_space<vmem>> -> memref<128x32xf32, #tpu.memory_space<vmem>>
      %dma_start3A_3252 = arith.constant 0 : i32
      %dma_start3A_3253 = tpu.memref_slice %arg4[%add3A_2609, %dma_start3A_3252] : memref<106496x32xf32, #tpu.memory_space<hbm>> -> memref<128x32xf32, #tpu.memory_space<hbm>>
      %dma_start3A_3254 = arith.constant 0 : i32
      %dma_start3A_3255 = tpu.memref_slice %arg4[%add3A_2609, %dma_start3A_3254] : memref<106496x32xf32, #tpu.memory_space<hbm>> -> memref<128x32xf32, #tpu.memory_space<hbm>>
      %dma_start3A_3256 = arith.constant 0 : i32
      %dma_start3A_3257 = arith.constant 0 : i32
      %dma_start3A_3258 = tpu.memref_slice %arg7[%run_scoped3A_2610, %dma_start3A_3256, %dma_start3A_3257] : memref<2x128x32xf32, #tpu.memory_space<vmem>> -> memref<1x128x32xf32, #tpu.memory_space<vmem>>
      %dma_start3A_3259 = tpu.memref_squeeze %dma_start3A_3258 : memref<1x128x32xf32, #tpu.memory_space<vmem>> -> memref<128x32xf32, #tpu.memory_space<vmem>>
      tpu.enqueue_dma source(%dma_start3A_3259 : memref<128x32xf32, #tpu.memory_space<vmem>>) target(%dma_start3A_3255 : memref<128x32xf32, #tpu.memory_space<hbm>>) target_semaphore(%run_scoped3A_3247 : memref<!tpu.dma_semaphore, #tpu.memory_space<semaphore_mem>>)
      %dma_wait3A_3260 = arith.constant 0 : i32
      %dma_wait3A_3261 = arith.constant 0 : i32
      %dma_wait3A_3262 = tpu.memref_slice %arg7[%run_scoped3A_2610, %dma_wait3A_3260, %dma_wait3A_3261] : memref<2x128x32xf32, #tpu.memory_space<vmem>> -> memref<1x128x32xf32, #tpu.memory_space<vmem>>
      %dma_wait3A_3263 = tpu.memref_squeeze %dma_wait3A_3262 : memref<1x128x32xf32, #tpu.memory_space<vmem>> -> memref<128x32xf32, #tpu.memory_space<vmem>>
      %dma_wait3A_3264 = arith.constant 0 : i32
      %dma_wait3A_3265 = tpu.memref_slice %arg4[%add3A_2609, %dma_wait3A_3264] : memref<106496x32xf32, #tpu.memory_space<hbm>> -> memref<128x32xf32, #tpu.memory_space<hbm>>
      %dma_wait3A_3266 = arith.constant 0 : i32
      %dma_wait3A_3267 = tpu.memref_slice %arg4[%add3A_2609, %dma_wait3A_3266] : memref<106496x32xf32, #tpu.memory_space<hbm>> -> memref<128x32xf32, #tpu.memory_space<hbm>>
      %dma_wait3A_3268 = arith.constant 0 : i32
      %dma_wait3A_3269 = arith.constant 0 : i32
      %dma_wait3A_3270 = tpu.memref_slice %arg7[%run_scoped3A_2610, %dma_wait3A_3268, %dma_wait3A_3269] : memref<2x128x32xf32, #tpu.memory_space<vmem>> -> memref<1x128x32xf32, #tpu.memory_space<vmem>>
      %dma_wait3A_3271 = tpu.memref_squeeze %dma_wait3A_3270 : memref<1x128x32xf32, #tpu.memory_space<vmem>> -> memref<128x32xf32, #tpu.memory_space<vmem>>
      tpu.wait_dma2 semaphore(%run_scoped3A_3247 : memref<!tpu.dma_semaphore, #tpu.memory_space<semaphore_mem>>) src(%dma_wait3A_3271 : memref<128x32xf32, #tpu.memory_space<vmem>>) dst(%dma_wait3A_3267 : memref<128x32xf32, #tpu.memory_space<hbm>>)
      tpu.yield
    }) : () -> ()
    %dma_start3A_2611 = arith.constant 3 : i32
    %dma_start3A_2612 = arith.constant 1 : i32
    %dma_start3A_2613 = arith.constant 0 : i32
    %dma_start3A_2614 = arith.constant 0 : i32
    %dma_start3A_2615 = tpu.memref_slice %arg7[%dma_start3A_2612, %dma_start3A_2613, %dma_start3A_2614] : memref<2x128x32xf32, #tpu.memory_space<vmem>> -> memref<1x128x32xf32, #tpu.memory_space<vmem>>
    %dma_start3A_2616 = tpu.memref_squeeze %dma_start3A_2615 : memref<1x128x32xf32, #tpu.memory_space<vmem>> -> memref<128x32xf32, #tpu.memory_space<vmem>>
    %dma_start3A_2617 = arith.constant 0 : i32
    %dma_start3A_2618 = tpu.memref_slice %arg6[%dma_start3A_2611, %dma_start3A_2617] : memref<26x128xi32, #tpu.memory_space<vmem>> -> memref<1x128xi32, #tpu.memory_space<vmem>>
    %dma_start3A_2619 = tpu.memref_squeeze %dma_start3A_2618 : memref<1x128xi32, #tpu.memory_space<vmem>> -> memref<128xi32, #tpu.memory_space<vmem>>
    %dma_start3A_2620 = arith.constant 0 : i32
    %dma_start3A_2621 = arith.constant 0 : i32
    %dma_start3A_2622 = tpu.memref_slice %arg3[%dma_start3A_2620, %dma_start3A_2621] : memref<2600000x32xf32, #tpu.memory_space<hbm>> -> memref<2600000x32xf32, #tpu.memory_space<hbm>>
    tpu.enqueue_indirect_dma source(%dma_start3A_2622 : memref<2600000x32xf32, #tpu.memory_space<hbm>>) target(%dma_start3A_2616 : memref<128x32xf32, #tpu.memory_space<vmem>>) offsets(%dma_start3A_2619 : memref<128xi32, #tpu.memory_space<vmem>>) semaphore(%arg8 : memref<!tpu.dma_semaphore, #tpu.memory_space<semaphore_mem>>)
    %dma_wait3A_2623 = arith.constant 2 : i32
    %dma_wait3A_2624 = arith.constant 0 : i32
    %dma_wait3A_2625 = arith.constant 0 : i32
    %dma_wait3A_2626 = arith.constant 0 : i32
    %dma_wait3A_2627 = tpu.memref_slice %arg7[%dma_wait3A_2624, %dma_wait3A_2625, %dma_wait3A_2626] : memref<2x128x32xf32, #tpu.memory_space<vmem>> -> memref<1x128x32xf32, #tpu.memory_space<vmem>>
    %dma_wait3A_2628 = tpu.memref_squeeze %dma_wait3A_2627 : memref<1x128x32xf32, #tpu.memory_space<vmem>> -> memref<128x32xf32, #tpu.memory_space<vmem>>
    %dma_wait3A_2629 = arith.constant 0 : i32
    %dma_wait3A_2630 = tpu.memref_slice %arg6[%dma_wait3A_2623, %dma_wait3A_2629] : memref<26x128xi32, #tpu.memory_space<vmem>> -> memref<1x128xi32, #tpu.memory_space<vmem>>
    %dma_wait3A_2631 = tpu.memref_squeeze %dma_wait3A_2630 : memref<1x128xi32, #tpu.memory_space<vmem>> -> memref<128xi32, #tpu.memory_space<vmem>>
    %dma_wait3A_2632 = arith.constant 0 : i32
    %dma_wait3A_2633 = arith.constant 0 : i32
    %dma_wait3A_2634 = tpu.memref_slice %arg3[%dma_wait3A_2632, %dma_wait3A_2633] : memref<2600000x32xf32, #tpu.memory_space<hbm>> -> memref<2600000x32xf32, #tpu.memory_space<hbm>>
    tpu.wait_indirect_dma semaphore(%arg8 : memref<!tpu.dma_semaphore, #tpu.memory_space<semaphore_mem>>) src(%dma_wait3A_2634 : memref<2600000x32xf32, #tpu.memory_space<hbm>>) dst(%dma_wait3A_2628 : memref<128x32xf32, #tpu.memory_space<vmem>>)
    %add3A_2635 = arith.constant 8192 : i32
    %add3A_2636 = arith.addi %add3A_2635, %mul3A_2 : i32
    %run_scoped3A_2637 = arith.constant 0 : i32
    "tpu.region"() ({
      %run_scoped3A_3247 = tpu.sem_alloc : memref<!tpu.dma_semaphore, #tpu.memory_space<semaphore_mem>>
      %dma_start3A_3248 = arith.constant 0 : i32
      %dma_start3A_3249 = arith.constant 0 : i32
      %dma_start3A_3250 = tpu.memref_slice %arg7[%run_scoped3A_2637, %dma_start3A_3248, %dma_start3A_3249] : memref<2x128x32xf32, #tpu.memory_space<vmem>> -> memref<1x128x32xf32, #tpu.memory_space<vmem>>
      %dma_start3A_3251 = tpu.memref_squeeze %dma_start3A_3250 : memref<1x128x32xf32, #tpu.memory_space<vmem>> -> memref<128x32xf32, #tpu.memory_space<vmem>>
      %dma_start3A_3252 = arith.constant 0 : i32
      %dma_start3A_3253 = tpu.memref_slice %arg4[%add3A_2636, %dma_start3A_3252] : memref<106496x32xf32, #tpu.memory_space<hbm>> -> memref<128x32xf32, #tpu.memory_space<hbm>>
      %dma_start3A_3254 = arith.constant 0 : i32
      %dma_start3A_3255 = tpu.memref_slice %arg4[%add3A_2636, %dma_start3A_3254] : memref<106496x32xf32, #tpu.memory_space<hbm>> -> memref<128x32xf32, #tpu.memory_space<hbm>>
      %dma_start3A_3256 = arith.constant 0 : i32
      %dma_start3A_3257 = arith.constant 0 : i32
      %dma_start3A_3258 = tpu.memref_slice %arg7[%run_scoped3A_2637, %dma_start3A_3256, %dma_start3A_3257] : memref<2x128x32xf32, #tpu.memory_space<vmem>> -> memref<1x128x32xf32, #tpu.memory_space<vmem>>
      %dma_start3A_3259 = tpu.memref_squeeze %dma_start3A_3258 : memref<1x128x32xf32, #tpu.memory_space<vmem>> -> memref<128x32xf32, #tpu.memory_space<vmem>>
      tpu.enqueue_dma source(%dma_start3A_3259 : memref<128x32xf32, #tpu.memory_space<vmem>>) target(%dma_start3A_3255 : memref<128x32xf32, #tpu.memory_space<hbm>>) target_semaphore(%run_scoped3A_3247 : memref<!tpu.dma_semaphore, #tpu.memory_space<semaphore_mem>>)
      %dma_wait3A_3260 = arith.constant 0 : i32
      %dma_wait3A_3261 = arith.constant 0 : i32
      %dma_wait3A_3262 = tpu.memref_slice %arg7[%run_scoped3A_2637, %dma_wait3A_3260, %dma_wait3A_3261] : memref<2x128x32xf32, #tpu.memory_space<vmem>> -> memref<1x128x32xf32, #tpu.memory_space<vmem>>
      %dma_wait3A_3263 = tpu.memref_squeeze %dma_wait3A_3262 : memref<1x128x32xf32, #tpu.memory_space<vmem>> -> memref<128x32xf32, #tpu.memory_space<vmem>>
      %dma_wait3A_3264 = arith.constant 0 : i32
      %dma_wait3A_3265 = tpu.memref_slice %arg4[%add3A_2636, %dma_wait3A_3264] : memref<106496x32xf32, #tpu.memory_space<hbm>> -> memref<128x32xf32, #tpu.memory_space<hbm>>
      %dma_wait3A_3266 = arith.constant 0 : i32
      %dma_wait3A_3267 = tpu.memref_slice %arg4[%add3A_2636, %dma_wait3A_3266] : memref<106496x32xf32, #tpu.memory_space<hbm>> -> memref<128x32xf32, #tpu.memory_space<hbm>>
      %dma_wait3A_3268 = arith.constant 0 : i32
      %dma_wait3A_3269 = arith.constant 0 : i32
      %dma_wait3A_3270 = tpu.memref_slice %arg7[%run_scoped3A_2637, %dma_wait3A_3268, %dma_wait3A_3269] : memref<2x128x32xf32, #tpu.memory_space<vmem>> -> memref<1x128x32xf32, #tpu.memory_space<vmem>>
      %dma_wait3A_3271 = tpu.memref_squeeze %dma_wait3A_3270 : memref<1x128x32xf32, #tpu.memory_space<vmem>> -> memref<128x32xf32, #tpu.memory_space<vmem>>
      tpu.wait_dma2 semaphore(%run_scoped3A_3247 : memref<!tpu.dma_semaphore, #tpu.memory_space<semaphore_mem>>) src(%dma_wait3A_3271 : memref<128x32xf32, #tpu.memory_space<vmem>>) dst(%dma_wait3A_3267 : memref<128x32xf32, #tpu.memory_space<hbm>>)
      tpu.yield
    }) : () -> ()
    %dma_start3A_2638 = arith.constant 4 : i32
    %dma_start3A_2639 = arith.constant 0 : i32
    %dma_start3A_2640 = arith.constant 0 : i32
    %dma_start3A_2641 = arith.constant 0 : i32
    %dma_start3A_2642 = tpu.memref_slice %arg7[%dma_start3A_2639, %dma_start3A_2640, %dma_start3A_2641] : memref<2x128x32xf32, #tpu.memory_space<vmem>> -> memref<1x128x32xf32, #tpu.memory_space<vmem>>
    %dma_start3A_2643 = tpu.memref_squeeze %dma_start3A_2642 : memref<1x128x32xf32, #tpu.memory_space<vmem>> -> memref<128x32xf32, #tpu.memory_space<vmem>>
    %dma_start3A_2644 = arith.constant 0 : i32
    %dma_start3A_2645 = tpu.memref_slice %arg6[%dma_start3A_2638, %dma_start3A_2644] : memref<26x128xi32, #tpu.memory_space<vmem>> -> memref<1x128xi32, #tpu.memory_space<vmem>>
    %dma_start3A_2646 = tpu.memref_squeeze %dma_start3A_2645 : memref<1x128xi32, #tpu.memory_space<vmem>> -> memref<128xi32, #tpu.memory_space<vmem>>
    %dma_start3A_2647 = arith.constant 0 : i32
    %dma_start3A_2648 = arith.constant 0 : i32
    %dma_start3A_2649 = tpu.memref_slice %arg3[%dma_start3A_2647, %dma_start3A_2648] : memref<2600000x32xf32, #tpu.memory_space<hbm>> -> memref<2600000x32xf32, #tpu.memory_space<hbm>>
    tpu.enqueue_indirect_dma source(%dma_start3A_2649 : memref<2600000x32xf32, #tpu.memory_space<hbm>>) target(%dma_start3A_2643 : memref<128x32xf32, #tpu.memory_space<vmem>>) offsets(%dma_start3A_2646 : memref<128xi32, #tpu.memory_space<vmem>>) semaphore(%arg8 : memref<!tpu.dma_semaphore, #tpu.memory_space<semaphore_mem>>)
    %dma_wait3A_2650 = arith.constant 3 : i32
    %dma_wait3A_2651 = arith.constant 1 : i32
    %dma_wait3A_2652 = arith.constant 0 : i32
    %dma_wait3A_2653 = arith.constant 0 : i32
    %dma_wait3A_2654 = tpu.memref_slice %arg7[%dma_wait3A_2651, %dma_wait3A_2652, %dma_wait3A_2653] : memref<2x128x32xf32, #tpu.memory_space<vmem>> -> memref<1x128x32xf32, #tpu.memory_space<vmem>>
    %dma_wait3A_2655 = tpu.memref_squeeze %dma_wait3A_2654 : memref<1x128x32xf32, #tpu.memory_space<vmem>> -> memref<128x32xf32, #tpu.memory_space<vmem>>
    %dma_wait3A_2656 = arith.constant 0 : i32
    %dma_wait3A_2657 = tpu.memref_slice %arg6[%dma_wait3A_2650, %dma_wait3A_2656] : memref<26x128xi32, #tpu.memory_space<vmem>> -> memref<1x128xi32, #tpu.memory_space<vmem>>
    %dma_wait3A_2658 = tpu.memref_squeeze %dma_wait3A_2657 : memref<1x128xi32, #tpu.memory_space<vmem>> -> memref<128xi32, #tpu.memory_space<vmem>>
    %dma_wait3A_2659 = arith.constant 0 : i32
    %dma_wait3A_2660 = arith.constant 0 : i32
    %dma_wait3A_2661 = tpu.memref_slice %arg3[%dma_wait3A_2659, %dma_wait3A_2660] : memref<2600000x32xf32, #tpu.memory_space<hbm>> -> memref<2600000x32xf32, #tpu.memory_space<hbm>>
    tpu.wait_indirect_dma semaphore(%arg8 : memref<!tpu.dma_semaphore, #tpu.memory_space<semaphore_mem>>) src(%dma_wait3A_2661 : memref<2600000x32xf32, #tpu.memory_space<hbm>>) dst(%dma_wait3A_2655 : memref<128x32xf32, #tpu.memory_space<vmem>>)
    %add3A_2662 = arith.constant 12288 : i32
    %add3A_2663 = arith.addi %add3A_2662, %mul3A_2 : i32
    %run_scoped3A_2664 = arith.constant 1 : i32
    "tpu.region"() ({
      %run_scoped3A_3247 = tpu.sem_alloc : memref<!tpu.dma_semaphore, #tpu.memory_space<semaphore_mem>>
      %dma_start3A_3248 = arith.constant 0 : i32
      %dma_start3A_3249 = arith.constant 0 : i32
      %dma_start3A_3250 = tpu.memref_slice %arg7[%run_scoped3A_2664, %dma_start3A_3248, %dma_start3A_3249] : memref<2x128x32xf32, #tpu.memory_space<vmem>> -> memref<1x128x32xf32, #tpu.memory_space<vmem>>
      %dma_start3A_3251 = tpu.memref_squeeze %dma_start3A_3250 : memref<1x128x32xf32, #tpu.memory_space<vmem>> -> memref<128x32xf32, #tpu.memory_space<vmem>>
      %dma_start3A_3252 = arith.constant 0 : i32
      %dma_start3A_3253 = tpu.memref_slice %arg4[%add3A_2663, %dma_start3A_3252] : memref<106496x32xf32, #tpu.memory_space<hbm>> -> memref<128x32xf32, #tpu.memory_space<hbm>>
      %dma_start3A_3254 = arith.constant 0 : i32
      %dma_start3A_3255 = tpu.memref_slice %arg4[%add3A_2663, %dma_start3A_3254] : memref<106496x32xf32, #tpu.memory_space<hbm>> -> memref<128x32xf32, #tpu.memory_space<hbm>>
      %dma_start3A_3256 = arith.constant 0 : i32
      %dma_start3A_3257 = arith.constant 0 : i32
      %dma_start3A_3258 = tpu.memref_slice %arg7[%run_scoped3A_2664, %dma_start3A_3256, %dma_start3A_3257] : memref<2x128x32xf32, #tpu.memory_space<vmem>> -> memref<1x128x32xf32, #tpu.memory_space<vmem>>
      %dma_start3A_3259 = tpu.memref_squeeze %dma_start3A_3258 : memref<1x128x32xf32, #tpu.memory_space<vmem>> -> memref<128x32xf32, #tpu.memory_space<vmem>>
      tpu.enqueue_dma source(%dma_start3A_3259 : memref<128x32xf32, #tpu.memory_space<vmem>>) target(%dma_start3A_3255 : memref<128x32xf32, #tpu.memory_space<hbm>>) target_semaphore(%run_scoped3A_3247 : memref<!tpu.dma_semaphore, #tpu.memory_space<semaphore_mem>>)
      %dma_wait3A_3260 = arith.constant 0 : i32
      %dma_wait3A_3261 = arith.constant 0 : i32
      %dma_wait3A_3262 = tpu.memref_slice %arg7[%run_scoped3A_2664, %dma_wait3A_3260, %dma_wait3A_3261] : memref<2x128x32xf32, #tpu.memory_space<vmem>> -> memref<1x128x32xf32, #tpu.memory_space<vmem>>
      %dma_wait3A_3263 = tpu.memref_squeeze %dma_wait3A_3262 : memref<1x128x32xf32, #tpu.memory_space<vmem>> -> memref<128x32xf32, #tpu.memory_space<vmem>>
      %dma_wait3A_3264 = arith.constant 0 : i32
      %dma_wait3A_3265 = tpu.memref_slice %arg4[%add3A_2663, %dma_wait3A_3264] : memref<106496x32xf32, #tpu.memory_space<hbm>> -> memref<128x32xf32, #tpu.memory_space<hbm>>
      %dma_wait3A_3266 = arith.constant 0 : i32
      %dma_wait3A_3267 = tpu.memref_slice %arg4[%add3A_2663, %dma_wait3A_3266] : memref<106496x32xf32, #tpu.memory_space<hbm>> -> memref<128x32xf32, #tpu.memory_space<hbm>>
      %dma_wait3A_3268 = arith.constant 0 : i32
      %dma_wait3A_3269 = arith.constant 0 : i32
      %dma_wait3A_3270 = tpu.memref_slice %arg7[%run_scoped3A_2664, %dma_wait3A_3268, %dma_wait3A_3269] : memref<2x128x32xf32, #tpu.memory_space<vmem>> -> memref<1x128x32xf32, #tpu.memory_space<vmem>>
      %dma_wait3A_3271 = tpu.memref_squeeze %dma_wait3A_3270 : memref<1x128x32xf32, #tpu.memory_space<vmem>> -> memref<128x32xf32, #tpu.memory_space<vmem>>
      tpu.wait_dma2 semaphore(%run_scoped3A_3247 : memref<!tpu.dma_semaphore, #tpu.memory_space<semaphore_mem>>) src(%dma_wait3A_3271 : memref<128x32xf32, #tpu.memory_space<vmem>>) dst(%dma_wait3A_3267 : memref<128x32xf32, #tpu.memory_space<hbm>>)
      tpu.yield
    }) : () -> ()
    %dma_start3A_2665 = arith.constant 5 : i32
    %dma_start3A_2666 = arith.constant 1 : i32
    %dma_start3A_2667 = arith.constant 0 : i32
    %dma_start3A_2668 = arith.constant 0 : i32
    %dma_start3A_2669 = tpu.memref_slice %arg7[%dma_start3A_2666, %dma_start3A_2667, %dma_start3A_2668] : memref<2x128x32xf32, #tpu.memory_space<vmem>> -> memref<1x128x32xf32, #tpu.memory_space<vmem>>
    %dma_start3A_2670 = tpu.memref_squeeze %dma_start3A_2669 : memref<1x128x32xf32, #tpu.memory_space<vmem>> -> memref<128x32xf32, #tpu.memory_space<vmem>>
    %dma_start3A_2671 = arith.constant 0 : i32
    %dma_start3A_2672 = tpu.memref_slice %arg6[%dma_start3A_2665, %dma_start3A_2671] : memref<26x128xi32, #tpu.memory_space<vmem>> -> memref<1x128xi32, #tpu.memory_space<vmem>>
    %dma_start3A_2673 = tpu.memref_squeeze %dma_start3A_2672 : memref<1x128xi32, #tpu.memory_space<vmem>> -> memref<128xi32, #tpu.memory_space<vmem>>
    %dma_start3A_2674 = arith.constant 0 : i32
    %dma_start3A_2675 = arith.constant 0 : i32
    %dma_start3A_2676 = tpu.memref_slice %arg3[%dma_start3A_2674, %dma_start3A_2675] : memref<2600000x32xf32, #tpu.memory_space<hbm>> -> memref<2600000x32xf32, #tpu.memory_space<hbm>>
    tpu.enqueue_indirect_dma source(%dma_start3A_2676 : memref<2600000x32xf32, #tpu.memory_space<hbm>>) target(%dma_start3A_2670 : memref<128x32xf32, #tpu.memory_space<vmem>>) offsets(%dma_start3A_2673 : memref<128xi32, #tpu.memory_space<vmem>>) semaphore(%arg8 : memref<!tpu.dma_semaphore, #tpu.memory_space<semaphore_mem>>)
    %dma_wait3A_2677 = arith.constant 4 : i32
    %dma_wait3A_2678 = arith.constant 0 : i32
    %dma_wait3A_2679 = arith.constant 0 : i32
    %dma_wait3A_2680 = arith.constant 0 : i32
    %dma_wait3A_2681 = tpu.memref_slice %arg7[%dma_wait3A_2678, %dma_wait3A_2679, %dma_wait3A_2680] : memref<2x128x32xf32, #tpu.memory_space<vmem>> -> memref<1x128x32xf32, #tpu.memory_space<vmem>>
    %dma_wait3A_2682 = tpu.memref_squeeze %dma_wait3A_2681 : memref<1x128x32xf32, #tpu.memory_space<vmem>> -> memref<128x32xf32, #tpu.memory_space<vmem>>
    %dma_wait3A_2683 = arith.constant 0 : i32
    %dma_wait3A_2684 = tpu.memref_slice %arg6[%dma_wait3A_2677, %dma_wait3A_2683] : memref<26x128xi32, #tpu.memory_space<vmem>> -> memref<1x128xi32, #tpu.memory_space<vmem>>
    %dma_wait3A_2685 = tpu.memref_squeeze %dma_wait3A_2684 : memref<1x128xi32, #tpu.memory_space<vmem>> -> memref<128xi32, #tpu.memory_space<vmem>>
    %dma_wait3A_2686 = arith.constant 0 : i32
    %dma_wait3A_2687 = arith.constant 0 : i32
    %dma_wait3A_2688 = tpu.memref_slice %arg3[%dma_wait3A_2686, %dma_wait3A_2687] : memref<2600000x32xf32, #tpu.memory_space<hbm>> -> memref<2600000x32xf32, #tpu.memory_space<hbm>>
    tpu.wait_indirect_dma semaphore(%arg8 : memref<!tpu.dma_semaphore, #tpu.memory_space<semaphore_mem>>) src(%dma_wait3A_2688 : memref<2600000x32xf32, #tpu.memory_space<hbm>>) dst(%dma_wait3A_2682 : memref<128x32xf32, #tpu.memory_space<vmem>>)
    %add3A_2689 = arith.constant 16384 : i32
    %add3A_2690 = arith.addi %add3A_2689, %mul3A_2 : i32
    %run_scoped3A_2691 = arith.constant 0 : i32
    "tpu.region"() ({
      %run_scoped3A_3247 = tpu.sem_alloc : memref<!tpu.dma_semaphore, #tpu.memory_space<semaphore_mem>>
      %dma_start3A_3248 = arith.constant 0 : i32
      %dma_start3A_3249 = arith.constant 0 : i32
      %dma_start3A_3250 = tpu.memref_slice %arg7[%run_scoped3A_2691, %dma_start3A_3248, %dma_start3A_3249] : memref<2x128x32xf32, #tpu.memory_space<vmem>> -> memref<1x128x32xf32, #tpu.memory_space<vmem>>
      %dma_start3A_3251 = tpu.memref_squeeze %dma_start3A_3250 : memref<1x128x32xf32, #tpu.memory_space<vmem>> -> memref<128x32xf32, #tpu.memory_space<vmem>>
      %dma_start3A_3252 = arith.constant 0 : i32
      %dma_start3A_3253 = tpu.memref_slice %arg4[%add3A_2690, %dma_start3A_3252] : memref<106496x32xf32, #tpu.memory_space<hbm>> -> memref<128x32xf32, #tpu.memory_space<hbm>>
      %dma_start3A_3254 = arith.constant 0 : i32
      %dma_start3A_3255 = tpu.memref_slice %arg4[%add3A_2690, %dma_start3A_3254] : memref<106496x32xf32, #tpu.memory_space<hbm>> -> memref<128x32xf32, #tpu.memory_space<hbm>>
      %dma_start3A_3256 = arith.constant 0 : i32
      %dma_start3A_3257 = arith.constant 0 : i32
      %dma_start3A_3258 = tpu.memref_slice %arg7[%run_scoped3A_2691, %dma_start3A_3256, %dma_start3A_3257] : memref<2x128x32xf32, #tpu.memory_space<vmem>> -> memref<1x128x32xf32, #tpu.memory_space<vmem>>
      %dma_start3A_3259 = tpu.memref_squeeze %dma_start3A_3258 : memref<1x128x32xf32, #tpu.memory_space<vmem>> -> memref<128x32xf32, #tpu.memory_space<vmem>>
      tpu.enqueue_dma source(%dma_start3A_3259 : memref<128x32xf32, #tpu.memory_space<vmem>>) target(%dma_start3A_3255 : memref<128x32xf32, #tpu.memory_space<hbm>>) target_semaphore(%run_scoped3A_3247 : memref<!tpu.dma_semaphore, #tpu.memory_space<semaphore_mem>>)
      %dma_wait3A_3260 = arith.constant 0 : i32
      %dma_wait3A_3261 = arith.constant 0 : i32
      %dma_wait3A_3262 = tpu.memref_slice %arg7[%run_scoped3A_2691, %dma_wait3A_3260, %dma_wait3A_3261] : memref<2x128x32xf32, #tpu.memory_space<vmem>> -> memref<1x128x32xf32, #tpu.memory_space<vmem>>
      %dma_wait3A_3263 = tpu.memref_squeeze %dma_wait3A_3262 : memref<1x128x32xf32, #tpu.memory_space<vmem>> -> memref<128x32xf32, #tpu.memory_space<vmem>>
      %dma_wait3A_3264 = arith.constant 0 : i32
      %dma_wait3A_3265 = tpu.memref_slice %arg4[%add3A_2690, %dma_wait3A_3264] : memref<106496x32xf32, #tpu.memory_space<hbm>> -> memref<128x32xf32, #tpu.memory_space<hbm>>
      %dma_wait3A_3266 = arith.constant 0 : i32
      %dma_wait3A_3267 = tpu.memref_slice %arg4[%add3A_2690, %dma_wait3A_3266] : memref<106496x32xf32, #tpu.memory_space<hbm>> -> memref<128x32xf32, #tpu.memory_space<hbm>>
      %dma_wait3A_3268 = arith.constant 0 : i32
      %dma_wait3A_3269 = arith.constant 0 : i32
      %dma_wait3A_3270 = tpu.memref_slice %arg7[%run_scoped3A_2691, %dma_wait3A_3268, %dma_wait3A_3269] : memref<2x128x32xf32, #tpu.memory_space<vmem>> -> memref<1x128x32xf32, #tpu.memory_space<vmem>>
      %dma_wait3A_3271 = tpu.memref_squeeze %dma_wait3A_3270 : memref<1x128x32xf32, #tpu.memory_space<vmem>> -> memref<128x32xf32, #tpu.memory_space<vmem>>
      tpu.wait_dma2 semaphore(%run_scoped3A_3247 : memref<!tpu.dma_semaphore, #tpu.memory_space<semaphore_mem>>) src(%dma_wait3A_3271 : memref<128x32xf32, #tpu.memory_space<vmem>>) dst(%dma_wait3A_3267 : memref<128x32xf32, #tpu.memory_space<hbm>>)
      tpu.yield
    }) : () -> ()
    %dma_start3A_2692 = arith.constant 6 : i32
    %dma_start3A_2693 = arith.constant 0 : i32
    %dma_start3A_2694 = arith.constant 0 : i32
    %dma_start3A_2695 = arith.constant 0 : i32
    %dma_start3A_2696 = tpu.memref_slice %arg7[%dma_start3A_2693, %dma_start3A_2694, %dma_start3A_2695] : memref<2x128x32xf32, #tpu.memory_space<vmem>> -> memref<1x128x32xf32, #tpu.memory_space<vmem>>
    %dma_start3A_2697 = tpu.memref_squeeze %dma_start3A_2696 : memref<1x128x32xf32, #tpu.memory_space<vmem>> -> memref<128x32xf32, #tpu.memory_space<vmem>>
    %dma_start3A_2698 = arith.constant 0 : i32
    %dma_start3A_2699 = tpu.memref_slice %arg6[%dma_start3A_2692, %dma_start3A_2698] : memref<26x128xi32, #tpu.memory_space<vmem>> -> memref<1x128xi32, #tpu.memory_space<vmem>>
    %dma_start3A_2700 = tpu.memref_squeeze %dma_start3A_2699 : memref<1x128xi32, #tpu.memory_space<vmem>> -> memref<128xi32, #tpu.memory_space<vmem>>
    %dma_start3A_2701 = arith.constant 0 : i32
    %dma_start3A_2702 = arith.constant 0 : i32
    %dma_start3A_2703 = tpu.memref_slice %arg3[%dma_start3A_2701, %dma_start3A_2702] : memref<2600000x32xf32, #tpu.memory_space<hbm>> -> memref<2600000x32xf32, #tpu.memory_space<hbm>>
    tpu.enqueue_indirect_dma source(%dma_start3A_2703 : memref<2600000x32xf32, #tpu.memory_space<hbm>>) target(%dma_start3A_2697 : memref<128x32xf32, #tpu.memory_space<vmem>>) offsets(%dma_start3A_2700 : memref<128xi32, #tpu.memory_space<vmem>>) semaphore(%arg8 : memref<!tpu.dma_semaphore, #tpu.memory_space<semaphore_mem>>)
    %dma_wait3A_2704 = arith.constant 5 : i32
    %dma_wait3A_2705 = arith.constant 1 : i32
    %dma_wait3A_2706 = arith.constant 0 : i32
    %dma_wait3A_2707 = arith.constant 0 : i32
    %dma_wait3A_2708 = tpu.memref_slice %arg7[%dma_wait3A_2705, %dma_wait3A_2706, %dma_wait3A_2707] : memref<2x128x32xf32, #tpu.memory_space<vmem>> -> memref<1x128x32xf32, #tpu.memory_space<vmem>>
    %dma_wait3A_2709 = tpu.memref_squeeze %dma_wait3A_2708 : memref<1x128x32xf32, #tpu.memory_space<vmem>> -> memref<128x32xf32, #tpu.memory_space<vmem>>
    %dma_wait3A_2710 = arith.constant 0 : i32
    %dma_wait3A_2711 = tpu.memref_slice %arg6[%dma_wait3A_2704, %dma_wait3A_2710] : memref<26x128xi32, #tpu.memory_space<vmem>> -> memref<1x128xi32, #tpu.memory_space<vmem>>
    %dma_wait3A_2712 = tpu.memref_squeeze %dma_wait3A_2711 : memref<1x128xi32, #tpu.memory_space<vmem>> -> memref<128xi32, #tpu.memory_space<vmem>>
    %dma_wait3A_2713 = arith.constant 0 : i32
    %dma_wait3A_2714 = arith.constant 0 : i32
    %dma_wait3A_2715 = tpu.memref_slice %arg3[%dma_wait3A_2713, %dma_wait3A_2714] : memref<2600000x32xf32, #tpu.memory_space<hbm>> -> memref<2600000x32xf32, #tpu.memory_space<hbm>>
    tpu.wait_indirect_dma semaphore(%arg8 : memref<!tpu.dma_semaphore, #tpu.memory_space<semaphore_mem>>) src(%dma_wait3A_2715 : memref<2600000x32xf32, #tpu.memory_space<hbm>>) dst(%dma_wait3A_2709 : memref<128x32xf32, #tpu.memory_space<vmem>>)
    %add3A_2716 = arith.constant 20480 : i32
    %add3A_2717 = arith.addi %add3A_2716, %mul3A_2 : i32
    %run_scoped3A_2718 = arith.constant 1 : i32
    "tpu.region"() ({
      %run_scoped3A_3247 = tpu.sem_alloc : memref<!tpu.dma_semaphore, #tpu.memory_space<semaphore_mem>>
      %dma_start3A_3248 = arith.constant 0 : i32
      %dma_start3A_3249 = arith.constant 0 : i32
      %dma_start3A_3250 = tpu.memref_slice %arg7[%run_scoped3A_2718, %dma_start3A_3248, %dma_start3A_3249] : memref<2x128x32xf32, #tpu.memory_space<vmem>> -> memref<1x128x32xf32, #tpu.memory_space<vmem>>
      %dma_start3A_3251 = tpu.memref_squeeze %dma_start3A_3250 : memref<1x128x32xf32, #tpu.memory_space<vmem>> -> memref<128x32xf32, #tpu.memory_space<vmem>>
      %dma_start3A_3252 = arith.constant 0 : i32
      %dma_start3A_3253 = tpu.memref_slice %arg4[%add3A_2717, %dma_start3A_3252] : memref<106496x32xf32, #tpu.memory_space<hbm>> -> memref<128x32xf32, #tpu.memory_space<hbm>>
      %dma_start3A_3254 = arith.constant 0 : i32
      %dma_start3A_3255 = tpu.memref_slice %arg4[%add3A_2717, %dma_start3A_3254] : memref<106496x32xf32, #tpu.memory_space<hbm>> -> memref<128x32xf32, #tpu.memory_space<hbm>>
      %dma_start3A_3256 = arith.constant 0 : i32
      %dma_start3A_3257 = arith.constant 0 : i32
      %dma_start3A_3258 = tpu.memref_slice %arg7[%run_scoped3A_2718, %dma_start3A_3256, %dma_start3A_3257] : memref<2x128x32xf32, #tpu.memory_space<vmem>> -> memref<1x128x32xf32, #tpu.memory_space<vmem>>
      %dma_start3A_3259 = tpu.memref_squeeze %dma_start3A_3258 : memref<1x128x32xf32, #tpu.memory_space<vmem>> -> memref<128x32xf32, #tpu.memory_space<vmem>>
      tpu.enqueue_dma source(%dma_start3A_3259 : memref<128x32xf32, #tpu.memory_space<vmem>>) target(%dma_start3A_3255 : memref<128x32xf32, #tpu.memory_space<hbm>>) target_semaphore(%run_scoped3A_3247 : memref<!tpu.dma_semaphore, #tpu.memory_space<semaphore_mem>>)
      %dma_wait3A_3260 = arith.constant 0 : i32
      %dma_wait3A_3261 = arith.constant 0 : i32
      %dma_wait3A_3262 = tpu.memref_slice %arg7[%run_scoped3A_2718, %dma_wait3A_3260, %dma_wait3A_3261] : memref<2x128x32xf32, #tpu.memory_space<vmem>> -> memref<1x128x32xf32, #tpu.memory_space<vmem>>
      %dma_wait3A_3263 = tpu.memref_squeeze %dma_wait3A_3262 : memref<1x128x32xf32, #tpu.memory_space<vmem>> -> memref<128x32xf32, #tpu.memory_space<vmem>>
      %dma_wait3A_3264 = arith.constant 0 : i32
      %dma_wait3A_3265 = tpu.memref_slice %arg4[%add3A_2717, %dma_wait3A_3264] : memref<106496x32xf32, #tpu.memory_space<hbm>> -> memref<128x32xf32, #tpu.memory_space<hbm>>
      %dma_wait3A_3266 = arith.constant 0 : i32
      %dma_wait3A_3267 = tpu.memref_slice %arg4[%add3A_2717, %dma_wait3A_3266] : memref<106496x32xf32, #tpu.memory_space<hbm>> -> memref<128x32xf32, #tpu.memory_space<hbm>>
      %dma_wait3A_3268 = arith.constant 0 : i32
      %dma_wait3A_3269 = arith.constant 0 : i32
      %dma_wait3A_3270 = tpu.memref_slice %arg7[%run_scoped3A_2718, %dma_wait3A_3268, %dma_wait3A_3269] : memref<2x128x32xf32, #tpu.memory_space<vmem>> -> memref<1x128x32xf32, #tpu.memory_space<vmem>>
      %dma_wait3A_3271 = tpu.memref_squeeze %dma_wait3A_3270 : memref<1x128x32xf32, #tpu.memory_space<vmem>> -> memref<128x32xf32, #tpu.memory_space<vmem>>
      tpu.wait_dma2 semaphore(%run_scoped3A_3247 : memref<!tpu.dma_semaphore, #tpu.memory_space<semaphore_mem>>) src(%dma_wait3A_3271 : memref<128x32xf32, #tpu.memory_space<vmem>>) dst(%dma_wait3A_3267 : memref<128x32xf32, #tpu.memory_space<hbm>>)
      tpu.yield
    }) : () -> ()
    %dma_start3A_2719 = arith.constant 7 : i32
    %dma_start3A_2720 = arith.constant 1 : i32
    %dma_start3A_2721 = arith.constant 0 : i32
    %dma_start3A_2722 = arith.constant 0 : i32
    %dma_start3A_2723 = tpu.memref_slice %arg7[%dma_start3A_2720, %dma_start3A_2721, %dma_start3A_2722] : memref<2x128x32xf32, #tpu.memory_space<vmem>> -> memref<1x128x32xf32, #tpu.memory_space<vmem>>
    %dma_start3A_2724 = tpu.memref_squeeze %dma_start3A_2723 : memref<1x128x32xf32, #tpu.memory_space<vmem>> -> memref<128x32xf32, #tpu.memory_space<vmem>>
    %dma_start3A_2725 = arith.constant 0 : i32
    %dma_start3A_2726 = tpu.memref_slice %arg6[%dma_start3A_2719, %dma_start3A_2725] : memref<26x128xi32, #tpu.memory_space<vmem>> -> memref<1x128xi32, #tpu.memory_space<vmem>>
    %dma_start3A_2727 = tpu.memref_squeeze %dma_start3A_2726 : memref<1x128xi32, #tpu.memory_space<vmem>> -> memref<128xi32, #tpu.memory_space<vmem>>
    %dma_start3A_2728 = arith.constant 0 : i32
    %dma_start3A_2729 = arith.constant 0 : i32
    %dma_start3A_2730 = tpu.memref_slice %arg3[%dma_start3A_2728, %dma_start3A_2729] : memref<2600000x32xf32, #tpu.memory_space<hbm>> -> memref<2600000x32xf32, #tpu.memory_space<hbm>>
    tpu.enqueue_indirect_dma source(%dma_start3A_2730 : memref<2600000x32xf32, #tpu.memory_space<hbm>>) target(%dma_start3A_2724 : memref<128x32xf32, #tpu.memory_space<vmem>>) offsets(%dma_start3A_2727 : memref<128xi32, #tpu.memory_space<vmem>>) semaphore(%arg8 : memref<!tpu.dma_semaphore, #tpu.memory_space<semaphore_mem>>)
    %dma_wait3A_2731 = arith.constant 6 : i32
    %dma_wait3A_2732 = arith.constant 0 : i32
    %dma_wait3A_2733 = arith.constant 0 : i32
    %dma_wait3A_2734 = arith.constant 0 : i32
    %dma_wait3A_2735 = tpu.memref_slice %arg7[%dma_wait3A_2732, %dma_wait3A_2733, %dma_wait3A_2734] : memref<2x128x32xf32, #tpu.memory_space<vmem>> -> memref<1x128x32xf32, #tpu.memory_space<vmem>>
    %dma_wait3A_2736 = tpu.memref_squeeze %dma_wait3A_2735 : memref<1x128x32xf32, #tpu.memory_space<vmem>> -> memref<128x32xf32, #tpu.memory_space<vmem>>
    %dma_wait3A_2737 = arith.constant 0 : i32
    %dma_wait3A_2738 = tpu.memref_slice %arg6[%dma_wait3A_2731, %dma_wait3A_2737] : memref<26x128xi32, #tpu.memory_space<vmem>> -> memref<1x128xi32, #tpu.memory_space<vmem>>
    %dma_wait3A_2739 = tpu.memref_squeeze %dma_wait3A_2738 : memref<1x128xi32, #tpu.memory_space<vmem>> -> memref<128xi32, #tpu.memory_space<vmem>>
    %dma_wait3A_2740 = arith.constant 0 : i32
    %dma_wait3A_2741 = arith.constant 0 : i32
    %dma_wait3A_2742 = tpu.memref_slice %arg3[%dma_wait3A_2740, %dma_wait3A_2741] : memref<2600000x32xf32, #tpu.memory_space<hbm>> -> memref<2600000x32xf32, #tpu.memory_space<hbm>>
    tpu.wait_indirect_dma semaphore(%arg8 : memref<!tpu.dma_semaphore, #tpu.memory_space<semaphore_mem>>) src(%dma_wait3A_2742 : memref<2600000x32xf32, #tpu.memory_space<hbm>>) dst(%dma_wait3A_2736 : memref<128x32xf32, #tpu.memory_space<vmem>>)
    %add3A_2743 = arith.constant 24576 : i32
    %add3A_2744 = arith.addi %add3A_2743, %mul3A_2 : i32
    %run_scoped3A_2745 = arith.constant 0 : i32
    "tpu.region"() ({
      %run_scoped3A_3247 = tpu.sem_alloc : memref<!tpu.dma_semaphore, #tpu.memory_space<semaphore_mem>>
      %dma_start3A_3248 = arith.constant 0 : i32
      %dma_start3A_3249 = arith.constant 0 : i32
      %dma_start3A_3250 = tpu.memref_slice %arg7[%run_scoped3A_2745, %dma_start3A_3248, %dma_start3A_3249] : memref<2x128x32xf32, #tpu.memory_space<vmem>> -> memref<1x128x32xf32, #tpu.memory_space<vmem>>
      %dma_start3A_3251 = tpu.memref_squeeze %dma_start3A_3250 : memref<1x128x32xf32, #tpu.memory_space<vmem>> -> memref<128x32xf32, #tpu.memory_space<vmem>>
      %dma_start3A_3252 = arith.constant 0 : i32
      %dma_start3A_3253 = tpu.memref_slice %arg4[%add3A_2744, %dma_start3A_3252] : memref<106496x32xf32, #tpu.memory_space<hbm>> -> memref<128x32xf32, #tpu.memory_space<hbm>>
      %dma_start3A_3254 = arith.constant 0 : i32
      %dma_start3A_3255 = tpu.memref_slice %arg4[%add3A_2744, %dma_start3A_3254] : memref<106496x32xf32, #tpu.memory_space<hbm>> -> memref<128x32xf32, #tpu.memory_space<hbm>>
      %dma_start3A_3256 = arith.constant 0 : i32
      %dma_start3A_3257 = arith.constant 0 : i32
      %dma_start3A_3258 = tpu.memref_slice %arg7[%run_scoped3A_2745, %dma_start3A_3256, %dma_start3A_3257] : memref<2x128x32xf32, #tpu.memory_space<vmem>> -> memref<1x128x32xf32, #tpu.memory_space<vmem>>
      %dma_start3A_3259 = tpu.memref_squeeze %dma_start3A_3258 : memref<1x128x32xf32, #tpu.memory_space<vmem>> -> memref<128x32xf32, #tpu.memory_space<vmem>>
      tpu.enqueue_dma source(%dma_start3A_3259 : memref<128x32xf32, #tpu.memory_space<vmem>>) target(%dma_start3A_3255 : memref<128x32xf32, #tpu.memory_space<hbm>>) target_semaphore(%run_scoped3A_3247 : memref<!tpu.dma_semaphore, #tpu.memory_space<semaphore_mem>>)
      %dma_wait3A_3260 = arith.constant 0 : i32
      %dma_wait3A_3261 = arith.constant 0 : i32
      %dma_wait3A_3262 = tpu.memref_slice %arg7[%run_scoped3A_2745, %dma_wait3A_3260, %dma_wait3A_3261] : memref<2x128x32xf32, #tpu.memory_space<vmem>> -> memref<1x128x32xf32, #tpu.memory_space<vmem>>
      %dma_wait3A_3263 = tpu.memref_squeeze %dma_wait3A_3262 : memref<1x128x32xf32, #tpu.memory_space<vmem>> -> memref<128x32xf32, #tpu.memory_space<vmem>>
      %dma_wait3A_3264 = arith.constant 0 : i32
      %dma_wait3A_3265 = tpu.memref_slice %arg4[%add3A_2744, %dma_wait3A_3264] : memref<106496x32xf32, #tpu.memory_space<hbm>> -> memref<128x32xf32, #tpu.memory_space<hbm>>
      %dma_wait3A_3266 = arith.constant 0 : i32
      %dma_wait3A_3267 = tpu.memref_slice %arg4[%add3A_2744, %dma_wait3A_3266] : memref<106496x32xf32, #tpu.memory_space<hbm>> -> memref<128x32xf32, #tpu.memory_space<hbm>>
      %dma_wait3A_3268 = arith.constant 0 : i32
      %dma_wait3A_3269 = arith.constant 0 : i32
      %dma_wait3A_3270 = tpu.memref_slice %arg7[%run_scoped3A_2745, %dma_wait3A_3268, %dma_wait3A_3269] : memref<2x128x32xf32, #tpu.memory_space<vmem>> -> memref<1x128x32xf32, #tpu.memory_space<vmem>>
      %dma_wait3A_3271 = tpu.memref_squeeze %dma_wait3A_3270 : memref<1x128x32xf32, #tpu.memory_space<vmem>> -> memref<128x32xf32, #tpu.memory_space<vmem>>
      tpu.wait_dma2 semaphore(%run_scoped3A_3247 : memref<!tpu.dma_semaphore, #tpu.memory_space<semaphore_mem>>) src(%dma_wait3A_3271 : memref<128x32xf32, #tpu.memory_space<vmem>>) dst(%dma_wait3A_3267 : memref<128x32xf32, #tpu.memory_space<hbm>>)
      tpu.yield
    }) : () -> ()
    %dma_start3A_2746 = arith.constant 8 : i32
    %dma_start3A_2747 = arith.constant 0 : i32
    %dma_start3A_2748 = arith.constant 0 : i32
    %dma_start3A_2749 = arith.constant 0 : i32
    %dma_start3A_2750 = tpu.memref_slice %arg7[%dma_start3A_2747, %dma_start3A_2748, %dma_start3A_2749] : memref<2x128x32xf32, #tpu.memory_space<vmem>> -> memref<1x128x32xf32, #tpu.memory_space<vmem>>
    %dma_start3A_2751 = tpu.memref_squeeze %dma_start3A_2750 : memref<1x128x32xf32, #tpu.memory_space<vmem>> -> memref<128x32xf32, #tpu.memory_space<vmem>>
    %dma_start3A_2752 = arith.constant 0 : i32
    %dma_start3A_2753 = tpu.memref_slice %arg6[%dma_start3A_2746, %dma_start3A_2752] : memref<26x128xi32, #tpu.memory_space<vmem>> -> memref<1x128xi32, #tpu.memory_space<vmem>>
    %dma_start3A_2754 = tpu.memref_squeeze %dma_start3A_2753 : memref<1x128xi32, #tpu.memory_space<vmem>> -> memref<128xi32, #tpu.memory_space<vmem>>
    %dma_start3A_2755 = arith.constant 0 : i32
    %dma_start3A_2756 = arith.constant 0 : i32
    %dma_start3A_2757 = tpu.memref_slice %arg3[%dma_start3A_2755, %dma_start3A_2756] : memref<2600000x32xf32, #tpu.memory_space<hbm>> -> memref<2600000x32xf32, #tpu.memory_space<hbm>>
    tpu.enqueue_indirect_dma source(%dma_start3A_2757 : memref<2600000x32xf32, #tpu.memory_space<hbm>>) target(%dma_start3A_2751 : memref<128x32xf32, #tpu.memory_space<vmem>>) offsets(%dma_start3A_2754 : memref<128xi32, #tpu.memory_space<vmem>>) semaphore(%arg8 : memref<!tpu.dma_semaphore, #tpu.memory_space<semaphore_mem>>)
    %dma_wait3A_2758 = arith.constant 7 : i32
    %dma_wait3A_2759 = arith.constant 1 : i32
    %dma_wait3A_2760 = arith.constant 0 : i32
    %dma_wait3A_2761 = arith.constant 0 : i32
    %dma_wait3A_2762 = tpu.memref_slice %arg7[%dma_wait3A_2759, %dma_wait3A_2760, %dma_wait3A_2761] : memref<2x128x32xf32, #tpu.memory_space<vmem>> -> memref<1x128x32xf32, #tpu.memory_space<vmem>>
    %dma_wait3A_2763 = tpu.memref_squeeze %dma_wait3A_2762 : memref<1x128x32xf32, #tpu.memory_space<vmem>> -> memref<128x32xf32, #tpu.memory_space<vmem>>
    %dma_wait3A_2764 = arith.constant 0 : i32
    %dma_wait3A_2765 = tpu.memref_slice %arg6[%dma_wait3A_2758, %dma_wait3A_2764] : memref<26x128xi32, #tpu.memory_space<vmem>> -> memref<1x128xi32, #tpu.memory_space<vmem>>
    %dma_wait3A_2766 = tpu.memref_squeeze %dma_wait3A_2765 : memref<1x128xi32, #tpu.memory_space<vmem>> -> memref<128xi32, #tpu.memory_space<vmem>>
    %dma_wait3A_2767 = arith.constant 0 : i32
    %dma_wait3A_2768 = arith.constant 0 : i32
    %dma_wait3A_2769 = tpu.memref_slice %arg3[%dma_wait3A_2767, %dma_wait3A_2768] : memref<2600000x32xf32, #tpu.memory_space<hbm>> -> memref<2600000x32xf32, #tpu.memory_space<hbm>>
    tpu.wait_indirect_dma semaphore(%arg8 : memref<!tpu.dma_semaphore, #tpu.memory_space<semaphore_mem>>) src(%dma_wait3A_2769 : memref<2600000x32xf32, #tpu.memory_space<hbm>>) dst(%dma_wait3A_2763 : memref<128x32xf32, #tpu.memory_space<vmem>>)
    %add3A_2770 = arith.constant 28672 : i32
    %add3A_2771 = arith.addi %add3A_2770, %mul3A_2 : i32
    %run_scoped3A_2772 = arith.constant 1 : i32
    "tpu.region"() ({
      %run_scoped3A_3247 = tpu.sem_alloc : memref<!tpu.dma_semaphore, #tpu.memory_space<semaphore_mem>>
      %dma_start3A_3248 = arith.constant 0 : i32
      %dma_start3A_3249 = arith.constant 0 : i32
      %dma_start3A_3250 = tpu.memref_slice %arg7[%run_scoped3A_2772, %dma_start3A_3248, %dma_start3A_3249] : memref<2x128x32xf32, #tpu.memory_space<vmem>> -> memref<1x128x32xf32, #tpu.memory_space<vmem>>
      %dma_start3A_3251 = tpu.memref_squeeze %dma_start3A_3250 : memref<1x128x32xf32, #tpu.memory_space<vmem>> -> memref<128x32xf32, #tpu.memory_space<vmem>>
      %dma_start3A_3252 = arith.constant 0 : i32
      %dma_start3A_3253 = tpu.memref_slice %arg4[%add3A_2771, %dma_start3A_3252] : memref<106496x32xf32, #tpu.memory_space<hbm>> -> memref<128x32xf32, #tpu.memory_space<hbm>>
      %dma_start3A_3254 = arith.constant 0 : i32
      %dma_start3A_3255 = tpu.memref_slice %arg4[%add3A_2771, %dma_start3A_3254] : memref<106496x32xf32, #tpu.memory_space<hbm>> -> memref<128x32xf32, #tpu.memory_space<hbm>>
      %dma_start3A_3256 = arith.constant 0 : i32
      %dma_start3A_3257 = arith.constant 0 : i32
      %dma_start3A_3258 = tpu.memref_slice %arg7[%run_scoped3A_2772, %dma_start3A_3256, %dma_start3A_3257] : memref<2x128x32xf32, #tpu.memory_space<vmem>> -> memref<1x128x32xf32, #tpu.memory_space<vmem>>
      %dma_start3A_3259 = tpu.memref_squeeze %dma_start3A_3258 : memref<1x128x32xf32, #tpu.memory_space<vmem>> -> memref<128x32xf32, #tpu.memory_space<vmem>>
      tpu.enqueue_dma source(%dma_start3A_3259 : memref<128x32xf32, #tpu.memory_space<vmem>>) target(%dma_start3A_3255 : memref<128x32xf32, #tpu.memory_space<hbm>>) target_semaphore(%run_scoped3A_3247 : memref<!tpu.dma_semaphore, #tpu.memory_space<semaphore_mem>>)
      %dma_wait3A_3260 = arith.constant 0 : i32
      %dma_wait3A_3261 = arith.constant 0 : i32
      %dma_wait3A_3262 = tpu.memref_slice %arg7[%run_scoped3A_2772, %dma_wait3A_3260, %dma_wait3A_3261] : memref<2x128x32xf32, #tpu.memory_space<vmem>> -> memref<1x128x32xf32, #tpu.memory_space<vmem>>
      %dma_wait3A_3263 = tpu.memref_squeeze %dma_wait3A_3262 : memref<1x128x32xf32, #tpu.memory_space<vmem>> -> memref<128x32xf32, #tpu.memory_space<vmem>>
      %dma_wait3A_3264 = arith.constant 0 : i32
      %dma_wait3A_3265 = tpu.memref_slice %arg4[%add3A_2771, %dma_wait3A_3264] : memref<106496x32xf32, #tpu.memory_space<hbm>> -> memref<128x32xf32, #tpu.memory_space<hbm>>
      %dma_wait3A_3266 = arith.constant 0 : i32
      %dma_wait3A_3267 = tpu.memref_slice %arg4[%add3A_2771, %dma_wait3A_3266] : memref<106496x32xf32, #tpu.memory_space<hbm>> -> memref<128x32xf32, #tpu.memory_space<hbm>>
      %dma_wait3A_3268 = arith.constant 0 : i32
      %dma_wait3A_3269 = arith.constant 0 : i32
      %dma_wait3A_3270 = tpu.memref_slice %arg7[%run_scoped3A_2772, %dma_wait3A_3268, %dma_wait3A_3269] : memref<2x128x32xf32, #tpu.memory_space<vmem>> -> memref<1x128x32xf32, #tpu.memory_space<vmem>>
      %dma_wait3A_3271 = tpu.memref_squeeze %dma_wait3A_3270 : memref<1x128x32xf32, #tpu.memory_space<vmem>> -> memref<128x32xf32, #tpu.memory_space<vmem>>
      tpu.wait_dma2 semaphore(%run_scoped3A_3247 : memref<!tpu.dma_semaphore, #tpu.memory_space<semaphore_mem>>) src(%dma_wait3A_3271 : memref<128x32xf32, #tpu.memory_space<vmem>>) dst(%dma_wait3A_3267 : memref<128x32xf32, #tpu.memory_space<hbm>>)
      tpu.yield
    }) : () -> ()
    %dma_start3A_2773 = arith.constant 9 : i32
    %dma_start3A_2774 = arith.constant 1 : i32
    %dma_start3A_2775 = arith.constant 0 : i32
    %dma_start3A_2776 = arith.constant 0 : i32
    %dma_start3A_2777 = tpu.memref_slice %arg7[%dma_start3A_2774, %dma_start3A_2775, %dma_start3A_2776] : memref<2x128x32xf32, #tpu.memory_space<vmem>> -> memref<1x128x32xf32, #tpu.memory_space<vmem>>
    %dma_start3A_2778 = tpu.memref_squeeze %dma_start3A_2777 : memref<1x128x32xf32, #tpu.memory_space<vmem>> -> memref<128x32xf32, #tpu.memory_space<vmem>>
    %dma_start3A_2779 = arith.constant 0 : i32
    %dma_start3A_2780 = tpu.memref_slice %arg6[%dma_start3A_2773, %dma_start3A_2779] : memref<26x128xi32, #tpu.memory_space<vmem>> -> memref<1x128xi32, #tpu.memory_space<vmem>>
    %dma_start3A_2781 = tpu.memref_squeeze %dma_start3A_2780 : memref<1x128xi32, #tpu.memory_space<vmem>> -> memref<128xi32, #tpu.memory_space<vmem>>
    %dma_start3A_2782 = arith.constant 0 : i32
    %dma_start3A_2783 = arith.constant 0 : i32
    %dma_start3A_2784 = tpu.memref_slice %arg3[%dma_start3A_2782, %dma_start3A_2783] : memref<2600000x32xf32, #tpu.memory_space<hbm>> -> memref<2600000x32xf32, #tpu.memory_space<hbm>>
    tpu.enqueue_indirect_dma source(%dma_start3A_2784 : memref<2600000x32xf32, #tpu.memory_space<hbm>>) target(%dma_start3A_2778 : memref<128x32xf32, #tpu.memory_space<vmem>>) offsets(%dma_start3A_2781 : memref<128xi32, #tpu.memory_space<vmem>>) semaphore(%arg8 : memref<!tpu.dma_semaphore, #tpu.memory_space<semaphore_mem>>)
    %dma_wait3A_2785 = arith.constant 8 : i32
    %dma_wait3A_2786 = arith.constant 0 : i32
    %dma_wait3A_2787 = arith.constant 0 : i32
    %dma_wait3A_2788 = arith.constant 0 : i32
    %dma_wait3A_2789 = tpu.memref_slice %arg7[%dma_wait3A_2786, %dma_wait3A_2787, %dma_wait3A_2788] : memref<2x128x32xf32, #tpu.memory_space<vmem>> -> memref<1x128x32xf32, #tpu.memory_space<vmem>>
    %dma_wait3A_2790 = tpu.memref_squeeze %dma_wait3A_2789 : memref<1x128x32xf32, #tpu.memory_space<vmem>> -> memref<128x32xf32, #tpu.memory_space<vmem>>
    %dma_wait3A_2791 = arith.constant 0 : i32
    %dma_wait3A_2792 = tpu.memref_slice %arg6[%dma_wait3A_2785, %dma_wait3A_2791] : memref<26x128xi32, #tpu.memory_space<vmem>> -> memref<1x128xi32, #tpu.memory_space<vmem>>
    %dma_wait3A_2793 = tpu.memref_squeeze %dma_wait3A_2792 : memref<1x128xi32, #tpu.memory_space<vmem>> -> memref<128xi32, #tpu.memory_space<vmem>>
    %dma_wait3A_2794 = arith.constant 0 : i32
    %dma_wait3A_2795 = arith.constant 0 : i32
    %dma_wait3A_2796 = tpu.memref_slice %arg3[%dma_wait3A_2794, %dma_wait3A_2795] : memref<2600000x32xf32, #tpu.memory_space<hbm>> -> memref<2600000x32xf32, #tpu.memory_space<hbm>>
    tpu.wait_indirect_dma semaphore(%arg8 : memref<!tpu.dma_semaphore, #tpu.memory_space<semaphore_mem>>) src(%dma_wait3A_2796 : memref<2600000x32xf32, #tpu.memory_space<hbm>>) dst(%dma_wait3A_2790 : memref<128x32xf32, #tpu.memory_space<vmem>>)
    %add3A_2797 = arith.constant 32768 : i32
    %add3A_2798 = arith.addi %add3A_2797, %mul3A_2 : i32
    %run_scoped3A_2799 = arith.constant 0 : i32
    "tpu.region"() ({
      %run_scoped3A_3247 = tpu.sem_alloc : memref<!tpu.dma_semaphore, #tpu.memory_space<semaphore_mem>>
      %dma_start3A_3248 = arith.constant 0 : i32
      %dma_start3A_3249 = arith.constant 0 : i32
      %dma_start3A_3250 = tpu.memref_slice %arg7[%run_scoped3A_2799, %dma_start3A_3248, %dma_start3A_3249] : memref<2x128x32xf32, #tpu.memory_space<vmem>> -> memref<1x128x32xf32, #tpu.memory_space<vmem>>
      %dma_start3A_3251 = tpu.memref_squeeze %dma_start3A_3250 : memref<1x128x32xf32, #tpu.memory_space<vmem>> -> memref<128x32xf32, #tpu.memory_space<vmem>>
      %dma_start3A_3252 = arith.constant 0 : i32
      %dma_start3A_3253 = tpu.memref_slice %arg4[%add3A_2798, %dma_start3A_3252] : memref<106496x32xf32, #tpu.memory_space<hbm>> -> memref<128x32xf32, #tpu.memory_space<hbm>>
      %dma_start3A_3254 = arith.constant 0 : i32
      %dma_start3A_3255 = tpu.memref_slice %arg4[%add3A_2798, %dma_start3A_3254] : memref<106496x32xf32, #tpu.memory_space<hbm>> -> memref<128x32xf32, #tpu.memory_space<hbm>>
      %dma_start3A_3256 = arith.constant 0 : i32
      %dma_start3A_3257 = arith.constant 0 : i32
      %dma_start3A_3258 = tpu.memref_slice %arg7[%run_scoped3A_2799, %dma_start3A_3256, %dma_start3A_3257] : memref<2x128x32xf32, #tpu.memory_space<vmem>> -> memref<1x128x32xf32, #tpu.memory_space<vmem>>
      %dma_start3A_3259 = tpu.memref_squeeze %dma_start3A_3258 : memref<1x128x32xf32, #tpu.memory_space<vmem>> -> memref<128x32xf32, #tpu.memory_space<vmem>>
      tpu.enqueue_dma source(%dma_start3A_3259 : memref<128x32xf32, #tpu.memory_space<vmem>>) target(%dma_start3A_3255 : memref<128x32xf32, #tpu.memory_space<hbm>>) target_semaphore(%run_scoped3A_3247 : memref<!tpu.dma_semaphore, #tpu.memory_space<semaphore_mem>>)
      %dma_wait3A_3260 = arith.constant 0 : i32
      %dma_wait3A_3261 = arith.constant 0 : i32
      %dma_wait3A_3262 = tpu.memref_slice %arg7[%run_scoped3A_2799, %dma_wait3A_3260, %dma_wait3A_3261] : memref<2x128x32xf32, #tpu.memory_space<vmem>> -> memref<1x128x32xf32, #tpu.memory_space<vmem>>
      %dma_wait3A_3263 = tpu.memref_squeeze %dma_wait3A_3262 : memref<1x128x32xf32, #tpu.memory_space<vmem>> -> memref<128x32xf32, #tpu.memory_space<vmem>>
      %dma_wait3A_3264 = arith.constant 0 : i32
      %dma_wait3A_3265 = tpu.memref_slice %arg4[%add3A_2798, %dma_wait3A_3264] : memref<106496x32xf32, #tpu.memory_space<hbm>> -> memref<128x32xf32, #tpu.memory_space<hbm>>
      %dma_wait3A_3266 = arith.constant 0 : i32
      %dma_wait3A_3267 = tpu.memref_slice %arg4[%add3A_2798, %dma_wait3A_3266] : memref<106496x32xf32, #tpu.memory_space<hbm>> -> memref<128x32xf32, #tpu.memory_space<hbm>>
      %dma_wait3A_3268 = arith.constant 0 : i32
      %dma_wait3A_3269 = arith.constant 0 : i32
      %dma_wait3A_3270 = tpu.memref_slice %arg7[%run_scoped3A_2799, %dma_wait3A_3268, %dma_wait3A_3269] : memref<2x128x32xf32, #tpu.memory_space<vmem>> -> memref<1x128x32xf32, #tpu.memory_space<vmem>>
      %dma_wait3A_3271 = tpu.memref_squeeze %dma_wait3A_3270 : memref<1x128x32xf32, #tpu.memory_space<vmem>> -> memref<128x32xf32, #tpu.memory_space<vmem>>
      tpu.wait_dma2 semaphore(%run_scoped3A_3247 : memref<!tpu.dma_semaphore, #tpu.memory_space<semaphore_mem>>) src(%dma_wait3A_3271 : memref<128x32xf32, #tpu.memory_space<vmem>>) dst(%dma_wait3A_3267 : memref<128x32xf32, #tpu.memory_space<hbm>>)
      tpu.yield
    }) : () -> ()
    %dma_start3A_2800 = arith.constant 10 : i32
    %dma_start3A_2801 = arith.constant 0 : i32
    %dma_start3A_2802 = arith.constant 0 : i32
    %dma_start3A_2803 = arith.constant 0 : i32
    %dma_start3A_2804 = tpu.memref_slice %arg7[%dma_start3A_2801, %dma_start3A_2802, %dma_start3A_2803] : memref<2x128x32xf32, #tpu.memory_space<vmem>> -> memref<1x128x32xf32, #tpu.memory_space<vmem>>
    %dma_start3A_2805 = tpu.memref_squeeze %dma_start3A_2804 : memref<1x128x32xf32, #tpu.memory_space<vmem>> -> memref<128x32xf32, #tpu.memory_space<vmem>>
    %dma_start3A_2806 = arith.constant 0 : i32
    %dma_start3A_2807 = tpu.memref_slice %arg6[%dma_start3A_2800, %dma_start3A_2806] : memref<26x128xi32, #tpu.memory_space<vmem>> -> memref<1x128xi32, #tpu.memory_space<vmem>>
    %dma_start3A_2808 = tpu.memref_squeeze %dma_start3A_2807 : memref<1x128xi32, #tpu.memory_space<vmem>> -> memref<128xi32, #tpu.memory_space<vmem>>
    %dma_start3A_2809 = arith.constant 0 : i32
    %dma_start3A_2810 = arith.constant 0 : i32
    %dma_start3A_2811 = tpu.memref_slice %arg3[%dma_start3A_2809, %dma_start3A_2810] : memref<2600000x32xf32, #tpu.memory_space<hbm>> -> memref<2600000x32xf32, #tpu.memory_space<hbm>>
    tpu.enqueue_indirect_dma source(%dma_start3A_2811 : memref<2600000x32xf32, #tpu.memory_space<hbm>>) target(%dma_start3A_2805 : memref<128x32xf32, #tpu.memory_space<vmem>>) offsets(%dma_start3A_2808 : memref<128xi32, #tpu.memory_space<vmem>>) semaphore(%arg8 : memref<!tpu.dma_semaphore, #tpu.memory_space<semaphore_mem>>)
    %dma_wait3A_2812 = arith.constant 9 : i32
    %dma_wait3A_2813 = arith.constant 1 : i32
    %dma_wait3A_2814 = arith.constant 0 : i32
    %dma_wait3A_2815 = arith.constant 0 : i32
    %dma_wait3A_2816 = tpu.memref_slice %arg7[%dma_wait3A_2813, %dma_wait3A_2814, %dma_wait3A_2815] : memref<2x128x32xf32, #tpu.memory_space<vmem>> -> memref<1x128x32xf32, #tpu.memory_space<vmem>>
    %dma_wait3A_2817 = tpu.memref_squeeze %dma_wait3A_2816 : memref<1x128x32xf32, #tpu.memory_space<vmem>> -> memref<128x32xf32, #tpu.memory_space<vmem>>
    %dma_wait3A_2818 = arith.constant 0 : i32
    %dma_wait3A_2819 = tpu.memref_slice %arg6[%dma_wait3A_2812, %dma_wait3A_2818] : memref<26x128xi32, #tpu.memory_space<vmem>> -> memref<1x128xi32, #tpu.memory_space<vmem>>
    %dma_wait3A_2820 = tpu.memref_squeeze %dma_wait3A_2819 : memref<1x128xi32, #tpu.memory_space<vmem>> -> memref<128xi32, #tpu.memory_space<vmem>>
    %dma_wait3A_2821 = arith.constant 0 : i32
    %dma_wait3A_2822 = arith.constant 0 : i32
    %dma_wait3A_2823 = tpu.memref_slice %arg3[%dma_wait3A_2821, %dma_wait3A_2822] : memref<2600000x32xf32, #tpu.memory_space<hbm>> -> memref<2600000x32xf32, #tpu.memory_space<hbm>>
    tpu.wait_indirect_dma semaphore(%arg8 : memref<!tpu.dma_semaphore, #tpu.memory_space<semaphore_mem>>) src(%dma_wait3A_2823 : memref<2600000x32xf32, #tpu.memory_space<hbm>>) dst(%dma_wait3A_2817 : memref<128x32xf32, #tpu.memory_space<vmem>>)
    %add3A_2824 = arith.constant 36864 : i32
    %add3A_2825 = arith.addi %add3A_2824, %mul3A_2 : i32
    %run_scoped3A_2826 = arith.constant 1 : i32
    "tpu.region"() ({
      %run_scoped3A_3247 = tpu.sem_alloc : memref<!tpu.dma_semaphore, #tpu.memory_space<semaphore_mem>>
      %dma_start3A_3248 = arith.constant 0 : i32
      %dma_start3A_3249 = arith.constant 0 : i32
      %dma_start3A_3250 = tpu.memref_slice %arg7[%run_scoped3A_2826, %dma_start3A_3248, %dma_start3A_3249] : memref<2x128x32xf32, #tpu.memory_space<vmem>> -> memref<1x128x32xf32, #tpu.memory_space<vmem>>
      %dma_start3A_3251 = tpu.memref_squeeze %dma_start3A_3250 : memref<1x128x32xf32, #tpu.memory_space<vmem>> -> memref<128x32xf32, #tpu.memory_space<vmem>>
      %dma_start3A_3252 = arith.constant 0 : i32
      %dma_start3A_3253 = tpu.memref_slice %arg4[%add3A_2825, %dma_start3A_3252] : memref<106496x32xf32, #tpu.memory_space<hbm>> -> memref<128x32xf32, #tpu.memory_space<hbm>>
      %dma_start3A_3254 = arith.constant 0 : i32
      %dma_start3A_3255 = tpu.memref_slice %arg4[%add3A_2825, %dma_start3A_3254] : memref<106496x32xf32, #tpu.memory_space<hbm>> -> memref<128x32xf32, #tpu.memory_space<hbm>>
      %dma_start3A_3256 = arith.constant 0 : i32
      %dma_start3A_3257 = arith.constant 0 : i32
      %dma_start3A_3258 = tpu.memref_slice %arg7[%run_scoped3A_2826, %dma_start3A_3256, %dma_start3A_3257] : memref<2x128x32xf32, #tpu.memory_space<vmem>> -> memref<1x128x32xf32, #tpu.memory_space<vmem>>
      %dma_start3A_3259 = tpu.memref_squeeze %dma_start3A_3258 : memref<1x128x32xf32, #tpu.memory_space<vmem>> -> memref<128x32xf32, #tpu.memory_space<vmem>>
      tpu.enqueue_dma source(%dma_start3A_3259 : memref<128x32xf32, #tpu.memory_space<vmem>>) target(%dma_start3A_3255 : memref<128x32xf32, #tpu.memory_space<hbm>>) target_semaphore(%run_scoped3A_3247 : memref<!tpu.dma_semaphore, #tpu.memory_space<semaphore_mem>>)
      %dma_wait3A_3260 = arith.constant 0 : i32
      %dma_wait3A_3261 = arith.constant 0 : i32
      %dma_wait3A_3262 = tpu.memref_slice %arg7[%run_scoped3A_2826, %dma_wait3A_3260, %dma_wait3A_3261] : memref<2x128x32xf32, #tpu.memory_space<vmem>> -> memref<1x128x32xf32, #tpu.memory_space<vmem>>
      %dma_wait3A_3263 = tpu.memref_squeeze %dma_wait3A_3262 : memref<1x128x32xf32, #tpu.memory_space<vmem>> -> memref<128x32xf32, #tpu.memory_space<vmem>>
      %dma_wait3A_3264 = arith.constant 0 : i32
      %dma_wait3A_3265 = tpu.memref_slice %arg4[%add3A_2825, %dma_wait3A_3264] : memref<106496x32xf32, #tpu.memory_space<hbm>> -> memref<128x32xf32, #tpu.memory_space<hbm>>
      %dma_wait3A_3266 = arith.constant 0 : i32
      %dma_wait3A_3267 = tpu.memref_slice %arg4[%add3A_2825, %dma_wait3A_3266] : memref<106496x32xf32, #tpu.memory_space<hbm>> -> memref<128x32xf32, #tpu.memory_space<hbm>>
      %dma_wait3A_3268 = arith.constant 0 : i32
      %dma_wait3A_3269 = arith.constant 0 : i32
      %dma_wait3A_3270 = tpu.memref_slice %arg7[%run_scoped3A_2826, %dma_wait3A_3268, %dma_wait3A_3269] : memref<2x128x32xf32, #tpu.memory_space<vmem>> -> memref<1x128x32xf32, #tpu.memory_space<vmem>>
      %dma_wait3A_3271 = tpu.memref_squeeze %dma_wait3A_3270 : memref<1x128x32xf32, #tpu.memory_space<vmem>> -> memref<128x32xf32, #tpu.memory_space<vmem>>
      tpu.wait_dma2 semaphore(%run_scoped3A_3247 : memref<!tpu.dma_semaphore, #tpu.memory_space<semaphore_mem>>) src(%dma_wait3A_3271 : memref<128x32xf32, #tpu.memory_space<vmem>>) dst(%dma_wait3A_3267 : memref<128x32xf32, #tpu.memory_space<hbm>>)
      tpu.yield
    }) : () -> ()
    %dma_start3A_2827 = arith.constant 11 : i32
    %dma_start3A_2828 = arith.constant 1 : i32
    %dma_start3A_2829 = arith.constant 0 : i32
    %dma_start3A_2830 = arith.constant 0 : i32
    %dma_start3A_2831 = tpu.memref_slice %arg7[%dma_start3A_2828, %dma_start3A_2829, %dma_start3A_2830] : memref<2x128x32xf32, #tpu.memory_space<vmem>> -> memref<1x128x32xf32, #tpu.memory_space<vmem>>
    %dma_start3A_2832 = tpu.memref_squeeze %dma_start3A_2831 : memref<1x128x32xf32, #tpu.memory_space<vmem>> -> memref<128x32xf32, #tpu.memory_space<vmem>>
    %dma_start3A_2833 = arith.constant 0 : i32
    %dma_start3A_2834 = tpu.memref_slice %arg6[%dma_start3A_2827, %dma_start3A_2833] : memref<26x128xi32, #tpu.memory_space<vmem>> -> memref<1x128xi32, #tpu.memory_space<vmem>>
    %dma_start3A_2835 = tpu.memref_squeeze %dma_start3A_2834 : memref<1x128xi32, #tpu.memory_space<vmem>> -> memref<128xi32, #tpu.memory_space<vmem>>
    %dma_start3A_2836 = arith.constant 0 : i32
    %dma_start3A_2837 = arith.constant 0 : i32
    %dma_start3A_2838 = tpu.memref_slice %arg3[%dma_start3A_2836, %dma_start3A_2837] : memref<2600000x32xf32, #tpu.memory_space<hbm>> -> memref<2600000x32xf32, #tpu.memory_space<hbm>>
    tpu.enqueue_indirect_dma source(%dma_start3A_2838 : memref<2600000x32xf32, #tpu.memory_space<hbm>>) target(%dma_start3A_2832 : memref<128x32xf32, #tpu.memory_space<vmem>>) offsets(%dma_start3A_2835 : memref<128xi32, #tpu.memory_space<vmem>>) semaphore(%arg8 : memref<!tpu.dma_semaphore, #tpu.memory_space<semaphore_mem>>)
    %dma_wait3A_2839 = arith.constant 10 : i32
    %dma_wait3A_2840 = arith.constant 0 : i32
    %dma_wait3A_2841 = arith.constant 0 : i32
    %dma_wait3A_2842 = arith.constant 0 : i32
    %dma_wait3A_2843 = tpu.memref_slice %arg7[%dma_wait3A_2840, %dma_wait3A_2841, %dma_wait3A_2842] : memref<2x128x32xf32, #tpu.memory_space<vmem>> -> memref<1x128x32xf32, #tpu.memory_space<vmem>>
    %dma_wait3A_2844 = tpu.memref_squeeze %dma_wait3A_2843 : memref<1x128x32xf32, #tpu.memory_space<vmem>> -> memref<128x32xf32, #tpu.memory_space<vmem>>
    %dma_wait3A_2845 = arith.constant 0 : i32
    %dma_wait3A_2846 = tpu.memref_slice %arg6[%dma_wait3A_2839, %dma_wait3A_2845] : memref<26x128xi32, #tpu.memory_space<vmem>> -> memref<1x128xi32, #tpu.memory_space<vmem>>
    %dma_wait3A_2847 = tpu.memref_squeeze %dma_wait3A_2846 : memref<1x128xi32, #tpu.memory_space<vmem>> -> memref<128xi32, #tpu.memory_space<vmem>>
    %dma_wait3A_2848 = arith.constant 0 : i32
    %dma_wait3A_2849 = arith.constant 0 : i32
    %dma_wait3A_2850 = tpu.memref_slice %arg3[%dma_wait3A_2848, %dma_wait3A_2849] : memref<2600000x32xf32, #tpu.memory_space<hbm>> -> memref<2600000x32xf32, #tpu.memory_space<hbm>>
    tpu.wait_indirect_dma semaphore(%arg8 : memref<!tpu.dma_semaphore, #tpu.memory_space<semaphore_mem>>) src(%dma_wait3A_2850 : memref<2600000x32xf32, #tpu.memory_space<hbm>>) dst(%dma_wait3A_2844 : memref<128x32xf32, #tpu.memory_space<vmem>>)
    %add3A_2851 = arith.constant 40960 : i32
    %add3A_2852 = arith.addi %add3A_2851, %mul3A_2 : i32
    %run_scoped3A_2853 = arith.constant 0 : i32
    "tpu.region"() ({
      %run_scoped3A_3247 = tpu.sem_alloc : memref<!tpu.dma_semaphore, #tpu.memory_space<semaphore_mem>>
      %dma_start3A_3248 = arith.constant 0 : i32
      %dma_start3A_3249 = arith.constant 0 : i32
      %dma_start3A_3250 = tpu.memref_slice %arg7[%run_scoped3A_2853, %dma_start3A_3248, %dma_start3A_3249] : memref<2x128x32xf32, #tpu.memory_space<vmem>> -> memref<1x128x32xf32, #tpu.memory_space<vmem>>
      %dma_start3A_3251 = tpu.memref_squeeze %dma_start3A_3250 : memref<1x128x32xf32, #tpu.memory_space<vmem>> -> memref<128x32xf32, #tpu.memory_space<vmem>>
      %dma_start3A_3252 = arith.constant 0 : i32
      %dma_start3A_3253 = tpu.memref_slice %arg4[%add3A_2852, %dma_start3A_3252] : memref<106496x32xf32, #tpu.memory_space<hbm>> -> memref<128x32xf32, #tpu.memory_space<hbm>>
      %dma_start3A_3254 = arith.constant 0 : i32
      %dma_start3A_3255 = tpu.memref_slice %arg4[%add3A_2852, %dma_start3A_3254] : memref<106496x32xf32, #tpu.memory_space<hbm>> -> memref<128x32xf32, #tpu.memory_space<hbm>>
      %dma_start3A_3256 = arith.constant 0 : i32
      %dma_start3A_3257 = arith.constant 0 : i32
      %dma_start3A_3258 = tpu.memref_slice %arg7[%run_scoped3A_2853, %dma_start3A_3256, %dma_start3A_3257] : memref<2x128x32xf32, #tpu.memory_space<vmem>> -> memref<1x128x32xf32, #tpu.memory_space<vmem>>
      %dma_start3A_3259 = tpu.memref_squeeze %dma_start3A_3258 : memref<1x128x32xf32, #tpu.memory_space<vmem>> -> memref<128x32xf32, #tpu.memory_space<vmem>>
      tpu.enqueue_dma source(%dma_start3A_3259 : memref<128x32xf32, #tpu.memory_space<vmem>>) target(%dma_start3A_3255 : memref<128x32xf32, #tpu.memory_space<hbm>>) target_semaphore(%run_scoped3A_3247 : memref<!tpu.dma_semaphore, #tpu.memory_space<semaphore_mem>>)
      %dma_wait3A_3260 = arith.constant 0 : i32
      %dma_wait3A_3261 = arith.constant 0 : i32
      %dma_wait3A_3262 = tpu.memref_slice %arg7[%run_scoped3A_2853, %dma_wait3A_3260, %dma_wait3A_3261] : memref<2x128x32xf32, #tpu.memory_space<vmem>> -> memref<1x128x32xf32, #tpu.memory_space<vmem>>
      %dma_wait3A_3263 = tpu.memref_squeeze %dma_wait3A_3262 : memref<1x128x32xf32, #tpu.memory_space<vmem>> -> memref<128x32xf32, #tpu.memory_space<vmem>>
      %dma_wait3A_3264 = arith.constant 0 : i32
      %dma_wait3A_3265 = tpu.memref_slice %arg4[%add3A_2852, %dma_wait3A_3264] : memref<106496x32xf32, #tpu.memory_space<hbm>> -> memref<128x32xf32, #tpu.memory_space<hbm>>
      %dma_wait3A_3266 = arith.constant 0 : i32
      %dma_wait3A_3267 = tpu.memref_slice %arg4[%add3A_2852, %dma_wait3A_3266] : memref<106496x32xf32, #tpu.memory_space<hbm>> -> memref<128x32xf32, #tpu.memory_space<hbm>>
      %dma_wait3A_3268 = arith.constant 0 : i32
      %dma_wait3A_3269 = arith.constant 0 : i32
      %dma_wait3A_3270 = tpu.memref_slice %arg7[%run_scoped3A_2853, %dma_wait3A_3268, %dma_wait3A_3269] : memref<2x128x32xf32, #tpu.memory_space<vmem>> -> memref<1x128x32xf32, #tpu.memory_space<vmem>>
      %dma_wait3A_3271 = tpu.memref_squeeze %dma_wait3A_3270 : memref<1x128x32xf32, #tpu.memory_space<vmem>> -> memref<128x32xf32, #tpu.memory_space<vmem>>
      tpu.wait_dma2 semaphore(%run_scoped3A_3247 : memref<!tpu.dma_semaphore, #tpu.memory_space<semaphore_mem>>) src(%dma_wait3A_3271 : memref<128x32xf32, #tpu.memory_space<vmem>>) dst(%dma_wait3A_3267 : memref<128x32xf32, #tpu.memory_space<hbm>>)
      tpu.yield
    }) : () -> ()
    %dma_start3A_2854 = arith.constant 12 : i32
    %dma_start3A_2855 = arith.constant 0 : i32
    %dma_start3A_2856 = arith.constant 0 : i32
    %dma_start3A_2857 = arith.constant 0 : i32
    %dma_start3A_2858 = tpu.memref_slice %arg7[%dma_start3A_2855, %dma_start3A_2856, %dma_start3A_2857] : memref<2x128x32xf32, #tpu.memory_space<vmem>> -> memref<1x128x32xf32, #tpu.memory_space<vmem>>
    %dma_start3A_2859 = tpu.memref_squeeze %dma_start3A_2858 : memref<1x128x32xf32, #tpu.memory_space<vmem>> -> memref<128x32xf32, #tpu.memory_space<vmem>>
    %dma_start3A_2860 = arith.constant 0 : i32
    %dma_start3A_2861 = tpu.memref_slice %arg6[%dma_start3A_2854, %dma_start3A_2860] : memref<26x128xi32, #tpu.memory_space<vmem>> -> memref<1x128xi32, #tpu.memory_space<vmem>>
    %dma_start3A_2862 = tpu.memref_squeeze %dma_start3A_2861 : memref<1x128xi32, #tpu.memory_space<vmem>> -> memref<128xi32, #tpu.memory_space<vmem>>
    %dma_start3A_2863 = arith.constant 0 : i32
    %dma_start3A_2864 = arith.constant 0 : i32
    %dma_start3A_2865 = tpu.memref_slice %arg3[%dma_start3A_2863, %dma_start3A_2864] : memref<2600000x32xf32, #tpu.memory_space<hbm>> -> memref<2600000x32xf32, #tpu.memory_space<hbm>>
    tpu.enqueue_indirect_dma source(%dma_start3A_2865 : memref<2600000x32xf32, #tpu.memory_space<hbm>>) target(%dma_start3A_2859 : memref<128x32xf32, #tpu.memory_space<vmem>>) offsets(%dma_start3A_2862 : memref<128xi32, #tpu.memory_space<vmem>>) semaphore(%arg8 : memref<!tpu.dma_semaphore, #tpu.memory_space<semaphore_mem>>)
    %dma_wait3A_2866 = arith.constant 11 : i32
    %dma_wait3A_2867 = arith.constant 1 : i32
    %dma_wait3A_2868 = arith.constant 0 : i32
    %dma_wait3A_2869 = arith.constant 0 : i32
    %dma_wait3A_2870 = tpu.memref_slice %arg7[%dma_wait3A_2867, %dma_wait3A_2868, %dma_wait3A_2869] : memref<2x128x32xf32, #tpu.memory_space<vmem>> -> memref<1x128x32xf32, #tpu.memory_space<vmem>>
    %dma_wait3A_2871 = tpu.memref_squeeze %dma_wait3A_2870 : memref<1x128x32xf32, #tpu.memory_space<vmem>> -> memref<128x32xf32, #tpu.memory_space<vmem>>
    %dma_wait3A_2872 = arith.constant 0 : i32
    %dma_wait3A_2873 = tpu.memref_slice %arg6[%dma_wait3A_2866, %dma_wait3A_2872] : memref<26x128xi32, #tpu.memory_space<vmem>> -> memref<1x128xi32, #tpu.memory_space<vmem>>
    %dma_wait3A_2874 = tpu.memref_squeeze %dma_wait3A_2873 : memref<1x128xi32, #tpu.memory_space<vmem>> -> memref<128xi32, #tpu.memory_space<vmem>>
    %dma_wait3A_2875 = arith.constant 0 : i32
    %dma_wait3A_2876 = arith.constant 0 : i32
    %dma_wait3A_2877 = tpu.memref_slice %arg3[%dma_wait3A_2875, %dma_wait3A_2876] : memref<2600000x32xf32, #tpu.memory_space<hbm>> -> memref<2600000x32xf32, #tpu.memory_space<hbm>>
    tpu.wait_indirect_dma semaphore(%arg8 : memref<!tpu.dma_semaphore, #tpu.memory_space<semaphore_mem>>) src(%dma_wait3A_2877 : memref<2600000x32xf32, #tpu.memory_space<hbm>>) dst(%dma_wait3A_2871 : memref<128x32xf32, #tpu.memory_space<vmem>>)
    %add3A_2878 = arith.constant 45056 : i32
    %add3A_2879 = arith.addi %add3A_2878, %mul3A_2 : i32
    %run_scoped3A_2880 = arith.constant 1 : i32
    "tpu.region"() ({
      %run_scoped3A_3247 = tpu.sem_alloc : memref<!tpu.dma_semaphore, #tpu.memory_space<semaphore_mem>>
      %dma_start3A_3248 = arith.constant 0 : i32
      %dma_start3A_3249 = arith.constant 0 : i32
      %dma_start3A_3250 = tpu.memref_slice %arg7[%run_scoped3A_2880, %dma_start3A_3248, %dma_start3A_3249] : memref<2x128x32xf32, #tpu.memory_space<vmem>> -> memref<1x128x32xf32, #tpu.memory_space<vmem>>
      %dma_start3A_3251 = tpu.memref_squeeze %dma_start3A_3250 : memref<1x128x32xf32, #tpu.memory_space<vmem>> -> memref<128x32xf32, #tpu.memory_space<vmem>>
      %dma_start3A_3252 = arith.constant 0 : i32
      %dma_start3A_3253 = tpu.memref_slice %arg4[%add3A_2879, %dma_start3A_3252] : memref<106496x32xf32, #tpu.memory_space<hbm>> -> memref<128x32xf32, #tpu.memory_space<hbm>>
      %dma_start3A_3254 = arith.constant 0 : i32
      %dma_start3A_3255 = tpu.memref_slice %arg4[%add3A_2879, %dma_start3A_3254] : memref<106496x32xf32, #tpu.memory_space<hbm>> -> memref<128x32xf32, #tpu.memory_space<hbm>>
      %dma_start3A_3256 = arith.constant 0 : i32
      %dma_start3A_3257 = arith.constant 0 : i32
      %dma_start3A_3258 = tpu.memref_slice %arg7[%run_scoped3A_2880, %dma_start3A_3256, %dma_start3A_3257] : memref<2x128x32xf32, #tpu.memory_space<vmem>> -> memref<1x128x32xf32, #tpu.memory_space<vmem>>
      %dma_start3A_3259 = tpu.memref_squeeze %dma_start3A_3258 : memref<1x128x32xf32, #tpu.memory_space<vmem>> -> memref<128x32xf32, #tpu.memory_space<vmem>>
      tpu.enqueue_dma source(%dma_start3A_3259 : memref<128x32xf32, #tpu.memory_space<vmem>>) target(%dma_start3A_3255 : memref<128x32xf32, #tpu.memory_space<hbm>>) target_semaphore(%run_scoped3A_3247 : memref<!tpu.dma_semaphore, #tpu.memory_space<semaphore_mem>>)
      %dma_wait3A_3260 = arith.constant 0 : i32
      %dma_wait3A_3261 = arith.constant 0 : i32
      %dma_wait3A_3262 = tpu.memref_slice %arg7[%run_scoped3A_2880, %dma_wait3A_3260, %dma_wait3A_3261] : memref<2x128x32xf32, #tpu.memory_space<vmem>> -> memref<1x128x32xf32, #tpu.memory_space<vmem>>
      %dma_wait3A_3263 = tpu.memref_squeeze %dma_wait3A_3262 : memref<1x128x32xf32, #tpu.memory_space<vmem>> -> memref<128x32xf32, #tpu.memory_space<vmem>>
      %dma_wait3A_3264 = arith.constant 0 : i32
      %dma_wait3A_3265 = tpu.memref_slice %arg4[%add3A_2879, %dma_wait3A_3264] : memref<106496x32xf32, #tpu.memory_space<hbm>> -> memref<128x32xf32, #tpu.memory_space<hbm>>
      %dma_wait3A_3266 = arith.constant 0 : i32
      %dma_wait3A_3267 = tpu.memref_slice %arg4[%add3A_2879, %dma_wait3A_3266] : memref<106496x32xf32, #tpu.memory_space<hbm>> -> memref<128x32xf32, #tpu.memory_space<hbm>>
      %dma_wait3A_3268 = arith.constant 0 : i32
      %dma_wait3A_3269 = arith.constant 0 : i32
      %dma_wait3A_3270 = tpu.memref_slice %arg7[%run_scoped3A_2880, %dma_wait3A_3268, %dma_wait3A_3269] : memref<2x128x32xf32, #tpu.memory_space<vmem>> -> memref<1x128x32xf32, #tpu.memory_space<vmem>>
      %dma_wait3A_3271 = tpu.memref_squeeze %dma_wait3A_3270 : memref<1x128x32xf32, #tpu.memory_space<vmem>> -> memref<128x32xf32, #tpu.memory_space<vmem>>
      tpu.wait_dma2 semaphore(%run_scoped3A_3247 : memref<!tpu.dma_semaphore, #tpu.memory_space<semaphore_mem>>) src(%dma_wait3A_3271 : memref<128x32xf32, #tpu.memory_space<vmem>>) dst(%dma_wait3A_3267 : memref<128x32xf32, #tpu.memory_space<hbm>>)
      tpu.yield
    }) : () -> ()
    %dma_start3A_2881 = arith.constant 13 : i32
    %dma_start3A_2882 = arith.constant 1 : i32
    %dma_start3A_2883 = arith.constant 0 : i32
    %dma_start3A_2884 = arith.constant 0 : i32
    %dma_start3A_2885 = tpu.memref_slice %arg7[%dma_start3A_2882, %dma_start3A_2883, %dma_start3A_2884] : memref<2x128x32xf32, #tpu.memory_space<vmem>> -> memref<1x128x32xf32, #tpu.memory_space<vmem>>
    %dma_start3A_2886 = tpu.memref_squeeze %dma_start3A_2885 : memref<1x128x32xf32, #tpu.memory_space<vmem>> -> memref<128x32xf32, #tpu.memory_space<vmem>>
    %dma_start3A_2887 = arith.constant 0 : i32
    %dma_start3A_2888 = tpu.memref_slice %arg6[%dma_start3A_2881, %dma_start3A_2887] : memref<26x128xi32, #tpu.memory_space<vmem>> -> memref<1x128xi32, #tpu.memory_space<vmem>>
    %dma_start3A_2889 = tpu.memref_squeeze %dma_start3A_2888 : memref<1x128xi32, #tpu.memory_space<vmem>> -> memref<128xi32, #tpu.memory_space<vmem>>
    %dma_start3A_2890 = arith.constant 0 : i32
    %dma_start3A_2891 = arith.constant 0 : i32
    %dma_start3A_2892 = tpu.memref_slice %arg3[%dma_start3A_2890, %dma_start3A_2891] : memref<2600000x32xf32, #tpu.memory_space<hbm>> -> memref<2600000x32xf32, #tpu.memory_space<hbm>>
    tpu.enqueue_indirect_dma source(%dma_start3A_2892 : memref<2600000x32xf32, #tpu.memory_space<hbm>>) target(%dma_start3A_2886 : memref<128x32xf32, #tpu.memory_space<vmem>>) offsets(%dma_start3A_2889 : memref<128xi32, #tpu.memory_space<vmem>>) semaphore(%arg8 : memref<!tpu.dma_semaphore, #tpu.memory_space<semaphore_mem>>)
    %dma_wait3A_2893 = arith.constant 12 : i32
    %dma_wait3A_2894 = arith.constant 0 : i32
    %dma_wait3A_2895 = arith.constant 0 : i32
    %dma_wait3A_2896 = arith.constant 0 : i32
    %dma_wait3A_2897 = tpu.memref_slice %arg7[%dma_wait3A_2894, %dma_wait3A_2895, %dma_wait3A_2896] : memref<2x128x32xf32, #tpu.memory_space<vmem>> -> memref<1x128x32xf32, #tpu.memory_space<vmem>>
    %dma_wait3A_2898 = tpu.memref_squeeze %dma_wait3A_2897 : memref<1x128x32xf32, #tpu.memory_space<vmem>> -> memref<128x32xf32, #tpu.memory_space<vmem>>
    %dma_wait3A_2899 = arith.constant 0 : i32
    %dma_wait3A_2900 = tpu.memref_slice %arg6[%dma_wait3A_2893, %dma_wait3A_2899] : memref<26x128xi32, #tpu.memory_space<vmem>> -> memref<1x128xi32, #tpu.memory_space<vmem>>
    %dma_wait3A_2901 = tpu.memref_squeeze %dma_wait3A_2900 : memref<1x128xi32, #tpu.memory_space<vmem>> -> memref<128xi32, #tpu.memory_space<vmem>>
    %dma_wait3A_2902 = arith.constant 0 : i32
    %dma_wait3A_2903 = arith.constant 0 : i32
    %dma_wait3A_2904 = tpu.memref_slice %arg3[%dma_wait3A_2902, %dma_wait3A_2903] : memref<2600000x32xf32, #tpu.memory_space<hbm>> -> memref<2600000x32xf32, #tpu.memory_space<hbm>>
    tpu.wait_indirect_dma semaphore(%arg8 : memref<!tpu.dma_semaphore, #tpu.memory_space<semaphore_mem>>) src(%dma_wait3A_2904 : memref<2600000x32xf32, #tpu.memory_space<hbm>>) dst(%dma_wait3A_2898 : memref<128x32xf32, #tpu.memory_space<vmem>>)
    %add3A_2905 = arith.constant 49152 : i32
    %add3A_2906 = arith.addi %add3A_2905, %mul3A_2 : i32
    %run_scoped3A_2907 = arith.constant 0 : i32
    "tpu.region"() ({
      %run_scoped3A_3247 = tpu.sem_alloc : memref<!tpu.dma_semaphore, #tpu.memory_space<semaphore_mem>>
      %dma_start3A_3248 = arith.constant 0 : i32
      %dma_start3A_3249 = arith.constant 0 : i32
      %dma_start3A_3250 = tpu.memref_slice %arg7[%run_scoped3A_2907, %dma_start3A_3248, %dma_start3A_3249] : memref<2x128x32xf32, #tpu.memory_space<vmem>> -> memref<1x128x32xf32, #tpu.memory_space<vmem>>
      %dma_start3A_3251 = tpu.memref_squeeze %dma_start3A_3250 : memref<1x128x32xf32, #tpu.memory_space<vmem>> -> memref<128x32xf32, #tpu.memory_space<vmem>>
      %dma_start3A_3252 = arith.constant 0 : i32
      %dma_start3A_3253 = tpu.memref_slice %arg4[%add3A_2906, %dma_start3A_3252] : memref<106496x32xf32, #tpu.memory_space<hbm>> -> memref<128x32xf32, #tpu.memory_space<hbm>>
      %dma_start3A_3254 = arith.constant 0 : i32
      %dma_start3A_3255 = tpu.memref_slice %arg4[%add3A_2906, %dma_start3A_3254] : memref<106496x32xf32, #tpu.memory_space<hbm>> -> memref<128x32xf32, #tpu.memory_space<hbm>>
      %dma_start3A_3256 = arith.constant 0 : i32
      %dma_start3A_3257 = arith.constant 0 : i32
      %dma_start3A_3258 = tpu.memref_slice %arg7[%run_scoped3A_2907, %dma_start3A_3256, %dma_start3A_3257] : memref<2x128x32xf32, #tpu.memory_space<vmem>> -> memref<1x128x32xf32, #tpu.memory_space<vmem>>
      %dma_start3A_3259 = tpu.memref_squeeze %dma_start3A_3258 : memref<1x128x32xf32, #tpu.memory_space<vmem>> -> memref<128x32xf32, #tpu.memory_space<vmem>>
      tpu.enqueue_dma source(%dma_start3A_3259 : memref<128x32xf32, #tpu.memory_space<vmem>>) target(%dma_start3A_3255 : memref<128x32xf32, #tpu.memory_space<hbm>>) target_semaphore(%run_scoped3A_3247 : memref<!tpu.dma_semaphore, #tpu.memory_space<semaphore_mem>>)
      %dma_wait3A_3260 = arith.constant 0 : i32
      %dma_wait3A_3261 = arith.constant 0 : i32
      %dma_wait3A_3262 = tpu.memref_slice %arg7[%run_scoped3A_2907, %dma_wait3A_3260, %dma_wait3A_3261] : memref<2x128x32xf32, #tpu.memory_space<vmem>> -> memref<1x128x32xf32, #tpu.memory_space<vmem>>
      %dma_wait3A_3263 = tpu.memref_squeeze %dma_wait3A_3262 : memref<1x128x32xf32, #tpu.memory_space<vmem>> -> memref<128x32xf32, #tpu.memory_space<vmem>>
      %dma_wait3A_3264 = arith.constant 0 : i32
      %dma_wait3A_3265 = tpu.memref_slice %arg4[%add3A_2906, %dma_wait3A_3264] : memref<106496x32xf32, #tpu.memory_space<hbm>> -> memref<128x32xf32, #tpu.memory_space<hbm>>
      %dma_wait3A_3266 = arith.constant 0 : i32
      %dma_wait3A_3267 = tpu.memref_slice %arg4[%add3A_2906, %dma_wait3A_3266] : memref<106496x32xf32, #tpu.memory_space<hbm>> -> memref<128x32xf32, #tpu.memory_space<hbm>>
      %dma_wait3A_3268 = arith.constant 0 : i32
      %dma_wait3A_3269 = arith.constant 0 : i32
      %dma_wait3A_3270 = tpu.memref_slice %arg7[%run_scoped3A_2907, %dma_wait3A_3268, %dma_wait3A_3269] : memref<2x128x32xf32, #tpu.memory_space<vmem>> -> memref<1x128x32xf32, #tpu.memory_space<vmem>>
      %dma_wait3A_3271 = tpu.memref_squeeze %dma_wait3A_3270 : memref<1x128x32xf32, #tpu.memory_space<vmem>> -> memref<128x32xf32, #tpu.memory_space<vmem>>
      tpu.wait_dma2 semaphore(%run_scoped3A_3247 : memref<!tpu.dma_semaphore, #tpu.memory_space<semaphore_mem>>) src(%dma_wait3A_3271 : memref<128x32xf32, #tpu.memory_space<vmem>>) dst(%dma_wait3A_3267 : memref<128x32xf32, #tpu.memory_space<hbm>>)
      tpu.yield
    }) : () -> ()
    %dma_start3A_2908 = arith.constant 14 : i32
    %dma_start3A_2909 = arith.constant 0 : i32
    %dma_start3A_2910 = arith.constant 0 : i32
    %dma_start3A_2911 = arith.constant 0 : i32
    %dma_start3A_2912 = tpu.memref_slice %arg7[%dma_start3A_2909, %dma_start3A_2910, %dma_start3A_2911] : memref<2x128x32xf32, #tpu.memory_space<vmem>> -> memref<1x128x32xf32, #tpu.memory_space<vmem>>
    %dma_start3A_2913 = tpu.memref_squeeze %dma_start3A_2912 : memref<1x128x32xf32, #tpu.memory_space<vmem>> -> memref<128x32xf32, #tpu.memory_space<vmem>>
    %dma_start3A_2914 = arith.constant 0 : i32
    %dma_start3A_2915 = tpu.memref_slice %arg6[%dma_start3A_2908, %dma_start3A_2914] : memref<26x128xi32, #tpu.memory_space<vmem>> -> memref<1x128xi32, #tpu.memory_space<vmem>>
    %dma_start3A_2916 = tpu.memref_squeeze %dma_start3A_2915 : memref<1x128xi32, #tpu.memory_space<vmem>> -> memref<128xi32, #tpu.memory_space<vmem>>
    %dma_start3A_2917 = arith.constant 0 : i32
    %dma_start3A_2918 = arith.constant 0 : i32
    %dma_start3A_2919 = tpu.memref_slice %arg3[%dma_start3A_2917, %dma_start3A_2918] : memref<2600000x32xf32, #tpu.memory_space<hbm>> -> memref<2600000x32xf32, #tpu.memory_space<hbm>>
    tpu.enqueue_indirect_dma source(%dma_start3A_2919 : memref<2600000x32xf32, #tpu.memory_space<hbm>>) target(%dma_start3A_2913 : memref<128x32xf32, #tpu.memory_space<vmem>>) offsets(%dma_start3A_2916 : memref<128xi32, #tpu.memory_space<vmem>>) semaphore(%arg8 : memref<!tpu.dma_semaphore, #tpu.memory_space<semaphore_mem>>)
    %dma_wait3A_2920 = arith.constant 13 : i32
    %dma_wait3A_2921 = arith.constant 1 : i32
    %dma_wait3A_2922 = arith.constant 0 : i32
    %dma_wait3A_2923 = arith.constant 0 : i32
    %dma_wait3A_2924 = tpu.memref_slice %arg7[%dma_wait3A_2921, %dma_wait3A_2922, %dma_wait3A_2923] : memref<2x128x32xf32, #tpu.memory_space<vmem>> -> memref<1x128x32xf32, #tpu.memory_space<vmem>>
    %dma_wait3A_2925 = tpu.memref_squeeze %dma_wait3A_2924 : memref<1x128x32xf32, #tpu.memory_space<vmem>> -> memref<128x32xf32, #tpu.memory_space<vmem>>
    %dma_wait3A_2926 = arith.constant 0 : i32
    %dma_wait3A_2927 = tpu.memref_slice %arg6[%dma_wait3A_2920, %dma_wait3A_2926] : memref<26x128xi32, #tpu.memory_space<vmem>> -> memref<1x128xi32, #tpu.memory_space<vmem>>
    %dma_wait3A_2928 = tpu.memref_squeeze %dma_wait3A_2927 : memref<1x128xi32, #tpu.memory_space<vmem>> -> memref<128xi32, #tpu.memory_space<vmem>>
    %dma_wait3A_2929 = arith.constant 0 : i32
    %dma_wait3A_2930 = arith.constant 0 : i32
    %dma_wait3A_2931 = tpu.memref_slice %arg3[%dma_wait3A_2929, %dma_wait3A_2930] : memref<2600000x32xf32, #tpu.memory_space<hbm>> -> memref<2600000x32xf32, #tpu.memory_space<hbm>>
    tpu.wait_indirect_dma semaphore(%arg8 : memref<!tpu.dma_semaphore, #tpu.memory_space<semaphore_mem>>) src(%dma_wait3A_2931 : memref<2600000x32xf32, #tpu.memory_space<hbm>>) dst(%dma_wait3A_2925 : memref<128x32xf32, #tpu.memory_space<vmem>>)
    %add3A_2932 = arith.constant 53248 : i32
    %add3A_2933 = arith.addi %add3A_2932, %mul3A_2 : i32
    %run_scoped3A_2934 = arith.constant 1 : i32
    "tpu.region"() ({
      %run_scoped3A_3247 = tpu.sem_alloc : memref<!tpu.dma_semaphore, #tpu.memory_space<semaphore_mem>>
      %dma_start3A_3248 = arith.constant 0 : i32
      %dma_start3A_3249 = arith.constant 0 : i32
      %dma_start3A_3250 = tpu.memref_slice %arg7[%run_scoped3A_2934, %dma_start3A_3248, %dma_start3A_3249] : memref<2x128x32xf32, #tpu.memory_space<vmem>> -> memref<1x128x32xf32, #tpu.memory_space<vmem>>
      %dma_start3A_3251 = tpu.memref_squeeze %dma_start3A_3250 : memref<1x128x32xf32, #tpu.memory_space<vmem>> -> memref<128x32xf32, #tpu.memory_space<vmem>>
      %dma_start3A_3252 = arith.constant 0 : i32
      %dma_start3A_3253 = tpu.memref_slice %arg4[%add3A_2933, %dma_start3A_3252] : memref<106496x32xf32, #tpu.memory_space<hbm>> -> memref<128x32xf32, #tpu.memory_space<hbm>>
      %dma_start3A_3254 = arith.constant 0 : i32
      %dma_start3A_3255 = tpu.memref_slice %arg4[%add3A_2933, %dma_start3A_3254] : memref<106496x32xf32, #tpu.memory_space<hbm>> -> memref<128x32xf32, #tpu.memory_space<hbm>>
      %dma_start3A_3256 = arith.constant 0 : i32
      %dma_start3A_3257 = arith.constant 0 : i32
      %dma_start3A_3258 = tpu.memref_slice %arg7[%run_scoped3A_2934, %dma_start3A_3256, %dma_start3A_3257] : memref<2x128x32xf32, #tpu.memory_space<vmem>> -> memref<1x128x32xf32, #tpu.memory_space<vmem>>
      %dma_start3A_3259 = tpu.memref_squeeze %dma_start3A_3258 : memref<1x128x32xf32, #tpu.memory_space<vmem>> -> memref<128x32xf32, #tpu.memory_space<vmem>>
      tpu.enqueue_dma source(%dma_start3A_3259 : memref<128x32xf32, #tpu.memory_space<vmem>>) target(%dma_start3A_3255 : memref<128x32xf32, #tpu.memory_space<hbm>>) target_semaphore(%run_scoped3A_3247 : memref<!tpu.dma_semaphore, #tpu.memory_space<semaphore_mem>>)
      %dma_wait3A_3260 = arith.constant 0 : i32
      %dma_wait3A_3261 = arith.constant 0 : i32
      %dma_wait3A_3262 = tpu.memref_slice %arg7[%run_scoped3A_2934, %dma_wait3A_3260, %dma_wait3A_3261] : memref<2x128x32xf32, #tpu.memory_space<vmem>> -> memref<1x128x32xf32, #tpu.memory_space<vmem>>
      %dma_wait3A_3263 = tpu.memref_squeeze %dma_wait3A_3262 : memref<1x128x32xf32, #tpu.memory_space<vmem>> -> memref<128x32xf32, #tpu.memory_space<vmem>>
      %dma_wait3A_3264 = arith.constant 0 : i32
      %dma_wait3A_3265 = tpu.memref_slice %arg4[%add3A_2933, %dma_wait3A_3264] : memref<106496x32xf32, #tpu.memory_space<hbm>> -> memref<128x32xf32, #tpu.memory_space<hbm>>
      %dma_wait3A_3266 = arith.constant 0 : i32
      %dma_wait3A_3267 = tpu.memref_slice %arg4[%add3A_2933, %dma_wait3A_3266] : memref<106496x32xf32, #tpu.memory_space<hbm>> -> memref<128x32xf32, #tpu.memory_space<hbm>>
      %dma_wait3A_3268 = arith.constant 0 : i32
      %dma_wait3A_3269 = arith.constant 0 : i32
      %dma_wait3A_3270 = tpu.memref_slice %arg7[%run_scoped3A_2934, %dma_wait3A_3268, %dma_wait3A_3269] : memref<2x128x32xf32, #tpu.memory_space<vmem>> -> memref<1x128x32xf32, #tpu.memory_space<vmem>>
      %dma_wait3A_3271 = tpu.memref_squeeze %dma_wait3A_3270 : memref<1x128x32xf32, #tpu.memory_space<vmem>> -> memref<128x32xf32, #tpu.memory_space<vmem>>
      tpu.wait_dma2 semaphore(%run_scoped3A_3247 : memref<!tpu.dma_semaphore, #tpu.memory_space<semaphore_mem>>) src(%dma_wait3A_3271 : memref<128x32xf32, #tpu.memory_space<vmem>>) dst(%dma_wait3A_3267 : memref<128x32xf32, #tpu.memory_space<hbm>>)
      tpu.yield
    }) : () -> ()
    %dma_start3A_2935 = arith.constant 15 : i32
    %dma_start3A_2936 = arith.constant 1 : i32
    %dma_start3A_2937 = arith.constant 0 : i32
    %dma_start3A_2938 = arith.constant 0 : i32
    %dma_start3A_2939 = tpu.memref_slice %arg7[%dma_start3A_2936, %dma_start3A_2937, %dma_start3A_2938] : memref<2x128x32xf32, #tpu.memory_space<vmem>> -> memref<1x128x32xf32, #tpu.memory_space<vmem>>
    %dma_start3A_2940 = tpu.memref_squeeze %dma_start3A_2939 : memref<1x128x32xf32, #tpu.memory_space<vmem>> -> memref<128x32xf32, #tpu.memory_space<vmem>>
    %dma_start3A_2941 = arith.constant 0 : i32
    %dma_start3A_2942 = tpu.memref_slice %arg6[%dma_start3A_2935, %dma_start3A_2941] : memref<26x128xi32, #tpu.memory_space<vmem>> -> memref<1x128xi32, #tpu.memory_space<vmem>>
    %dma_start3A_2943 = tpu.memref_squeeze %dma_start3A_2942 : memref<1x128xi32, #tpu.memory_space<vmem>> -> memref<128xi32, #tpu.memory_space<vmem>>
    %dma_start3A_2944 = arith.constant 0 : i32
    %dma_start3A_2945 = arith.constant 0 : i32
    %dma_start3A_2946 = tpu.memref_slice %arg3[%dma_start3A_2944, %dma_start3A_2945] : memref<2600000x32xf32, #tpu.memory_space<hbm>> -> memref<2600000x32xf32, #tpu.memory_space<hbm>>
    tpu.enqueue_indirect_dma source(%dma_start3A_2946 : memref<2600000x32xf32, #tpu.memory_space<hbm>>) target(%dma_start3A_2940 : memref<128x32xf32, #tpu.memory_space<vmem>>) offsets(%dma_start3A_2943 : memref<128xi32, #tpu.memory_space<vmem>>) semaphore(%arg8 : memref<!tpu.dma_semaphore, #tpu.memory_space<semaphore_mem>>)
    %dma_wait3A_2947 = arith.constant 14 : i32
    %dma_wait3A_2948 = arith.constant 0 : i32
    %dma_wait3A_2949 = arith.constant 0 : i32
    %dma_wait3A_2950 = arith.constant 0 : i32
    %dma_wait3A_2951 = tpu.memref_slice %arg7[%dma_wait3A_2948, %dma_wait3A_2949, %dma_wait3A_2950] : memref<2x128x32xf32, #tpu.memory_space<vmem>> -> memref<1x128x32xf32, #tpu.memory_space<vmem>>
    %dma_wait3A_2952 = tpu.memref_squeeze %dma_wait3A_2951 : memref<1x128x32xf32, #tpu.memory_space<vmem>> -> memref<128x32xf32, #tpu.memory_space<vmem>>
    %dma_wait3A_2953 = arith.constant 0 : i32
    %dma_wait3A_2954 = tpu.memref_slice %arg6[%dma_wait3A_2947, %dma_wait3A_2953] : memref<26x128xi32, #tpu.memory_space<vmem>> -> memref<1x128xi32, #tpu.memory_space<vmem>>
    %dma_wait3A_2955 = tpu.memref_squeeze %dma_wait3A_2954 : memref<1x128xi32, #tpu.memory_space<vmem>> -> memref<128xi32, #tpu.memory_space<vmem>>
    %dma_wait3A_2956 = arith.constant 0 : i32
    %dma_wait3A_2957 = arith.constant 0 : i32
    %dma_wait3A_2958 = tpu.memref_slice %arg3[%dma_wait3A_2956, %dma_wait3A_2957] : memref<2600000x32xf32, #tpu.memory_space<hbm>> -> memref<2600000x32xf32, #tpu.memory_space<hbm>>
    tpu.wait_indirect_dma semaphore(%arg8 : memref<!tpu.dma_semaphore, #tpu.memory_space<semaphore_mem>>) src(%dma_wait3A_2958 : memref<2600000x32xf32, #tpu.memory_space<hbm>>) dst(%dma_wait3A_2952 : memref<128x32xf32, #tpu.memory_space<vmem>>)
    %add3A_2959 = arith.constant 57344 : i32
    %add3A_2960 = arith.addi %add3A_2959, %mul3A_2 : i32
    %run_scoped3A_2961 = arith.constant 0 : i32
    "tpu.region"() ({
      %run_scoped3A_3247 = tpu.sem_alloc : memref<!tpu.dma_semaphore, #tpu.memory_space<semaphore_mem>>
      %dma_start3A_3248 = arith.constant 0 : i32
      %dma_start3A_3249 = arith.constant 0 : i32
      %dma_start3A_3250 = tpu.memref_slice %arg7[%run_scoped3A_2961, %dma_start3A_3248, %dma_start3A_3249] : memref<2x128x32xf32, #tpu.memory_space<vmem>> -> memref<1x128x32xf32, #tpu.memory_space<vmem>>
      %dma_start3A_3251 = tpu.memref_squeeze %dma_start3A_3250 : memref<1x128x32xf32, #tpu.memory_space<vmem>> -> memref<128x32xf32, #tpu.memory_space<vmem>>
      %dma_start3A_3252 = arith.constant 0 : i32
      %dma_start3A_3253 = tpu.memref_slice %arg4[%add3A_2960, %dma_start3A_3252] : memref<106496x32xf32, #tpu.memory_space<hbm>> -> memref<128x32xf32, #tpu.memory_space<hbm>>
      %dma_start3A_3254 = arith.constant 0 : i32
      %dma_start3A_3255 = tpu.memref_slice %arg4[%add3A_2960, %dma_start3A_3254] : memref<106496x32xf32, #tpu.memory_space<hbm>> -> memref<128x32xf32, #tpu.memory_space<hbm>>
      %dma_start3A_3256 = arith.constant 0 : i32
      %dma_start3A_3257 = arith.constant 0 : i32
      %dma_start3A_3258 = tpu.memref_slice %arg7[%run_scoped3A_2961, %dma_start3A_3256, %dma_start3A_3257] : memref<2x128x32xf32, #tpu.memory_space<vmem>> -> memref<1x128x32xf32, #tpu.memory_space<vmem>>
      %dma_start3A_3259 = tpu.memref_squeeze %dma_start3A_3258 : memref<1x128x32xf32, #tpu.memory_space<vmem>> -> memref<128x32xf32, #tpu.memory_space<vmem>>
      tpu.enqueue_dma source(%dma_start3A_3259 : memref<128x32xf32, #tpu.memory_space<vmem>>) target(%dma_start3A_3255 : memref<128x32xf32, #tpu.memory_space<hbm>>) target_semaphore(%run_scoped3A_3247 : memref<!tpu.dma_semaphore, #tpu.memory_space<semaphore_mem>>)
      %dma_wait3A_3260 = arith.constant 0 : i32
      %dma_wait3A_3261 = arith.constant 0 : i32
      %dma_wait3A_3262 = tpu.memref_slice %arg7[%run_scoped3A_2961, %dma_wait3A_3260, %dma_wait3A_3261] : memref<2x128x32xf32, #tpu.memory_space<vmem>> -> memref<1x128x32xf32, #tpu.memory_space<vmem>>
      %dma_wait3A_3263 = tpu.memref_squeeze %dma_wait3A_3262 : memref<1x128x32xf32, #tpu.memory_space<vmem>> -> memref<128x32xf32, #tpu.memory_space<vmem>>
      %dma_wait3A_3264 = arith.constant 0 : i32
      %dma_wait3A_3265 = tpu.memref_slice %arg4[%add3A_2960, %dma_wait3A_3264] : memref<106496x32xf32, #tpu.memory_space<hbm>> -> memref<128x32xf32, #tpu.memory_space<hbm>>
      %dma_wait3A_3266 = arith.constant 0 : i32
      %dma_wait3A_3267 = tpu.memref_slice %arg4[%add3A_2960, %dma_wait3A_3266] : memref<106496x32xf32, #tpu.memory_space<hbm>> -> memref<128x32xf32, #tpu.memory_space<hbm>>
      %dma_wait3A_3268 = arith.constant 0 : i32
      %dma_wait3A_3269 = arith.constant 0 : i32
      %dma_wait3A_3270 = tpu.memref_slice %arg7[%run_scoped3A_2961, %dma_wait3A_3268, %dma_wait3A_3269] : memref<2x128x32xf32, #tpu.memory_space<vmem>> -> memref<1x128x32xf32, #tpu.memory_space<vmem>>
      %dma_wait3A_3271 = tpu.memref_squeeze %dma_wait3A_3270 : memref<1x128x32xf32, #tpu.memory_space<vmem>> -> memref<128x32xf32, #tpu.memory_space<vmem>>
      tpu.wait_dma2 semaphore(%run_scoped3A_3247 : memref<!tpu.dma_semaphore, #tpu.memory_space<semaphore_mem>>) src(%dma_wait3A_3271 : memref<128x32xf32, #tpu.memory_space<vmem>>) dst(%dma_wait3A_3267 : memref<128x32xf32, #tpu.memory_space<hbm>>)
      tpu.yield
    }) : () -> ()
    %dma_start3A_2962 = arith.constant 16 : i32
    %dma_start3A_2963 = arith.constant 0 : i32
    %dma_start3A_2964 = arith.constant 0 : i32
    %dma_start3A_2965 = arith.constant 0 : i32
    %dma_start3A_2966 = tpu.memref_slice %arg7[%dma_start3A_2963, %dma_start3A_2964, %dma_start3A_2965] : memref<2x128x32xf32, #tpu.memory_space<vmem>> -> memref<1x128x32xf32, #tpu.memory_space<vmem>>
    %dma_start3A_2967 = tpu.memref_squeeze %dma_start3A_2966 : memref<1x128x32xf32, #tpu.memory_space<vmem>> -> memref<128x32xf32, #tpu.memory_space<vmem>>
    %dma_start3A_2968 = arith.constant 0 : i32
    %dma_start3A_2969 = tpu.memref_slice %arg6[%dma_start3A_2962, %dma_start3A_2968] : memref<26x128xi32, #tpu.memory_space<vmem>> -> memref<1x128xi32, #tpu.memory_space<vmem>>
    %dma_start3A_2970 = tpu.memref_squeeze %dma_start3A_2969 : memref<1x128xi32, #tpu.memory_space<vmem>> -> memref<128xi32, #tpu.memory_space<vmem>>
    %dma_start3A_2971 = arith.constant 0 : i32
    %dma_start3A_2972 = arith.constant 0 : i32
    %dma_start3A_2973 = tpu.memref_slice %arg3[%dma_start3A_2971, %dma_start3A_2972] : memref<2600000x32xf32, #tpu.memory_space<hbm>> -> memref<2600000x32xf32, #tpu.memory_space<hbm>>
    tpu.enqueue_indirect_dma source(%dma_start3A_2973 : memref<2600000x32xf32, #tpu.memory_space<hbm>>) target(%dma_start3A_2967 : memref<128x32xf32, #tpu.memory_space<vmem>>) offsets(%dma_start3A_2970 : memref<128xi32, #tpu.memory_space<vmem>>) semaphore(%arg8 : memref<!tpu.dma_semaphore, #tpu.memory_space<semaphore_mem>>)
    %dma_wait3A_2974 = arith.constant 15 : i32
    %dma_wait3A_2975 = arith.constant 1 : i32
    %dma_wait3A_2976 = arith.constant 0 : i32
    %dma_wait3A_2977 = arith.constant 0 : i32
    %dma_wait3A_2978 = tpu.memref_slice %arg7[%dma_wait3A_2975, %dma_wait3A_2976, %dma_wait3A_2977] : memref<2x128x32xf32, #tpu.memory_space<vmem>> -> memref<1x128x32xf32, #tpu.memory_space<vmem>>
    %dma_wait3A_2979 = tpu.memref_squeeze %dma_wait3A_2978 : memref<1x128x32xf32, #tpu.memory_space<vmem>> -> memref<128x32xf32, #tpu.memory_space<vmem>>
    %dma_wait3A_2980 = arith.constant 0 : i32
    %dma_wait3A_2981 = tpu.memref_slice %arg6[%dma_wait3A_2974, %dma_wait3A_2980] : memref<26x128xi32, #tpu.memory_space<vmem>> -> memref<1x128xi32, #tpu.memory_space<vmem>>
    %dma_wait3A_2982 = tpu.memref_squeeze %dma_wait3A_2981 : memref<1x128xi32, #tpu.memory_space<vmem>> -> memref<128xi32, #tpu.memory_space<vmem>>
    %dma_wait3A_2983 = arith.constant 0 : i32
    %dma_wait3A_2984 = arith.constant 0 : i32
    %dma_wait3A_2985 = tpu.memref_slice %arg3[%dma_wait3A_2983, %dma_wait3A_2984] : memref<2600000x32xf32, #tpu.memory_space<hbm>> -> memref<2600000x32xf32, #tpu.memory_space<hbm>>
    tpu.wait_indirect_dma semaphore(%arg8 : memref<!tpu.dma_semaphore, #tpu.memory_space<semaphore_mem>>) src(%dma_wait3A_2985 : memref<2600000x32xf32, #tpu.memory_space<hbm>>) dst(%dma_wait3A_2979 : memref<128x32xf32, #tpu.memory_space<vmem>>)
    %add3A_2986 = arith.constant 61440 : i32
    %add3A_2987 = arith.addi %add3A_2986, %mul3A_2 : i32
    %run_scoped3A_2988 = arith.constant 1 : i32
    "tpu.region"() ({
      %run_scoped3A_3247 = tpu.sem_alloc : memref<!tpu.dma_semaphore, #tpu.memory_space<semaphore_mem>>
      %dma_start3A_3248 = arith.constant 0 : i32
      %dma_start3A_3249 = arith.constant 0 : i32
      %dma_start3A_3250 = tpu.memref_slice %arg7[%run_scoped3A_2988, %dma_start3A_3248, %dma_start3A_3249] : memref<2x128x32xf32, #tpu.memory_space<vmem>> -> memref<1x128x32xf32, #tpu.memory_space<vmem>>
      %dma_start3A_3251 = tpu.memref_squeeze %dma_start3A_3250 : memref<1x128x32xf32, #tpu.memory_space<vmem>> -> memref<128x32xf32, #tpu.memory_space<vmem>>
      %dma_start3A_3252 = arith.constant 0 : i32
      %dma_start3A_3253 = tpu.memref_slice %arg4[%add3A_2987, %dma_start3A_3252] : memref<106496x32xf32, #tpu.memory_space<hbm>> -> memref<128x32xf32, #tpu.memory_space<hbm>>
      %dma_start3A_3254 = arith.constant 0 : i32
      %dma_start3A_3255 = tpu.memref_slice %arg4[%add3A_2987, %dma_start3A_3254] : memref<106496x32xf32, #tpu.memory_space<hbm>> -> memref<128x32xf32, #tpu.memory_space<hbm>>
      %dma_start3A_3256 = arith.constant 0 : i32
      %dma_start3A_3257 = arith.constant 0 : i32
      %dma_start3A_3258 = tpu.memref_slice %arg7[%run_scoped3A_2988, %dma_start3A_3256, %dma_start3A_3257] : memref<2x128x32xf32, #tpu.memory_space<vmem>> -> memref<1x128x32xf32, #tpu.memory_space<vmem>>
      %dma_start3A_3259 = tpu.memref_squeeze %dma_start3A_3258 : memref<1x128x32xf32, #tpu.memory_space<vmem>> -> memref<128x32xf32, #tpu.memory_space<vmem>>
      tpu.enqueue_dma source(%dma_start3A_3259 : memref<128x32xf32, #tpu.memory_space<vmem>>) target(%dma_start3A_3255 : memref<128x32xf32, #tpu.memory_space<hbm>>) target_semaphore(%run_scoped3A_3247 : memref<!tpu.dma_semaphore, #tpu.memory_space<semaphore_mem>>)
      %dma_wait3A_3260 = arith.constant 0 : i32
      %dma_wait3A_3261 = arith.constant 0 : i32
      %dma_wait3A_3262 = tpu.memref_slice %arg7[%run_scoped3A_2988, %dma_wait3A_3260, %dma_wait3A_3261] : memref<2x128x32xf32, #tpu.memory_space<vmem>> -> memref<1x128x32xf32, #tpu.memory_space<vmem>>
      %dma_wait3A_3263 = tpu.memref_squeeze %dma_wait3A_3262 : memref<1x128x32xf32, #tpu.memory_space<vmem>> -> memref<128x32xf32, #tpu.memory_space<vmem>>
      %dma_wait3A_3264 = arith.constant 0 : i32
      %dma_wait3A_3265 = tpu.memref_slice %arg4[%add3A_2987, %dma_wait3A_3264] : memref<106496x32xf32, #tpu.memory_space<hbm>> -> memref<128x32xf32, #tpu.memory_space<hbm>>
      %dma_wait3A_3266 = arith.constant 0 : i32
      %dma_wait3A_3267 = tpu.memref_slice %arg4[%add3A_2987, %dma_wait3A_3266] : memref<106496x32xf32, #tpu.memory_space<hbm>> -> memref<128x32xf32, #tpu.memory_space<hbm>>
      %dma_wait3A_3268 = arith.constant 0 : i32
      %dma_wait3A_3269 = arith.constant 0 : i32
      %dma_wait3A_3270 = tpu.memref_slice %arg7[%run_scoped3A_2988, %dma_wait3A_3268, %dma_wait3A_3269] : memref<2x128x32xf32, #tpu.memory_space<vmem>> -> memref<1x128x32xf32, #tpu.memory_space<vmem>>
      %dma_wait3A_3271 = tpu.memref_squeeze %dma_wait3A_3270 : memref<1x128x32xf32, #tpu.memory_space<vmem>> -> memref<128x32xf32, #tpu.memory_space<vmem>>
      tpu.wait_dma2 semaphore(%run_scoped3A_3247 : memref<!tpu.dma_semaphore, #tpu.memory_space<semaphore_mem>>) src(%dma_wait3A_3271 : memref<128x32xf32, #tpu.memory_space<vmem>>) dst(%dma_wait3A_3267 : memref<128x32xf32, #tpu.memory_space<hbm>>)
      tpu.yield
    }) : () -> ()
    %dma_start3A_2989 = arith.constant 17 : i32
    %dma_start3A_2990 = arith.constant 1 : i32
    %dma_start3A_2991 = arith.constant 0 : i32
    %dma_start3A_2992 = arith.constant 0 : i32
    %dma_start3A_2993 = tpu.memref_slice %arg7[%dma_start3A_2990, %dma_start3A_2991, %dma_start3A_2992] : memref<2x128x32xf32, #tpu.memory_space<vmem>> -> memref<1x128x32xf32, #tpu.memory_space<vmem>>
    %dma_start3A_2994 = tpu.memref_squeeze %dma_start3A_2993 : memref<1x128x32xf32, #tpu.memory_space<vmem>> -> memref<128x32xf32, #tpu.memory_space<vmem>>
    %dma_start3A_2995 = arith.constant 0 : i32
    %dma_start3A_2996 = tpu.memref_slice %arg6[%dma_start3A_2989, %dma_start3A_2995] : memref<26x128xi32, #tpu.memory_space<vmem>> -> memref<1x128xi32, #tpu.memory_space<vmem>>
    %dma_start3A_2997 = tpu.memref_squeeze %dma_start3A_2996 : memref<1x128xi32, #tpu.memory_space<vmem>> -> memref<128xi32, #tpu.memory_space<vmem>>
    %dma_start3A_2998 = arith.constant 0 : i32
    %dma_start3A_2999 = arith.constant 0 : i32
    %dma_start3A_3000 = tpu.memref_slice %arg3[%dma_start3A_2998, %dma_start3A_2999] : memref<2600000x32xf32, #tpu.memory_space<hbm>> -> memref<2600000x32xf32, #tpu.memory_space<hbm>>
    tpu.enqueue_indirect_dma source(%dma_start3A_3000 : memref<2600000x32xf32, #tpu.memory_space<hbm>>) target(%dma_start3A_2994 : memref<128x32xf32, #tpu.memory_space<vmem>>) offsets(%dma_start3A_2997 : memref<128xi32, #tpu.memory_space<vmem>>) semaphore(%arg8 : memref<!tpu.dma_semaphore, #tpu.memory_space<semaphore_mem>>)
    %dma_wait3A_3001 = arith.constant 16 : i32
    %dma_wait3A_3002 = arith.constant 0 : i32
    %dma_wait3A_3003 = arith.constant 0 : i32
    %dma_wait3A_3004 = arith.constant 0 : i32
    %dma_wait3A_3005 = tpu.memref_slice %arg7[%dma_wait3A_3002, %dma_wait3A_3003, %dma_wait3A_3004] : memref<2x128x32xf32, #tpu.memory_space<vmem>> -> memref<1x128x32xf32, #tpu.memory_space<vmem>>
    %dma_wait3A_3006 = tpu.memref_squeeze %dma_wait3A_3005 : memref<1x128x32xf32, #tpu.memory_space<vmem>> -> memref<128x32xf32, #tpu.memory_space<vmem>>
    %dma_wait3A_3007 = arith.constant 0 : i32
    %dma_wait3A_3008 = tpu.memref_slice %arg6[%dma_wait3A_3001, %dma_wait3A_3007] : memref<26x128xi32, #tpu.memory_space<vmem>> -> memref<1x128xi32, #tpu.memory_space<vmem>>
    %dma_wait3A_3009 = tpu.memref_squeeze %dma_wait3A_3008 : memref<1x128xi32, #tpu.memory_space<vmem>> -> memref<128xi32, #tpu.memory_space<vmem>>
    %dma_wait3A_3010 = arith.constant 0 : i32
    %dma_wait3A_3011 = arith.constant 0 : i32
    %dma_wait3A_3012 = tpu.memref_slice %arg3[%dma_wait3A_3010, %dma_wait3A_3011] : memref<2600000x32xf32, #tpu.memory_space<hbm>> -> memref<2600000x32xf32, #tpu.memory_space<hbm>>
    tpu.wait_indirect_dma semaphore(%arg8 : memref<!tpu.dma_semaphore, #tpu.memory_space<semaphore_mem>>) src(%dma_wait3A_3012 : memref<2600000x32xf32, #tpu.memory_space<hbm>>) dst(%dma_wait3A_3006 : memref<128x32xf32, #tpu.memory_space<vmem>>)
    %add3A_3013 = arith.constant 65536 : i32
    %add3A_3014 = arith.addi %add3A_3013, %mul3A_2 : i32
    %run_scoped3A_3015 = arith.constant 0 : i32
    "tpu.region"() ({
      %run_scoped3A_3247 = tpu.sem_alloc : memref<!tpu.dma_semaphore, #tpu.memory_space<semaphore_mem>>
      %dma_start3A_3248 = arith.constant 0 : i32
      %dma_start3A_3249 = arith.constant 0 : i32
      %dma_start3A_3250 = tpu.memref_slice %arg7[%run_scoped3A_3015, %dma_start3A_3248, %dma_start3A_3249] : memref<2x128x32xf32, #tpu.memory_space<vmem>> -> memref<1x128x32xf32, #tpu.memory_space<vmem>>
      %dma_start3A_3251 = tpu.memref_squeeze %dma_start3A_3250 : memref<1x128x32xf32, #tpu.memory_space<vmem>> -> memref<128x32xf32, #tpu.memory_space<vmem>>
      %dma_start3A_3252 = arith.constant 0 : i32
      %dma_start3A_3253 = tpu.memref_slice %arg4[%add3A_3014, %dma_start3A_3252] : memref<106496x32xf32, #tpu.memory_space<hbm>> -> memref<128x32xf32, #tpu.memory_space<hbm>>
      %dma_start3A_3254 = arith.constant 0 : i32
      %dma_start3A_3255 = tpu.memref_slice %arg4[%add3A_3014, %dma_start3A_3254] : memref<106496x32xf32, #tpu.memory_space<hbm>> -> memref<128x32xf32, #tpu.memory_space<hbm>>
      %dma_start3A_3256 = arith.constant 0 : i32
      %dma_start3A_3257 = arith.constant 0 : i32
      %dma_start3A_3258 = tpu.memref_slice %arg7[%run_scoped3A_3015, %dma_start3A_3256, %dma_start3A_3257] : memref<2x128x32xf32, #tpu.memory_space<vmem>> -> memref<1x128x32xf32, #tpu.memory_space<vmem>>
      %dma_start3A_3259 = tpu.memref_squeeze %dma_start3A_3258 : memref<1x128x32xf32, #tpu.memory_space<vmem>> -> memref<128x32xf32, #tpu.memory_space<vmem>>
      tpu.enqueue_dma source(%dma_start3A_3259 : memref<128x32xf32, #tpu.memory_space<vmem>>) target(%dma_start3A_3255 : memref<128x32xf32, #tpu.memory_space<hbm>>) target_semaphore(%run_scoped3A_3247 : memref<!tpu.dma_semaphore, #tpu.memory_space<semaphore_mem>>)
      %dma_wait3A_3260 = arith.constant 0 : i32
      %dma_wait3A_3261 = arith.constant 0 : i32
      %dma_wait3A_3262 = tpu.memref_slice %arg7[%run_scoped3A_3015, %dma_wait3A_3260, %dma_wait3A_3261] : memref<2x128x32xf32, #tpu.memory_space<vmem>> -> memref<1x128x32xf32, #tpu.memory_space<vmem>>
      %dma_wait3A_3263 = tpu.memref_squeeze %dma_wait3A_3262 : memref<1x128x32xf32, #tpu.memory_space<vmem>> -> memref<128x32xf32, #tpu.memory_space<vmem>>
      %dma_wait3A_3264 = arith.constant 0 : i32
      %dma_wait3A_3265 = tpu.memref_slice %arg4[%add3A_3014, %dma_wait3A_3264] : memref<106496x32xf32, #tpu.memory_space<hbm>> -> memref<128x32xf32, #tpu.memory_space<hbm>>
      %dma_wait3A_3266 = arith.constant 0 : i32
      %dma_wait3A_3267 = tpu.memref_slice %arg4[%add3A_3014, %dma_wait3A_3266] : memref<106496x32xf32, #tpu.memory_space<hbm>> -> memref<128x32xf32, #tpu.memory_space<hbm>>
      %dma_wait3A_3268 = arith.constant 0 : i32
      %dma_wait3A_3269 = arith.constant 0 : i32
      %dma_wait3A_3270 = tpu.memref_slice %arg7[%run_scoped3A_3015, %dma_wait3A_3268, %dma_wait3A_3269] : memref<2x128x32xf32, #tpu.memory_space<vmem>> -> memref<1x128x32xf32, #tpu.memory_space<vmem>>
      %dma_wait3A_3271 = tpu.memref_squeeze %dma_wait3A_3270 : memref<1x128x32xf32, #tpu.memory_space<vmem>> -> memref<128x32xf32, #tpu.memory_space<vmem>>
      tpu.wait_dma2 semaphore(%run_scoped3A_3247 : memref<!tpu.dma_semaphore, #tpu.memory_space<semaphore_mem>>) src(%dma_wait3A_3271 : memref<128x32xf32, #tpu.memory_space<vmem>>) dst(%dma_wait3A_3267 : memref<128x32xf32, #tpu.memory_space<hbm>>)
      tpu.yield
    }) : () -> ()
    %dma_start3A_3016 = arith.constant 18 : i32
    %dma_start3A_3017 = arith.constant 0 : i32
    %dma_start3A_3018 = arith.constant 0 : i32
    %dma_start3A_3019 = arith.constant 0 : i32
    %dma_start3A_3020 = tpu.memref_slice %arg7[%dma_start3A_3017, %dma_start3A_3018, %dma_start3A_3019] : memref<2x128x32xf32, #tpu.memory_space<vmem>> -> memref<1x128x32xf32, #tpu.memory_space<vmem>>
    %dma_start3A_3021 = tpu.memref_squeeze %dma_start3A_3020 : memref<1x128x32xf32, #tpu.memory_space<vmem>> -> memref<128x32xf32, #tpu.memory_space<vmem>>
    %dma_start3A_3022 = arith.constant 0 : i32
    %dma_start3A_3023 = tpu.memref_slice %arg6[%dma_start3A_3016, %dma_start3A_3022] : memref<26x128xi32, #tpu.memory_space<vmem>> -> memref<1x128xi32, #tpu.memory_space<vmem>>
    %dma_start3A_3024 = tpu.memref_squeeze %dma_start3A_3023 : memref<1x128xi32, #tpu.memory_space<vmem>> -> memref<128xi32, #tpu.memory_space<vmem>>
    %dma_start3A_3025 = arith.constant 0 : i32
    %dma_start3A_3026 = arith.constant 0 : i32
    %dma_start3A_3027 = tpu.memref_slice %arg3[%dma_start3A_3025, %dma_start3A_3026] : memref<2600000x32xf32, #tpu.memory_space<hbm>> -> memref<2600000x32xf32, #tpu.memory_space<hbm>>
    tpu.enqueue_indirect_dma source(%dma_start3A_3027 : memref<2600000x32xf32, #tpu.memory_space<hbm>>) target(%dma_start3A_3021 : memref<128x32xf32, #tpu.memory_space<vmem>>) offsets(%dma_start3A_3024 : memref<128xi32, #tpu.memory_space<vmem>>) semaphore(%arg8 : memref<!tpu.dma_semaphore, #tpu.memory_space<semaphore_mem>>)
    %dma_wait3A_3028 = arith.constant 17 : i32
    %dma_wait3A_3029 = arith.constant 1 : i32
    %dma_wait3A_3030 = arith.constant 0 : i32
    %dma_wait3A_3031 = arith.constant 0 : i32
    %dma_wait3A_3032 = tpu.memref_slice %arg7[%dma_wait3A_3029, %dma_wait3A_3030, %dma_wait3A_3031] : memref<2x128x32xf32, #tpu.memory_space<vmem>> -> memref<1x128x32xf32, #tpu.memory_space<vmem>>
    %dma_wait3A_3033 = tpu.memref_squeeze %dma_wait3A_3032 : memref<1x128x32xf32, #tpu.memory_space<vmem>> -> memref<128x32xf32, #tpu.memory_space<vmem>>
    %dma_wait3A_3034 = arith.constant 0 : i32
    %dma_wait3A_3035 = tpu.memref_slice %arg6[%dma_wait3A_3028, %dma_wait3A_3034] : memref<26x128xi32, #tpu.memory_space<vmem>> -> memref<1x128xi32, #tpu.memory_space<vmem>>
    %dma_wait3A_3036 = tpu.memref_squeeze %dma_wait3A_3035 : memref<1x128xi32, #tpu.memory_space<vmem>> -> memref<128xi32, #tpu.memory_space<vmem>>
    %dma_wait3A_3037 = arith.constant 0 : i32
    %dma_wait3A_3038 = arith.constant 0 : i32
    %dma_wait3A_3039 = tpu.memref_slice %arg3[%dma_wait3A_3037, %dma_wait3A_3038] : memref<2600000x32xf32, #tpu.memory_space<hbm>> -> memref<2600000x32xf32, #tpu.memory_space<hbm>>
    tpu.wait_indirect_dma semaphore(%arg8 : memref<!tpu.dma_semaphore, #tpu.memory_space<semaphore_mem>>) src(%dma_wait3A_3039 : memref<2600000x32xf32, #tpu.memory_space<hbm>>) dst(%dma_wait3A_3033 : memref<128x32xf32, #tpu.memory_space<vmem>>)
    %add3A_3040 = arith.constant 69632 : i32
    %add3A_3041 = arith.addi %add3A_3040, %mul3A_2 : i32
    %run_scoped3A_3042 = arith.constant 1 : i32
    "tpu.region"() ({
      %run_scoped3A_3247 = tpu.sem_alloc : memref<!tpu.dma_semaphore, #tpu.memory_space<semaphore_mem>>
      %dma_start3A_3248 = arith.constant 0 : i32
      %dma_start3A_3249 = arith.constant 0 : i32
      %dma_start3A_3250 = tpu.memref_slice %arg7[%run_scoped3A_3042, %dma_start3A_3248, %dma_start3A_3249] : memref<2x128x32xf32, #tpu.memory_space<vmem>> -> memref<1x128x32xf32, #tpu.memory_space<vmem>>
      %dma_start3A_3251 = tpu.memref_squeeze %dma_start3A_3250 : memref<1x128x32xf32, #tpu.memory_space<vmem>> -> memref<128x32xf32, #tpu.memory_space<vmem>>
      %dma_start3A_3252 = arith.constant 0 : i32
      %dma_start3A_3253 = tpu.memref_slice %arg4[%add3A_3041, %dma_start3A_3252] : memref<106496x32xf32, #tpu.memory_space<hbm>> -> memref<128x32xf32, #tpu.memory_space<hbm>>
      %dma_start3A_3254 = arith.constant 0 : i32
      %dma_start3A_3255 = tpu.memref_slice %arg4[%add3A_3041, %dma_start3A_3254] : memref<106496x32xf32, #tpu.memory_space<hbm>> -> memref<128x32xf32, #tpu.memory_space<hbm>>
      %dma_start3A_3256 = arith.constant 0 : i32
      %dma_start3A_3257 = arith.constant 0 : i32
      %dma_start3A_3258 = tpu.memref_slice %arg7[%run_scoped3A_3042, %dma_start3A_3256, %dma_start3A_3257] : memref<2x128x32xf32, #tpu.memory_space<vmem>> -> memref<1x128x32xf32, #tpu.memory_space<vmem>>
      %dma_start3A_3259 = tpu.memref_squeeze %dma_start3A_3258 : memref<1x128x32xf32, #tpu.memory_space<vmem>> -> memref<128x32xf32, #tpu.memory_space<vmem>>
      tpu.enqueue_dma source(%dma_start3A_3259 : memref<128x32xf32, #tpu.memory_space<vmem>>) target(%dma_start3A_3255 : memref<128x32xf32, #tpu.memory_space<hbm>>) target_semaphore(%run_scoped3A_3247 : memref<!tpu.dma_semaphore, #tpu.memory_space<semaphore_mem>>)
      %dma_wait3A_3260 = arith.constant 0 : i32
      %dma_wait3A_3261 = arith.constant 0 : i32
      %dma_wait3A_3262 = tpu.memref_slice %arg7[%run_scoped3A_3042, %dma_wait3A_3260, %dma_wait3A_3261] : memref<2x128x32xf32, #tpu.memory_space<vmem>> -> memref<1x128x32xf32, #tpu.memory_space<vmem>>
      %dma_wait3A_3263 = tpu.memref_squeeze %dma_wait3A_3262 : memref<1x128x32xf32, #tpu.memory_space<vmem>> -> memref<128x32xf32, #tpu.memory_space<vmem>>
      %dma_wait3A_3264 = arith.constant 0 : i32
      %dma_wait3A_3265 = tpu.memref_slice %arg4[%add3A_3041, %dma_wait3A_3264] : memref<106496x32xf32, #tpu.memory_space<hbm>> -> memref<128x32xf32, #tpu.memory_space<hbm>>
      %dma_wait3A_3266 = arith.constant 0 : i32
      %dma_wait3A_3267 = tpu.memref_slice %arg4[%add3A_3041, %dma_wait3A_3266] : memref<106496x32xf32, #tpu.memory_space<hbm>> -> memref<128x32xf32, #tpu.memory_space<hbm>>
      %dma_wait3A_3268 = arith.constant 0 : i32
      %dma_wait3A_3269 = arith.constant 0 : i32
      %dma_wait3A_3270 = tpu.memref_slice %arg7[%run_scoped3A_3042, %dma_wait3A_3268, %dma_wait3A_3269] : memref<2x128x32xf32, #tpu.memory_space<vmem>> -> memref<1x128x32xf32, #tpu.memory_space<vmem>>
      %dma_wait3A_3271 = tpu.memref_squeeze %dma_wait3A_3270 : memref<1x128x32xf32, #tpu.memory_space<vmem>> -> memref<128x32xf32, #tpu.memory_space<vmem>>
      tpu.wait_dma2 semaphore(%run_scoped3A_3247 : memref<!tpu.dma_semaphore, #tpu.memory_space<semaphore_mem>>) src(%dma_wait3A_3271 : memref<128x32xf32, #tpu.memory_space<vmem>>) dst(%dma_wait3A_3267 : memref<128x32xf32, #tpu.memory_space<hbm>>)
      tpu.yield
    }) : () -> ()
    %dma_start3A_3043 = arith.constant 19 : i32
    %dma_start3A_3044 = arith.constant 1 : i32
    %dma_start3A_3045 = arith.constant 0 : i32
    %dma_start3A_3046 = arith.constant 0 : i32
    %dma_start3A_3047 = tpu.memref_slice %arg7[%dma_start3A_3044, %dma_start3A_3045, %dma_start3A_3046] : memref<2x128x32xf32, #tpu.memory_space<vmem>> -> memref<1x128x32xf32, #tpu.memory_space<vmem>>
    %dma_start3A_3048 = tpu.memref_squeeze %dma_start3A_3047 : memref<1x128x32xf32, #tpu.memory_space<vmem>> -> memref<128x32xf32, #tpu.memory_space<vmem>>
    %dma_start3A_3049 = arith.constant 0 : i32
    %dma_start3A_3050 = tpu.memref_slice %arg6[%dma_start3A_3043, %dma_start3A_3049] : memref<26x128xi32, #tpu.memory_space<vmem>> -> memref<1x128xi32, #tpu.memory_space<vmem>>
    %dma_start3A_3051 = tpu.memref_squeeze %dma_start3A_3050 : memref<1x128xi32, #tpu.memory_space<vmem>> -> memref<128xi32, #tpu.memory_space<vmem>>
    %dma_start3A_3052 = arith.constant 0 : i32
    %dma_start3A_3053 = arith.constant 0 : i32
    %dma_start3A_3054 = tpu.memref_slice %arg3[%dma_start3A_3052, %dma_start3A_3053] : memref<2600000x32xf32, #tpu.memory_space<hbm>> -> memref<2600000x32xf32, #tpu.memory_space<hbm>>
    tpu.enqueue_indirect_dma source(%dma_start3A_3054 : memref<2600000x32xf32, #tpu.memory_space<hbm>>) target(%dma_start3A_3048 : memref<128x32xf32, #tpu.memory_space<vmem>>) offsets(%dma_start3A_3051 : memref<128xi32, #tpu.memory_space<vmem>>) semaphore(%arg8 : memref<!tpu.dma_semaphore, #tpu.memory_space<semaphore_mem>>)
    %dma_wait3A_3055 = arith.constant 18 : i32
    %dma_wait3A_3056 = arith.constant 0 : i32
    %dma_wait3A_3057 = arith.constant 0 : i32
    %dma_wait3A_3058 = arith.constant 0 : i32
    %dma_wait3A_3059 = tpu.memref_slice %arg7[%dma_wait3A_3056, %dma_wait3A_3057, %dma_wait3A_3058] : memref<2x128x32xf32, #tpu.memory_space<vmem>> -> memref<1x128x32xf32, #tpu.memory_space<vmem>>
    %dma_wait3A_3060 = tpu.memref_squeeze %dma_wait3A_3059 : memref<1x128x32xf32, #tpu.memory_space<vmem>> -> memref<128x32xf32, #tpu.memory_space<vmem>>
    %dma_wait3A_3061 = arith.constant 0 : i32
    %dma_wait3A_3062 = tpu.memref_slice %arg6[%dma_wait3A_3055, %dma_wait3A_3061] : memref<26x128xi32, #tpu.memory_space<vmem>> -> memref<1x128xi32, #tpu.memory_space<vmem>>
    %dma_wait3A_3063 = tpu.memref_squeeze %dma_wait3A_3062 : memref<1x128xi32, #tpu.memory_space<vmem>> -> memref<128xi32, #tpu.memory_space<vmem>>
    %dma_wait3A_3064 = arith.constant 0 : i32
    %dma_wait3A_3065 = arith.constant 0 : i32
    %dma_wait3A_3066 = tpu.memref_slice %arg3[%dma_wait3A_3064, %dma_wait3A_3065] : memref<2600000x32xf32, #tpu.memory_space<hbm>> -> memref<2600000x32xf32, #tpu.memory_space<hbm>>
    tpu.wait_indirect_dma semaphore(%arg8 : memref<!tpu.dma_semaphore, #tpu.memory_space<semaphore_mem>>) src(%dma_wait3A_3066 : memref<2600000x32xf32, #tpu.memory_space<hbm>>) dst(%dma_wait3A_3060 : memref<128x32xf32, #tpu.memory_space<vmem>>)
    %add3A_3067 = arith.constant 73728 : i32
    %add3A_3068 = arith.addi %add3A_3067, %mul3A_2 : i32
    %run_scoped3A_3069 = arith.constant 0 : i32
    "tpu.region"() ({
      %run_scoped3A_3247 = tpu.sem_alloc : memref<!tpu.dma_semaphore, #tpu.memory_space<semaphore_mem>>
      %dma_start3A_3248 = arith.constant 0 : i32
      %dma_start3A_3249 = arith.constant 0 : i32
      %dma_start3A_3250 = tpu.memref_slice %arg7[%run_scoped3A_3069, %dma_start3A_3248, %dma_start3A_3249] : memref<2x128x32xf32, #tpu.memory_space<vmem>> -> memref<1x128x32xf32, #tpu.memory_space<vmem>>
      %dma_start3A_3251 = tpu.memref_squeeze %dma_start3A_3250 : memref<1x128x32xf32, #tpu.memory_space<vmem>> -> memref<128x32xf32, #tpu.memory_space<vmem>>
      %dma_start3A_3252 = arith.constant 0 : i32
      %dma_start3A_3253 = tpu.memref_slice %arg4[%add3A_3068, %dma_start3A_3252] : memref<106496x32xf32, #tpu.memory_space<hbm>> -> memref<128x32xf32, #tpu.memory_space<hbm>>
      %dma_start3A_3254 = arith.constant 0 : i32
      %dma_start3A_3255 = tpu.memref_slice %arg4[%add3A_3068, %dma_start3A_3254] : memref<106496x32xf32, #tpu.memory_space<hbm>> -> memref<128x32xf32, #tpu.memory_space<hbm>>
      %dma_start3A_3256 = arith.constant 0 : i32
      %dma_start3A_3257 = arith.constant 0 : i32
      %dma_start3A_3258 = tpu.memref_slice %arg7[%run_scoped3A_3069, %dma_start3A_3256, %dma_start3A_3257] : memref<2x128x32xf32, #tpu.memory_space<vmem>> -> memref<1x128x32xf32, #tpu.memory_space<vmem>>
      %dma_start3A_3259 = tpu.memref_squeeze %dma_start3A_3258 : memref<1x128x32xf32, #tpu.memory_space<vmem>> -> memref<128x32xf32, #tpu.memory_space<vmem>>
      tpu.enqueue_dma source(%dma_start3A_3259 : memref<128x32xf32, #tpu.memory_space<vmem>>) target(%dma_start3A_3255 : memref<128x32xf32, #tpu.memory_space<hbm>>) target_semaphore(%run_scoped3A_3247 : memref<!tpu.dma_semaphore, #tpu.memory_space<semaphore_mem>>)
      %dma_wait3A_3260 = arith.constant 0 : i32
      %dma_wait3A_3261 = arith.constant 0 : i32
      %dma_wait3A_3262 = tpu.memref_slice %arg7[%run_scoped3A_3069, %dma_wait3A_3260, %dma_wait3A_3261] : memref<2x128x32xf32, #tpu.memory_space<vmem>> -> memref<1x128x32xf32, #tpu.memory_space<vmem>>
      %dma_wait3A_3263 = tpu.memref_squeeze %dma_wait3A_3262 : memref<1x128x32xf32, #tpu.memory_space<vmem>> -> memref<128x32xf32, #tpu.memory_space<vmem>>
      %dma_wait3A_3264 = arith.constant 0 : i32
      %dma_wait3A_3265 = tpu.memref_slice %arg4[%add3A_3068, %dma_wait3A_3264] : memref<106496x32xf32, #tpu.memory_space<hbm>> -> memref<128x32xf32, #tpu.memory_space<hbm>>
      %dma_wait3A_3266 = arith.constant 0 : i32
      %dma_wait3A_3267 = tpu.memref_slice %arg4[%add3A_3068, %dma_wait3A_3266] : memref<106496x32xf32, #tpu.memory_space<hbm>> -> memref<128x32xf32, #tpu.memory_space<hbm>>
      %dma_wait3A_3268 = arith.constant 0 : i32
      %dma_wait3A_3269 = arith.constant 0 : i32
      %dma_wait3A_3270 = tpu.memref_slice %arg7[%run_scoped3A_3069, %dma_wait3A_3268, %dma_wait3A_3269] : memref<2x128x32xf32, #tpu.memory_space<vmem>> -> memref<1x128x32xf32, #tpu.memory_space<vmem>>
      %dma_wait3A_3271 = tpu.memref_squeeze %dma_wait3A_3270 : memref<1x128x32xf32, #tpu.memory_space<vmem>> -> memref<128x32xf32, #tpu.memory_space<vmem>>
      tpu.wait_dma2 semaphore(%run_scoped3A_3247 : memref<!tpu.dma_semaphore, #tpu.memory_space<semaphore_mem>>) src(%dma_wait3A_3271 : memref<128x32xf32, #tpu.memory_space<vmem>>) dst(%dma_wait3A_3267 : memref<128x32xf32, #tpu.memory_space<hbm>>)
      tpu.yield
    }) : () -> ()
    %dma_start3A_3070 = arith.constant 20 : i32
    %dma_start3A_3071 = arith.constant 0 : i32
    %dma_start3A_3072 = arith.constant 0 : i32
    %dma_start3A_3073 = arith.constant 0 : i32
    %dma_start3A_3074 = tpu.memref_slice %arg7[%dma_start3A_3071, %dma_start3A_3072, %dma_start3A_3073] : memref<2x128x32xf32, #tpu.memory_space<vmem>> -> memref<1x128x32xf32, #tpu.memory_space<vmem>>
    %dma_start3A_3075 = tpu.memref_squeeze %dma_start3A_3074 : memref<1x128x32xf32, #tpu.memory_space<vmem>> -> memref<128x32xf32, #tpu.memory_space<vmem>>
    %dma_start3A_3076 = arith.constant 0 : i32
    %dma_start3A_3077 = tpu.memref_slice %arg6[%dma_start3A_3070, %dma_start3A_3076] : memref<26x128xi32, #tpu.memory_space<vmem>> -> memref<1x128xi32, #tpu.memory_space<vmem>>
    %dma_start3A_3078 = tpu.memref_squeeze %dma_start3A_3077 : memref<1x128xi32, #tpu.memory_space<vmem>> -> memref<128xi32, #tpu.memory_space<vmem>>
    %dma_start3A_3079 = arith.constant 0 : i32
    %dma_start3A_3080 = arith.constant 0 : i32
    %dma_start3A_3081 = tpu.memref_slice %arg3[%dma_start3A_3079, %dma_start3A_3080] : memref<2600000x32xf32, #tpu.memory_space<hbm>> -> memref<2600000x32xf32, #tpu.memory_space<hbm>>
    tpu.enqueue_indirect_dma source(%dma_start3A_3081 : memref<2600000x32xf32, #tpu.memory_space<hbm>>) target(%dma_start3A_3075 : memref<128x32xf32, #tpu.memory_space<vmem>>) offsets(%dma_start3A_3078 : memref<128xi32, #tpu.memory_space<vmem>>) semaphore(%arg8 : memref<!tpu.dma_semaphore, #tpu.memory_space<semaphore_mem>>)
    %dma_wait3A_3082 = arith.constant 19 : i32
    %dma_wait3A_3083 = arith.constant 1 : i32
    %dma_wait3A_3084 = arith.constant 0 : i32
    %dma_wait3A_3085 = arith.constant 0 : i32
    %dma_wait3A_3086 = tpu.memref_slice %arg7[%dma_wait3A_3083, %dma_wait3A_3084, %dma_wait3A_3085] : memref<2x128x32xf32, #tpu.memory_space<vmem>> -> memref<1x128x32xf32, #tpu.memory_space<vmem>>
    %dma_wait3A_3087 = tpu.memref_squeeze %dma_wait3A_3086 : memref<1x128x32xf32, #tpu.memory_space<vmem>> -> memref<128x32xf32, #tpu.memory_space<vmem>>
    %dma_wait3A_3088 = arith.constant 0 : i32
    %dma_wait3A_3089 = tpu.memref_slice %arg6[%dma_wait3A_3082, %dma_wait3A_3088] : memref<26x128xi32, #tpu.memory_space<vmem>> -> memref<1x128xi32, #tpu.memory_space<vmem>>
    %dma_wait3A_3090 = tpu.memref_squeeze %dma_wait3A_3089 : memref<1x128xi32, #tpu.memory_space<vmem>> -> memref<128xi32, #tpu.memory_space<vmem>>
    %dma_wait3A_3091 = arith.constant 0 : i32
    %dma_wait3A_3092 = arith.constant 0 : i32
    %dma_wait3A_3093 = tpu.memref_slice %arg3[%dma_wait3A_3091, %dma_wait3A_3092] : memref<2600000x32xf32, #tpu.memory_space<hbm>> -> memref<2600000x32xf32, #tpu.memory_space<hbm>>
    tpu.wait_indirect_dma semaphore(%arg8 : memref<!tpu.dma_semaphore, #tpu.memory_space<semaphore_mem>>) src(%dma_wait3A_3093 : memref<2600000x32xf32, #tpu.memory_space<hbm>>) dst(%dma_wait3A_3087 : memref<128x32xf32, #tpu.memory_space<vmem>>)
    %add3A_3094 = arith.constant 77824 : i32
    %add3A_3095 = arith.addi %add3A_3094, %mul3A_2 : i32
    %run_scoped3A_3096 = arith.constant 1 : i32
    "tpu.region"() ({
      %run_scoped3A_3247 = tpu.sem_alloc : memref<!tpu.dma_semaphore, #tpu.memory_space<semaphore_mem>>
      %dma_start3A_3248 = arith.constant 0 : i32
      %dma_start3A_3249 = arith.constant 0 : i32
      %dma_start3A_3250 = tpu.memref_slice %arg7[%run_scoped3A_3096, %dma_start3A_3248, %dma_start3A_3249] : memref<2x128x32xf32, #tpu.memory_space<vmem>> -> memref<1x128x32xf32, #tpu.memory_space<vmem>>
      %dma_start3A_3251 = tpu.memref_squeeze %dma_start3A_3250 : memref<1x128x32xf32, #tpu.memory_space<vmem>> -> memref<128x32xf32, #tpu.memory_space<vmem>>
      %dma_start3A_3252 = arith.constant 0 : i32
      %dma_start3A_3253 = tpu.memref_slice %arg4[%add3A_3095, %dma_start3A_3252] : memref<106496x32xf32, #tpu.memory_space<hbm>> -> memref<128x32xf32, #tpu.memory_space<hbm>>
      %dma_start3A_3254 = arith.constant 0 : i32
      %dma_start3A_3255 = tpu.memref_slice %arg4[%add3A_3095, %dma_start3A_3254] : memref<106496x32xf32, #tpu.memory_space<hbm>> -> memref<128x32xf32, #tpu.memory_space<hbm>>
      %dma_start3A_3256 = arith.constant 0 : i32
      %dma_start3A_3257 = arith.constant 0 : i32
      %dma_start3A_3258 = tpu.memref_slice %arg7[%run_scoped3A_3096, %dma_start3A_3256, %dma_start3A_3257] : memref<2x128x32xf32, #tpu.memory_space<vmem>> -> memref<1x128x32xf32, #tpu.memory_space<vmem>>
      %dma_start3A_3259 = tpu.memref_squeeze %dma_start3A_3258 : memref<1x128x32xf32, #tpu.memory_space<vmem>> -> memref<128x32xf32, #tpu.memory_space<vmem>>
      tpu.enqueue_dma source(%dma_start3A_3259 : memref<128x32xf32, #tpu.memory_space<vmem>>) target(%dma_start3A_3255 : memref<128x32xf32, #tpu.memory_space<hbm>>) target_semaphore(%run_scoped3A_3247 : memref<!tpu.dma_semaphore, #tpu.memory_space<semaphore_mem>>)
      %dma_wait3A_3260 = arith.constant 0 : i32
      %dma_wait3A_3261 = arith.constant 0 : i32
      %dma_wait3A_3262 = tpu.memref_slice %arg7[%run_scoped3A_3096, %dma_wait3A_3260, %dma_wait3A_3261] : memref<2x128x32xf32, #tpu.memory_space<vmem>> -> memref<1x128x32xf32, #tpu.memory_space<vmem>>
      %dma_wait3A_3263 = tpu.memref_squeeze %dma_wait3A_3262 : memref<1x128x32xf32, #tpu.memory_space<vmem>> -> memref<128x32xf32, #tpu.memory_space<vmem>>
      %dma_wait3A_3264 = arith.constant 0 : i32
      %dma_wait3A_3265 = tpu.memref_slice %arg4[%add3A_3095, %dma_wait3A_3264] : memref<106496x32xf32, #tpu.memory_space<hbm>> -> memref<128x32xf32, #tpu.memory_space<hbm>>
      %dma_wait3A_3266 = arith.constant 0 : i32
      %dma_wait3A_3267 = tpu.memref_slice %arg4[%add3A_3095, %dma_wait3A_3266] : memref<106496x32xf32, #tpu.memory_space<hbm>> -> memref<128x32xf32, #tpu.memory_space<hbm>>
      %dma_wait3A_3268 = arith.constant 0 : i32
      %dma_wait3A_3269 = arith.constant 0 : i32
      %dma_wait3A_3270 = tpu.memref_slice %arg7[%run_scoped3A_3096, %dma_wait3A_3268, %dma_wait3A_3269] : memref<2x128x32xf32, #tpu.memory_space<vmem>> -> memref<1x128x32xf32, #tpu.memory_space<vmem>>
      %dma_wait3A_3271 = tpu.memref_squeeze %dma_wait3A_3270 : memref<1x128x32xf32, #tpu.memory_space<vmem>> -> memref<128x32xf32, #tpu.memory_space<vmem>>
      tpu.wait_dma2 semaphore(%run_scoped3A_3247 : memref<!tpu.dma_semaphore, #tpu.memory_space<semaphore_mem>>) src(%dma_wait3A_3271 : memref<128x32xf32, #tpu.memory_space<vmem>>) dst(%dma_wait3A_3267 : memref<128x32xf32, #tpu.memory_space<hbm>>)
      tpu.yield
    }) : () -> ()
    %dma_start3A_3097 = arith.constant 21 : i32
    %dma_start3A_3098 = arith.constant 1 : i32
    %dma_start3A_3099 = arith.constant 0 : i32
    %dma_start3A_3100 = arith.constant 0 : i32
    %dma_start3A_3101 = tpu.memref_slice %arg7[%dma_start3A_3098, %dma_start3A_3099, %dma_start3A_3100] : memref<2x128x32xf32, #tpu.memory_space<vmem>> -> memref<1x128x32xf32, #tpu.memory_space<vmem>>
    %dma_start3A_3102 = tpu.memref_squeeze %dma_start3A_3101 : memref<1x128x32xf32, #tpu.memory_space<vmem>> -> memref<128x32xf32, #tpu.memory_space<vmem>>
    %dma_start3A_3103 = arith.constant 0 : i32
    %dma_start3A_3104 = tpu.memref_slice %arg6[%dma_start3A_3097, %dma_start3A_3103] : memref<26x128xi32, #tpu.memory_space<vmem>> -> memref<1x128xi32, #tpu.memory_space<vmem>>
    %dma_start3A_3105 = tpu.memref_squeeze %dma_start3A_3104 : memref<1x128xi32, #tpu.memory_space<vmem>> -> memref<128xi32, #tpu.memory_space<vmem>>
    %dma_start3A_3106 = arith.constant 0 : i32
    %dma_start3A_3107 = arith.constant 0 : i32
    %dma_start3A_3108 = tpu.memref_slice %arg3[%dma_start3A_3106, %dma_start3A_3107] : memref<2600000x32xf32, #tpu.memory_space<hbm>> -> memref<2600000x32xf32, #tpu.memory_space<hbm>>
    tpu.enqueue_indirect_dma source(%dma_start3A_3108 : memref<2600000x32xf32, #tpu.memory_space<hbm>>) target(%dma_start3A_3102 : memref<128x32xf32, #tpu.memory_space<vmem>>) offsets(%dma_start3A_3105 : memref<128xi32, #tpu.memory_space<vmem>>) semaphore(%arg8 : memref<!tpu.dma_semaphore, #tpu.memory_space<semaphore_mem>>)
    %dma_wait3A_3109 = arith.constant 20 : i32
    %dma_wait3A_3110 = arith.constant 0 : i32
    %dma_wait3A_3111 = arith.constant 0 : i32
    %dma_wait3A_3112 = arith.constant 0 : i32
    %dma_wait3A_3113 = tpu.memref_slice %arg7[%dma_wait3A_3110, %dma_wait3A_3111, %dma_wait3A_3112] : memref<2x128x32xf32, #tpu.memory_space<vmem>> -> memref<1x128x32xf32, #tpu.memory_space<vmem>>
    %dma_wait3A_3114 = tpu.memref_squeeze %dma_wait3A_3113 : memref<1x128x32xf32, #tpu.memory_space<vmem>> -> memref<128x32xf32, #tpu.memory_space<vmem>>
    %dma_wait3A_3115 = arith.constant 0 : i32
    %dma_wait3A_3116 = tpu.memref_slice %arg6[%dma_wait3A_3109, %dma_wait3A_3115] : memref<26x128xi32, #tpu.memory_space<vmem>> -> memref<1x128xi32, #tpu.memory_space<vmem>>
    %dma_wait3A_3117 = tpu.memref_squeeze %dma_wait3A_3116 : memref<1x128xi32, #tpu.memory_space<vmem>> -> memref<128xi32, #tpu.memory_space<vmem>>
    %dma_wait3A_3118 = arith.constant 0 : i32
    %dma_wait3A_3119 = arith.constant 0 : i32
    %dma_wait3A_3120 = tpu.memref_slice %arg3[%dma_wait3A_3118, %dma_wait3A_3119] : memref<2600000x32xf32, #tpu.memory_space<hbm>> -> memref<2600000x32xf32, #tpu.memory_space<hbm>>
    tpu.wait_indirect_dma semaphore(%arg8 : memref<!tpu.dma_semaphore, #tpu.memory_space<semaphore_mem>>) src(%dma_wait3A_3120 : memref<2600000x32xf32, #tpu.memory_space<hbm>>) dst(%dma_wait3A_3114 : memref<128x32xf32, #tpu.memory_space<vmem>>)
    %add3A_3121 = arith.constant 81920 : i32
    %add3A_3122 = arith.addi %add3A_3121, %mul3A_2 : i32
    %run_scoped3A_3123 = arith.constant 0 : i32
    "tpu.region"() ({
      %run_scoped3A_3247 = tpu.sem_alloc : memref<!tpu.dma_semaphore, #tpu.memory_space<semaphore_mem>>
      %dma_start3A_3248 = arith.constant 0 : i32
      %dma_start3A_3249 = arith.constant 0 : i32
      %dma_start3A_3250 = tpu.memref_slice %arg7[%run_scoped3A_3123, %dma_start3A_3248, %dma_start3A_3249] : memref<2x128x32xf32, #tpu.memory_space<vmem>> -> memref<1x128x32xf32, #tpu.memory_space<vmem>>
      %dma_start3A_3251 = tpu.memref_squeeze %dma_start3A_3250 : memref<1x128x32xf32, #tpu.memory_space<vmem>> -> memref<128x32xf32, #tpu.memory_space<vmem>>
      %dma_start3A_3252 = arith.constant 0 : i32
      %dma_start3A_3253 = tpu.memref_slice %arg4[%add3A_3122, %dma_start3A_3252] : memref<106496x32xf32, #tpu.memory_space<hbm>> -> memref<128x32xf32, #tpu.memory_space<hbm>>
      %dma_start3A_3254 = arith.constant 0 : i32
      %dma_start3A_3255 = tpu.memref_slice %arg4[%add3A_3122, %dma_start3A_3254] : memref<106496x32xf32, #tpu.memory_space<hbm>> -> memref<128x32xf32, #tpu.memory_space<hbm>>
      %dma_start3A_3256 = arith.constant 0 : i32
      %dma_start3A_3257 = arith.constant 0 : i32
      %dma_start3A_3258 = tpu.memref_slice %arg7[%run_scoped3A_3123, %dma_start3A_3256, %dma_start3A_3257] : memref<2x128x32xf32, #tpu.memory_space<vmem>> -> memref<1x128x32xf32, #tpu.memory_space<vmem>>
      %dma_start3A_3259 = tpu.memref_squeeze %dma_start3A_3258 : memref<1x128x32xf32, #tpu.memory_space<vmem>> -> memref<128x32xf32, #tpu.memory_space<vmem>>
      tpu.enqueue_dma source(%dma_start3A_3259 : memref<128x32xf32, #tpu.memory_space<vmem>>) target(%dma_start3A_3255 : memref<128x32xf32, #tpu.memory_space<hbm>>) target_semaphore(%run_scoped3A_3247 : memref<!tpu.dma_semaphore, #tpu.memory_space<semaphore_mem>>)
      %dma_wait3A_3260 = arith.constant 0 : i32
      %dma_wait3A_3261 = arith.constant 0 : i32
      %dma_wait3A_3262 = tpu.memref_slice %arg7[%run_scoped3A_3123, %dma_wait3A_3260, %dma_wait3A_3261] : memref<2x128x32xf32, #tpu.memory_space<vmem>> -> memref<1x128x32xf32, #tpu.memory_space<vmem>>
      %dma_wait3A_3263 = tpu.memref_squeeze %dma_wait3A_3262 : memref<1x128x32xf32, #tpu.memory_space<vmem>> -> memref<128x32xf32, #tpu.memory_space<vmem>>
      %dma_wait3A_3264 = arith.constant 0 : i32
      %dma_wait3A_3265 = tpu.memref_slice %arg4[%add3A_3122, %dma_wait3A_3264] : memref<106496x32xf32, #tpu.memory_space<hbm>> -> memref<128x32xf32, #tpu.memory_space<hbm>>
      %dma_wait3A_3266 = arith.constant 0 : i32
      %dma_wait3A_3267 = tpu.memref_slice %arg4[%add3A_3122, %dma_wait3A_3266] : memref<106496x32xf32, #tpu.memory_space<hbm>> -> memref<128x32xf32, #tpu.memory_space<hbm>>
      %dma_wait3A_3268 = arith.constant 0 : i32
      %dma_wait3A_3269 = arith.constant 0 : i32
      %dma_wait3A_3270 = tpu.memref_slice %arg7[%run_scoped3A_3123, %dma_wait3A_3268, %dma_wait3A_3269] : memref<2x128x32xf32, #tpu.memory_space<vmem>> -> memref<1x128x32xf32, #tpu.memory_space<vmem>>
      %dma_wait3A_3271 = tpu.memref_squeeze %dma_wait3A_3270 : memref<1x128x32xf32, #tpu.memory_space<vmem>> -> memref<128x32xf32, #tpu.memory_space<vmem>>
      tpu.wait_dma2 semaphore(%run_scoped3A_3247 : memref<!tpu.dma_semaphore, #tpu.memory_space<semaphore_mem>>) src(%dma_wait3A_3271 : memref<128x32xf32, #tpu.memory_space<vmem>>) dst(%dma_wait3A_3267 : memref<128x32xf32, #tpu.memory_space<hbm>>)
      tpu.yield
    }) : () -> ()
    %dma_start3A_3124 = arith.constant 22 : i32
    %dma_start3A_3125 = arith.constant 0 : i32
    %dma_start3A_3126 = arith.constant 0 : i32
    %dma_start3A_3127 = arith.constant 0 : i32
    %dma_start3A_3128 = tpu.memref_slice %arg7[%dma_start3A_3125, %dma_start3A_3126, %dma_start3A_3127] : memref<2x128x32xf32, #tpu.memory_space<vmem>> -> memref<1x128x32xf32, #tpu.memory_space<vmem>>
    %dma_start3A_3129 = tpu.memref_squeeze %dma_start3A_3128 : memref<1x128x32xf32, #tpu.memory_space<vmem>> -> memref<128x32xf32, #tpu.memory_space<vmem>>
    %dma_start3A_3130 = arith.constant 0 : i32
    %dma_start3A_3131 = tpu.memref_slice %arg6[%dma_start3A_3124, %dma_start3A_3130] : memref<26x128xi32, #tpu.memory_space<vmem>> -> memref<1x128xi32, #tpu.memory_space<vmem>>
    %dma_start3A_3132 = tpu.memref_squeeze %dma_start3A_3131 : memref<1x128xi32, #tpu.memory_space<vmem>> -> memref<128xi32, #tpu.memory_space<vmem>>
    %dma_start3A_3133 = arith.constant 0 : i32
    %dma_start3A_3134 = arith.constant 0 : i32
    %dma_start3A_3135 = tpu.memref_slice %arg3[%dma_start3A_3133, %dma_start3A_3134] : memref<2600000x32xf32, #tpu.memory_space<hbm>> -> memref<2600000x32xf32, #tpu.memory_space<hbm>>
    tpu.enqueue_indirect_dma source(%dma_start3A_3135 : memref<2600000x32xf32, #tpu.memory_space<hbm>>) target(%dma_start3A_3129 : memref<128x32xf32, #tpu.memory_space<vmem>>) offsets(%dma_start3A_3132 : memref<128xi32, #tpu.memory_space<vmem>>) semaphore(%arg8 : memref<!tpu.dma_semaphore, #tpu.memory_space<semaphore_mem>>)
    %dma_wait3A_3136 = arith.constant 21 : i32
    %dma_wait3A_3137 = arith.constant 1 : i32
    %dma_wait3A_3138 = arith.constant 0 : i32
    %dma_wait3A_3139 = arith.constant 0 : i32
    %dma_wait3A_3140 = tpu.memref_slice %arg7[%dma_wait3A_3137, %dma_wait3A_3138, %dma_wait3A_3139] : memref<2x128x32xf32, #tpu.memory_space<vmem>> -> memref<1x128x32xf32, #tpu.memory_space<vmem>>
    %dma_wait3A_3141 = tpu.memref_squeeze %dma_wait3A_3140 : memref<1x128x32xf32, #tpu.memory_space<vmem>> -> memref<128x32xf32, #tpu.memory_space<vmem>>
    %dma_wait3A_3142 = arith.constant 0 : i32
    %dma_wait3A_3143 = tpu.memref_slice %arg6[%dma_wait3A_3136, %dma_wait3A_3142] : memref<26x128xi32, #tpu.memory_space<vmem>> -> memref<1x128xi32, #tpu.memory_space<vmem>>
    %dma_wait3A_3144 = tpu.memref_squeeze %dma_wait3A_3143 : memref<1x128xi32, #tpu.memory_space<vmem>> -> memref<128xi32, #tpu.memory_space<vmem>>
    %dma_wait3A_3145 = arith.constant 0 : i32
    %dma_wait3A_3146 = arith.constant 0 : i32
    %dma_wait3A_3147 = tpu.memref_slice %arg3[%dma_wait3A_3145, %dma_wait3A_3146] : memref<2600000x32xf32, #tpu.memory_space<hbm>> -> memref<2600000x32xf32, #tpu.memory_space<hbm>>
    tpu.wait_indirect_dma semaphore(%arg8 : memref<!tpu.dma_semaphore, #tpu.memory_space<semaphore_mem>>) src(%dma_wait3A_3147 : memref<2600000x32xf32, #tpu.memory_space<hbm>>) dst(%dma_wait3A_3141 : memref<128x32xf32, #tpu.memory_space<vmem>>)
    %add3A_3148 = arith.constant 86016 : i32
    %add3A_3149 = arith.addi %add3A_3148, %mul3A_2 : i32
    %run_scoped3A_3150 = arith.constant 1 : i32
    "tpu.region"() ({
      %run_scoped3A_3247 = tpu.sem_alloc : memref<!tpu.dma_semaphore, #tpu.memory_space<semaphore_mem>>
      %dma_start3A_3248 = arith.constant 0 : i32
      %dma_start3A_3249 = arith.constant 0 : i32
      %dma_start3A_3250 = tpu.memref_slice %arg7[%run_scoped3A_3150, %dma_start3A_3248, %dma_start3A_3249] : memref<2x128x32xf32, #tpu.memory_space<vmem>> -> memref<1x128x32xf32, #tpu.memory_space<vmem>>
      %dma_start3A_3251 = tpu.memref_squeeze %dma_start3A_3250 : memref<1x128x32xf32, #tpu.memory_space<vmem>> -> memref<128x32xf32, #tpu.memory_space<vmem>>
      %dma_start3A_3252 = arith.constant 0 : i32
      %dma_start3A_3253 = tpu.memref_slice %arg4[%add3A_3149, %dma_start3A_3252] : memref<106496x32xf32, #tpu.memory_space<hbm>> -> memref<128x32xf32, #tpu.memory_space<hbm>>
      %dma_start3A_3254 = arith.constant 0 : i32
      %dma_start3A_3255 = tpu.memref_slice %arg4[%add3A_3149, %dma_start3A_3254] : memref<106496x32xf32, #tpu.memory_space<hbm>> -> memref<128x32xf32, #tpu.memory_space<hbm>>
      %dma_start3A_3256 = arith.constant 0 : i32
      %dma_start3A_3257 = arith.constant 0 : i32
      %dma_start3A_3258 = tpu.memref_slice %arg7[%run_scoped3A_3150, %dma_start3A_3256, %dma_start3A_3257] : memref<2x128x32xf32, #tpu.memory_space<vmem>> -> memref<1x128x32xf32, #tpu.memory_space<vmem>>
      %dma_start3A_3259 = tpu.memref_squeeze %dma_start3A_3258 : memref<1x128x32xf32, #tpu.memory_space<vmem>> -> memref<128x32xf32, #tpu.memory_space<vmem>>
      tpu.enqueue_dma source(%dma_start3A_3259 : memref<128x32xf32, #tpu.memory_space<vmem>>) target(%dma_start3A_3255 : memref<128x32xf32, #tpu.memory_space<hbm>>) target_semaphore(%run_scoped3A_3247 : memref<!tpu.dma_semaphore, #tpu.memory_space<semaphore_mem>>)
      %dma_wait3A_3260 = arith.constant 0 : i32
      %dma_wait3A_3261 = arith.constant 0 : i32
      %dma_wait3A_3262 = tpu.memref_slice %arg7[%run_scoped3A_3150, %dma_wait3A_3260, %dma_wait3A_3261] : memref<2x128x32xf32, #tpu.memory_space<vmem>> -> memref<1x128x32xf32, #tpu.memory_space<vmem>>
      %dma_wait3A_3263 = tpu.memref_squeeze %dma_wait3A_3262 : memref<1x128x32xf32, #tpu.memory_space<vmem>> -> memref<128x32xf32, #tpu.memory_space<vmem>>
      %dma_wait3A_3264 = arith.constant 0 : i32
      %dma_wait3A_3265 = tpu.memref_slice %arg4[%add3A_3149, %dma_wait3A_3264] : memref<106496x32xf32, #tpu.memory_space<hbm>> -> memref<128x32xf32, #tpu.memory_space<hbm>>
      %dma_wait3A_3266 = arith.constant 0 : i32
      %dma_wait3A_3267 = tpu.memref_slice %arg4[%add3A_3149, %dma_wait3A_3266] : memref<106496x32xf32, #tpu.memory_space<hbm>> -> memref<128x32xf32, #tpu.memory_space<hbm>>
      %dma_wait3A_3268 = arith.constant 0 : i32
      %dma_wait3A_3269 = arith.constant 0 : i32
      %dma_wait3A_3270 = tpu.memref_slice %arg7[%run_scoped3A_3150, %dma_wait3A_3268, %dma_wait3A_3269] : memref<2x128x32xf32, #tpu.memory_space<vmem>> -> memref<1x128x32xf32, #tpu.memory_space<vmem>>
      %dma_wait3A_3271 = tpu.memref_squeeze %dma_wait3A_3270 : memref<1x128x32xf32, #tpu.memory_space<vmem>> -> memref<128x32xf32, #tpu.memory_space<vmem>>
      tpu.wait_dma2 semaphore(%run_scoped3A_3247 : memref<!tpu.dma_semaphore, #tpu.memory_space<semaphore_mem>>) src(%dma_wait3A_3271 : memref<128x32xf32, #tpu.memory_space<vmem>>) dst(%dma_wait3A_3267 : memref<128x32xf32, #tpu.memory_space<hbm>>)
      tpu.yield
    }) : () -> ()
    %dma_start3A_3151 = arith.constant 23 : i32
    %dma_start3A_3152 = arith.constant 1 : i32
    %dma_start3A_3153 = arith.constant 0 : i32
    %dma_start3A_3154 = arith.constant 0 : i32
    %dma_start3A_3155 = tpu.memref_slice %arg7[%dma_start3A_3152, %dma_start3A_3153, %dma_start3A_3154] : memref<2x128x32xf32, #tpu.memory_space<vmem>> -> memref<1x128x32xf32, #tpu.memory_space<vmem>>
    %dma_start3A_3156 = tpu.memref_squeeze %dma_start3A_3155 : memref<1x128x32xf32, #tpu.memory_space<vmem>> -> memref<128x32xf32, #tpu.memory_space<vmem>>
    %dma_start3A_3157 = arith.constant 0 : i32
    %dma_start3A_3158 = tpu.memref_slice %arg6[%dma_start3A_3151, %dma_start3A_3157] : memref<26x128xi32, #tpu.memory_space<vmem>> -> memref<1x128xi32, #tpu.memory_space<vmem>>
    %dma_start3A_3159 = tpu.memref_squeeze %dma_start3A_3158 : memref<1x128xi32, #tpu.memory_space<vmem>> -> memref<128xi32, #tpu.memory_space<vmem>>
    %dma_start3A_3160 = arith.constant 0 : i32
    %dma_start3A_3161 = arith.constant 0 : i32
    %dma_start3A_3162 = tpu.memref_slice %arg3[%dma_start3A_3160, %dma_start3A_3161] : memref<2600000x32xf32, #tpu.memory_space<hbm>> -> memref<2600000x32xf32, #tpu.memory_space<hbm>>
    tpu.enqueue_indirect_dma source(%dma_start3A_3162 : memref<2600000x32xf32, #tpu.memory_space<hbm>>) target(%dma_start3A_3156 : memref<128x32xf32, #tpu.memory_space<vmem>>) offsets(%dma_start3A_3159 : memref<128xi32, #tpu.memory_space<vmem>>) semaphore(%arg8 : memref<!tpu.dma_semaphore, #tpu.memory_space<semaphore_mem>>)
    %dma_wait3A_3163 = arith.constant 22 : i32
    %dma_wait3A_3164 = arith.constant 0 : i32
    %dma_wait3A_3165 = arith.constant 0 : i32
    %dma_wait3A_3166 = arith.constant 0 : i32
    %dma_wait3A_3167 = tpu.memref_slice %arg7[%dma_wait3A_3164, %dma_wait3A_3165, %dma_wait3A_3166] : memref<2x128x32xf32, #tpu.memory_space<vmem>> -> memref<1x128x32xf32, #tpu.memory_space<vmem>>
    %dma_wait3A_3168 = tpu.memref_squeeze %dma_wait3A_3167 : memref<1x128x32xf32, #tpu.memory_space<vmem>> -> memref<128x32xf32, #tpu.memory_space<vmem>>
    %dma_wait3A_3169 = arith.constant 0 : i32
    %dma_wait3A_3170 = tpu.memref_slice %arg6[%dma_wait3A_3163, %dma_wait3A_3169] : memref<26x128xi32, #tpu.memory_space<vmem>> -> memref<1x128xi32, #tpu.memory_space<vmem>>
    %dma_wait3A_3171 = tpu.memref_squeeze %dma_wait3A_3170 : memref<1x128xi32, #tpu.memory_space<vmem>> -> memref<128xi32, #tpu.memory_space<vmem>>
    %dma_wait3A_3172 = arith.constant 0 : i32
    %dma_wait3A_3173 = arith.constant 0 : i32
    %dma_wait3A_3174 = tpu.memref_slice %arg3[%dma_wait3A_3172, %dma_wait3A_3173] : memref<2600000x32xf32, #tpu.memory_space<hbm>> -> memref<2600000x32xf32, #tpu.memory_space<hbm>>
    tpu.wait_indirect_dma semaphore(%arg8 : memref<!tpu.dma_semaphore, #tpu.memory_space<semaphore_mem>>) src(%dma_wait3A_3174 : memref<2600000x32xf32, #tpu.memory_space<hbm>>) dst(%dma_wait3A_3168 : memref<128x32xf32, #tpu.memory_space<vmem>>)
    %add3A_3175 = arith.constant 90112 : i32
    %add3A_3176 = arith.addi %add3A_3175, %mul3A_2 : i32
    %run_scoped3A_3177 = arith.constant 0 : i32
    "tpu.region"() ({
      %run_scoped3A_3247 = tpu.sem_alloc : memref<!tpu.dma_semaphore, #tpu.memory_space<semaphore_mem>>
      %dma_start3A_3248 = arith.constant 0 : i32
      %dma_start3A_3249 = arith.constant 0 : i32
      %dma_start3A_3250 = tpu.memref_slice %arg7[%run_scoped3A_3177, %dma_start3A_3248, %dma_start3A_3249] : memref<2x128x32xf32, #tpu.memory_space<vmem>> -> memref<1x128x32xf32, #tpu.memory_space<vmem>>
      %dma_start3A_3251 = tpu.memref_squeeze %dma_start3A_3250 : memref<1x128x32xf32, #tpu.memory_space<vmem>> -> memref<128x32xf32, #tpu.memory_space<vmem>>
      %dma_start3A_3252 = arith.constant 0 : i32
      %dma_start3A_3253 = tpu.memref_slice %arg4[%add3A_3176, %dma_start3A_3252] : memref<106496x32xf32, #tpu.memory_space<hbm>> -> memref<128x32xf32, #tpu.memory_space<hbm>>
      %dma_start3A_3254 = arith.constant 0 : i32
      %dma_start3A_3255 = tpu.memref_slice %arg4[%add3A_3176, %dma_start3A_3254] : memref<106496x32xf32, #tpu.memory_space<hbm>> -> memref<128x32xf32, #tpu.memory_space<hbm>>
      %dma_start3A_3256 = arith.constant 0 : i32
      %dma_start3A_3257 = arith.constant 0 : i32
      %dma_start3A_3258 = tpu.memref_slice %arg7[%run_scoped3A_3177, %dma_start3A_3256, %dma_start3A_3257] : memref<2x128x32xf32, #tpu.memory_space<vmem>> -> memref<1x128x32xf32, #tpu.memory_space<vmem>>
      %dma_start3A_3259 = tpu.memref_squeeze %dma_start3A_3258 : memref<1x128x32xf32, #tpu.memory_space<vmem>> -> memref<128x32xf32, #tpu.memory_space<vmem>>
      tpu.enqueue_dma source(%dma_start3A_3259 : memref<128x32xf32, #tpu.memory_space<vmem>>) target(%dma_start3A_3255 : memref<128x32xf32, #tpu.memory_space<hbm>>) target_semaphore(%run_scoped3A_3247 : memref<!tpu.dma_semaphore, #tpu.memory_space<semaphore_mem>>)
      %dma_wait3A_3260 = arith.constant 0 : i32
      %dma_wait3A_3261 = arith.constant 0 : i32
      %dma_wait3A_3262 = tpu.memref_slice %arg7[%run_scoped3A_3177, %dma_wait3A_3260, %dma_wait3A_3261] : memref<2x128x32xf32, #tpu.memory_space<vmem>> -> memref<1x128x32xf32, #tpu.memory_space<vmem>>
      %dma_wait3A_3263 = tpu.memref_squeeze %dma_wait3A_3262 : memref<1x128x32xf32, #tpu.memory_space<vmem>> -> memref<128x32xf32, #tpu.memory_space<vmem>>
      %dma_wait3A_3264 = arith.constant 0 : i32
      %dma_wait3A_3265 = tpu.memref_slice %arg4[%add3A_3176, %dma_wait3A_3264] : memref<106496x32xf32, #tpu.memory_space<hbm>> -> memref<128x32xf32, #tpu.memory_space<hbm>>
      %dma_wait3A_3266 = arith.constant 0 : i32
      %dma_wait3A_3267 = tpu.memref_slice %arg4[%add3A_3176, %dma_wait3A_3266] : memref<106496x32xf32, #tpu.memory_space<hbm>> -> memref<128x32xf32, #tpu.memory_space<hbm>>
      %dma_wait3A_3268 = arith.constant 0 : i32
      %dma_wait3A_3269 = arith.constant 0 : i32
      %dma_wait3A_3270 = tpu.memref_slice %arg7[%run_scoped3A_3177, %dma_wait3A_3268, %dma_wait3A_3269] : memref<2x128x32xf32, #tpu.memory_space<vmem>> -> memref<1x128x32xf32, #tpu.memory_space<vmem>>
      %dma_wait3A_3271 = tpu.memref_squeeze %dma_wait3A_3270 : memref<1x128x32xf32, #tpu.memory_space<vmem>> -> memref<128x32xf32, #tpu.memory_space<vmem>>
      tpu.wait_dma2 semaphore(%run_scoped3A_3247 : memref<!tpu.dma_semaphore, #tpu.memory_space<semaphore_mem>>) src(%dma_wait3A_3271 : memref<128x32xf32, #tpu.memory_space<vmem>>) dst(%dma_wait3A_3267 : memref<128x32xf32, #tpu.memory_space<hbm>>)
      tpu.yield
    }) : () -> ()
    %dma_start3A_3178 = arith.constant 24 : i32
    %dma_start3A_3179 = arith.constant 0 : i32
    %dma_start3A_3180 = arith.constant 0 : i32
    %dma_start3A_3181 = arith.constant 0 : i32
    %dma_start3A_3182 = tpu.memref_slice %arg7[%dma_start3A_3179, %dma_start3A_3180, %dma_start3A_3181] : memref<2x128x32xf32, #tpu.memory_space<vmem>> -> memref<1x128x32xf32, #tpu.memory_space<vmem>>
    %dma_start3A_3183 = tpu.memref_squeeze %dma_start3A_3182 : memref<1x128x32xf32, #tpu.memory_space<vmem>> -> memref<128x32xf32, #tpu.memory_space<vmem>>
    %dma_start3A_3184 = arith.constant 0 : i32
    %dma_start3A_3185 = tpu.memref_slice %arg6[%dma_start3A_3178, %dma_start3A_3184] : memref<26x128xi32, #tpu.memory_space<vmem>> -> memref<1x128xi32, #tpu.memory_space<vmem>>
    %dma_start3A_3186 = tpu.memref_squeeze %dma_start3A_3185 : memref<1x128xi32, #tpu.memory_space<vmem>> -> memref<128xi32, #tpu.memory_space<vmem>>
    %dma_start3A_3187 = arith.constant 0 : i32
    %dma_start3A_3188 = arith.constant 0 : i32
    %dma_start3A_3189 = tpu.memref_slice %arg3[%dma_start3A_3187, %dma_start3A_3188] : memref<2600000x32xf32, #tpu.memory_space<hbm>> -> memref<2600000x32xf32, #tpu.memory_space<hbm>>
    tpu.enqueue_indirect_dma source(%dma_start3A_3189 : memref<2600000x32xf32, #tpu.memory_space<hbm>>) target(%dma_start3A_3183 : memref<128x32xf32, #tpu.memory_space<vmem>>) offsets(%dma_start3A_3186 : memref<128xi32, #tpu.memory_space<vmem>>) semaphore(%arg8 : memref<!tpu.dma_semaphore, #tpu.memory_space<semaphore_mem>>)
    %dma_wait3A_3190 = arith.constant 23 : i32
    %dma_wait3A_3191 = arith.constant 1 : i32
    %dma_wait3A_3192 = arith.constant 0 : i32
    %dma_wait3A_3193 = arith.constant 0 : i32
    %dma_wait3A_3194 = tpu.memref_slice %arg7[%dma_wait3A_3191, %dma_wait3A_3192, %dma_wait3A_3193] : memref<2x128x32xf32, #tpu.memory_space<vmem>> -> memref<1x128x32xf32, #tpu.memory_space<vmem>>
    %dma_wait3A_3195 = tpu.memref_squeeze %dma_wait3A_3194 : memref<1x128x32xf32, #tpu.memory_space<vmem>> -> memref<128x32xf32, #tpu.memory_space<vmem>>
    %dma_wait3A_3196 = arith.constant 0 : i32
    %dma_wait3A_3197 = tpu.memref_slice %arg6[%dma_wait3A_3190, %dma_wait3A_3196] : memref<26x128xi32, #tpu.memory_space<vmem>> -> memref<1x128xi32, #tpu.memory_space<vmem>>
    %dma_wait3A_3198 = tpu.memref_squeeze %dma_wait3A_3197 : memref<1x128xi32, #tpu.memory_space<vmem>> -> memref<128xi32, #tpu.memory_space<vmem>>
    %dma_wait3A_3199 = arith.constant 0 : i32
    %dma_wait3A_3200 = arith.constant 0 : i32
    %dma_wait3A_3201 = tpu.memref_slice %arg3[%dma_wait3A_3199, %dma_wait3A_3200] : memref<2600000x32xf32, #tpu.memory_space<hbm>> -> memref<2600000x32xf32, #tpu.memory_space<hbm>>
    tpu.wait_indirect_dma semaphore(%arg8 : memref<!tpu.dma_semaphore, #tpu.memory_space<semaphore_mem>>) src(%dma_wait3A_3201 : memref<2600000x32xf32, #tpu.memory_space<hbm>>) dst(%dma_wait3A_3195 : memref<128x32xf32, #tpu.memory_space<vmem>>)
    %add3A_3202 = arith.constant 94208 : i32
    %add3A_3203 = arith.addi %add3A_3202, %mul3A_2 : i32
    %run_scoped3A_3204 = arith.constant 1 : i32
    "tpu.region"() ({
      %run_scoped3A_3247 = tpu.sem_alloc : memref<!tpu.dma_semaphore, #tpu.memory_space<semaphore_mem>>
      %dma_start3A_3248 = arith.constant 0 : i32
      %dma_start3A_3249 = arith.constant 0 : i32
      %dma_start3A_3250 = tpu.memref_slice %arg7[%run_scoped3A_3204, %dma_start3A_3248, %dma_start3A_3249] : memref<2x128x32xf32, #tpu.memory_space<vmem>> -> memref<1x128x32xf32, #tpu.memory_space<vmem>>
      %dma_start3A_3251 = tpu.memref_squeeze %dma_start3A_3250 : memref<1x128x32xf32, #tpu.memory_space<vmem>> -> memref<128x32xf32, #tpu.memory_space<vmem>>
      %dma_start3A_3252 = arith.constant 0 : i32
      %dma_start3A_3253 = tpu.memref_slice %arg4[%add3A_3203, %dma_start3A_3252] : memref<106496x32xf32, #tpu.memory_space<hbm>> -> memref<128x32xf32, #tpu.memory_space<hbm>>
      %dma_start3A_3254 = arith.constant 0 : i32
      %dma_start3A_3255 = tpu.memref_slice %arg4[%add3A_3203, %dma_start3A_3254] : memref<106496x32xf32, #tpu.memory_space<hbm>> -> memref<128x32xf32, #tpu.memory_space<hbm>>
      %dma_start3A_3256 = arith.constant 0 : i32
      %dma_start3A_3257 = arith.constant 0 : i32
      %dma_start3A_3258 = tpu.memref_slice %arg7[%run_scoped3A_3204, %dma_start3A_3256, %dma_start3A_3257] : memref<2x128x32xf32, #tpu.memory_space<vmem>> -> memref<1x128x32xf32, #tpu.memory_space<vmem>>
      %dma_start3A_3259 = tpu.memref_squeeze %dma_start3A_3258 : memref<1x128x32xf32, #tpu.memory_space<vmem>> -> memref<128x32xf32, #tpu.memory_space<vmem>>
      tpu.enqueue_dma source(%dma_start3A_3259 : memref<128x32xf32, #tpu.memory_space<vmem>>) target(%dma_start3A_3255 : memref<128x32xf32, #tpu.memory_space<hbm>>) target_semaphore(%run_scoped3A_3247 : memref<!tpu.dma_semaphore, #tpu.memory_space<semaphore_mem>>)
      %dma_wait3A_3260 = arith.constant 0 : i32
      %dma_wait3A_3261 = arith.constant 0 : i32
      %dma_wait3A_3262 = tpu.memref_slice %arg7[%run_scoped3A_3204, %dma_wait3A_3260, %dma_wait3A_3261] : memref<2x128x32xf32, #tpu.memory_space<vmem>> -> memref<1x128x32xf32, #tpu.memory_space<vmem>>
      %dma_wait3A_3263 = tpu.memref_squeeze %dma_wait3A_3262 : memref<1x128x32xf32, #tpu.memory_space<vmem>> -> memref<128x32xf32, #tpu.memory_space<vmem>>
      %dma_wait3A_3264 = arith.constant 0 : i32
      %dma_wait3A_3265 = tpu.memref_slice %arg4[%add3A_3203, %dma_wait3A_3264] : memref<106496x32xf32, #tpu.memory_space<hbm>> -> memref<128x32xf32, #tpu.memory_space<hbm>>
      %dma_wait3A_3266 = arith.constant 0 : i32
      %dma_wait3A_3267 = tpu.memref_slice %arg4[%add3A_3203, %dma_wait3A_3266] : memref<106496x32xf32, #tpu.memory_space<hbm>> -> memref<128x32xf32, #tpu.memory_space<hbm>>
      %dma_wait3A_3268 = arith.constant 0 : i32
      %dma_wait3A_3269 = arith.constant 0 : i32
      %dma_wait3A_3270 = tpu.memref_slice %arg7[%run_scoped3A_3204, %dma_wait3A_3268, %dma_wait3A_3269] : memref<2x128x32xf32, #tpu.memory_space<vmem>> -> memref<1x128x32xf32, #tpu.memory_space<vmem>>
      %dma_wait3A_3271 = tpu.memref_squeeze %dma_wait3A_3270 : memref<1x128x32xf32, #tpu.memory_space<vmem>> -> memref<128x32xf32, #tpu.memory_space<vmem>>
      tpu.wait_dma2 semaphore(%run_scoped3A_3247 : memref<!tpu.dma_semaphore, #tpu.memory_space<semaphore_mem>>) src(%dma_wait3A_3271 : memref<128x32xf32, #tpu.memory_space<vmem>>) dst(%dma_wait3A_3267 : memref<128x32xf32, #tpu.memory_space<hbm>>)
      tpu.yield
    }) : () -> ()
    %dma_start3A_3205 = arith.constant 25 : i32
    %dma_start3A_3206 = arith.constant 1 : i32
    %dma_start3A_3207 = arith.constant 0 : i32
    %dma_start3A_3208 = arith.constant 0 : i32
    %dma_start3A_3209 = tpu.memref_slice %arg7[%dma_start3A_3206, %dma_start3A_3207, %dma_start3A_3208] : memref<2x128x32xf32, #tpu.memory_space<vmem>> -> memref<1x128x32xf32, #tpu.memory_space<vmem>>
    %dma_start3A_3210 = tpu.memref_squeeze %dma_start3A_3209 : memref<1x128x32xf32, #tpu.memory_space<vmem>> -> memref<128x32xf32, #tpu.memory_space<vmem>>
    %dma_start3A_3211 = arith.constant 0 : i32
    %dma_start3A_3212 = tpu.memref_slice %arg6[%dma_start3A_3205, %dma_start3A_3211] : memref<26x128xi32, #tpu.memory_space<vmem>> -> memref<1x128xi32, #tpu.memory_space<vmem>>
    %dma_start3A_3213 = tpu.memref_squeeze %dma_start3A_3212 : memref<1x128xi32, #tpu.memory_space<vmem>> -> memref<128xi32, #tpu.memory_space<vmem>>
    %dma_start3A_3214 = arith.constant 0 : i32
    %dma_start3A_3215 = arith.constant 0 : i32
    %dma_start3A_3216 = tpu.memref_slice %arg3[%dma_start3A_3214, %dma_start3A_3215] : memref<2600000x32xf32, #tpu.memory_space<hbm>> -> memref<2600000x32xf32, #tpu.memory_space<hbm>>
    tpu.enqueue_indirect_dma source(%dma_start3A_3216 : memref<2600000x32xf32, #tpu.memory_space<hbm>>) target(%dma_start3A_3210 : memref<128x32xf32, #tpu.memory_space<vmem>>) offsets(%dma_start3A_3213 : memref<128xi32, #tpu.memory_space<vmem>>) semaphore(%arg8 : memref<!tpu.dma_semaphore, #tpu.memory_space<semaphore_mem>>)
    %dma_wait3A_3217 = arith.constant 24 : i32
    %dma_wait3A_3218 = arith.constant 0 : i32
    %dma_wait3A_3219 = arith.constant 0 : i32
    %dma_wait3A_3220 = arith.constant 0 : i32
    %dma_wait3A_3221 = tpu.memref_slice %arg7[%dma_wait3A_3218, %dma_wait3A_3219, %dma_wait3A_3220] : memref<2x128x32xf32, #tpu.memory_space<vmem>> -> memref<1x128x32xf32, #tpu.memory_space<vmem>>
    %dma_wait3A_3222 = tpu.memref_squeeze %dma_wait3A_3221 : memref<1x128x32xf32, #tpu.memory_space<vmem>> -> memref<128x32xf32, #tpu.memory_space<vmem>>
    %dma_wait3A_3223 = arith.constant 0 : i32
    %dma_wait3A_3224 = tpu.memref_slice %arg6[%dma_wait3A_3217, %dma_wait3A_3223] : memref<26x128xi32, #tpu.memory_space<vmem>> -> memref<1x128xi32, #tpu.memory_space<vmem>>
    %dma_wait3A_3225 = tpu.memref_squeeze %dma_wait3A_3224 : memref<1x128xi32, #tpu.memory_space<vmem>> -> memref<128xi32, #tpu.memory_space<vmem>>
    %dma_wait3A_3226 = arith.constant 0 : i32
    %dma_wait3A_3227 = arith.constant 0 : i32
    %dma_wait3A_3228 = tpu.memref_slice %arg3[%dma_wait3A_3226, %dma_wait3A_3227] : memref<2600000x32xf32, #tpu.memory_space<hbm>> -> memref<2600000x32xf32, #tpu.memory_space<hbm>>
    tpu.wait_indirect_dma semaphore(%arg8 : memref<!tpu.dma_semaphore, #tpu.memory_space<semaphore_mem>>) src(%dma_wait3A_3228 : memref<2600000x32xf32, #tpu.memory_space<hbm>>) dst(%dma_wait3A_3222 : memref<128x32xf32, #tpu.memory_space<vmem>>)
    %add3A_3229 = arith.constant 98304 : i32
    %add3A_3230 = arith.addi %add3A_3229, %mul3A_2 : i32
    %run_scoped3A_3231 = arith.constant 0 : i32
    "tpu.region"() ({
      %run_scoped3A_3247 = tpu.sem_alloc : memref<!tpu.dma_semaphore, #tpu.memory_space<semaphore_mem>>
      %dma_start3A_3248 = arith.constant 0 : i32
      %dma_start3A_3249 = arith.constant 0 : i32
      %dma_start3A_3250 = tpu.memref_slice %arg7[%run_scoped3A_3231, %dma_start3A_3248, %dma_start3A_3249] : memref<2x128x32xf32, #tpu.memory_space<vmem>> -> memref<1x128x32xf32, #tpu.memory_space<vmem>>
      %dma_start3A_3251 = tpu.memref_squeeze %dma_start3A_3250 : memref<1x128x32xf32, #tpu.memory_space<vmem>> -> memref<128x32xf32, #tpu.memory_space<vmem>>
      %dma_start3A_3252 = arith.constant 0 : i32
      %dma_start3A_3253 = tpu.memref_slice %arg4[%add3A_3230, %dma_start3A_3252] : memref<106496x32xf32, #tpu.memory_space<hbm>> -> memref<128x32xf32, #tpu.memory_space<hbm>>
      %dma_start3A_3254 = arith.constant 0 : i32
      %dma_start3A_3255 = tpu.memref_slice %arg4[%add3A_3230, %dma_start3A_3254] : memref<106496x32xf32, #tpu.memory_space<hbm>> -> memref<128x32xf32, #tpu.memory_space<hbm>>
      %dma_start3A_3256 = arith.constant 0 : i32
      %dma_start3A_3257 = arith.constant 0 : i32
      %dma_start3A_3258 = tpu.memref_slice %arg7[%run_scoped3A_3231, %dma_start3A_3256, %dma_start3A_3257] : memref<2x128x32xf32, #tpu.memory_space<vmem>> -> memref<1x128x32xf32, #tpu.memory_space<vmem>>
      %dma_start3A_3259 = tpu.memref_squeeze %dma_start3A_3258 : memref<1x128x32xf32, #tpu.memory_space<vmem>> -> memref<128x32xf32, #tpu.memory_space<vmem>>
      tpu.enqueue_dma source(%dma_start3A_3259 : memref<128x32xf32, #tpu.memory_space<vmem>>) target(%dma_start3A_3255 : memref<128x32xf32, #tpu.memory_space<hbm>>) target_semaphore(%run_scoped3A_3247 : memref<!tpu.dma_semaphore, #tpu.memory_space<semaphore_mem>>)
      %dma_wait3A_3260 = arith.constant 0 : i32
      %dma_wait3A_3261 = arith.constant 0 : i32
      %dma_wait3A_3262 = tpu.memref_slice %arg7[%run_scoped3A_3231, %dma_wait3A_3260, %dma_wait3A_3261] : memref<2x128x32xf32, #tpu.memory_space<vmem>> -> memref<1x128x32xf32, #tpu.memory_space<vmem>>
      %dma_wait3A_3263 = tpu.memref_squeeze %dma_wait3A_3262 : memref<1x128x32xf32, #tpu.memory_space<vmem>> -> memref<128x32xf32, #tpu.memory_space<vmem>>
      %dma_wait3A_3264 = arith.constant 0 : i32
      %dma_wait3A_3265 = tpu.memref_slice %arg4[%add3A_3230, %dma_wait3A_3264] : memref<106496x32xf32, #tpu.memory_space<hbm>> -> memref<128x32xf32, #tpu.memory_space<hbm>>
      %dma_wait3A_3266 = arith.constant 0 : i32
      %dma_wait3A_3267 = tpu.memref_slice %arg4[%add3A_3230, %dma_wait3A_3266] : memref<106496x32xf32, #tpu.memory_space<hbm>> -> memref<128x32xf32, #tpu.memory_space<hbm>>
      %dma_wait3A_3268 = arith.constant 0 : i32
      %dma_wait3A_3269 = arith.constant 0 : i32
      %dma_wait3A_3270 = tpu.memref_slice %arg7[%run_scoped3A_3231, %dma_wait3A_3268, %dma_wait3A_3269] : memref<2x128x32xf32, #tpu.memory_space<vmem>> -> memref<1x128x32xf32, #tpu.memory_space<vmem>>
      %dma_wait3A_3271 = tpu.memref_squeeze %dma_wait3A_3270 : memref<1x128x32xf32, #tpu.memory_space<vmem>> -> memref<128x32xf32, #tpu.memory_space<vmem>>
      tpu.wait_dma2 semaphore(%run_scoped3A_3247 : memref<!tpu.dma_semaphore, #tpu.memory_space<semaphore_mem>>) src(%dma_wait3A_3271 : memref<128x32xf32, #tpu.memory_space<vmem>>) dst(%dma_wait3A_3267 : memref<128x32xf32, #tpu.memory_space<hbm>>)
      tpu.yield
    }) : () -> ()
    %dma_wait3A_3232 = arith.constant 25 : i32
    %dma_wait3A_3233 = arith.constant 1 : i32
    %dma_wait3A_3234 = arith.constant 0 : i32
    %dma_wait3A_3235 = arith.constant 0 : i32
    %dma_wait3A_3236 = tpu.memref_slice %arg7[%dma_wait3A_3233, %dma_wait3A_3234, %dma_wait3A_3235] : memref<2x128x32xf32, #tpu.memory_space<vmem>> -> memref<1x128x32xf32, #tpu.memory_space<vmem>>
    %dma_wait3A_3237 = tpu.memref_squeeze %dma_wait3A_3236 : memref<1x128x32xf32, #tpu.memory_space<vmem>> -> memref<128x32xf32, #tpu.memory_space<vmem>>
    %dma_wait3A_3238 = arith.constant 0 : i32
    %dma_wait3A_3239 = tpu.memref_slice %arg6[%dma_wait3A_3232, %dma_wait3A_3238] : memref<26x128xi32, #tpu.memory_space<vmem>> -> memref<1x128xi32, #tpu.memory_space<vmem>>
    %dma_wait3A_3240 = tpu.memref_squeeze %dma_wait3A_3239 : memref<1x128xi32, #tpu.memory_space<vmem>> -> memref<128xi32, #tpu.memory_space<vmem>>
    %dma_wait3A_3241 = arith.constant 0 : i32
    %dma_wait3A_3242 = arith.constant 0 : i32
    %dma_wait3A_3243 = tpu.memref_slice %arg3[%dma_wait3A_3241, %dma_wait3A_3242] : memref<2600000x32xf32, #tpu.memory_space<hbm>> -> memref<2600000x32xf32, #tpu.memory_space<hbm>>
    tpu.wait_indirect_dma semaphore(%arg8 : memref<!tpu.dma_semaphore, #tpu.memory_space<semaphore_mem>>) src(%dma_wait3A_3243 : memref<2600000x32xf32, #tpu.memory_space<hbm>>) dst(%dma_wait3A_3237 : memref<128x32xf32, #tpu.memory_space<vmem>>)
    %add3A_3244 = arith.constant 102400 : i32
    %add3A_3245 = arith.addi %add3A_3244, %mul3A_2 : i32
    %run_scoped3A_3246 = arith.constant 1 : i32
    "tpu.region"() ({
      %run_scoped3A_3247 = tpu.sem_alloc : memref<!tpu.dma_semaphore, #tpu.memory_space<semaphore_mem>>
      %dma_start3A_3248 = arith.constant 0 : i32
      %dma_start3A_3249 = arith.constant 0 : i32
      %dma_start3A_3250 = tpu.memref_slice %arg7[%run_scoped3A_3246, %dma_start3A_3248, %dma_start3A_3249] : memref<2x128x32xf32, #tpu.memory_space<vmem>> -> memref<1x128x32xf32, #tpu.memory_space<vmem>>
      %dma_start3A_3251 = tpu.memref_squeeze %dma_start3A_3250 : memref<1x128x32xf32, #tpu.memory_space<vmem>> -> memref<128x32xf32, #tpu.memory_space<vmem>>
      %dma_start3A_3252 = arith.constant 0 : i32
      %dma_start3A_3253 = tpu.memref_slice %arg4[%add3A_3245, %dma_start3A_3252] : memref<106496x32xf32, #tpu.memory_space<hbm>> -> memref<128x32xf32, #tpu.memory_space<hbm>>
      %dma_start3A_3254 = arith.constant 0 : i32
      %dma_start3A_3255 = tpu.memref_slice %arg4[%add3A_3245, %dma_start3A_3254] : memref<106496x32xf32, #tpu.memory_space<hbm>> -> memref<128x32xf32, #tpu.memory_space<hbm>>
      %dma_start3A_3256 = arith.constant 0 : i32
      %dma_start3A_3257 = arith.constant 0 : i32
      %dma_start3A_3258 = tpu.memref_slice %arg7[%run_scoped3A_3246, %dma_start3A_3256, %dma_start3A_3257] : memref<2x128x32xf32, #tpu.memory_space<vmem>> -> memref<1x128x32xf32, #tpu.memory_space<vmem>>
      %dma_start3A_3259 = tpu.memref_squeeze %dma_start3A_3258 : memref<1x128x32xf32, #tpu.memory_space<vmem>> -> memref<128x32xf32, #tpu.memory_space<vmem>>
      tpu.enqueue_dma source(%dma_start3A_3259 : memref<128x32xf32, #tpu.memory_space<vmem>>) target(%dma_start3A_3255 : memref<128x32xf32, #tpu.memory_space<hbm>>) target_semaphore(%run_scoped3A_3247 : memref<!tpu.dma_semaphore, #tpu.memory_space<semaphore_mem>>)
      %dma_wait3A_3260 = arith.constant 0 : i32
      %dma_wait3A_3261 = arith.constant 0 : i32
      %dma_wait3A_3262 = tpu.memref_slice %arg7[%run_scoped3A_3246, %dma_wait3A_3260, %dma_wait3A_3261] : memref<2x128x32xf32, #tpu.memory_space<vmem>> -> memref<1x128x32xf32, #tpu.memory_space<vmem>>
      %dma_wait3A_3263 = tpu.memref_squeeze %dma_wait3A_3262 : memref<1x128x32xf32, #tpu.memory_space<vmem>> -> memref<128x32xf32, #tpu.memory_space<vmem>>
      %dma_wait3A_3264 = arith.constant 0 : i32
      %dma_wait3A_3265 = tpu.memref_slice %arg4[%add3A_3245, %dma_wait3A_3264] : memref<106496x32xf32, #tpu.memory_space<hbm>> -> memref<128x32xf32, #tpu.memory_space<hbm>>
      %dma_wait3A_3266 = arith.constant 0 : i32
      %dma_wait3A_3267 = tpu.memref_slice %arg4[%add3A_3245, %dma_wait3A_3266] : memref<106496x32xf32, #tpu.memory_space<hbm>> -> memref<128x32xf32, #tpu.memory_space<hbm>>
      %dma_wait3A_3268 = arith.constant 0 : i32
      %dma_wait3A_3269 = arith.constant 0 : i32
      %dma_wait3A_3270 = tpu.memref_slice %arg7[%run_scoped3A_3246, %dma_wait3A_3268, %dma_wait3A_3269] : memref<2x128x32xf32, #tpu.memory_space<vmem>> -> memref<1x128x32xf32, #tpu.memory_space<vmem>>
      %dma_wait3A_3271 = tpu.memref_squeeze %dma_wait3A_3270 : memref<1x128x32xf32, #tpu.memory_space<vmem>> -> memref<128x32xf32, #tpu.memory_space<vmem>>
      tpu.wait_dma2 semaphore(%run_scoped3A_3247 : memref<!tpu.dma_semaphore, #tpu.memory_space<semaphore_mem>>) src(%dma_wait3A_3271 : memref<128x32xf32, #tpu.memory_space<vmem>>) dst(%dma_wait3A_3267 : memref<128x32xf32, #tpu.memory_space<hbm>>)
      tpu.yield
    }) : () -> ()
    return
  }
}

</mosaic_0001>

<sc_bundles>
// kernel: _run.3.cloned.1.call-start
scs
__scs_entry_jumppad:
0x0: {  	(pc) =	sbr.rel $0x88, $3  }
0x1: {  	(tag) =	ssettag $0x0;
	lr =	simm.s32 $0x1  }
0x2: {  	[smem:$0x3F9F] =	sst lr;
	_ =	strace $0xD0000000  }
0x3: {  	_ = 	snop  }
0x4: {  	_ = 	snop  }
0x5: {  	_ = 	snop  }
0x6: {  	_ = 	snop  }
0x7: {  	_ = 	snop  }
__scs_overlays_trampoline_lowered:
0x8: {  	[smem:$0x3FAE] =	sst s0  }
0x9: {  	[smem:$0x3FAF] =	sst s1  }
0xa: {  	[smem:$0x3FB0] =	sst s2  }
0xb: {  	[smem:$0x3FB1] =	sst s3  }
0xc: {  	[smem:$0x3FB2] =	sst s4  }
0xd: {  	[smem:$0x3FB3] =	sst s5  }
0xe: {  	[smem:$0x3FB4] =	sst s6  }
0xf: {  	[smem:$0x3FB5] =	sst s7  }
0x10: {  	[smem:$0x3FB6] =	sst s8  }
0x11: {  	[smem:$0x3FB7] =	sst s9;
	s0 =	simm.s32 @!p0 $0x0  }
0x12: {  	s1 =	sld [smem:$0x3F9D];
	s0 =	simm.s32 @p0 $0x1  }
0x13: {  	[smem:$0x3FB8] =	sst s0;
	s0 =	simm.s32 @!p1 $0x0  }
0x14: {  	s2 =	sld [smem:$0x3F9C];
	s0 =	simm.s32 @p1 $0x1  }
0x15: {  	[smem:$0x3FB9] =	sst s0;
	s0 =	simm.s32 @!p2 $0x0  }
0x16: {  	s3 =	sld [smem:$0x3FDB];
	s0 =	simm.s32 @p2 $0x1  }
0x17: {  	s4 =	simm.s32 $0x1BF5;
	[smem:$0x3FBB] =	sst s0  }
0x18: {  	s0 =	sld [smem:$0x3F9E];
	_ =	swait.ge [sflag:s4], $0x0  }
0x19: {  	s7 =	sld [smem:$0x3F9F]  }
0x1a: {  	s8 =	sadd.s32 $0xFFFFE003, lr  }
0x1b: {  	s9 =	sadd.s32 $0xFFFFFEF7, lr;
	s5 =	simm.s32 $0xFFFFFFFF;
	p2 =	slt.u32 s8, $0xFFFFF086  }
0x1c: {  	p1 =	slt.u32 s9, $0xF7A;
	s5 =	simm.s32 @!p2 $0x0  }
0x1d: {  	s5 =	simm.s32 @p1 $0x1;
	p0 =	seq.s32 s7, s2  }
0x1e: {  	s7 =	smul.u32 @!p0 $0xF7A, s2;
	p2 =	seq.s32 @!p0 s5, $0x0  }
0x1f: {  	s9 =	smul.u32 $0xF7A, s1;
	s8 =	simm.s32 @!p0 $0x1BF5;
	p2 =	por !p2, p0  }
0x20: {  	[sflag:s8] =	ssyncset.s32 @!p0 $0xFFFFF086;
	s6 =	sadd.s32 @!p0 s3, s7;
	s7 =	simm.s32 @!p0 $0x108  }
0x21: {  	s3 =	sadd.s32 s3, s9;
	s6 =	sadd.s32 @!p0 $0x88, s6;
	s7 =	simm.s32 @p2 $0x1082  }
0x22: {  	[simem:s7], [sflag:s8] =	dma.local @!p0 [hbm:s6], $0xF7A  }
0x23: {  	s9 =	sor.u32 $0xD0000000, s2;
	s6 =	simm.s32 $0x108;
	_ =	swait.ge @!p0 [sflag:s8], $0x0  }
0x24: {  	s3 =	sadd.s32 $0x88, s3;
	s6 =	simm.s32 @!p1 $0x1082;
	[sflag:s4] =	ssyncset.s32 $0xFFFFF086  }
0x25: {  	[simem:s6], [sflag:s4] =	dma.local [hbm:s3], $0xF7A  }
0x26: {  	[smem:$0x3F9F] =	sst s1;
	(tag) =	ssettag s2;
	_ =	strace s9  }
0x27: {  	s1 =	sld [smem:$0x3FAF]  }
0x28: {  	s2 =	sld [smem:$0x3FB0]  }
0x29: {  	s4 =	sld [smem:$0x3FB2]  }
0x2a: {  	p0 =	seq.s32 s5, $0x0;
	s5 =	sld [smem:$0x3FB3]  }
0x2b: {  	s6 =	sld [smem:$0x3FB4]  }
0x2c: {  	s7 =	sld [smem:$0x3FB5]  }
0x2d: {  	s3 =	simm.s32 $0x108;
	s8 =	sld [smem:$0x3FB6]  }
0x2e: {  	s3 =	simm.s32 @!p0 $0x1082;
	s9 =	sld [smem:$0x3FB7]  }
0x2f: {  	lr =	sadd.s32 s0, s3;
	s0 =	sld [smem:$0x3FAE]  }
0x30: {  	s3 =	sld [smem:$0x3FB1]  }
0x31: {  	[smem:$0x3FBA] =	sst s10  }
0x32: {  	s10 =	sld [smem:$0x3FB8];
	_ =	sdelay $0x3  }
0x33: {  	p0 =	seq.s32 s10, $0x1;
	s10 =	sld [smem:$0x3FBA];
	_ =	sdelay $0x3  }
0x34: {  	[smem:$0x3FBA] =	sst s10  }
0x35: {  	s10 =	sld [smem:$0x3FB9];
	_ =	sdelay $0x3  }
0x36: {  	p1 =	seq.s32 s10, $0x1;
	s10 =	sld [smem:$0x3FBA];
	_ =	sdelay $0x3  }
0x37: {  	[smem:$0x3FBA] =	sst s10  }
0x38: {  	s10 =	sld [smem:$0x3FBB]  }
0x39: {  	_ = 	snop;
	(pc) =	sbr.ind lr, $3  }
0x3a: {  	_ = 	snop  }
0x3b: {  	_ = 	snop  }
0x3c: {  	p2 =	seq.s32 s10, $0x1;
	s10 =	sld [smem:$0x3FBA]  }
0x3d: {  	_ =	shalt  }
0x3e: {  	_ =	shalt  }
0x3f: {  	_ =	shalt  }
0x40: {  	_ =	shalt  }
0x41: {  	_ =	shalt  }
0x42: {  	_ =	shalt  }
0x43: {  	_ =	shalt  }
0x44: {  	_ =	shalt  }
0x45: {  	_ =	shalt  }
0x46: {  	_ =	shalt  }
0x47: {  	_ =	shalt  }
0x48: {  	_ =	shalt  }
0x49: {  	_ =	shalt  }
0x4a: {  	_ =	shalt  }
0x4b: {  	_ =	shalt  }
0x4c: {  	_ =	shalt  }
0x4d: {  	_ =	shalt  }
0x4e: {  	_ =	shalt  }
0x4f: {  	_ =	shalt  }
0x50: {  	_ =	shalt  }
0x51: {  	_ =	shalt  }
0x52: {  	_ =	shalt  }
0x53: {  	_ =	shalt  }
0x54: {  	_ =	shalt  }
0x55: {  	_ =	shalt  }
0x56: {  	_ =	shalt  }
0x57: {  	_ =	shalt  }
0x58: {  	_ =	shalt  }
0x59: {  	_ =	shalt  }
0x5a: {  	_ =	shalt  }
0x5b: {  	_ =	shalt  }
0x5c: {  	_ =	shalt  }
0x5d: {  	_ =	shalt  }
0x5e: {  	_ =	shalt  }
0x5f: {  	_ =	shalt  }
0x60: {  	_ =	shalt  }
0x61: {  	_ =	shalt  }
0x62: {  	_ =	shalt  }
0x63: {  	_ =	shalt  }
0x64: {  	_ =	shalt  }
0x65: {  	_ =	shalt  }
0x66: {  	_ =	shalt  }
0x67: {  	_ =	shalt  }
0x68: {  	_ =	shalt  }
0x69: {  	_ =	shalt  }
0x6a: {  	_ =	shalt  }
0x6b: {  	_ =	shalt  }
0x6c: {  	_ =	shalt  }
0x6d: {  	_ =	shalt  }
0x6e: {  	_ =	shalt  }
0x6f: {  	_ =	shalt  }
0x70: {  	_ =	shalt  }
0x71: {  	_ =	shalt  }
0x72: {  	_ =	shalt  }
0x73: {  	_ =	shalt  }
0x74: {  	_ =	shalt  }
0x75: {  	_ =	shalt  }
0x76: {  	_ =	shalt  }
0x77: {  	_ =	shalt  }
0x78: {  	_ =	shalt  }
0x79: {  	_ =	shalt  }
0x7a: {  	_ =	shalt  }
0x7b: {  	_ =	shalt  }
0x7c: {  	_ =	shalt  }
0x7d: {  	_ =	shalt  }
0x7e: {  	_ =	shalt  }
0x7f: {  	_ =	shalt  }
0x80: {  	_ =	shalt  }
0x81: {  	_ =	shalt  }
0x82: {  	_ =	shalt  }
0x83: {  	_ =	shalt  }
0x84: {  	_ =	shalt  }
0x85: {  	_ =	shalt  }
0x86: {  	_ =	shalt  }
0x87: {  	_ =	shalt  }
.Lfunc_end0:
.L_simem_size_0:
called_computation_lowered:
.L_overlay_start_0:
0x88: {  	s2 =	sld [smem:$0x3FD9]  }
0x89: {  	s3 =	sld [smem:$0x3FFE];
	_ =	sdelay $0x1  }
0x8a: {  	s1 =	srdreg.scid  }
0x8b: {  	s0 =	sand.u32 $0x1, s1  }
0x8c: {  	s17 =	sshll.u32 s0, $0xA;
	s2 =	sadd.s32 s3, s2  }
0x8d: {  	s2 =	sadd.s32 s2, s17  }
0x8e: {  	[smem:$0x3FC6] =	sst s2  }
0x8f: {  	_ = 	snop  }
0x90: {  	s2 =	sld [smem:$0x3FD0];
	(tm) =	ssettm $0x1  }
0x91: {  	s18 =	sld [smem:$0x3FFB];
	_ =	sdelay $0x3  }
0x92: {  	_ =	strace s18  }
0x93: {  	s3 =	sld [smem:$0x3FFC];
	_ =	sdelay $0x3  }
0x94: {  	_ =	strace s3  }
0x95: {  	s3 =	sld [smem:$0x3FFD];
	_ =	sdelay $0x3  }
0x96: {  	_ =	strace s3  }
0x97: {  	_ =	strace $0x8FFFFFFF  }
0x98: {  	s19 =	sld [smem:$0x3FDB];
	_ =	sdelay $0x1  }
0x99: {  	s4 =	simm.s32 $_scs_section_size  }
0x9a: {  	s5 =	simm.s32 $_size__tile_overlayer_lowered;
	s6 =	simm.s32 $_tile_overlayer_lowered  }
0x9b: {  	s22 =	simm.s32 $0x1BFF;
	s21 =	sshll.u32 s6, $0x1;
	s3 =	sadd.s32 s4, s19  }
0x9c: {  	s7 =	simm.s32 $0x0;
	s20 =	sshll.u32 s5, $0x1;
	s5 =	sadd.s32 s21, s3  }
0x9d: {  	[timem:s7], [sflag:s22] =	dma.local [hbm:s5], s20  }
0x9e: {  	_ =	swait.ge [sflag:s22], s20  }
0x9f: {  	s4 =	ssub.s32 $0x0, s20;
	[sflag:s22] =	ssyncset.done $0x0  }
0xa0: {  	[sflag:s22] =	ssyncadd.s32 s4;
	_ =	sdelay $0x1  }
0xa1: {  	s23 =	simm.s32 $0x1B8B  }
0xa2: {  	_ =	swait.ge [sflag:s23], $0x1  }
0xa3: {  	[sflag:s23] =	ssyncset.done $0x0  }
0xa4: {  	s25 =	simm.s32 $0x1B8E;
	s24 =	sld [smem:$0x3FFE];
	[sflag:s23] =	ssyncadd.s32 $0xFFFFFFFF  }
0xa5: {  	s26 =	simm.s32 $execute0_lowered;
	[smem:$0x3FD2] =	sst s25  }
0xa6: {  	s5 =	sshll.u32 s26, $0x1;
	_ =	strace $0x80000046;
	[dreg:$0x1] =	wrdreg $0xFFFFFFFF  }
0xa7: {  	s28 =	simm.s32 $_size_execute0_lowered;
	s3 =	sadd.s32 s3, s5;
	[dreg:$0x0] =	wrdreg $0x0  }
0xa8: {  	s5 =	sshll.u32 s28, $0x1;
	[dreg:$0x2] =	wrdreg s3  }
0xa9: {  	[dreg:$0x3] =	wrdreg s5  }
0xaa: {  	[dreg:$0x4] =	wrdreg $0xC0  }
0xab: {  	_ =	task [dreg:s7], $0x5FFFF  }
0xac: {  	[dreg:$0x1] =	wrdreg $0xFFFFFFFF  }
0xad: {  	[dreg:$0x0] =	wrdreg $0x60  }
0xae: {  	[dreg:$0x2] =	wrdreg s24  }
0xaf: {  	[dreg:$0x3] =	wrdreg s2  }
0xb0: {  	[dreg:$0x4] =	wrdreg $0x9  }
0xb1: {  	_ =	task.clear_ibuf [dreg:s7], $0x5FFFF;
	_ =	strace $0x90000046  }
0xb2: {  	s29 =	simm.s32 $0x9;
	_ =	strace $0x80000048  }
0xb3: {  	_ =	swait.ge [sflag:s29], $0x1  }
0xb4: {  	[sflag:s29] =	ssyncadd.s32 $0xFFFFFFFF  }
0xb5: {  	_ =	strace $0x90000048  }
0xb6: {  	_ =	sfence  }
0xb7: {  	s30 =	sld [smem:$0x0];
	_ =	sdelay $0x2  }
0xb8: {  	s31 =	sshll.u32 s1, $0xD;
	s1 =	sshrl.u32 s1, $0x2  }
0xb9: {  	s3 =	sand.u32 $0x4000, s31;
	s1 =	sadd.s32 s1, s30  }
0xba: {  	s0 =	sor.u32 s3, s0;
	s1 =	sshll.u32 s1, $0x11  }
0xbb: {  	s0 =	sor.u32 s1, s0  }
0xbc: {  	s0 =	sadd.s32 $0x8F2B, s0  }
0xbd: {  	[sflag:s0] =	ssyncadd.remote.s32 $0x1  }
0xbe: {  	_ =	sfence.sel $0xFFFF  }
0xbf: {  	[dreg:$0x0] =	wrdreg $0xFFFFFFFF;
	(pc) =	sbr.abs _section_cstart, $3  }
0xc0: {  	[dreg:$0x1] =	wrdreg $0xFFFFFFFF  }
0xc1: {  	_ =	task.clear_ibuf [dreg:s7], $0x2FFFF;
	_ =	strace $0x9FFFFFFF  }
0xc2: {  	(tm) =	ssettm $0x7FFFFFFF  }
0xc3: {  	_ =	shalt  }
tec
execute0_lowered:
.L_overlay_start_1:
0x0: {  	(tag) =	ssettag $0x1  }
0x1: {  	s1 =	srdreg.scid  }
0x2: {  	s0 =	stileid.u32;
	s4 =	sand.u32 $0x1, s1  }
0x3: {  	s2 =	sshll.u32 s0, $0x8;
	s3 =	sshll.u32 s4, $0x7  }
0x4: {  	s5 =	rddreg [dreg:$0x1];
	s3 =	sor.u32 s3, s2  }
0x5: {  	s1 =	rddreg [dreg:$0x0];
	s6 =	sshrl.u32 s3, $0x3  }
0x6: {  	s2 =	simm.s32 $0x0;
	s3 =	sshll.u32 s3, $0x2;
	s6 =	sadd.s32 s6, s1  }
0x7: {  	[smem:$0x7FF] =	sst s2;
	s3 =	sadd.s32 s5, s3;
	s6 =	sadd.s32 $0x600, s6  }
0x8: {  	_ =	strace $0x80000047;
	s5 =	sadd.s32 $0x4000, s3;
	[dreg:$0x3] =	wrdreg s6  }
0x9: {  	s19 =	sadd.s32 $0x8000, s3;
	[dreg:$0x4] =	wrdreg s5  }
0xa: {  	s20 =	sadd.s32 $0xC000, s3;
	[dreg:$0x5] =	wrdreg s19  }
0xb: {  	s21 =	sadd.s32 $0x10000, s3;
	[dreg:$0x6] =	wrdreg s20  }
0xc: {  	s22 =	sadd.s32 $0x14000, s3;
	[dreg:$0x7] =	wrdreg s21  }
0xd: {  	s23 =	sadd.s32 $0x18000, s3;
	[dreg:$0x8] =	wrdreg s22  }
0xe: {  	s24 =	sadd.s32 $0x1C000, s3;
	[dreg:$0x9] =	wrdreg s23  }
0xf: {  	s25 =	sadd.s32 $0x20000, s3;
	[dreg:$0xa] =	wrdreg s24  }
0x10: {  	s26 =	sadd.s32 $0x24000, s3;
	[dreg:$0xb] =	wrdreg s25  }
0x11: {  	s0 =	sadd.s32 $0x28000, s3;
	[dreg:$0xc] =	wrdreg s26  }
0x12: {  	s7 =	sadd.s32 $0x30000, s3;
	[dreg:$0xd] =	wrdreg s0  }
0x13: {  	s8 =	sadd.s32 $0x34000, s3;
	[dreg:$0xf] =	wrdreg s7  }
0x14: {  	s9 =	sadd.s32 $0x38000, s3;
	[dreg:$0x10] =	wrdreg s8  }
0x15: {  	s10 =	sadd.s32 $0x3C000, s3;
	[dreg:$0x11] =	wrdreg s9  }
0x16: {  	s11 =	sadd.s32 $0x40000, s3;
	[dreg:$0x12] =	wrdreg s10  }
0x17: {  	s12 =	sadd.s32 $0x44000, s3;
	[dreg:$0x13] =	wrdreg s11  }
0x18: {  	s13 =	sadd.s32 $0x48000, s3;
	[dreg:$0x14] =	wrdreg s12  }
0x19: {  	s28 =	simm.s32 $0x1780;
	s14 =	sadd.s32 $0x4C000, s3;
	[dreg:$0x15] =	wrdreg s13  }
0x1a: {  	s29 =	simm.s32 $0x1800;
	s15 =	sadd.s32 $0x50000, s3;
	[dreg:$0x16] =	wrdreg s14  }
0x1b: {  	s30 =	simm.s32 $0x1880;
	s16 =	sadd.s32 $0x54000, s3;
	[dreg:$0x17] =	wrdreg s15  }
0x1c: {  	s31 =	simm.s32 $0x1900;
	s17 =	sadd.s32 $0x58000, s3;
	[dreg:$0x18] =	wrdreg s16  }
0x1d: {  	s4 =	ssub.s32 $0x2, s4;
	s18 =	sadd.s32 $0x5C000, s3;
	[dreg:$0x19] =	wrdreg s17  }
0x1e: {  	s6 =	sadd.s32 $0x2C000, s3;
	s19 =	sshrl.u32 s4, $0x1;
	[dreg:$0x1a] =	wrdreg s18  }
0x1f: {  	s20 =	sadd.s32 $0x60000, s3;
	s21 =	sadd.s32 $0x64000, s3;
	s7 =	simm.s32 $0x1000  }
0x20: {  	s22 =	simm.s32 $0xD00;
	s8 =	simm.s32 $0x2;
	s23 =	simm.s32 $0xD80  }
0x21: {  	s9 =	simm.s32 $0x1A00;
	s24 =	simm.s32 $0xE00;
	[dreg:$0xe] =	wrdreg s6  }
0x22: {  	s10 =	simm.s32 $0x2A00;
	s25 =	simm.s32 $0xE80;
	[dreg:$0x1b] =	wrdreg s20  }
0x23: {  	s11 =	simm.s32 $0x1;
	s26 =	simm.s32 $0xF00;
	[dreg:$0x1c] =	wrdreg s21  }
0x24: {  	s13 =	simm.s32 $0x1080;
	s14 =	simm.s32 $0x1100;
	[dreg:$0x1d] =	wrdreg s22  }
0x25: {  	s15 =	simm.s32 $0x1180;
	s16 =	simm.s32 $0x1200;
	[dreg:$0x1e] =	wrdreg s23  }
0x26: {  	s17 =	simm.s32 $0x1280;
	s18 =	simm.s32 $0x1300;
	[dreg:$0x1f] =	wrdreg s24  }
0x27: {  	s6 =	ssub.s32 s4, s19;
	s4 =	sadd.s32 $0x27ACA00, s1;
	[smem:$0x7FC] =	sst s25  }
0x28: {  	[smem:$0x7FD] =	sst s26;
	s19 =	simm.s32 $0x1380;
	s20 =	simm.s32 $0x1400  }
0x29: {  	s21 =	simm.s32 $0x1480;
	s22 =	simm.s32 $0x1500;
	s23 =	simm.s32 $0x1580  }
0x2a: {  	s24 =	simm.s32 $0x1600;
	s25 =	simm.s32 $0x1680;
	s26 =	simm.s32 $0x1700  }
0x2b: {  	s1 =	simm.s32 $0x1980;
	s5 =	smax.u32 s6, $0x1;
	s6 =	simm.s32 $0x80  }
.LBB2_1:
0x2c: {  	s0 =	rddreg [dreg:$0x3]  }
0x2d: {  	[tilespmem:s2], [sflag:$0x2] =	stream.strided.gather [hbm4b:s0+s6], $0xD00, s7, s6, $0x38;
	[tilespmem:$0x3A00] =	vst v63  }
0x2e: {  	_ =	swait.ge [sflag:s8], $0xD00  }
0x2f: {  	[sflag:s8] =	ssyncset.done $0x0  }
0x30: {  	[sflag:s8] =	ssyncadd.s32 $0xFFFFF300  }
0x31: {  	v0 =	vld [tilespmem:$0x0]  }
0x32: {  	v1 =	vld [tilespmem:$0x10]  }
0x33: {  	v2 =	vld [tilespmem:$0x20]  }
0x34: {  	v3 =	vld [tilespmem:$0x30]  }
0x35: {  	v4 =	vld [tilespmem:$0x40]  }
0x36: {  	v5 =	vld [tilespmem:$0x50]  }
0x37: {  	v58 =	vld [tilespmem:$0x60];
	[tilespmem:$0xD00] =	vst v0  }
0x38: {  	v59 =	vld [tilespmem:$0x70];
	[tilespmem:$0xD10] =	vst v1  }
0x39: {  	v60 =	vld [tilespmem:$0x80];
	[tilespmem:$0xD20] =	vst v2  }
0x3a: {  	v61 =	vld [tilespmem:$0x90];
	[tilespmem:$0xD30] =	vst v3  }
0x3b: {  	v62 =	vld [tilespmem:$0xA0];
	[tilespmem:$0xD40] =	vst v4  }
0x3c: {  	v63 =	vld [tilespmem:$0xB0];
	[tilespmem:$0xD50] =	vst v5  }
0x3d: {  	v8 =	vld [tilespmem:$0xC0];
	[tilespmem:$0xD60] =	vst v58  }
0x3e: {  	v10 =	vld [tilespmem:$0xD0];
	[tilespmem:$0xD70] =	vst v59;
	v9 =	vadd.s32 $0x186A0, v60  }
0x3f: {  	v12 =	vld [tilespmem:$0xE0];
	v11 =	vadd.s32 $0x186A0, v61;
	[tilespmem:$0xD80] =	vst v9  }
0x40: {  	v14 =	vld [tilespmem:$0xF0];
	v13 =	vadd.s32 $0x186A0, v62;
	[tilespmem:$0xD90] =	vst v11  }
0x41: {  	v16 =	vld [tilespmem:$0x100];
	v15 =	vadd.s32 $0x186A0, v63;
	[tilespmem:$0xDA0] =	vst v13  }
0x42: {  	v17 =	vld [tilespmem:$0x110];
	v0 =	vadd.s32 $0x186A0, v8;
	[tilespmem:$0xDB0] =	vst v15  }
0x43: {  	v19 =	vld [tilespmem:$0x120];
	v18 =	vadd.s32 $0x186A0, v10;
	[tilespmem:$0xDC0] =	vst v0  }
0x44: {  	v21 =	vld [tilespmem:$0x130];
	v20 =	vadd.s32 $0x186A0, v12;
	[tilespmem:$0xDD0] =	vst v18  }
0x45: {  	v23 =	vld [tilespmem:$0x140];
	v22 =	vadd.s32 $0x186A0, v14;
	[tilespmem:$0xDE0] =	vst v20  }
0x46: {  	v25 =	vld [tilespmem:$0x150];
	v24 =	vadd.s32 $0x30D40, v16;
	[tilespmem:$0xDF0] =	vst v22  }
0x47: {  	v27 =	vld [tilespmem:$0x160];
	v26 =	vadd.s32 $0x30D40, v17;
	[tilespmem:$0xE00] =	vst v24  }
0x48: {  	v29 =	vld [tilespmem:$0x170];
	v28 =	vadd.s32 $0x30D40, v19;
	[tilespmem:$0xE10] =	vst v26  }
0x49: {  	v31 =	vld [tilespmem:$0x180];
	v30 =	vadd.s32 $0x30D40, v21;
	[tilespmem:$0xE20] =	vst v28  }
0x4a: {  	v33 =	vld [tilespmem:$0x190];
	v32 =	vadd.s32 $0x30D40, v23;
	[tilespmem:$0xE30] =	vst v30  }
0x4b: {  	v35 =	vld [tilespmem:$0x1A0];
	v34 =	vadd.s32 $0x30D40, v25;
	[tilespmem:$0xE40] =	vst v32  }
0x4c: {  	v37 =	vld [tilespmem:$0x1B0];
	v36 =	vadd.s32 $0x30D40, v27;
	[tilespmem:$0xE50] =	vst v34  }
0x4d: {  	v39 =	vld [tilespmem:$0x1C0];
	v38 =	vadd.s32 $0x30D40, v29;
	[tilespmem:$0xE60] =	vst v36  }
0x4e: {  	v41 =	vld [tilespmem:$0x1D0];
	v40 =	vadd.s32 $0x493E0, v31;
	[tilespmem:$0xE70] =	vst v38  }
0x4f: {  	v43 =	vld [tilespmem:$0x1E0];
	v42 =	vadd.s32 $0x493E0, v33;
	[tilespmem:$0xE80] =	vst v40  }
0x50: {  	v45 =	vld [tilespmem:$0x1F0];
	v44 =	vadd.s32 $0x493E0, v35;
	[tilespmem:$0xE90] =	vst v42  }
0x51: {  	v47 =	vld [tilespmem:$0x200];
	v46 =	vadd.s32 $0x493E0, v37;
	[tilespmem:$0xEA0] =	vst v44  }
0x52: {  	v49 =	vld [tilespmem:$0x210];
	v48 =	vadd.s32 $0x493E0, v39;
	[tilespmem:$0xEB0] =	vst v46  }
0x53: {  	v51 =	vld [tilespmem:$0x220];
	v50 =	vadd.s32 $0x493E0, v41;
	[tilespmem:$0xEC0] =	vst v48  }
0x54: {  	v53 =	vld [tilespmem:$0x230];
	v52 =	vadd.s32 $0x493E0, v43;
	[tilespmem:$0xED0] =	vst v50  }
0x55: {  	v55 =	vld [tilespmem:$0x240];
	v54 =	vadd.s32 $0x493E0, v45;
	[tilespmem:$0xEE0] =	vst v52  }
0x56: {  	v57 =	vld [tilespmem:$0x250];
	v56 =	vadd.s32 $0x61A80, v47;
	[tilespmem:$0xEF0] =	vst v54  }
0x57: {  	v58 =	vadd.s32 $0x61A80, v49;
	v59 =	vld [tilespmem:$0x260];
	[tilespmem:$0xF00] =	vst v56  }
0x58: {  	v60 =	vadd.s32 $0x61A80, v51;
	v61 =	vld [tilespmem:$0x270];
	[tilespmem:$0xF10] =	vst v58  }
0x59: {  	v62 =	vadd.s32 $0x61A80, v53;
	v63 =	vld [tilespmem:$0x280];
	[tilespmem:$0xF20] =	vst v60  }
0x5a: {  	v8 =	vadd.s32 $0x61A80, v55;
	v17 =	vld [tilespmem:$0x2D0];
	[tilespmem:$0xF30] =	vst v62  }
0x5b: {  	v10 =	vadd.s32 $0x61A80, v57;
	v19 =	vld [tilespmem:$0x2E0];
	[tilespmem:$0xF40] =	vst v8  }
0x5c: {  	v21 =	vld [tilespmem:$0x2F0];
	[tilespmem:$0xF50] =	vst v10;
	v12 =	vadd.s32 $0x61A80, v59  }
0x5d: {  	v23 =	vld [tilespmem:$0x300];
	v14 =	vadd.s32 $0x61A80, v61;
	[tilespmem:$0xF60] =	vst v12  }
0x5e: {  	v25 =	vld [tilespmem:$0x310];
	v16 =	vadd.s32 $0x7A120, v63;
	[tilespmem:$0xF70] =	vst v14  }
0x5f: {  	v27 =	vld [tilespmem:$0x320];
	v26 =	vadd.s32 $0x7A120, v17;
	[tilespmem:$0xF80] =	vst v16  }
0x60: {  	v9 =	vld [tilespmem:$0x290];
	v28 =	vadd.s32 $0x7A120, v19;
	[tilespmem:$0xFD0] =	vst v26  }
0x61: {  	v11 =	vld [tilespmem:$0x2A0];
	v29 =	vadd.s32 $0x7A120, v21;
	[tilespmem:$0xFE0] =	vst v28  }
0x62: {  	v13 =	vld [tilespmem:$0x2B0];
	v30 =	vadd.s32 $0x927C0, v23;
	[tilespmem:$0xFF0] =	vst v29  }
0x63: {  	v15 =	vld [tilespmem:$0x2C0];
	v31 =	vadd.s32 $0x927C0, v25;
	[tilespmem:$0x1000] =	vst v30  }
0x64: {  	v32 =	vadd.s32 $0x927C0, v27;
	[tilespmem:$0x1010] =	vst v31  }
0x65: {  	v18 =	vadd.s32 $0x7A120, v9;
	[tilespmem:$0x1020] =	vst v32  }
0x66: {  	v20 =	vadd.s32 $0x7A120, v11;
	[tilespmem:$0xF90] =	vst v18  }
0x67: {  	v22 =	vadd.s32 $0x7A120, v13;
	[tilespmem:$0xFA0] =	vst v20  }
0x68: {  	v24 =	vadd.s32 $0x7A120, v15;
	[tilespmem:$0xFB0] =	vst v22  }
0x69: {  	[tilespmem:$0xFC0] =	vst v24  }
0x6a: {  	v0 =	vld [tilespmem:$0x330]  }
0x6b: {  	v33 =	vld [tilespmem:$0x340]  }
0x6c: {  	v34 =	vld [tilespmem:$0x350]  }
0x6d: {  	v35 =	vld [tilespmem:$0x360]  }
0x6e: {  	v36 =	vld [tilespmem:$0x370]  }
0x6f: {  	v37 =	vld [tilespmem:$0x380];
	v0 =	vadd.s32 $0x927C0, v0  }
0x70: {  	v39 =	vld [tilespmem:$0x390];
	v38 =	vadd.s32 $0x927C0, v33;
	[tilespmem:$0x1030] =	vst v0  }
0x71: {  	v41 =	vld [tilespmem:$0x3A0];
	v40 =	vadd.s32 $0x927C0, v34;
	[tilespmem:$0x1040] =	vst v38  }
0x72: {  	v43 =	vld [tilespmem:$0x3B0];
	v42 =	vadd.s32 $0x927C0, v35;
	[tilespmem:$0x1050] =	vst v40  }
0x73: {  	v45 =	vld [tilespmem:$0x3C0];
	v44 =	vadd.s32 $0x927C0, v36;
	[tilespmem:$0x1060] =	vst v42  }
0x74: {  	v47 =	vld [tilespmem:$0x3D0];
	v46 =	vadd.s32 $0xAAE60, v37;
	[tilespmem:$0x1070] =	vst v44  }
0x75: {  	v49 =	vld [tilespmem:$0x3E0];
	v48 =	vadd.s32 $0xAAE60, v39;
	[tilespmem:$0x1080] =	vst v46  }
0x76: {  	v51 =	vld [tilespmem:$0x3F0];
	v50 =	vadd.s32 $0xAAE60, v41;
	[tilespmem:$0x1090] =	vst v48  }
0x77: {  	v53 =	vld [tilespmem:$0x400];
	v52 =	vadd.s32 $0xAAE60, v43;
	[tilespmem:$0x10A0] =	vst v50  }
0x78: {  	v55 =	vld [tilespmem:$0x410];
	v54 =	vadd.s32 $0xAAE60, v45;
	[tilespmem:$0x10B0] =	vst v52  }
0x79: {  	v57 =	vld [tilespmem:$0x420];
	v56 =	vadd.s32 $0xAAE60, v47;
	[tilespmem:$0x10C0] =	vst v54  }
0x7a: {  	v59 =	vld [tilespmem:$0x430];
	v58 =	vadd.s32 $0xAAE60, v49;
	[tilespmem:$0x10D0] =	vst v56  }
0x7b: {  	v61 =	vld [tilespmem:$0x440];
	v60 =	vadd.s32 $0xAAE60, v51;
	[tilespmem:$0x10E0] =	vst v58  }
0x7c: {  	v63 =	vld [tilespmem:$0x450];
	v62 =	vadd.s32 $0xC3500, v53;
	[tilespmem:$0x10F0] =	vst v60  }
0x7d: {  	v9 =	vld [tilespmem:$0x460];
	v8 =	vadd.s32 $0xC3500, v55;
	[tilespmem:$0x1100] =	vst v62  }
0x7e: {  	v11 =	vld [tilespmem:$0x470];
	v10 =	vadd.s32 $0xC3500, v57;
	[tilespmem:$0x1110] =	vst v8  }
0x7f: {  	v13 =	vld [tilespmem:$0x480];
	v12 =	vadd.s32 $0xC3500, v59;
	[tilespmem:$0x1120] =	vst v10  }
0x80: {  	v15 =	vld [tilespmem:$0x490];
	v14 =	vadd.s32 $0xC3500, v61;
	[tilespmem:$0x1130] =	vst v12  }
0x81: {  	v17 =	vld [tilespmem:$0x4A0];
	v16 =	vadd.s32 $0xC3500, v63;
	[tilespmem:$0x1140] =	vst v14  }
0x82: {  	v19 =	vld [tilespmem:$0x4B0];
	v18 =	vadd.s32 $0xC3500, v9;
	[tilespmem:$0x1150] =	vst v16  }
0x83: {  	v21 =	vld [tilespmem:$0x4C0];
	v20 =	vadd.s32 $0xC3500, v11;
	[tilespmem:$0x1160] =	vst v18  }
0x84: {  	v23 =	vld [tilespmem:$0x4D0];
	v22 =	vadd.s32 $0xDBBA0, v13;
	[tilespmem:$0x1170] =	vst v20  }
0x85: {  	v25 =	vld [tilespmem:$0x4E0];
	v24 =	vadd.s32 $0xDBBA0, v15;
	[tilespmem:$0x1180] =	vst v22  }
0x86: {  	v27 =	vld [tilespmem:$0x4F0];
	v26 =	vadd.s32 $0xDBBA0, v17;
	[tilespmem:$0x1190] =	vst v24  }
0x87: {  	v29 =	vld [tilespmem:$0x500];
	v28 =	vadd.s32 $0xDBBA0, v19;
	[tilespmem:$0x11A0] =	vst v26  }
0x88: {  	v31 =	vld [tilespmem:$0x510];
	v30 =	vadd.s32 $0xDBBA0, v21;
	[tilespmem:$0x11B0] =	vst v28  }
0x89: {  	v32 =	vadd.s32 $0xDBBA0, v23;
	v33 =	vld [tilespmem:$0x520];
	[tilespmem:$0x11C0] =	vst v30  }
0x8a: {  	v34 =	vadd.s32 $0xDBBA0, v25;
	v35 =	vld [tilespmem:$0x530];
	[tilespmem:$0x11D0] =	vst v32  }
0x8b: {  	v36 =	vadd.s32 $0xDBBA0, v27;
	v37 =	vld [tilespmem:$0x540];
	[tilespmem:$0x11E0] =	vst v34  }
0x8c: {  	v39 =	vld [tilespmem:$0x550];
	[tilespmem:$0x11F0] =	vst v36;
	v38 =	vadd.s32 $0xF4240, v29  }
0x8d: {  	v41 =	vld [tilespmem:$0x560];
	v40 =	vadd.s32 $0xF4240, v31;
	[tilespmem:$0x1200] =	vst v38  }
0x8e: {  	v43 =	vld [tilespmem:$0x570];
	[tilespmem:$0x1210] =	vst v40;
	v42 =	vadd.s32 $0xF4240, v33  }
0x8f: {  	v45 =	vld [tilespmem:$0x580];
	v44 =	vadd.s32 $0xF4240, v35;
	[tilespmem:$0x1220] =	vst v42  }
0x90: {  	v47 =	vld [tilespmem:$0x590];
	v46 =	vadd.s32 $0xF4240, v37;
	[tilespmem:$0x1230] =	vst v44  }
0x91: {  	v49 =	vld [tilespmem:$0x5A0];
	v48 =	vadd.s32 $0xF4240, v39;
	[tilespmem:$0x1240] =	vst v46  }
0x92: {  	v51 =	vld [tilespmem:$0x5B0];
	v50 =	vadd.s32 $0xF4240, v41;
	[tilespmem:$0x1250] =	vst v48  }
0x93: {  	v53 =	vld [tilespmem:$0x5C0];
	v52 =	vadd.s32 $0xF4240, v43;
	[tilespmem:$0x1260] =	vst v50  }
0x94: {  	v55 =	vld [tilespmem:$0x5D0];
	v54 =	vadd.s32 $0x10C8E0, v45;
	[tilespmem:$0x1270] =	vst v52  }
0x95: {  	v57 =	vld [tilespmem:$0x5E0];
	v56 =	vadd.s32 $0x10C8E0, v47;
	[tilespmem:$0x1280] =	vst v54  }
0x96: {  	v59 =	vld [tilespmem:$0x5F0];
	v58 =	vadd.s32 $0x10C8E0, v49;
	[tilespmem:$0x1290] =	vst v56  }
0x97: {  	v61 =	vld [tilespmem:$0x600];
	v60 =	vadd.s32 $0x10C8E0, v51;
	[tilespmem:$0x12A0] =	vst v58  }
0x98: {  	v63 =	vld [tilespmem:$0x610];
	v62 =	vadd.s32 $0x10C8E0, v53;
	[tilespmem:$0x12B0] =	vst v60  }
0x99: {  	v9 =	vld [tilespmem:$0x620];
	v8 =	vadd.s32 $0x10C8E0, v55;
	[tilespmem:$0x12C0] =	vst v62  }
0x9a: {  	v11 =	vld [tilespmem:$0x630];
	v10 =	vadd.s32 $0x10C8E0, v57;
	[tilespmem:$0x12D0] =	vst v8  }
0x9b: {  	v13 =	vld [tilespmem:$0x640];
	v12 =	vadd.s32 $0x10C8E0, v59;
	[tilespmem:$0x12E0] =	vst v10  }
0x9c: {  	v15 =	vld [tilespmem:$0x650];
	v14 =	vadd.s32 $0x124F80, v61;
	[tilespmem:$0x12F0] =	vst v12  }
0x9d: {  	v17 =	vld [tilespmem:$0x660];
	v16 =	vadd.s32 $0x124F80, v63;
	[tilespmem:$0x1300] =	vst v14  }
0x9e: {  	v19 =	vld [tilespmem:$0x670];
	v18 =	vadd.s32 $0x124F80, v9;
	[tilespmem:$0x1310] =	vst v16  }
0x9f: {  	v21 =	vld [tilespmem:$0x680];
	v20 =	vadd.s32 $0x124F80, v11;
	[tilespmem:$0x1320] =	vst v18  }
0xa0: {  	v23 =	vld [tilespmem:$0x690];
	v22 =	vadd.s32 $0x124F80, v13;
	[tilespmem:$0x1330] =	vst v20  }
0xa1: {  	v25 =	vld [tilespmem:$0x6A0];
	v24 =	vadd.s32 $0x124F80, v15;
	[tilespmem:$0x1340] =	vst v22  }
0xa2: {  	v27 =	vld [tilespmem:$0x6B0];
	v26 =	vadd.s32 $0x124F80, v17;
	[tilespmem:$0x1350] =	vst v24  }
0xa3: {  	v29 =	vld [tilespmem:$0x6C0];
	v28 =	vadd.s32 $0x124F80, v19;
	[tilespmem:$0x1360] =	vst v26  }
0xa4: {  	v31 =	vld [tilespmem:$0x6D0];
	v30 =	vadd.s32 $0x13D620, v21;
	[tilespmem:$0x1370] =	vst v28  }
0xa5: {  	v32 =	vadd.s32 $0x13D620, v23;
	v33 =	vld [tilespmem:$0x6E0];
	[tilespmem:$0x1380] =	vst v30  }
0xa6: {  	v34 =	vadd.s32 $0x13D620, v25;
	v35 =	vld [tilespmem:$0x6F0];
	[tilespmem:$0x1390] =	vst v32  }
0xa7: {  	v36 =	vadd.s32 $0x13D620, v27;
	v37 =	vld [tilespmem:$0x700];
	[tilespmem:$0x13A0] =	vst v34  }
0xa8: {  	v39 =	vld [tilespmem:$0x710];
	[tilespmem:$0x13B0] =	vst v36;
	v38 =	vadd.s32 $0x13D620, v29  }
0xa9: {  	v41 =	vld [tilespmem:$0x720];
	v40 =	vadd.s32 $0x13D620, v31;
	[tilespmem:$0x13C0] =	vst v38  }
0xaa: {  	v43 =	vld [tilespmem:$0x730];
	[tilespmem:$0x13D0] =	vst v40;
	v42 =	vadd.s32 $0x13D620, v33  }
0xab: {  	v45 =	vld [tilespmem:$0x740];
	v44 =	vadd.s32 $0x13D620, v35;
	[tilespmem:$0x13E0] =	vst v42  }
0xac: {  	v47 =	vld [tilespmem:$0x750];
	v46 =	vadd.s32 $0x155CC0, v37;
	[tilespmem:$0x13F0] =	vst v44  }
0xad: {  	v49 =	vld [tilespmem:$0x760];
	v48 =	vadd.s32 $0x155CC0, v39;
	[tilespmem:$0x1400] =	vst v46  }
0xae: {  	v51 =	vld [tilespmem:$0x770];
	v50 =	vadd.s32 $0x155CC0, v41;
	[tilespmem:$0x1410] =	vst v48  }
0xaf: {  	v53 =	vld [tilespmem:$0x780];
	v52 =	vadd.s32 $0x155CC0, v43;
	[tilespmem:$0x1420] =	vst v50  }
0xb0: {  	v55 =	vld [tilespmem:$0x790];
	v54 =	vadd.s32 $0x155CC0, v45;
	[tilespmem:$0x1430] =	vst v52  }
0xb1: {  	v57 =	vld [tilespmem:$0x7A0];
	v56 =	vadd.s32 $0x155CC0, v47;
	[tilespmem:$0x1440] =	vst v54  }
0xb2: {  	v59 =	vld [tilespmem:$0x7B0];
	v58 =	vadd.s32 $0x155CC0, v49;
	[tilespmem:$0x1450] =	vst v56  }
0xb3: {  	v61 =	vld [tilespmem:$0x7C0];
	v60 =	vadd.s32 $0x155CC0, v51;
	[tilespmem:$0x1460] =	vst v58  }
0xb4: {  	v63 =	vld [tilespmem:$0x7D0];
	v62 =	vadd.s32 $0x16E360, v53;
	[tilespmem:$0x1470] =	vst v60  }
0xb5: {  	v9 =	vld [tilespmem:$0x7E0];
	v8 =	vadd.s32 $0x16E360, v55;
	[tilespmem:$0x1480] =	vst v62  }
0xb6: {  	v11 =	vld [tilespmem:$0x7F0];
	v10 =	vadd.s32 $0x16E360, v57;
	[tilespmem:$0x1490] =	vst v8  }
0xb7: {  	v13 =	vld [tilespmem:$0x800];
	v12 =	vadd.s32 $0x16E360, v59;
	[tilespmem:$0x14A0] =	vst v10  }
0xb8: {  	v15 =	vld [tilespmem:$0x810];
	v14 =	vadd.s32 $0x16E360, v61;
	[tilespmem:$0x14B0] =	vst v12  }
0xb9: {  	v17 =	vld [tilespmem:$0x820];
	v16 =	vadd.s32 $0x16E360, v63;
	[tilespmem:$0x14C0] =	vst v14  }
0xba: {  	v19 =	vld [tilespmem:$0x830];
	v18 =	vadd.s32 $0x16E360, v9;
	[tilespmem:$0x14D0] =	vst v16  }
0xbb: {  	v21 =	vld [tilespmem:$0x840];
	v20 =	vadd.s32 $0x16E360, v11;
	[tilespmem:$0x14E0] =	vst v18  }
0xbc: {  	v23 =	vld [tilespmem:$0x850];
	v22 =	vadd.s32 $0x186A00, v13;
	[tilespmem:$0x14F0] =	vst v20  }
0xbd: {  	v25 =	vld [tilespmem:$0x860];
	v24 =	vadd.s32 $0x186A00, v15;
	[tilespmem:$0x1500] =	vst v22  }
0xbe: {  	v27 =	vld [tilespmem:$0x870];
	v26 =	vadd.s32 $0x186A00, v17;
	[tilespmem:$0x1510] =	vst v24  }
0xbf: {  	v29 =	vld [tilespmem:$0x880];
	v28 =	vadd.s32 $0x186A00, v19;
	[tilespmem:$0x1520] =	vst v26  }
0xc0: {  	v31 =	vld [tilespmem:$0x890];
	v30 =	vadd.s32 $0x186A00, v21;
	[tilespmem:$0x1530] =	vst v28  }
0xc1: {  	v32 =	vadd.s32 $0x186A00, v23;
	v33 =	vld [tilespmem:$0x8A0];
	[tilespmem:$0x1540] =	vst v30  }
0xc2: {  	v34 =	vadd.s32 $0x186A00, v25;
	v35 =	vld [tilespmem:$0x8B0];
	[tilespmem:$0x1550] =	vst v32  }
0xc3: {  	v36 =	vadd.s32 $0x186A00, v27;
	v37 =	vld [tilespmem:$0x8C0];
	[tilespmem:$0x1560] =	vst v34  }
0xc4: {  	v39 =	vld [tilespmem:$0x8D0];
	[tilespmem:$0x1570] =	vst v36;
	v38 =	vadd.s32 $0x19F0A0, v29  }
0xc5: {  	v41 =	vld [tilespmem:$0x8E0];
	v40 =	vadd.s32 $0x19F0A0, v31;
	[tilespmem:$0x1580] =	vst v38  }
0xc6: {  	v43 =	vld [tilespmem:$0x8F0];
	[tilespmem:$0x1590] =	vst v40;
	v42 =	vadd.s32 $0x19F0A0, v33  }
0xc7: {  	v45 =	vld [tilespmem:$0x900];
	v44 =	vadd.s32 $0x19F0A0, v35;
	[tilespmem:$0x15A0] =	vst v42  }
0xc8: {  	v47 =	vld [tilespmem:$0x910];
	v46 =	vadd.s32 $0x19F0A0, v37;
	[tilespmem:$0x15B0] =	vst v44  }
0xc9: {  	v49 =	vld [tilespmem:$0x920];
	v48 =	vadd.s32 $0x19F0A0, v39;
	[tilespmem:$0x15C0] =	vst v46  }
0xca: {  	v51 =	vld [tilespmem:$0x930];
	v50 =	vadd.s32 $0x19F0A0, v41;
	[tilespmem:$0x15D0] =	vst v48  }
0xcb: {  	v53 =	vld [tilespmem:$0x940];
	v52 =	vadd.s32 $0x19F0A0, v43;
	[tilespmem:$0x15E0] =	vst v50  }
0xcc: {  	v55 =	vld [tilespmem:$0x950];
	v54 =	vadd.s32 $0x1B7740, v45;
	[tilespmem:$0x15F0] =	vst v52  }
0xcd: {  	v57 =	vld [tilespmem:$0x960];
	v56 =	vadd.s32 $0x1B7740, v47;
	[tilespmem:$0x1600] =	vst v54  }
0xce: {  	v59 =	vld [tilespmem:$0x970];
	v58 =	vadd.s32 $0x1B7740, v49;
	[tilespmem:$0x1610] =	vst v56  }
0xcf: {  	v61 =	vld [tilespmem:$0x980];
	v60 =	vadd.s32 $0x1B7740, v51;
	[tilespmem:$0x1620] =	vst v58  }
0xd0: {  	v63 =	vld [tilespmem:$0x990];
	v62 =	vadd.s32 $0x1B7740, v53;
	[tilespmem:$0x1630] =	vst v60  }
0xd1: {  	v9 =	vld [tilespmem:$0x9A0];
	v8 =	vadd.s32 $0x1B7740, v55;
	[tilespmem:$0x1640] =	vst v62  }
0xd2: {  	v11 =	vld [tilespmem:$0x9B0];
	v10 =	vadd.s32 $0x1B7740, v57;
	[tilespmem:$0x1650] =	vst v8  }
0xd3: {  	v13 =	vld [tilespmem:$0x9C0];
	v12 =	vadd.s32 $0x1B7740, v59;
	[tilespmem:$0x1660] =	vst v10  }
0xd4: {  	v15 =	vld [tilespmem:$0x9D0];
	v14 =	vadd.s32 $0x1CFDE0, v61;
	[tilespmem:$0x1670] =	vst v12  }
0xd5: {  	v17 =	vld [tilespmem:$0x9E0];
	v16 =	vadd.s32 $0x1CFDE0, v63;
	[tilespmem:$0x1680] =	vst v14  }
0xd6: {  	v19 =	vld [tilespmem:$0x9F0];
	v18 =	vadd.s32 $0x1CFDE0, v9;
	[tilespmem:$0x1690] =	vst v16  }
0xd7: {  	v21 =	vld [tilespmem:$0xA00];
	v20 =	vadd.s32 $0x1CFDE0, v11;
	[tilespmem:$0x16A0] =	vst v18  }
0xd8: {  	v23 =	vld [tilespmem:$0xA10];
	v22 =	vadd.s32 $0x1CFDE0, v13;
	[tilespmem:$0x16B0] =	vst v20  }
0xd9: {  	v25 =	vld [tilespmem:$0xA20];
	v24 =	vadd.s32 $0x1CFDE0, v15;
	[tilespmem:$0x16C0] =	vst v22  }
0xda: {  	v27 =	vld [tilespmem:$0xA30];
	v26 =	vadd.s32 $0x1CFDE0, v17;
	[tilespmem:$0x16D0] =	vst v24  }
0xdb: {  	v29 =	vld [tilespmem:$0xA40];
	v28 =	vadd.s32 $0x1CFDE0, v19;
	[tilespmem:$0x16E0] =	vst v26  }
0xdc: {  	v31 =	vld [tilespmem:$0xA50];
	v30 =	vadd.s32 $0x1E8480, v21;
	[tilespmem:$0x16F0] =	vst v28  }
0xdd: {  	v32 =	vadd.s32 $0x1E8480, v23;
	v33 =	vld [tilespmem:$0xA60];
	[tilespmem:$0x1700] =	vst v30  }
0xde: {  	v34 =	vadd.s32 $0x1E8480, v25;
	v35 =	vld [tilespmem:$0xA70];
	[tilespmem:$0x1710] =	vst v32  }
0xdf: {  	v36 =	vadd.s32 $0x1E8480, v27;
	v37 =	vld [tilespmem:$0xA80];
	[tilespmem:$0x1720] =	vst v34  }
0xe0: {  	v39 =	vld [tilespmem:$0xA90];
	[tilespmem:$0x1730] =	vst v36;
	v38 =	vadd.s32 $0x1E8480, v29  }
0xe1: {  	v41 =	vld [tilespmem:$0xAA0];
	v40 =	vadd.s32 $0x1E8480, v31;
	[tilespmem:$0x1740] =	vst v38  }
0xe2: {  	v43 =	vld [tilespmem:$0xAB0];
	[tilespmem:$0x1750] =	vst v40;
	v42 =	vadd.s32 $0x1E8480, v33  }
0xe3: {  	v45 =	vld [tilespmem:$0xAC0];
	v44 =	vadd.s32 $0x1E8480, v35;
	[tilespmem:$0x1760] =	vst v42  }
0xe4: {  	v47 =	vld [tilespmem:$0xAD0];
	v46 =	vadd.s32 $0x200B20, v37;
	[tilespmem:$0x1770] =	vst v44  }
0xe5: {  	v49 =	vld [tilespmem:$0xAE0];
	v48 =	vadd.s32 $0x200B20, v39;
	[tilespmem:$0x1780] =	vst v46  }
0xe6: {  	v51 =	vld [tilespmem:$0xAF0];
	v50 =	vadd.s32 $0x200B20, v41;
	[tilespmem:$0x1790] =	vst v48  }
0xe7: {  	v53 =	vld [tilespmem:$0xB00];
	v52 =	vadd.s32 $0x200B20, v43;
	[tilespmem:$0x17A0] =	vst v50  }
0xe8: {  	v55 =	vld [tilespmem:$0xB10];
	v54 =	vadd.s32 $0x200B20, v45;
	[tilespmem:$0x17B0] =	vst v52  }
0xe9: {  	v57 =	vld [tilespmem:$0xB20];
	v56 =	vadd.s32 $0x200B20, v47;
	[tilespmem:$0x17C0] =	vst v54  }
0xea: {  	v59 =	vld [tilespmem:$0xB30];
	v58 =	vadd.s32 $0x200B20, v49;
	[tilespmem:$0x17D0] =	vst v56  }
0xeb: {  	v61 =	vld [tilespmem:$0xB40];
	v60 =	vadd.s32 $0x200B20, v51;
	[tilespmem:$0x17E0] =	vst v58  }
0xec: {  	v63 =	vld [tilespmem:$0xB50];
	v62 =	vadd.s32 $0x2191C0, v53;
	[tilespmem:$0x17F0] =	vst v60  }
0xed: {  	v8 =	vld [tilespmem:$0xB60];
	v7 =	vadd.s32 $0x2191C0, v55;
	[tilespmem:$0x1800] =	vst v62  }
0xee: {  	v10 =	vld [tilespmem:$0xB70];
	v9 =	vadd.s32 $0x2191C0, v57;
	[tilespmem:$0x1810] =	vst v7  }
0xef: {  	v12 =	vld [tilespmem:$0xB80];
	v11 =	vadd.s32 $0x2191C0, v59;
	[tilespmem:$0x1820] =	vst v9  }
0xf0: {  	v14 =	vld [tilespmem:$0xB90];
	v13 =	vadd.s32 $0x2191C0, v61;
	[tilespmem:$0x1830] =	vst v11  }
0xf1: {  	v16 =	vld [tilespmem:$0xBA0];
	v15 =	vadd.s32 $0x2191C0, v63;
	[tilespmem:$0x1840] =	vst v13  }
0xf2: {  	v18 =	vld [tilespmem:$0xBB0];
	[tilespmem:$0x1850] =	vst v15;
	v17 =	vadd.s32 $0x2191C0, v8  }
0xf3: {  	v20 =	vld [tilespmem:$0xBC0];
	v19 =	vadd.s32 $0x2191C0, v10;
	[tilespmem:$0x1860] =	vst v17  }
0xf4: {  	v22 =	vld [tilespmem:$0xBD0];
	v21 =	vadd.s32 $0x231860, v12;
	[tilespmem:$0x1870] =	vst v19  }
0xf5: {  	v24 =	vld [tilespmem:$0xBE0];
	v23 =	vadd.s32 $0x231860, v14;
	[tilespmem:$0x1880] =	vst v21  }
0xf6: {  	v26 =	vld [tilespmem:$0xBF0];
	v25 =	vadd.s32 $0x231860, v16;
	[tilespmem:$0x1890] =	vst v23  }
0xf7: {  	v28 =	vld [tilespmem:$0xC00];
	v27 =	vadd.s32 $0x231860, v18;
	[tilespmem:$0x18A0] =	vst v25  }
0xf8: {  	v30 =	vld [tilespmem:$0xC10];
	v29 =	vadd.s32 $0x231860, v20;
	[tilespmem:$0x18B0] =	vst v27  }
0xf9: {  	v32 =	vld [tilespmem:$0xC20];
	v31 =	vadd.s32 $0x231860, v22;
	[tilespmem:$0x18C0] =	vst v29  }
0xfa: {  	v34 =	vld [tilespmem:$0xC30];
	v33 =	vadd.s32 $0x231860, v24;
	[tilespmem:$0x18D0] =	vst v31  }
0xfb: {  	v36 =	vld [tilespmem:$0xC40];
	v35 =	vadd.s32 $0x231860, v26;
	[tilespmem:$0x18E0] =	vst v33  }
0xfc: {  	v38 =	vld [tilespmem:$0xC50];
	v37 =	vadd.s32 $0x249F00, v28;
	[tilespmem:$0x18F0] =	vst v35  }
0xfd: {  	v40 =	vld [tilespmem:$0xC60];
	v39 =	vadd.s32 $0x249F00, v30;
	[tilespmem:$0x1900] =	vst v37  }
0xfe: {  	v41 =	vadd.s32 $0x249F00, v32;
	v42 =	vld [tilespmem:$0xC70];
	[tilespmem:$0x1910] =	vst v39  }
0xff: {  	v43 =	vadd.s32 $0x249F00, v34;
	v44 =	vld [tilespmem:$0xC80];
	[tilespmem:$0x1920] =	vst v41  }
0x100: {  	v45 =	vadd.s32 $0x249F00, v36;
	v46 =	vld [tilespmem:$0xC90];
	[tilespmem:$0x1930] =	vst v43  }
0x101: {  	v48 =	vld [tilespmem:$0xCA0];
	[tilespmem:$0x1940] =	vst v45;
	v47 =	vadd.s32 $0x249F00, v38  }
0x102: {  	v50 =	vld [tilespmem:$0xCB0];
	v49 =	vadd.s32 $0x249F00, v40;
	[tilespmem:$0x1950] =	vst v47  }
0x103: {  	v52 =	vld [tilespmem:$0xCC0];
	[tilespmem:$0x1960] =	vst v49;
	v51 =	vadd.s32 $0x249F00, v42  }
0x104: {  	v54 =	vld [tilespmem:$0xCD0];
	v53 =	vadd.s32 $0x2625A0, v44;
	[tilespmem:$0x1970] =	vst v51  }
0x105: {  	v56 =	vld [tilespmem:$0xCE0];
	v55 =	vadd.s32 $0x2625A0, v46;
	[tilespmem:$0x1980] =	vst v53  }
0x106: {  	v58 =	vld [tilespmem:$0xCF0];
	v57 =	vadd.s32 $0x2625A0, v48;
	[tilespmem:$0x1990] =	vst v55  }
0x107: {  	v59 =	vadd.s32 $0x2625A0, v50;
	[tilespmem:$0x19A0] =	vst v57  }
0x108: {  	v60 =	vadd.s32 $0x2625A0, v52;
	[tilespmem:$0x19B0] =	vst v59  }
0x109: {  	v61 =	vadd.s32 $0x2625A0, v54;
	[tilespmem:$0x19C0] =	vst v60  }
0x10a: {  	v62 =	vadd.s32 $0x2625A0, v56;
	[tilespmem:$0x19D0] =	vst v61  }
0x10b: {  	v63 =	vadd.s32 $0x2625A0, v58;
	[tilespmem:$0x19E0] =	vst v62  }
0x10c: {  	s0 =	rddreg [dreg:$0x1d];
	[tilespmem:$0x19F0] =	vst v63  }
0x10d: {  	[tilespmem:s9], [sflag:$0x1] =	stream.indirect.gather [hbm4b:s4+s6], $0x20, s0, s6, $0xb8;
	[tilespmem:$0x3A00] =	vst v63  }
0x10e: {  	s12 =	rddreg [dreg:$0x1e]  }
0x10f: {  	[tilespmem:s10], [sflag:$0x1] =	stream.indirect.gather [hbm4b:s4+s6], $0x20, s12, s6, $0xb8;
	[tilespmem:$0x3A00] =	vst v63  }
0x110: {  	_ =	swait.ge [sflag:s11], $0x1000  }
0x111: {  	[sflag:s11] =	ssyncset.done $0x0  }
0x112: {  	[sflag:s11] =	ssyncadd.s32 $0xFFFFF000  }
0x113: {  	[hbm4b:s3+s2] =	stream.linear.scatter [tilespmem:s9], [sflag:$0x2], $0x1000, $0x38;
	[tilespmem:$0x3A00] =	vst v63  }
0x114: {  	_ =	swait.ge [sflag:s8], $0x1000  }
0x115: {  	[sflag:s8] =	ssyncset.done $0x0  }
0x116: {  	s12 =	rddreg [dreg:$0x1f];
	[sflag:s8] =	ssyncadd.s32 $0xFFFFF000  }
0x117: {  	[tilespmem:s9], [sflag:$0x1] =	stream.indirect.gather [hbm4b:s4+s6], $0x20, s12, s6, $0xb8;
	[tilespmem:$0x3A00] =	vst v63  }
0x118: {  	_ =	swait.ge [sflag:s11], $0x1000  }
0x119: {  	[sflag:s11] =	ssyncset.done $0x0  }
0x11a: {  	s12 =	rddreg [dreg:$0x4];
	[sflag:s11] =	ssyncadd.s32 $0xFFFFF000  }
0x11b: {  	[hbm4b:s12+s2] =	stream.linear.scatter [tilespmem:s10], [sflag:$0x2], $0x1000, $0x38;
	[tilespmem:$0x3A00] =	vst v63  }
0x11c: {  	_ =	swait.ge [sflag:s8], $0x1000  }
0x11d: {  	s12 =	sld [smem:$0x7FC]  }
0x11e: {  	[sflag:s8] =	ssyncset.done $0x0  }
0x11f: {  	[sflag:s8] =	ssyncadd.s32 $0xFFFFF000  }
0x120: {  	[tilespmem:s10], [sflag:$0x1] =	stream.indirect.gather [hbm4b:s4+s6], $0x20, s12, s6, $0xb8;
	[tilespmem:$0x3A00] =	vst v63  }
0x121: {  	_ =	swait.ge [sflag:s11], $0x1000  }
0x122: {  	[sflag:s11] =	ssyncset.done $0x0  }
0x123: {  	s12 =	rddreg [dreg:$0x5];
	[sflag:s11] =	ssyncadd.s32 $0xFFFFF000  }
0x124: {  	[hbm4b:s12+s2] =	stream.linear.scatter [tilespmem:s9], [sflag:$0x2], $0x1000, $0x38;
	[tilespmem:$0x3A00] =	vst v63  }
0x125: {  	_ =	swait.ge [sflag:s8], $0x1000  }
0x126: {  	s12 =	sld [smem:$0x7FD]  }
0x127: {  	[sflag:s8] =	ssyncset.done $0x0  }
0x128: {  	[sflag:s8] =	ssyncadd.s32 $0xFFFFF000  }
0x129: {  	[tilespmem:s9], [sflag:$0x1] =	stream.indirect.gather [hbm4b:s4+s6], $0x20, s12, s6, $0xb8;
	[tilespmem:$0x3A00] =	vst v63  }
0x12a: {  	_ =	swait.ge [sflag:s11], $0x1000  }
0x12b: {  	[sflag:s11] =	ssyncset.done $0x0  }
0x12c: {  	s12 =	rddreg [dreg:$0x6];
	[sflag:s11] =	ssyncadd.s32 $0xFFFFF000  }
0x12d: {  	[hbm4b:s12+s2] =	stream.linear.scatter [tilespmem:s10], [sflag:$0x2], $0x1000, $0x38;
	[tilespmem:$0x3A00] =	vst v63  }
0x12e: {  	_ =	swait.ge [sflag:s8], $0x1000  }
0x12f: {  	[sflag:s8] =	ssyncset.done $0x0  }
0x130: {  	s12 =	simm.s32 $0xF80;
	[sflag:s8] =	ssyncadd.s32 $0xFFFFF000  }
0x131: {  	[tilespmem:s10], [sflag:$0x1] =	stream.indirect.gather [hbm4b:s4+s6], $0x20, s12, s6, $0xb8;
	[tilespmem:$0x3A00] =	vst v63  }
0x132: {  	_ =	swait.ge [sflag:s11], $0x1000  }
0x133: {  	[sflag:s11] =	ssyncset.done $0x0  }
0x134: {  	s12 =	rddreg [dreg:$0x7];
	[sflag:s11] =	ssyncadd.s32 $0xFFFFF000  }
0x135: {  	[hbm4b:s12+s2] =	stream.linear.scatter [tilespmem:s9], [sflag:$0x2], $0x1000, $0x38;
	[tilespmem:$0x3A00] =	vst v63  }
0x136: {  	_ =	swait.ge [sflag:s8], $0x1000  }
0x137: {  	[sflag:s8] =	ssyncset.done $0x0  }
0x138: {  	[sflag:s8] =	ssyncadd.s32 $0xFFFFF000  }
0x139: {  	[tilespmem:s9], [sflag:$0x1] =	stream.indirect.gather [hbm4b:s4+s6], $0x20, s7, s6, $0xb8;
	[tilespmem:$0x3A00] =	vst v63  }
0x13a: {  	_ =	swait.ge [sflag:s11], $0x1000  }
0x13b: {  	[sflag:s11] =	ssyncset.done $0x0  }
0x13c: {  	s12 =	rddreg [dreg:$0x8];
	[sflag:s11] =	ssyncadd.s32 $0xFFFFF000  }
0x13d: {  	[hbm4b:s12+s2] =	stream.linear.scatter [tilespmem:s10], [sflag:$0x2], $0x1000, $0x38;
	[tilespmem:$0x3A00] =	vst v63  }
0x13e: {  	_ =	swait.ge [sflag:s8], $0x1000  }
0x13f: {  	[sflag:s8] =	ssyncset.done $0x0  }
0x140: {  	[sflag:s8] =	ssyncadd.s32 $0xFFFFF000  }
0x141: {  	[tilespmem:s10], [sflag:$0x1] =	stream.indirect.gather [hbm4b:s4+s6], $0x20, s13, s6, $0xb8;
	[tilespmem:$0x3A00] =	vst v63  }
0x142: {  	_ =	swait.ge [sflag:s11], $0x1000  }
0x143: {  	[sflag:s11] =	ssyncset.done $0x0  }
0x144: {  	s12 =	rddreg [dreg:$0x9];
	[sflag:s11] =	ssyncadd.s32 $0xFFFFF000  }
0x145: {  	[hbm4b:s12+s2] =	stream.linear.scatter [tilespmem:s9], [sflag:$0x2], $0x1000, $0x38;
	[tilespmem:$0x3A00] =	vst v63  }
0x146: {  	_ =	swait.ge [sflag:s8], $0x1000  }
0x147: {  	[sflag:s8] =	ssyncset.done $0x0  }
0x148: {  	[sflag:s8] =	ssyncadd.s32 $0xFFFFF000  }
0x149: {  	[tilespmem:s9], [sflag:$0x1] =	stream.indirect.gather [hbm4b:s4+s6], $0x20, s14, s6, $0xb8;
	[tilespmem:$0x3A00] =	vst v63  }
0x14a: {  	_ =	swait.ge [sflag:s11], $0x1000  }
0x14b: {  	[sflag:s11] =	ssyncset.done $0x0  }
0x14c: {  	s12 =	rddreg [dreg:$0xa];
	[sflag:s11] =	ssyncadd.s32 $0xFFFFF000  }
0x14d: {  	[hbm4b:s12+s2] =	stream.linear.scatter [tilespmem:s10], [sflag:$0x2], $0x1000, $0x38;
	[tilespmem:$0x3A00] =	vst v63  }
0x14e: {  	_ =	swait.ge [sflag:s8], $0x1000  }
0x14f: {  	[sflag:s8] =	ssyncset.done $0x0  }
0x150: {  	[sflag:s8] =	ssyncadd.s32 $0xFFFFF000  }
0x151: {  	[tilespmem:s10], [sflag:$0x1] =	stream.indirect.gather [hbm4b:s4+s6], $0x20, s15, s6, $0xb8;
	[tilespmem:$0x3A00] =	vst v63  }
0x152: {  	_ =	swait.ge [sflag:s11], $0x1000  }
0x153: {  	[sflag:s11] =	ssyncset.done $0x0  }
0x154: {  	s12 =	rddreg [dreg:$0xb];
	[sflag:s11] =	ssyncadd.s32 $0xFFFFF000  }
0x155: {  	[hbm4b:s12+s2] =	stream.linear.scatter [tilespmem:s9], [sflag:$0x2], $0x1000, $0x38;
	[tilespmem:$0x3A00] =	vst v63  }
0x156: {  	_ =	swait.ge [sflag:s8], $0x1000  }
0x157: {  	[sflag:s8] =	ssyncset.done $0x0  }
0x158: {  	[sflag:s8] =	ssyncadd.s32 $0xFFFFF000  }
0x159: {  	[tilespmem:s9], [sflag:$0x1] =	stream.indirect.gather [hbm4b:s4+s6], $0x20, s16, s6, $0xb8;
	[tilespmem:$0x3A00] =	vst v63  }
0x15a: {  	_ =	swait.ge [sflag:s11], $0x1000  }
0x15b: {  	[sflag:s11] =	ssyncset.done $0x0  }
0x15c: {  	s12 =	rddreg [dreg:$0xc];
	[sflag:s11] =	ssyncadd.s32 $0xFFFFF000  }
0x15d: {  	[hbm4b:s12+s2] =	stream.linear.scatter [tilespmem:s10], [sflag:$0x2], $0x1000, $0x38;
	[tilespmem:$0x3A00] =	vst v63  }
0x15e: {  	_ =	swait.ge [sflag:s8], $0x1000  }
0x15f: {  	[sflag:s8] =	ssyncset.done $0x0  }
0x160: {  	[sflag:s8] =	ssyncadd.s32 $0xFFFFF000  }
0x161: {  	[tilespmem:s10], [sflag:$0x1] =	stream.indirect.gather [hbm4b:s4+s6], $0x20, s17, s6, $0xb8;
	[tilespmem:$0x3A00] =	vst v63  }
0x162: {  	_ =	swait.ge [sflag:s11], $0x1000  }
0x163: {  	[sflag:s11] =	ssyncset.done $0x0  }
0x164: {  	s12 =	rddreg [dreg:$0xd];
	[sflag:s11] =	ssyncadd.s32 $0xFFFFF000  }
0x165: {  	[hbm4b:s12+s2] =	stream.linear.scatter [tilespmem:s9], [sflag:$0x2], $0x1000, $0x38;
	[tilespmem:$0x3A00] =	vst v63  }
0x166: {  	_ =	swait.ge [sflag:s8], $0x1000  }
0x167: {  	[sflag:s8] =	ssyncset.done $0x0  }
0x168: {  	[sflag:s8] =	ssyncadd.s32 $0xFFFFF000  }
0x169: {  	[tilespmem:s9], [sflag:$0x1] =	stream.indirect.gather [hbm4b:s4+s6], $0x20, s18, s6, $0xb8;
	[tilespmem:$0x3A00] =	vst v63  }
0x16a: {  	_ =	swait.ge [sflag:s11], $0x1000  }
0x16b: {  	[sflag:s11] =	ssyncset.done $0x0  }
0x16c: {  	s12 =	rddreg [dreg:$0xe];
	[sflag:s11] =	ssyncadd.s32 $0xFFFFF000  }
0x16d: {  	[hbm4b:s12+s2] =	stream.linear.scatter [tilespmem:s10], [sflag:$0x2], $0x1000, $0x38;
	[tilespmem:$0x3A00] =	vst v63  }
0x16e: {  	_ =	swait.ge [sflag:s8], $0x1000  }
0x16f: {  	[sflag:s8] =	ssyncset.done $0x0  }
0x170: {  	[sflag:s8] =	ssyncadd.s32 $0xFFFFF000  }
0x171: {  	[tilespmem:s10], [sflag:$0x1] =	stream.indirect.gather [hbm4b:s4+s6], $0x20, s19, s6, $0xb8;
	[tilespmem:$0x3A00] =	vst v63  }
0x172: {  	_ =	swait.ge [sflag:s11], $0x1000  }
0x173: {  	[sflag:s11] =	ssyncset.done $0x0  }
0x174: {  	s12 =	rddreg [dreg:$0xf];
	[sflag:s11] =	ssyncadd.s32 $0xFFFFF000  }
0x175: {  	[hbm4b:s12+s2] =	stream.linear.scatter [tilespmem:s9], [sflag:$0x2], $0x1000, $0x38;
	[tilespmem:$0x3A00] =	vst v63  }
0x176: {  	_ =	swait.ge [sflag:s8], $0x1000  }
0x177: {  	[sflag:s8] =	ssyncset.done $0x0  }
0x178: {  	[sflag:s8] =	ssyncadd.s32 $0xFFFFF000  }
0x179: {  	[tilespmem:s9], [sflag:$0x1] =	stream.indirect.gather [hbm4b:s4+s6], $0x20, s20, s6, $0xb8;
	[tilespmem:$0x3A00] =	vst v63  }
0x17a: {  	_ =	swait.ge [sflag:s11], $0x1000  }
0x17b: {  	[sflag:s11] =	ssyncset.done $0x0  }
0x17c: {  	s12 =	rddreg [dreg:$0x10];
	[sflag:s11] =	ssyncadd.s32 $0xFFFFF000  }
0x17d: {  	[hbm4b:s12+s2] =	stream.linear.scatter [tilespmem:s10], [sflag:$0x2], $0x1000, $0x38;
	[tilespmem:$0x3A00] =	vst v63  }
0x17e: {  	_ =	swait.ge [sflag:s8], $0x1000  }
0x17f: {  	[sflag:s8] =	ssyncset.done $0x0  }
0x180: {  	[sflag:s8] =	ssyncadd.s32 $0xFFFFF000  }
0x181: {  	[tilespmem:s10], [sflag:$0x1] =	stream.indirect.gather [hbm4b:s4+s6], $0x20, s21, s6, $0xb8;
	[tilespmem:$0x3A00] =	vst v63  }
0x182: {  	_ =	swait.ge [sflag:s11], $0x1000  }
0x183: {  	[sflag:s11] =	ssyncset.done $0x0  }
0x184: {  	s12 =	rddreg [dreg:$0x11];
	[sflag:s11] =	ssyncadd.s32 $0xFFFFF000  }
0x185: {  	[hbm4b:s12+s2] =	stream.linear.scatter [tilespmem:s9], [sflag:$0x2], $0x1000, $0x38;
	[tilespmem:$0x3A00] =	vst v63  }
0x186: {  	_ =	swait.ge [sflag:s8], $0x1000  }
0x187: {  	[sflag:s8] =	ssyncset.done $0x0  }
0x188: {  	[sflag:s8] =	ssyncadd.s32 $0xFFFFF000  }
0x189: {  	[tilespmem:s9], [sflag:$0x1] =	stream.indirect.gather [hbm4b:s4+s6], $0x20, s22, s6, $0xb8;
	[tilespmem:$0x3A00] =	vst v63  }
0x18a: {  	_ =	swait.ge [sflag:s11], $0x1000  }
0x18b: {  	[sflag:s11] =	ssyncset.done $0x0  }
0x18c: {  	s12 =	rddreg [dreg:$0x12];
	[sflag:s11] =	ssyncadd.s32 $0xFFFFF000  }
0x18d: {  	[hbm4b:s12+s2] =	stream.linear.scatter [tilespmem:s10], [sflag:$0x2], $0x1000, $0x38;
	[tilespmem:$0x3A00] =	vst v63  }
0x18e: {  	_ =	swait.ge [sflag:s8], $0x1000  }
0x18f: {  	[sflag:s8] =	ssyncset.done $0x0  }
0x190: {  	[sflag:s8] =	ssyncadd.s32 $0xFFFFF000  }
0x191: {  	[tilespmem:s10], [sflag:$0x1] =	stream.indirect.gather [hbm4b:s4+s6], $0x20, s23, s6, $0xb8;
	[tilespmem:$0x3A00] =	vst v63  }
0x192: {  	_ =	swait.ge [sflag:s11], $0x1000  }
0x193: {  	[sflag:s11] =	ssyncset.done $0x0  }
0x194: {  	s12 =	rddreg [dreg:$0x13];
	[sflag:s11] =	ssyncadd.s32 $0xFFFFF000  }
0x195: {  	[hbm4b:s12+s2] =	stream.linear.scatter [tilespmem:s9], [sflag:$0x2], $0x1000, $0x38;
	[tilespmem:$0x3A00] =	vst v63  }
0x196: {  	_ =	swait.ge [sflag:s8], $0x1000  }
0x197: {  	[sflag:s8] =	ssyncset.done $0x0  }
0x198: {  	[sflag:s8] =	ssyncadd.s32 $0xFFFFF000  }
0x199: {  	[tilespmem:s9], [sflag:$0x1] =	stream.indirect.gather [hbm4b:s4+s6], $0x20, s24, s6, $0xb8;
	[tilespmem:$0x3A00] =	vst v63  }
0x19a: {  	_ =	swait.ge [sflag:s11], $0x1000  }
0x19b: {  	[sflag:s11] =	ssyncset.done $0x0  }
0x19c: {  	s12 =	rddreg [dreg:$0x14];
	[sflag:s11] =	ssyncadd.s32 $0xFFFFF000  }
0x19d: {  	[hbm4b:s12+s2] =	stream.linear.scatter [tilespmem:s10], [sflag:$0x2], $0x1000, $0x38;
	[tilespmem:$0x3A00] =	vst v63  }
0x19e: {  	_ =	swait.ge [sflag:s8], $0x1000  }
0x19f: {  	[sflag:s8] =	ssyncset.done $0x0  }
0x1a0: {  	[sflag:s8] =	ssyncadd.s32 $0xFFFFF000  }
0x1a1: {  	[tilespmem:s10], [sflag:$0x1] =	stream.indirect.gather [hbm4b:s4+s6], $0x20, s25, s6, $0xb8;
	[tilespmem:$0x3A00] =	vst v63  }
0x1a2: {  	_ =	swait.ge [sflag:s11], $0x1000  }
0x1a3: {  	[sflag:s11] =	ssyncset.done $0x0  }
0x1a4: {  	s12 =	rddreg [dreg:$0x15];
	[sflag:s11] =	ssyncadd.s32 $0xFFFFF000  }
0x1a5: {  	[hbm4b:s12+s2] =	stream.linear.scatter [tilespmem:s9], [sflag:$0x2], $0x1000, $0x38;
	[tilespmem:$0x3A00] =	vst v63  }
0x1a6: {  	_ =	swait.ge [sflag:s8], $0x1000  }
0x1a7: {  	[sflag:s8] =	ssyncset.done $0x0  }
0x1a8: {  	[sflag:s8] =	ssyncadd.s32 $0xFFFFF000  }
0x1a9: {  	[tilespmem:s9], [sflag:$0x1] =	stream.indirect.gather [hbm4b:s4+s6], $0x20, s26, s6, $0xb8;
	[tilespmem:$0x3A00] =	vst v63  }
0x1aa: {  	_ =	swait.ge [sflag:s11], $0x1000  }
0x1ab: {  	[sflag:s11] =	ssyncset.done $0x0  }
0x1ac: {  	s12 =	rddreg [dreg:$0x16];
	[sflag:s11] =	ssyncadd.s32 $0xFFFFF000  }
0x1ad: {  	[hbm4b:s12+s2] =	stream.linear.scatter [tilespmem:s10], [sflag:$0x2], $0x1000, $0x38;
	[tilespmem:$0x3A00] =	vst v63  }
0x1ae: {  	_ =	swait.ge [sflag:s8], $0x1000  }
0x1af: {  	[sflag:s8] =	ssyncset.done $0x0  }
0x1b0: {  	[sflag:s8] =	ssyncadd.s32 $0xFFFFF000  }
0x1b1: {  	[tilespmem:s10], [sflag:$0x1] =	stream.indirect.gather [hbm4b:s4+s6], $0x20, s28, s6, $0xb8;
	[tilespmem:$0x3A00] =	vst v63  }
0x1b2: {  	_ =	swait.ge [sflag:s11], $0x1000  }
0x1b3: {  	[sflag:s11] =	ssyncset.done $0x0  }
0x1b4: {  	s12 =	rddreg [dreg:$0x17];
	[sflag:s11] =	ssyncadd.s32 $0xFFFFF000  }
0x1b5: {  	[hbm4b:s12+s2] =	stream.linear.scatter [tilespmem:s9], [sflag:$0x2], $0x1000, $0x38;
	[tilespmem:$0x3A00] =	vst v63  }
0x1b6: {  	_ =	swait.ge [sflag:s8], $0x1000  }
0x1b7: {  	[sflag:s8] =	ssyncset.done $0x0  }
0x1b8: {  	[sflag:s8] =	ssyncadd.s32 $0xFFFFF000  }
0x1b9: {  	[tilespmem:s9], [sflag:$0x1] =	stream.indirect.gather [hbm4b:s4+s6], $0x20, s29, s6, $0xb8;
	[tilespmem:$0x3A00] =	vst v63  }
0x1ba: {  	_ =	swait.ge [sflag:s11], $0x1000  }
0x1bb: {  	[sflag:s11] =	ssyncset.done $0x0  }
0x1bc: {  	s12 =	rddreg [dreg:$0x18];
	[sflag:s11] =	ssyncadd.s32 $0xFFFFF000  }
0x1bd: {  	[hbm4b:s12+s2] =	stream.linear.scatter [tilespmem:s10], [sflag:$0x2], $0x1000, $0x38;
	[tilespmem:$0x3A00] =	vst v63  }
0x1be: {  	_ =	swait.ge [sflag:s8], $0x1000  }
0x1bf: {  	[sflag:s8] =	ssyncset.done $0x0  }
0x1c0: {  	[sflag:s8] =	ssyncadd.s32 $0xFFFFF000  }
0x1c1: {  	[tilespmem:s10], [sflag:$0x1] =	stream.indirect.gather [hbm4b:s4+s6], $0x20, s30, s6, $0xb8;
	[tilespmem:$0x3A00] =	vst v63  }
0x1c2: {  	_ =	swait.ge [sflag:s11], $0x1000  }
0x1c3: {  	[sflag:s11] =	ssyncset.done $0x0  }
0x1c4: {  	s12 =	rddreg [dreg:$0x19];
	[sflag:s11] =	ssyncadd.s32 $0xFFFFF000  }
0x1c5: {  	[hbm4b:s12+s2] =	stream.linear.scatter [tilespmem:s9], [sflag:$0x2], $0x1000, $0x38;
	[tilespmem:$0x3A00] =	vst v63  }
0x1c6: {  	_ =	swait.ge [sflag:s8], $0x1000  }
0x1c7: {  	[sflag:s8] =	ssyncset.done $0x0  }
0x1c8: {  	[sflag:s8] =	ssyncadd.s32 $0xFFFFF000  }
0x1c9: {  	[tilespmem:s9], [sflag:$0x1] =	stream.indirect.gather [hbm4b:s4+s6], $0x20, s31, s6, $0xb8;
	[tilespmem:$0x3A00] =	vst v63  }
0x1ca: {  	_ =	swait.ge [sflag:s11], $0x1000  }
0x1cb: {  	[sflag:s11] =	ssyncset.done $0x0  }
0x1cc: {  	s12 =	rddreg [dreg:$0x1a];
	[sflag:s11] =	ssyncadd.s32 $0xFFFFF000  }
0x1cd: {  	[hbm4b:s12+s2] =	stream.linear.scatter [tilespmem:s10], [sflag:$0x2], $0x1000, $0x38;
	[tilespmem:$0x3A00] =	vst v63  }
0x1ce: {  	_ =	swait.ge [sflag:s8], $0x1000  }
0x1cf: {  	[sflag:s8] =	ssyncset.done $0x0  }
0x1d0: {  	[sflag:s8] =	ssyncadd.s32 $0xFFFFF000  }
0x1d1: {  	[tilespmem:s10], [sflag:$0x1] =	stream.indirect.gather [hbm4b:s4+s6], $0x20, s1, s6, $0xb8;
	[tilespmem:$0x3A00] =	vst v63  }
0x1d2: {  	_ =	swait.ge [sflag:s11], $0x1000  }
0x1d3: {  	[sflag:s11] =	ssyncset.done $0x0  }
0x1d4: {  	s12 =	rddreg [dreg:$0x1b];
	[sflag:s11] =	ssyncadd.s32 $0xFFFFF000  }
0x1d5: {  	[hbm4b:s12+s2] =	stream.linear.scatter [tilespmem:s9], [sflag:$0x2], $0x1000, $0x38;
	[tilespmem:$0x3A00] =	vst v63  }
0x1d6: {  	_ =	swait.ge [sflag:s8], $0x1000  }
0x1d7: {  	[sflag:s8] =	ssyncset.done $0x0  }
0x1d8: {  	[sflag:s8] =	ssyncadd.s32 $0xFFFFF000  }
0x1d9: {  	_ =	swait.ge [sflag:s11], $0x1000  }
0x1da: {  	p0 =	sne.s32 s5, $0x1;
	[sflag:s11] =	ssyncset.done $0x0  }
.Ltmp0:
0x1db: {  	s12 =	rddreg [dreg:$0x1c];
	[sflag:s11] =	ssyncadd.s32 $0xFFFFF000;
	(pc) =	sbr.rel @p0 .LBB2_1-.Ltmp0, $4  }
0x1dc: {  	[hbm4b:s12+s2] =	stream.linear.scatter [tilespmem:s10], [sflag:$0x2], $0x1000, $0x38;
	[tilespmem:$0x3A00] =	vst v63  }
0x1dd: {  	_ =	swait.ge [sflag:s8], $0x1000  }
0x1de: {  	[sflag:s8] =	ssyncset.done $0x0  }
0x1df: {  	s5 =	sadd.s32 $0xFFFFFFFF, s5;
	[sflag:s8] =	ssyncadd.s32 $0xFFFFF000  }
0x1e0: {  	_ =	sfence.sel $0x180000  }
0x1e1: {  	[bflag:$0x0] =	sbarrier.arrive $0xFFFF  }
0x1e2: {  	_ =	strace $0x90000047  }
0x1e3: {  	s0 =	stileid.u32;
	[bflag:$0x2] =	sbarrier.arrive $0xFFFF  }
0x1e4: {  	p0 =	sne.s32 s0, $0x0;
	s0 =	rddreg [dreg:$0x2]  }
0x1e5: {  	s0 =	sadd.s32 @!p0 $0x100000, s0  }
0x1e6: {  	[sflag:s0] =	ssyncadd.tile.s32 @!p0 $0x1;
	_ =	shalt  }
.Lfunc_end2:
_tile_overlayer_lowered:
.L_overlay_start_2:
0x1e7: {  	(tag) =	ssettag $0x2  }
0x1e8: {  	s0 =	rddreg [dreg:$0x0];
	s2 =	stileid.u32  }
0x1e9: {  	s1 =	rddreg [dreg:$0x1];
	p0 =	sne.s32 s2, $0x0  }
0x1ea: {  	s3 =	rddreg [dreg:$0x2];
	[bflag:$0x3] =	sbarrier.arrive $0xFFFF;
	s2 =	simm.s32 @!p0 $0x1C02  }
0x1eb: {  	[timem:s3], [sflag:s2] =	dma.local @!p0 [hbm:s0], s1  }
0x1ec: {  	s0 =	simm.s32 @!p0 $0x2  }
0x1ed: {  	_ =	swait.ge @!p0 [sflag:s0], s1  }
0x1ee: {  	s1 =	ssub.s32 @!p0 $0x0, s1;
	[sflag:s0] =	ssyncset.done @!p0 $0x0  }
0x1ef: {  	[sflag:s0] =	ssyncadd.s32 @!p0 s1  }
0x1f0: {  	[bflag:$0x3] =	sbarrier.arrive $0xFFFF  }
0x1f1: {  	_ =	shalt  }

</sc_bundles>
